<compile_context>
chip_gen: v7x
topology: tpu7x:2x2x1
jax: 0.10.2.dev20260603
libtpu: 0.0.44.dev20260713+nightly
codegen_flags: <defaults>
</compile_context>

<pallas_src>
import functools

import jax
import jax.numpy as jnp
from jax import lax
from jax.experimental import pallas as pl
from jax.experimental.pallas import tpu as pltpu
from jax.experimental.pallas import tpu_sc as plsc

B = 16384
D = 128
L = 16
NC = 2
NS = 16
NW = NC * NS
BPW = B // NW
C = 128
NCHUNK = BPW // C
NBUF = 2
PRIME = 1


_DNUMS = lax.GatherDimensionNumbers(
    offset_dims=(), collapsed_slice_dims=(0,), start_index_map=(0,))


def _shuf(v, perm):
    return lax.gather(v, perm[:, None], _DNUMS, slice_sizes=(1,),
                      mode=lax.GatherScatterMode.PROMISE_IN_BOUNDS)


def _norm_pair(acc_e, acc_r):
    lane = lax.iota(jnp.int32, L)
    ve = acc_e + _shuf(acc_e, lane ^ 8)
    vr = acc_r + _shuf(acc_r, lane ^ 8)
    m = jnp.where(lane < 8, ve, vr)
    for k in (1, 2, 4):
        m = m + _shuf(m, lane ^ k)
    x = jnp.maximum(m, jnp.float32(1e-12))
    xi = lax.bitcast_convert_type(x, jnp.int32)
    yi = jnp.int32(0x5F3759DF) - lax.shift_right_logical(xi, 1)
    y = lax.bitcast_convert_type(yi, jnp.float32)
    y = y * (1.5 - 0.5 * x * y * y)
    y = y * (1.5 - 0.5 * x * y * y)
    inv_e = _shuf(y, jnp.zeros((L,), jnp.int32))
    inv_r = _shuf(y, jnp.full((L,), 8, jnp.int32))
    return inv_e, inv_r


def _sc_body(src, rel, ent, reltab, out, idx_e, idx_r, rows_e, rows_r,
             sem_in0, sem_in1, sem_out0, sem_out1):
    wid = lax.axis_index("s") * NC + lax.axis_index("c")
    base = wid * BPW
    sem_in = (sem_in0, sem_in1)
    sem_out = (sem_out0, sem_out1)

    pltpu.sync_copy(src.at[pl.ds(base, BPW)], idx_e)
    pltpu.sync_copy(rel.at[pl.ds(base, BPW)], idx_r)

    def start(c):
        s = c % NBUF
        ii = pl.ds(c * C, C)
        pltpu.async_copy(ent.at[idx_e.at[ii]], rows_e.at[s], sem_in[s])
        pltpu.async_copy(reltab.at[idx_r.at[ii]], rows_r.at[s], sem_in[s])

    def start_guard(c):
        if c >= NBUF:
            wait_out(c - NBUF)
        start(c)

    def wait_in(c):
        s = c % NBUF
        ii = pl.ds(c * C, C)
        pltpu.make_async_copy(ent.at[idx_e.at[ii]], rows_e.at[s], sem_in[s]).wait()
        pltpu.make_async_copy(reltab.at[idx_r.at[ii]], rows_r.at[s], sem_in[s]).wait()

    def compute(c):
        s = c % NBUF
        re = rows_e.at[s]
        rr = rows_r.at[s]

        @plsc.parallel_loop(0, C, 1, unroll=2)
        def row(r):
            acc_e = jnp.zeros((L,), jnp.float32)
            acc_r = jnp.zeros((L,), jnp.float32)
            for j in range(D // L):
                ve = re[r, pl.ds(j * L, L)]
                vr = rr[r, pl.ds(j * L, L)]
                acc_e = acc_e + ve * ve
                acc_r = acc_r + vr * vr
            inv_e, inv_r = _norm_pair(acc_e, acc_r)
            for j in range(D // L):
                ve = re[r, pl.ds(j * L, L)]
                vr = rr[r, pl.ds(j * L, L)]
                re[r, pl.ds(j * L, L)] = ve * inv_e + vr * inv_r

    def start_out(c):
        s = c % NBUF
        cb = base + c * C
        pltpu.async_copy(rows_e.at[s], out.at[pl.ds(cb, C)], sem_out[s])

    def wait_out(c):
        s = c % NBUF
        cb = base + c * C
        pltpu.make_async_copy(rows_e.at[s], out.at[pl.ds(cb, C)], sem_out[s]).wait()

    for c in range(PRIME):
        start_guard(c)
    for c in range(NCHUNK):
        if c + PRIME < NCHUNK:
            start_guard(c + PRIME)
        wait_in(c)
        compute(c)
        start_out(c)
    for c in range(NCHUNK - NBUF, NCHUNK):
        wait_out(c)


@jax.jit
def kernel(source, relations, entity_embeddings, relation_embeddings):
    src = source.astype(jnp.int32)
    rel = relations.astype(jnp.int32)
    mesh = plsc.VectorSubcoreMesh(core_axis_name="c", subcore_axis_name="s")
    k = functools.partial(
        pl.kernel,
        out_type=jax.ShapeDtypeStruct((B, D), jnp.float32),
        mesh=mesh,
        scratch_types=[
            pltpu.VMEM((BPW,), jnp.int32),
            pltpu.VMEM((BPW,), jnp.int32),
            pltpu.VMEM((NBUF, C, D), jnp.float32),
            pltpu.VMEM((NBUF, C, D), jnp.float32),
        ] + [pltpu.SemaphoreType.DMA] * (2 * NBUF),
    )(_sc_body)
    return k(src, rel, entity_embeddings, relation_embeddings)

# --- scband reference (transcript-rebuilt; emitter-appended) ---
"""Pipeline reference for scband-trans-e-52149492908088 (READ-ONLY COPY).

The authoritative reference and input builder live on the scoring server;
editing this copy changes nothing except your own understanding.
"""

import jax, jax.numpy as jnp
import numpy as np

NUM_ENTITIES = 100000
NUM_RELATIONS = 1000
EMBED = 128
BATCH = 16384


def _l2_normalize(x, axis=-1, eps=1e-12):
    sq = jnp.sum(jnp.square(x), axis=axis, keepdims=True)
    return x * jax.lax.rsqrt(jnp.maximum(sq, eps))


def _embed_norm(embeddings, indices):
    # mirrors TransE.embed_norm: normalize whole table first if it is
    # smaller than the number of indices, otherwise normalize after lookup
    norm_first = embeddings.shape[0] < indices.shape[0]
    if norm_first:
        h = _l2_normalize(embeddings, axis=-1)
        h = jnp.take(h, indices, axis=0)
    else:
        h = jnp.take(embeddings, indices, axis=0)
        h = _l2_normalize(h, axis=-1)
    return h


def setup_inputs(seed: int = 0) -> dict:
    key = jax.random.key(seed)
    k1, k2, k3, k4 = jax.random.split(key, 4)
    source = jax.random.randint(k1, (BATCH,), 0, NUM_ENTITIES, dtype=jnp.int64 if jax.config.jax_enable_x64 else jnp.int32)
    relations = jax.random.randint(k2, (BATCH,), 0, NUM_RELATIONS, dtype=jnp.int64 if jax.config.jax_enable_x64 else jnp.int32)
    std = np.sqrt(1.0 / EMBED)
    entity_embeddings = jax.random.truncated_normal(k3, -2.0, 2.0, (NUM_ENTITIES, EMBED), dtype=jnp.float32) * std
    relation_embeddings = jax.random.truncated_normal(k4, -2.0, 2.0, (NUM_RELATIONS, EMBED), dtype=jnp.float32) * std
    return {
        "source": source,
        "relations": relations,
        "entity_embeddings": entity_embeddings,
        "relation_embeddings": relation_embeddings,
    }


def reference(source, relations, entity_embeddings, relation_embeddings):
    # target_entity_type fixed to 'tail' (head -> tail prediction)
    embedded_source = _embed_norm(entity_embeddings, source)
    embedded_r = _embed_norm(relation_embeddings, relations)
    translated = embedded_source + embedded_r
    return translated

if __name__ == "__main__":
    import jax
    _d = setup_inputs()
    print(jax.jit(kernel)(*tuple(_d.values())))

</pallas_src>

<mosaic_0001>
#map = affine_map<(d0, d1) -> (0)>
#map1 = affine_map<(d0, d1) -> (0, 0)>
module attributes {stable_mosaic.version = 14 : i64} {
  func.func @_sc_body(%arg0: i32, %arg1: i32, %arg2: memref<16384xi32, #tpu.memory_space<hbm>>, %arg3: memref<16384xi32, #tpu.memory_space<hbm>>, %arg4: memref<100000x128xf32, #tpu.memory_space<hbm>>, %arg5: memref<1000x128xf32, #tpu.memory_space<hbm>>, %arg6: memref<16384x128xf32, #tpu.memory_space<hbm>>, %arg7: memref<512xi32, #tpu.memory_space<vmem>>, %arg8: memref<512xi32, #tpu.memory_space<vmem>>, %arg9: memref<2x128x128xf32, #tpu.memory_space<vmem>>, %arg10: memref<2x128x128xf32, #tpu.memory_space<vmem>>, %arg11: memref<!tpu.dma_semaphore, #tpu.memory_space<semaphore_mem>>, %arg12: memref<!tpu.dma_semaphore, #tpu.memory_space<semaphore_mem>>, %arg13: memref<!tpu.dma_semaphore, #tpu.memory_space<semaphore_mem>>, %arg14: memref<!tpu.dma_semaphore, #tpu.memory_space<semaphore_mem>>) attributes {dimension_semantics = [#tpu.dimension_semantics<core_parallel>, #tpu.dimension_semantics<subcore_parallel>], iteration_bounds = array<i64: 2, 16>, scalar_prefetch = 0 : i64, scratch_operands = 8 : i64, tpu.core_type = #tpu.core_type<sc_vector_subcore>, window_params = [{transform_indices = #map}, {transform_indices = #map}, {transform_indices = #map1}, {transform_indices = #map1}, {transform_indices = #map1}]} {
    %mul3A = arith.constant 2 : i32
    %mul3A_0 = arith.muli %arg1, %mul3A : i32
    %add3A = arith.addi %mul3A_0, %arg0 : i32
    %mul3A_1 = arith.constant 512 : i32
    %mul3A_2 = arith.muli %add3A, %mul3A_1 : i32
    "tpu.region"() ({
      %run_scoped3A = tpu.sem_alloc : memref<!tpu.dma_semaphore, #tpu.memory_space<semaphore_mem>>
      %dma_start3A_300 = tpu.memref_slice %arg2[%mul3A_2] : memref<16384xi32, #tpu.memory_space<hbm>> -> memref<512xi32, #tpu.memory_space<hbm>>
      %dma_start3A_301 = tpu.memref_slice %arg2[%mul3A_2] : memref<16384xi32, #tpu.memory_space<hbm>> -> memref<512xi32, #tpu.memory_space<hbm>>
      tpu.enqueue_dma source(%dma_start3A_301 : memref<512xi32, #tpu.memory_space<hbm>>) target(%arg7 : memref<512xi32, #tpu.memory_space<vmem>>) target_semaphore(%run_scoped3A : memref<!tpu.dma_semaphore, #tpu.memory_space<semaphore_mem>>)
      %dma_wait3A_302 = tpu.memref_slice %arg2[%mul3A_2] : memref<16384xi32, #tpu.memory_space<hbm>> -> memref<512xi32, #tpu.memory_space<hbm>>
      %dma_wait3A_303 = tpu.memref_slice %arg2[%mul3A_2] : memref<16384xi32, #tpu.memory_space<hbm>> -> memref<512xi32, #tpu.memory_space<hbm>>
      tpu.wait_dma2 semaphore(%run_scoped3A : memref<!tpu.dma_semaphore, #tpu.memory_space<semaphore_mem>>) src(%dma_wait3A_303 : memref<512xi32, #tpu.memory_space<hbm>>) dst(%arg7 : memref<512xi32, #tpu.memory_space<vmem>>)
      tpu.yield
    }) : () -> ()
    "tpu.region"() ({
      %run_scoped3A = tpu.sem_alloc : memref<!tpu.dma_semaphore, #tpu.memory_space<semaphore_mem>>
      %dma_start3A_300 = tpu.memref_slice %arg3[%mul3A_2] : memref<16384xi32, #tpu.memory_space<hbm>> -> memref<512xi32, #tpu.memory_space<hbm>>
      %dma_start3A_301 = tpu.memref_slice %arg3[%mul3A_2] : memref<16384xi32, #tpu.memory_space<hbm>> -> memref<512xi32, #tpu.memory_space<hbm>>
      tpu.enqueue_dma source(%dma_start3A_301 : memref<512xi32, #tpu.memory_space<hbm>>) target(%arg8 : memref<512xi32, #tpu.memory_space<vmem>>) target_semaphore(%run_scoped3A : memref<!tpu.dma_semaphore, #tpu.memory_space<semaphore_mem>>)
      %dma_wait3A_302 = tpu.memref_slice %arg3[%mul3A_2] : memref<16384xi32, #tpu.memory_space<hbm>> -> memref<512xi32, #tpu.memory_space<hbm>>
      %dma_wait3A_303 = tpu.memref_slice %arg3[%mul3A_2] : memref<16384xi32, #tpu.memory_space<hbm>> -> memref<512xi32, #tpu.memory_space<hbm>>
      tpu.wait_dma2 semaphore(%run_scoped3A : memref<!tpu.dma_semaphore, #tpu.memory_space<semaphore_mem>>) src(%dma_wait3A_303 : memref<512xi32, #tpu.memory_space<hbm>>) dst(%arg8 : memref<512xi32, #tpu.memory_space<vmem>>)
      tpu.yield
    }) : () -> ()
    %dma_start3A = arith.constant 0 : i32
    %dma_start3A_3 = arith.constant 0 : i32
    %dma_start3A_4 = arith.constant 0 : i32
    %dma_start3A_5 = tpu.memref_slice %arg9[%dma_start3A, %dma_start3A_3, %dma_start3A_4] : memref<2x128x128xf32, #tpu.memory_space<vmem>> -> memref<1x128x128xf32, #tpu.memory_space<vmem>>
    %dma_start3A_6 = tpu.memref_squeeze %dma_start3A_5 : memref<1x128x128xf32, #tpu.memory_space<vmem>> -> memref<128x128xf32, #tpu.memory_space<vmem>>
    %dma_start3A_7 = arith.constant 0 : i32
    %dma_start3A_8 = tpu.memref_slice %arg7[%dma_start3A_7] : memref<512xi32, #tpu.memory_space<vmem>> -> memref<128xi32, #tpu.memory_space<vmem>>
    %dma_start3A_9 = arith.constant 0 : i32
    %dma_start3A_10 = arith.constant 0 : i32
    %dma_start3A_11 = tpu.memref_slice %arg4[%dma_start3A_9, %dma_start3A_10] : memref<100000x128xf32, #tpu.memory_space<hbm>> -> memref<100000x128xf32, #tpu.memory_space<hbm>>
    tpu.enqueue_indirect_dma source(%dma_start3A_11 : memref<100000x128xf32, #tpu.memory_space<hbm>>) target(%dma_start3A_6 : memref<128x128xf32, #tpu.memory_space<vmem>>) offsets(%dma_start3A_8 : memref<128xi32, #tpu.memory_space<vmem>>) semaphore(%arg11 : memref<!tpu.dma_semaphore, #tpu.memory_space<semaphore_mem>>)
    %dma_start3A_12 = arith.constant 0 : i32
    %dma_start3A_13 = arith.constant 0 : i32
    %dma_start3A_14 = arith.constant 0 : i32
    %dma_start3A_15 = tpu.memref_slice %arg10[%dma_start3A_12, %dma_start3A_13, %dma_start3A_14] : memref<2x128x128xf32, #tpu.memory_space<vmem>> -> memref<1x128x128xf32, #tpu.memory_space<vmem>>
    %dma_start3A_16 = tpu.memref_squeeze %dma_start3A_15 : memref<1x128x128xf32, #tpu.memory_space<vmem>> -> memref<128x128xf32, #tpu.memory_space<vmem>>
    %dma_start3A_17 = arith.constant 0 : i32
    %dma_start3A_18 = tpu.memref_slice %arg8[%dma_start3A_17] : memref<512xi32, #tpu.memory_space<vmem>> -> memref<128xi32, #tpu.memory_space<vmem>>
    %dma_start3A_19 = arith.constant 0 : i32
    %dma_start3A_20 = arith.constant 0 : i32
    %dma_start3A_21 = tpu.memref_slice %arg5[%dma_start3A_19, %dma_start3A_20] : memref<1000x128xf32, #tpu.memory_space<hbm>> -> memref<1000x128xf32, #tpu.memory_space<hbm>>
    tpu.enqueue_indirect_dma source(%dma_start3A_21 : memref<1000x128xf32, #tpu.memory_space<hbm>>) target(%dma_start3A_16 : memref<128x128xf32, #tpu.memory_space<vmem>>) offsets(%dma_start3A_18 : memref<128xi32, #tpu.memory_space<vmem>>) semaphore(%arg11 : memref<!tpu.dma_semaphore, #tpu.memory_space<semaphore_mem>>)
    %dma_start3A_22 = arith.constant 1 : i32
    %dma_start3A_23 = arith.constant 0 : i32
    %dma_start3A_24 = arith.constant 0 : i32
    %dma_start3A_25 = tpu.memref_slice %arg9[%dma_start3A_22, %dma_start3A_23, %dma_start3A_24] : memref<2x128x128xf32, #tpu.memory_space<vmem>> -> memref<1x128x128xf32, #tpu.memory_space<vmem>>
    %dma_start3A_26 = tpu.memref_squeeze %dma_start3A_25 : memref<1x128x128xf32, #tpu.memory_space<vmem>> -> memref<128x128xf32, #tpu.memory_space<vmem>>
    %dma_start3A_27 = arith.constant 128 : i32
    %dma_start3A_28 = tpu.memref_slice %arg7[%dma_start3A_27] : memref<512xi32, #tpu.memory_space<vmem>> -> memref<128xi32, #tpu.memory_space<vmem>>
    %dma_start3A_29 = arith.constant 0 : i32
    %dma_start3A_30 = arith.constant 0 : i32
    %dma_start3A_31 = tpu.memref_slice %arg4[%dma_start3A_29, %dma_start3A_30] : memref<100000x128xf32, #tpu.memory_space<hbm>> -> memref<100000x128xf32, #tpu.memory_space<hbm>>
    tpu.enqueue_indirect_dma source(%dma_start3A_31 : memref<100000x128xf32, #tpu.memory_space<hbm>>) target(%dma_start3A_26 : memref<128x128xf32, #tpu.memory_space<vmem>>) offsets(%dma_start3A_28 : memref<128xi32, #tpu.memory_space<vmem>>) semaphore(%arg12 : memref<!tpu.dma_semaphore, #tpu.memory_space<semaphore_mem>>)
    %dma_start3A_32 = arith.constant 1 : i32
    %dma_start3A_33 = arith.constant 0 : i32
    %dma_start3A_34 = arith.constant 0 : i32
    %dma_start3A_35 = tpu.memref_slice %arg10[%dma_start3A_32, %dma_start3A_33, %dma_start3A_34] : memref<2x128x128xf32, #tpu.memory_space<vmem>> -> memref<1x128x128xf32, #tpu.memory_space<vmem>>
    %dma_start3A_36 = tpu.memref_squeeze %dma_start3A_35 : memref<1x128x128xf32, #tpu.memory_space<vmem>> -> memref<128x128xf32, #tpu.memory_space<vmem>>
    %dma_start3A_37 = arith.constant 128 : i32
    %dma_start3A_38 = tpu.memref_slice %arg8[%dma_start3A_37] : memref<512xi32, #tpu.memory_space<vmem>> -> memref<128xi32, #tpu.memory_space<vmem>>
    %dma_start3A_39 = arith.constant 0 : i32
    %dma_start3A_40 = arith.constant 0 : i32
    %dma_start3A_41 = tpu.memref_slice %arg5[%dma_start3A_39, %dma_start3A_40] : memref<1000x128xf32, #tpu.memory_space<hbm>> -> memref<1000x128xf32, #tpu.memory_space<hbm>>
    tpu.enqueue_indirect_dma source(%dma_start3A_41 : memref<1000x128xf32, #tpu.memory_space<hbm>>) target(%dma_start3A_36 : memref<128x128xf32, #tpu.memory_space<vmem>>) offsets(%dma_start3A_38 : memref<128xi32, #tpu.memory_space<vmem>>) semaphore(%arg12 : memref<!tpu.dma_semaphore, #tpu.memory_space<semaphore_mem>>)
    %dma_wait3A = arith.constant 0 : i32
    %dma_wait3A_42 = arith.constant 0 : i32
    %dma_wait3A_43 = arith.constant 0 : i32
    %dma_wait3A_44 = tpu.memref_slice %arg9[%dma_wait3A, %dma_wait3A_42, %dma_wait3A_43] : memref<2x128x128xf32, #tpu.memory_space<vmem>> -> memref<1x128x128xf32, #tpu.memory_space<vmem>>
    %dma_wait3A_45 = tpu.memref_squeeze %dma_wait3A_44 : memref<1x128x128xf32, #tpu.memory_space<vmem>> -> memref<128x128xf32, #tpu.memory_space<vmem>>
    %dma_wait3A_46 = arith.constant 0 : i32
    %dma_wait3A_47 = tpu.memref_slice %arg7[%dma_wait3A_46] : memref<512xi32, #tpu.memory_space<vmem>> -> memref<128xi32, #tpu.memory_space<vmem>>
    %dma_wait3A_48 = arith.constant 0 : i32
    %dma_wait3A_49 = arith.constant 0 : i32
    %dma_wait3A_50 = tpu.memref_slice %arg4[%dma_wait3A_48, %dma_wait3A_49] : memref<100000x128xf32, #tpu.memory_space<hbm>> -> memref<100000x128xf32, #tpu.memory_space<hbm>>
    tpu.wait_indirect_dma semaphore(%arg11 : memref<!tpu.dma_semaphore, #tpu.memory_space<semaphore_mem>>) src(%dma_wait3A_50 : memref<100000x128xf32, #tpu.memory_space<hbm>>) dst(%dma_wait3A_45 : memref<128x128xf32, #tpu.memory_space<vmem>>)
    %dma_wait3A_51 = arith.constant 0 : i32
    %dma_wait3A_52 = arith.constant 0 : i32
    %dma_wait3A_53 = arith.constant 0 : i32
    %dma_wait3A_54 = tpu.memref_slice %arg10[%dma_wait3A_51, %dma_wait3A_52, %dma_wait3A_53] : memref<2x128x128xf32, #tpu.memory_space<vmem>> -> memref<1x128x128xf32, #tpu.memory_space<vmem>>
    %dma_wait3A_55 = tpu.memref_squeeze %dma_wait3A_54 : memref<1x128x128xf32, #tpu.memory_space<vmem>> -> memref<128x128xf32, #tpu.memory_space<vmem>>
    %dma_wait3A_56 = arith.constant 0 : i32
    %dma_wait3A_57 = tpu.memref_slice %arg8[%dma_wait3A_56] : memref<512xi32, #tpu.memory_space<vmem>> -> memref<128xi32, #tpu.memory_space<vmem>>
    %dma_wait3A_58 = arith.constant 0 : i32
    %dma_wait3A_59 = arith.constant 0 : i32
    %dma_wait3A_60 = tpu.memref_slice %arg5[%dma_wait3A_58, %dma_wait3A_59] : memref<1000x128xf32, #tpu.memory_space<hbm>> -> memref<1000x128xf32, #tpu.memory_space<hbm>>
    tpu.wait_indirect_dma semaphore(%arg11 : memref<!tpu.dma_semaphore, #tpu.memory_space<semaphore_mem>>) src(%dma_wait3A_60 : memref<1000x128xf32, #tpu.memory_space<hbm>>) dst(%dma_wait3A_55 : memref<128x128xf32, #tpu.memory_space<vmem>>)
    %parallel_loop3A = arith.constant 0 : i32
    %parallel_loop3A_61 = arith.constant 128 : i32
    %parallel_loop3A_62 = arith.constant 1 : i32
    %parallel_loop3A_63 = arith.constant 0 : i32
    %parallel_loop3A_64 = arith.constant 0 : i32
    scf.for %parallel_loop3A_300 = %parallel_loop3A to %parallel_loop3A_61 step %parallel_loop3A_62  : i32 {
      %parallel_loop3A_301 = arith.constant 0.000000e+00 : f32
      %parallel_loop3A_302 = vector.broadcast %parallel_loop3A_301 : f32 to vector<16xf32>
      %parallel_loop3A_303 = arith.constant 0.000000e+00 : f32
      %parallel_loop3A_304 = vector.broadcast %parallel_loop3A_303 : f32 to vector<16xf32>
      %parallel_loop3A_305 = arith.constant 0 : i32
      %parallel_loop3A_306 = arith.constant 0 : i32
      %parallel_loop3A_307 = tpu.memref_slice %arg9[%parallel_loop3A_63, %parallel_loop3A_305, %parallel_loop3A_306] : memref<2x128x128xf32, #tpu.memory_space<vmem>> -> memref<1x128x128xf32, #tpu.memory_space<vmem>>
      %parallel_loop3A_308 = tpu.memref_squeeze %parallel_loop3A_307 : memref<1x128x128xf32, #tpu.memory_space<vmem>> -> memref<128x128xf32, #tpu.memory_space<vmem>>
      %parallel_loop3A_309 = arith.index_cast %parallel_loop3A_300 : i32 to index
      %parallel_loop3A_310 = arith.constant 0 : index
      %parallel_loop3A_311 = tpu.vector_load %parallel_loop3A_308[%parallel_loop3A_309, %parallel_loop3A_310] {strides = array<i32>} : memref<128x128xf32, #tpu.memory_space<vmem>>, vector<1x16xf32>,
      %parallel_loop3A_312 = vector.shape_cast %parallel_loop3A_311 : vector<1x16xf32> to vector<16xf32>
      %parallel_loop3A_313 = arith.constant 0 : i32
      %parallel_loop3A_314 = arith.constant 0 : i32
      %parallel_loop3A_315 = tpu.memref_slice %arg10[%parallel_loop3A_64, %parallel_loop3A_313, %parallel_loop3A_314] : memref<2x128x128xf32, #tpu.memory_space<vmem>> -> memref<1x128x128xf32, #tpu.memory_space<vmem>>
      %parallel_loop3A_316 = tpu.memref_squeeze %parallel_loop3A_315 : memref<1x128x128xf32, #tpu.memory_space<vmem>> -> memref<128x128xf32, #tpu.memory_space<vmem>>
      %parallel_loop3A_317 = arith.index_cast %parallel_loop3A_300 : i32 to index
      %parallel_loop3A_318 = arith.constant 0 : index
      %parallel_loop3A_319 = tpu.vector_load %parallel_loop3A_316[%parallel_loop3A_317, %parallel_loop3A_318] {strides = array<i32>} : memref<128x128xf32, #tpu.memory_space<vmem>>, vector<1x16xf32>,
      %parallel_loop3A_320 = vector.shape_cast %parallel_loop3A_319 : vector<1x16xf32> to vector<16xf32>
      %parallel_loop3A_321 = arith.mulf %parallel_loop3A_312, %parallel_loop3A_312 : vector<16xf32>
      %parallel_loop3A_322 = arith.addf %parallel_loop3A_302, %parallel_loop3A_321 : vector<16xf32>
      %parallel_loop3A_323 = arith.mulf %parallel_loop3A_320, %parallel_loop3A_320 : vector<16xf32>
      %parallel_loop3A_324 = arith.addf %parallel_loop3A_304, %parallel_loop3A_323 : vector<16xf32>
      %parallel_loop3A_325 = arith.constant 0 : i32
      %parallel_loop3A_326 = arith.constant 0 : i32
      %parallel_loop3A_327 = tpu.memref_slice %arg9[%parallel_loop3A_63, %parallel_loop3A_325, %parallel_loop3A_326] : memref<2x128x128xf32, #tpu.memory_space<vmem>> -> memref<1x128x128xf32, #tpu.memory_space<vmem>>
      %parallel_loop3A_328 = tpu.memref_squeeze %parallel_loop3A_327 : memref<1x128x128xf32, #tpu.memory_space<vmem>> -> memref<128x128xf32, #tpu.memory_space<vmem>>
      %parallel_loop3A_329 = arith.index_cast %parallel_loop3A_300 : i32 to index
      %parallel_loop3A_330 = arith.constant 16 : index
      %parallel_loop3A_331 = tpu.vector_load %parallel_loop3A_328[%parallel_loop3A_329, %parallel_loop3A_330] {strides = array<i32>} : memref<128x128xf32, #tpu.memory_space<vmem>>, vector<1x16xf32>,
      %parallel_loop3A_332 = vector.shape_cast %parallel_loop3A_331 : vector<1x16xf32> to vector<16xf32>
      %parallel_loop3A_333 = arith.constant 0 : i32
      %parallel_loop3A_334 = arith.constant 0 : i32
      %parallel_loop3A_335 = tpu.memref_slice %arg10[%parallel_loop3A_64, %parallel_loop3A_333, %parallel_loop3A_334] : memref<2x128x128xf32, #tpu.memory_space<vmem>> -> memref<1x128x128xf32, #tpu.memory_space<vmem>>
      %parallel_loop3A_336 = tpu.memref_squeeze %parallel_loop3A_335 : memref<1x128x128xf32, #tpu.memory_space<vmem>> -> memref<128x128xf32, #tpu.memory_space<vmem>>
      %parallel_loop3A_337 = arith.index_cast %parallel_loop3A_300 : i32 to index
      %parallel_loop3A_338 = arith.constant 16 : index
      %parallel_loop3A_339 = tpu.vector_load %parallel_loop3A_336[%parallel_loop3A_337, %parallel_loop3A_338] {strides = array<i32>} : memref<128x128xf32, #tpu.memory_space<vmem>>, vector<1x16xf32>,
      %parallel_loop3A_340 = vector.shape_cast %parallel_loop3A_339 : vector<1x16xf32> to vector<16xf32>
      %parallel_loop3A_341 = arith.mulf %parallel_loop3A_332, %parallel_loop3A_332 : vector<16xf32>
      %parallel_loop3A_342 = arith.addf %parallel_loop3A_322, %parallel_loop3A_341 : vector<16xf32>
      %parallel_loop3A_343 = arith.mulf %parallel_loop3A_340, %parallel_loop3A_340 : vector<16xf32>
      %parallel_loop3A_344 = arith.addf %parallel_loop3A_324, %parallel_loop3A_343 : vector<16xf32>
      %parallel_loop3A_345 = arith.constant 0 : i32
      %parallel_loop3A_346 = arith.constant 0 : i32
      %parallel_loop3A_347 = tpu.memref_slice %arg9[%parallel_loop3A_63, %parallel_loop3A_345, %parallel_loop3A_346] : memref<2x128x128xf32, #tpu.memory_space<vmem>> -> memref<1x128x128xf32, #tpu.memory_space<vmem>>
      %parallel_loop3A_348 = tpu.memref_squeeze %parallel_loop3A_347 : memref<1x128x128xf32, #tpu.memory_space<vmem>> -> memref<128x128xf32, #tpu.memory_space<vmem>>
      %parallel_loop3A_349 = arith.index_cast %parallel_loop3A_300 : i32 to index
      %parallel_loop3A_350 = arith.constant 32 : index
      %parallel_loop3A_351 = tpu.vector_load %parallel_loop3A_348[%parallel_loop3A_349, %parallel_loop3A_350] {strides = array<i32>} : memref<128x128xf32, #tpu.memory_space<vmem>>, vector<1x16xf32>,
      %parallel_loop3A_352 = vector.shape_cast %parallel_loop3A_351 : vector<1x16xf32> to vector<16xf32>
      %parallel_loop3A_353 = arith.constant 0 : i32
      %parallel_loop3A_354 = arith.constant 0 : i32
      %parallel_loop3A_355 = tpu.memref_slice %arg10[%parallel_loop3A_64, %parallel_loop3A_353, %parallel_loop3A_354] : memref<2x128x128xf32, #tpu.memory_space<vmem>> -> memref<1x128x128xf32, #tpu.memory_space<vmem>>
      %parallel_loop3A_356 = tpu.memref_squeeze %parallel_loop3A_355 : memref<1x128x128xf32, #tpu.memory_space<vmem>> -> memref<128x128xf32, #tpu.memory_space<vmem>>
      %parallel_loop3A_357 = arith.index_cast %parallel_loop3A_300 : i32 to index
      %parallel_loop3A_358 = arith.constant 32 : index
      %parallel_loop3A_359 = tpu.vector_load %parallel_loop3A_356[%parallel_loop3A_357, %parallel_loop3A_358] {strides = array<i32>} : memref<128x128xf32, #tpu.memory_space<vmem>>, vector<1x16xf32>,
      %parallel_loop3A_360 = vector.shape_cast %parallel_loop3A_359 : vector<1x16xf32> to vector<16xf32>
      %parallel_loop3A_361 = arith.mulf %parallel_loop3A_352, %parallel_loop3A_352 : vector<16xf32>
      %parallel_loop3A_362 = arith.addf %parallel_loop3A_342, %parallel_loop3A_361 : vector<16xf32>
      %parallel_loop3A_363 = arith.mulf %parallel_loop3A_360, %parallel_loop3A_360 : vector<16xf32>
      %parallel_loop3A_364 = arith.addf %parallel_loop3A_344, %parallel_loop3A_363 : vector<16xf32>
      %parallel_loop3A_365 = arith.constant 0 : i32
      %parallel_loop3A_366 = arith.constant 0 : i32
      %parallel_loop3A_367 = tpu.memref_slice %arg9[%parallel_loop3A_63, %parallel_loop3A_365, %parallel_loop3A_366] : memref<2x128x128xf32, #tpu.memory_space<vmem>> -> memref<1x128x128xf32, #tpu.memory_space<vmem>>
      %parallel_loop3A_368 = tpu.memref_squeeze %parallel_loop3A_367 : memref<1x128x128xf32, #tpu.memory_space<vmem>> -> memref<128x128xf32, #tpu.memory_space<vmem>>
      %parallel_loop3A_369 = arith.index_cast %parallel_loop3A_300 : i32 to index
      %parallel_loop3A_370 = arith.constant 48 : index
      %parallel_loop3A_371 = tpu.vector_load %parallel_loop3A_368[%parallel_loop3A_369, %parallel_loop3A_370] {strides = array<i32>} : memref<128x128xf32, #tpu.memory_space<vmem>>, vector<1x16xf32>,
      %parallel_loop3A_372 = vector.shape_cast %parallel_loop3A_371 : vector<1x16xf32> to vector<16xf32>
      %parallel_loop3A_373 = arith.constant 0 : i32
      %parallel_loop3A_374 = arith.constant 0 : i32
      %parallel_loop3A_375 = tpu.memref_slice %arg10[%parallel_loop3A_64, %parallel_loop3A_373, %parallel_loop3A_374] : memref<2x128x128xf32, #tpu.memory_space<vmem>> -> memref<1x128x128xf32, #tpu.memory_space<vmem>>
      %parallel_loop3A_376 = tpu.memref_squeeze %parallel_loop3A_375 : memref<1x128x128xf32, #tpu.memory_space<vmem>> -> memref<128x128xf32, #tpu.memory_space<vmem>>
      %parallel_loop3A_377 = arith.index_cast %parallel_loop3A_300 : i32 to index
      %parallel_loop3A_378 = arith.constant 48 : index
      %parallel_loop3A_379 = tpu.vector_load %parallel_loop3A_376[%parallel_loop3A_377, %parallel_loop3A_378] {strides = array<i32>} : memref<128x128xf32, #tpu.memory_space<vmem>>, vector<1x16xf32>,
      %parallel_loop3A_380 = vector.shape_cast %parallel_loop3A_379 : vector<1x16xf32> to vector<16xf32>
      %parallel_loop3A_381 = arith.mulf %parallel_loop3A_372, %parallel_loop3A_372 : vector<16xf32>
      %parallel_loop3A_382 = arith.addf %parallel_loop3A_362, %parallel_loop3A_381 : vector<16xf32>
      %parallel_loop3A_383 = arith.mulf %parallel_loop3A_380, %parallel_loop3A_380 : vector<16xf32>
      %parallel_loop3A_384 = arith.addf %parallel_loop3A_364, %parallel_loop3A_383 : vector<16xf32>
      %parallel_loop3A_385 = arith.constant 0 : i32
      %parallel_loop3A_386 = arith.constant 0 : i32
      %parallel_loop3A_387 = tpu.memref_slice %arg9[%parallel_loop3A_63, %parallel_loop3A_385, %parallel_loop3A_386] : memref<2x128x128xf32, #tpu.memory_space<vmem>> -> memref<1x128x128xf32, #tpu.memory_space<vmem>>
      %parallel_loop3A_388 = tpu.memref_squeeze %parallel_loop3A_387 : memref<1x128x128xf32, #tpu.memory_space<vmem>> -> memref<128x128xf32, #tpu.memory_space<vmem>>
      %parallel_loop3A_389 = arith.index_cast %parallel_loop3A_300 : i32 to index
      %parallel_loop3A_390 = arith.constant 64 : index
      %parallel_loop3A_391 = tpu.vector_load %parallel_loop3A_388[%parallel_loop3A_389, %parallel_loop3A_390] {strides = array<i32>} : memref<128x128xf32, #tpu.memory_space<vmem>>, vector<1x16xf32>,
      %parallel_loop3A_392 = vector.shape_cast %parallel_loop3A_391 : vector<1x16xf32> to vector<16xf32>
      %parallel_loop3A_393 = arith.constant 0 : i32
      %parallel_loop3A_394 = arith.constant 0 : i32
      %parallel_loop3A_395 = tpu.memref_slice %arg10[%parallel_loop3A_64, %parallel_loop3A_393, %parallel_loop3A_394] : memref<2x128x128xf32, #tpu.memory_space<vmem>> -> memref<1x128x128xf32, #tpu.memory_space<vmem>>
      %parallel_loop3A_396 = tpu.memref_squeeze %parallel_loop3A_395 : memref<1x128x128xf32, #tpu.memory_space<vmem>> -> memref<128x128xf32, #tpu.memory_space<vmem>>
      %parallel_loop3A_397 = arith.index_cast %parallel_loop3A_300 : i32 to index
      %parallel_loop3A_398 = arith.constant 64 : index
      %parallel_loop3A_399 = tpu.vector_load %parallel_loop3A_396[%parallel_loop3A_397, %parallel_loop3A_398] {strides = array<i32>} : memref<128x128xf32, #tpu.memory_space<vmem>>, vector<1x16xf32>,
      %parallel_loop3A_400 = vector.shape_cast %parallel_loop3A_399 : vector<1x16xf32> to vector<16xf32>
      %parallel_loop3A_401 = arith.mulf %parallel_loop3A_392, %parallel_loop3A_392 : vector<16xf32>
      %parallel_loop3A_402 = arith.addf %parallel_loop3A_382, %parallel_loop3A_401 : vector<16xf32>
      %parallel_loop3A_403 = arith.mulf %parallel_loop3A_400, %parallel_loop3A_400 : vector<16xf32>
      %parallel_loop3A_404 = arith.addf %parallel_loop3A_384, %parallel_loop3A_403 : vector<16xf32>
      %parallel_loop3A_405 = arith.constant 0 : i32
      %parallel_loop3A_406 = arith.constant 0 : i32
      %parallel_loop3A_407 = tpu.memref_slice %arg9[%parallel_loop3A_63, %parallel_loop3A_405, %parallel_loop3A_406] : memref<2x128x128xf32, #tpu.memory_space<vmem>> -> memref<1x128x128xf32, #tpu.memory_space<vmem>>
      %parallel_loop3A_408 = tpu.memref_squeeze %parallel_loop3A_407 : memref<1x128x128xf32, #tpu.memory_space<vmem>> -> memref<128x128xf32, #tpu.memory_space<vmem>>
      %parallel_loop3A_409 = arith.index_cast %parallel_loop3A_300 : i32 to index
      %parallel_loop3A_410 = arith.constant 80 : index
      %parallel_loop3A_411 = tpu.vector_load %parallel_loop3A_408[%parallel_loop3A_409, %parallel_loop3A_410] {strides = array<i32>} : memref<128x128xf32, #tpu.memory_space<vmem>>, vector<1x16xf32>,
      %parallel_loop3A_412 = vector.shape_cast %parallel_loop3A_411 : vector<1x16xf32> to vector<16xf32>
      %parallel_loop3A_413 = arith.constant 0 : i32
      %parallel_loop3A_414 = arith.constant 0 : i32
      %parallel_loop3A_415 = tpu.memref_slice %arg10[%parallel_loop3A_64, %parallel_loop3A_413, %parallel_loop3A_414] : memref<2x128x128xf32, #tpu.memory_space<vmem>> -> memref<1x128x128xf32, #tpu.memory_space<vmem>>
      %parallel_loop3A_416 = tpu.memref_squeeze %parallel_loop3A_415 : memref<1x128x128xf32, #tpu.memory_space<vmem>> -> memref<128x128xf32, #tpu.memory_space<vmem>>
      %parallel_loop3A_417 = arith.index_cast %parallel_loop3A_300 : i32 to index
      %parallel_loop3A_418 = arith.constant 80 : index
      %parallel_loop3A_419 = tpu.vector_load %parallel_loop3A_416[%parallel_loop3A_417, %parallel_loop3A_418] {strides = array<i32>} : memref<128x128xf32, #tpu.memory_space<vmem>>, vector<1x16xf32>,
      %parallel_loop3A_420 = vector.shape_cast %parallel_loop3A_419 : vector<1x16xf32> to vector<16xf32>
      %parallel_loop3A_421 = arith.mulf %parallel_loop3A_412, %parallel_loop3A_412 : vector<16xf32>
      %parallel_loop3A_422 = arith.addf %parallel_loop3A_402, %parallel_loop3A_421 : vector<16xf32>
      %parallel_loop3A_423 = arith.mulf %parallel_loop3A_420, %parallel_loop3A_420 : vector<16xf32>
      %parallel_loop3A_424 = arith.addf %parallel_loop3A_404, %parallel_loop3A_423 : vector<16xf32>
      %parallel_loop3A_425 = arith.constant 0 : i32
      %parallel_loop3A_426 = arith.constant 0 : i32
      %parallel_loop3A_427 = tpu.memref_slice %arg9[%parallel_loop3A_63, %parallel_loop3A_425, %parallel_loop3A_426] : memref<2x128x128xf32, #tpu.memory_space<vmem>> -> memref<1x128x128xf32, #tpu.memory_space<vmem>>
      %parallel_loop3A_428 = tpu.memref_squeeze %parallel_loop3A_427 : memref<1x128x128xf32, #tpu.memory_space<vmem>> -> memref<128x128xf32, #tpu.memory_space<vmem>>
      %parallel_loop3A_429 = arith.index_cast %parallel_loop3A_300 : i32 to index
      %parallel_loop3A_430 = arith.constant 96 : index
      %parallel_loop3A_431 = tpu.vector_load %parallel_loop3A_428[%parallel_loop3A_429, %parallel_loop3A_430] {strides = array<i32>} : memref<128x128xf32, #tpu.memory_space<vmem>>, vector<1x16xf32>,
      %parallel_loop3A_432 = vector.shape_cast %parallel_loop3A_431 : vector<1x16xf32> to vector<16xf32>
      %parallel_loop3A_433 = arith.constant 0 : i32
      %parallel_loop3A_434 = arith.constant 0 : i32
      %parallel_loop3A_435 = tpu.memref_slice %arg10[%parallel_loop3A_64, %parallel_loop3A_433, %parallel_loop3A_434] : memref<2x128x128xf32, #tpu.memory_space<vmem>> -> memref<1x128x128xf32, #tpu.memory_space<vmem>>
      %parallel_loop3A_436 = tpu.memref_squeeze %parallel_loop3A_435 : memref<1x128x128xf32, #tpu.memory_space<vmem>> -> memref<128x128xf32, #tpu.memory_space<vmem>>
      %parallel_loop3A_437 = arith.index_cast %parallel_loop3A_300 : i32 to index
      %parallel_loop3A_438 = arith.constant 96 : index
      %parallel_loop3A_439 = tpu.vector_load %parallel_loop3A_436[%parallel_loop3A_437, %parallel_loop3A_438] {strides = array<i32>} : memref<128x128xf32, #tpu.memory_space<vmem>>, vector<1x16xf32>,
      %parallel_loop3A_440 = vector.shape_cast %parallel_loop3A_439 : vector<1x16xf32> to vector<16xf32>
      %parallel_loop3A_441 = arith.mulf %parallel_loop3A_432, %parallel_loop3A_432 : vector<16xf32>
      %parallel_loop3A_442 = arith.addf %parallel_loop3A_422, %parallel_loop3A_441 : vector<16xf32>
      %parallel_loop3A_443 = arith.mulf %parallel_loop3A_440, %parallel_loop3A_440 : vector<16xf32>
      %parallel_loop3A_444 = arith.addf %parallel_loop3A_424, %parallel_loop3A_443 : vector<16xf32>
      %parallel_loop3A_445 = arith.constant 0 : i32
      %parallel_loop3A_446 = arith.constant 0 : i32
      %parallel_loop3A_447 = tpu.memref_slice %arg9[%parallel_loop3A_63, %parallel_loop3A_445, %parallel_loop3A_446] : memref<2x128x128xf32, #tpu.memory_space<vmem>> -> memref<1x128x128xf32, #tpu.memory_space<vmem>>
      %parallel_loop3A_448 = tpu.memref_squeeze %parallel_loop3A_447 : memref<1x128x128xf32, #tpu.memory_space<vmem>> -> memref<128x128xf32, #tpu.memory_space<vmem>>
      %parallel_loop3A_449 = arith.index_cast %parallel_loop3A_300 : i32 to index
      %parallel_loop3A_450 = arith.constant 112 : index
      %parallel_loop3A_451 = tpu.vector_load %parallel_loop3A_448[%parallel_loop3A_449, %parallel_loop3A_450] {strides = array<i32>} : memref<128x128xf32, #tpu.memory_space<vmem>>, vector<1x16xf32>,
      %parallel_loop3A_452 = vector.shape_cast %parallel_loop3A_451 : vector<1x16xf32> to vector<16xf32>
      %parallel_loop3A_453 = arith.constant 0 : i32
      %parallel_loop3A_454 = arith.constant 0 : i32
      %parallel_loop3A_455 = tpu.memref_slice %arg10[%parallel_loop3A_64, %parallel_loop3A_453, %parallel_loop3A_454] : memref<2x128x128xf32, #tpu.memory_space<vmem>> -> memref<1x128x128xf32, #tpu.memory_space<vmem>>
      %parallel_loop3A_456 = tpu.memref_squeeze %parallel_loop3A_455 : memref<1x128x128xf32, #tpu.memory_space<vmem>> -> memref<128x128xf32, #tpu.memory_space<vmem>>
      %parallel_loop3A_457 = arith.index_cast %parallel_loop3A_300 : i32 to index
      %parallel_loop3A_458 = arith.constant 112 : index
      %parallel_loop3A_459 = tpu.vector_load %parallel_loop3A_456[%parallel_loop3A_457, %parallel_loop3A_458] {strides = array<i32>} : memref<128x128xf32, #tpu.memory_space<vmem>>, vector<1x16xf32>,
      %parallel_loop3A_460 = vector.shape_cast %parallel_loop3A_459 : vector<1x16xf32> to vector<16xf32>
      %parallel_loop3A_461 = arith.mulf %parallel_loop3A_452, %parallel_loop3A_452 : vector<16xf32>
      %parallel_loop3A_462 = arith.addf %parallel_loop3A_442, %parallel_loop3A_461 : vector<16xf32>
      %parallel_loop3A_463 = arith.mulf %parallel_loop3A_460, %parallel_loop3A_460 : vector<16xf32>
      %parallel_loop3A_464 = arith.addf %parallel_loop3A_444, %parallel_loop3A_463 : vector<16xf32>
      %parallel_loop3A_465 = tpu.iota {dimensions = array<i32: 0>} : vector<16xi32>
      %parallel_loop3A_466 = arith.constant 8 : i32
      %parallel_loop3A_467 = vector.broadcast %parallel_loop3A_466 : i32 to vector<16xi32>
      %parallel_loop3A_468 = arith.xori %parallel_loop3A_465, %parallel_loop3A_467 : vector<16xi32>
      %parallel_loop3A_469 = vector.shape_cast %parallel_loop3A_468 : vector<16xi32> to vector<16x1xi32>
      %parallel_loop3A_470 = vector.shape_cast %parallel_loop3A_469 : vector<16x1xi32> to vector<16xi32>
      %parallel_loop3A_471 = tpu.dynamic_gather %parallel_loop3A_462[%parallel_loop3A_470] in [0] : vector<16xf32>, vector<16xi32> -> vector<16xf32>
      %parallel_loop3A_472 = arith.addf %parallel_loop3A_462, %parallel_loop3A_471 : vector<16xf32>
      %parallel_loop3A_473 = arith.constant 8 : i32
      %parallel_loop3A_474 = vector.broadcast %parallel_loop3A_473 : i32 to vector<16xi32>
      %parallel_loop3A_475 = arith.xori %parallel_loop3A_465, %parallel_loop3A_474 : vector<16xi32>
      %parallel_loop3A_476 = vector.shape_cast %parallel_loop3A_475 : vector<16xi32> to vector<16x1xi32>
      %parallel_loop3A_477 = vector.shape_cast %parallel_loop3A_476 : vector<16x1xi32> to vector<16xi32>
      %parallel_loop3A_478 = tpu.dynamic_gather %parallel_loop3A_464[%parallel_loop3A_477] in [0] : vector<16xf32>, vector<16xi32> -> vector<16xf32>
      %parallel_loop3A_479 = arith.addf %parallel_loop3A_464, %parallel_loop3A_478 : vector<16xf32>
      %parallel_loop3A_480 = arith.constant 8 : i32
      %parallel_loop3A_481 = vector.broadcast %parallel_loop3A_480 : i32 to vector<16xi32>
      %parallel_loop3A_482 = arith.cmpi slt, %parallel_loop3A_465, %parallel_loop3A_481 : vector<16xi32>
      %parallel_loop3A_483 = arith.select %parallel_loop3A_482, %parallel_loop3A_472, %parallel_loop3A_479 : vector<16xi1>, vector<16xf32>
      %parallel_loop3A_484 = arith.constant 1 : i32
      %parallel_loop3A_485 = vector.broadcast %parallel_loop3A_484 : i32 to vector<16xi32>
      %parallel_loop3A_486 = arith.xori %parallel_loop3A_465, %parallel_loop3A_485 : vector<16xi32>
      %parallel_loop3A_487 = vector.shape_cast %parallel_loop3A_486 : vector<16xi32> to vector<16x1xi32>
      %parallel_loop3A_488 = vector.shape_cast %parallel_loop3A_487 : vector<16x1xi32> to vector<16xi32>
      %parallel_loop3A_489 = tpu.dynamic_gather %parallel_loop3A_483[%parallel_loop3A_488] in [0] : vector<16xf32>, vector<16xi32> -> vector<16xf32>
      %parallel_loop3A_490 = arith.addf %parallel_loop3A_483, %parallel_loop3A_489 : vector<16xf32>
      %parallel_loop3A_491 = arith.constant 2 : i32
      %parallel_loop3A_492 = vector.broadcast %parallel_loop3A_491 : i32 to vector<16xi32>
      %parallel_loop3A_493 = arith.xori %parallel_loop3A_465, %parallel_loop3A_492 : vector<16xi32>
      %parallel_loop3A_494 = vector.shape_cast %parallel_loop3A_493 : vector<16xi32> to vector<16x1xi32>
      %parallel_loop3A_495 = vector.shape_cast %parallel_loop3A_494 : vector<16x1xi32> to vector<16xi32>
      %parallel_loop3A_496 = tpu.dynamic_gather %parallel_loop3A_490[%parallel_loop3A_495] in [0] : vector<16xf32>, vector<16xi32> -> vector<16xf32>
      %parallel_loop3A_497 = arith.addf %parallel_loop3A_490, %parallel_loop3A_496 : vector<16xf32>
      %parallel_loop3A_498 = arith.constant 4 : i32
      %parallel_loop3A_499 = vector.broadcast %parallel_loop3A_498 : i32 to vector<16xi32>
      %parallel_loop3A_500 = arith.xori %parallel_loop3A_465, %parallel_loop3A_499 : vector<16xi32>
      %parallel_loop3A_501 = vector.shape_cast %parallel_loop3A_500 : vector<16xi32> to vector<16x1xi32>
      %parallel_loop3A_502 = vector.shape_cast %parallel_loop3A_501 : vector<16x1xi32> to vector<16xi32>
      %parallel_loop3A_503 = tpu.dynamic_gather %parallel_loop3A_497[%parallel_loop3A_502] in [0] : vector<16xf32>, vector<16xi32> -> vector<16xf32>
      %parallel_loop3A_504 = arith.addf %parallel_loop3A_497, %parallel_loop3A_503 : vector<16xf32>
      %parallel_loop3A_505 = arith.constant 9.99999996E-13 : f32
      %parallel_loop3A_506 = vector.broadcast %parallel_loop3A_505 : f32 to vector<16xf32>
      %parallel_loop3A_507 = arith.maximumf %parallel_loop3A_504, %parallel_loop3A_506 : vector<16xf32>
      %parallel_loop3A_508 = tpu.bitcast %parallel_loop3A_507 : vector<16xf32> -> vector<16xi32>
      %parallel_loop3A_509 = arith.constant 1 : i32
      %parallel_loop3A_510 = vector.broadcast %parallel_loop3A_509 : i32 to vector<16xi32>
      %parallel_loop3A_511 = arith.shrui %parallel_loop3A_508, %parallel_loop3A_510 : vector<16xi32>
      %parallel_loop3A_512 = arith.constant 1597463007 : i32
      %parallel_loop3A_513 = vector.broadcast %parallel_loop3A_512 : i32 to vector<16xi32>
      %parallel_loop3A_514 = arith.subi %parallel_loop3A_513, %parallel_loop3A_511 : vector<16xi32>
      %parallel_loop3A_515 = tpu.bitcast %parallel_loop3A_514 : vector<16xi32> -> vector<16xf32>
      %parallel_loop3A_516 = arith.constant 5.000000e-01 : f32
      %parallel_loop3A_517 = vector.broadcast %parallel_loop3A_516 : f32 to vector<16xf32>
      %parallel_loop3A_518 = arith.mulf %parallel_loop3A_517, %parallel_loop3A_507 : vector<16xf32>
      %parallel_loop3A_519 = arith.mulf %parallel_loop3A_518, %parallel_loop3A_515 : vector<16xf32>
      %parallel_loop3A_520 = arith.mulf %parallel_loop3A_519, %parallel_loop3A_515 : vector<16xf32>
      %parallel_loop3A_521 = arith.constant 1.500000e+00 : f32
      %parallel_loop3A_522 = vector.broadcast %parallel_loop3A_521 : f32 to vector<16xf32>
      %parallel_loop3A_523 = arith.subf %parallel_loop3A_522, %parallel_loop3A_520 : vector<16xf32>
      %parallel_loop3A_524 = arith.mulf %parallel_loop3A_515, %parallel_loop3A_523 : vector<16xf32>
      %parallel_loop3A_525 = arith.constant 5.000000e-01 : f32
      %parallel_loop3A_526 = vector.broadcast %parallel_loop3A_525 : f32 to vector<16xf32>
      %parallel_loop3A_527 = arith.mulf %parallel_loop3A_526, %parallel_loop3A_507 : vector<16xf32>
      %parallel_loop3A_528 = arith.mulf %parallel_loop3A_527, %parallel_loop3A_524 : vector<16xf32>
      %parallel_loop3A_529 = arith.mulf %parallel_loop3A_528, %parallel_loop3A_524 : vector<16xf32>
      %parallel_loop3A_530 = arith.constant 1.500000e+00 : f32
      %parallel_loop3A_531 = vector.broadcast %parallel_loop3A_530 : f32 to vector<16xf32>
      %parallel_loop3A_532 = arith.subf %parallel_loop3A_531, %parallel_loop3A_529 : vector<16xf32>
      %parallel_loop3A_533 = arith.mulf %parallel_loop3A_524, %parallel_loop3A_532 : vector<16xf32>
      %parallel_loop3A_534 = arith.constant 0 : i32
      %parallel_loop3A_535 = vector.broadcast %parallel_loop3A_534 : i32 to vector<16xi32>
      %parallel_loop3A_536 = vector.shape_cast %parallel_loop3A_535 : vector<16xi32> to vector<16x1xi32>
      %parallel_loop3A_537 = vector.shape_cast %parallel_loop3A_536 : vector<16x1xi32> to vector<16xi32>
      %parallel_loop3A_538 = tpu.dynamic_gather %parallel_loop3A_533[%parallel_loop3A_537] in [0] : vector<16xf32>, vector<16xi32> -> vector<16xf32>
      %parallel_loop3A_539 = arith.constant 8 : i32
      %parallel_loop3A_540 = vector.broadcast %parallel_loop3A_539 : i32 to vector<16xi32>
      %parallel_loop3A_541 = vector.shape_cast %parallel_loop3A_540 : vector<16xi32> to vector<16x1xi32>
      %parallel_loop3A_542 = vector.shape_cast %parallel_loop3A_541 : vector<16x1xi32> to vector<16xi32>
      %parallel_loop3A_543 = tpu.dynamic_gather %parallel_loop3A_533[%parallel_loop3A_542] in [0] : vector<16xf32>, vector<16xi32> -> vector<16xf32>
      %parallel_loop3A_544 = arith.constant 0 : i32
      %parallel_loop3A_545 = arith.constant 0 : i32
      %parallel_loop3A_546 = tpu.memref_slice %arg9[%parallel_loop3A_63, %parallel_loop3A_544, %parallel_loop3A_545] : memref<2x128x128xf32, #tpu.memory_space<vmem>> -> memref<1x128x128xf32, #tpu.memory_space<vmem>>
      %parallel_loop3A_547 = tpu.memref_squeeze %parallel_loop3A_546 : memref<1x128x128xf32, #tpu.memory_space<vmem>> -> memref<128x128xf32, #tpu.memory_space<vmem>>
      %parallel_loop3A_548 = arith.index_cast %parallel_loop3A_300 : i32 to index
      %parallel_loop3A_549 = arith.constant 0 : index
      %parallel_loop3A_550 = tpu.vector_load %parallel_loop3A_547[%parallel_loop3A_548, %parallel_loop3A_549] {strides = array<i32>} : memref<128x128xf32, #tpu.memory_space<vmem>>, vector<1x16xf32>,
      %parallel_loop3A_551 = vector.shape_cast %parallel_loop3A_550 : vector<1x16xf32> to vector<16xf32>
      %parallel_loop3A_552 = arith.constant 0 : i32
      %parallel_loop3A_553 = arith.constant 0 : i32
      %parallel_loop3A_554 = tpu.memref_slice %arg10[%parallel_loop3A_64, %parallel_loop3A_552, %parallel_loop3A_553] : memref<2x128x128xf32, #tpu.memory_space<vmem>> -> memref<1x128x128xf32, #tpu.memory_space<vmem>>
      %parallel_loop3A_555 = tpu.memref_squeeze %parallel_loop3A_554 : memref<1x128x128xf32, #tpu.memory_space<vmem>> -> memref<128x128xf32, #tpu.memory_space<vmem>>
      %parallel_loop3A_556 = arith.index_cast %parallel_loop3A_300 : i32 to index
      %parallel_loop3A_557 = arith.constant 0 : index
      %parallel_loop3A_558 = tpu.vector_load %parallel_loop3A_555[%parallel_loop3A_556, %parallel_loop3A_557] {strides = array<i32>} : memref<128x128xf32, #tpu.memory_space<vmem>>, vector<1x16xf32>,
      %parallel_loop3A_559 = vector.shape_cast %parallel_loop3A_558 : vector<1x16xf32> to vector<16xf32>
      %parallel_loop3A_560 = arith.mulf %parallel_loop3A_551, %parallel_loop3A_538 : vector<16xf32>
      %parallel_loop3A_561 = arith.mulf %parallel_loop3A_559, %parallel_loop3A_543 : vector<16xf32>
      %parallel_loop3A_562 = arith.addf %parallel_loop3A_560, %parallel_loop3A_561 : vector<16xf32>
      %parallel_loop3A_563 = arith.constant 0 : i32
      %parallel_loop3A_564 = arith.constant 0 : i32
      %parallel_loop3A_565 = tpu.memref_slice %arg9[%parallel_loop3A_63, %parallel_loop3A_563, %parallel_loop3A_564] : memref<2x128x128xf32, #tpu.memory_space<vmem>> -> memref<1x128x128xf32, #tpu.memory_space<vmem>>
      %parallel_loop3A_566 = tpu.memref_squeeze %parallel_loop3A_565 : memref<1x128x128xf32, #tpu.memory_space<vmem>> -> memref<128x128xf32, #tpu.memory_space<vmem>>
      %parallel_loop3A_567 = arith.index_cast %parallel_loop3A_300 : i32 to index
      %parallel_loop3A_568 = arith.constant 0 : index
      %parallel_loop3A_569 = tpu.vector_load %parallel_loop3A_566[%parallel_loop3A_567, %parallel_loop3A_568] {strides = array<i32>} : memref<128x128xf32, #tpu.memory_space<vmem>>, vector<1x16xf32>,
      %parallel_loop3A_570 = vector.shape_cast %parallel_loop3A_569 : vector<1x16xf32> to vector<16xf32>
      %parallel_loop3A_571 = vector.shape_cast %parallel_loop3A_562 : vector<16xf32> to vector<1x16xf32>
      tpu.vector_store %parallel_loop3A_566[%parallel_loop3A_567, %parallel_loop3A_568], %parallel_loop3A_571 {strides = array<i32>} : memref<128x128xf32, #tpu.memory_space<vmem>>, vector<1x16xf32>,
      %parallel_loop3A_572 = arith.constant 0 : i32
      %parallel_loop3A_573 = arith.constant 0 : i32
      %parallel_loop3A_574 = tpu.memref_slice %arg9[%parallel_loop3A_63, %parallel_loop3A_572, %parallel_loop3A_573] : memref<2x128x128xf32, #tpu.memory_space<vmem>> -> memref<1x128x128xf32, #tpu.memory_space<vmem>>
      %parallel_loop3A_575 = tpu.memref_squeeze %parallel_loop3A_574 : memref<1x128x128xf32, #tpu.memory_space<vmem>> -> memref<128x128xf32, #tpu.memory_space<vmem>>
      %parallel_loop3A_576 = arith.index_cast %parallel_loop3A_300 : i32 to index
      %parallel_loop3A_577 = arith.constant 16 : index
      %parallel_loop3A_578 = tpu.vector_load %parallel_loop3A_575[%parallel_loop3A_576, %parallel_loop3A_577] {strides = array<i32>} : memref<128x128xf32, #tpu.memory_space<vmem>>, vector<1x16xf32>,
      %parallel_loop3A_579 = vector.shape_cast %parallel_loop3A_578 : vector<1x16xf32> to vector<16xf32>
      %parallel_loop3A_580 = arith.constant 0 : i32
      %parallel_loop3A_581 = arith.constant 0 : i32
      %parallel_loop3A_582 = tpu.memref_slice %arg10[%parallel_loop3A_64, %parallel_loop3A_580, %parallel_loop3A_581] : memref<2x128x128xf32, #tpu.memory_space<vmem>> -> memref<1x128x128xf32, #tpu.memory_space<vmem>>
      %parallel_loop3A_583 = tpu.memref_squeeze %parallel_loop3A_582 : memref<1x128x128xf32, #tpu.memory_space<vmem>> -> memref<128x128xf32, #tpu.memory_space<vmem>>
      %parallel_loop3A_584 = arith.index_cast %parallel_loop3A_300 : i32 to index
      %parallel_loop3A_585 = arith.constant 16 : index
      %parallel_loop3A_586 = tpu.vector_load %parallel_loop3A_583[%parallel_loop3A_584, %parallel_loop3A_585] {strides = array<i32>} : memref<128x128xf32, #tpu.memory_space<vmem>>, vector<1x16xf32>,
      %parallel_loop3A_587 = vector.shape_cast %parallel_loop3A_586 : vector<1x16xf32> to vector<16xf32>
      %parallel_loop3A_588 = arith.mulf %parallel_loop3A_579, %parallel_loop3A_538 : vector<16xf32>
      %parallel_loop3A_589 = arith.mulf %parallel_loop3A_587, %parallel_loop3A_543 : vector<16xf32>
      %parallel_loop3A_590 = arith.addf %parallel_loop3A_588, %parallel_loop3A_589 : vector<16xf32>
      %parallel_loop3A_591 = arith.constant 0 : i32
      %parallel_loop3A_592 = arith.constant 0 : i32
      %parallel_loop3A_593 = tpu.memref_slice %arg9[%parallel_loop3A_63, %parallel_loop3A_591, %parallel_loop3A_592] : memref<2x128x128xf32, #tpu.memory_space<vmem>> -> memref<1x128x128xf32, #tpu.memory_space<vmem>>
      %parallel_loop3A_594 = tpu.memref_squeeze %parallel_loop3A_593 : memref<1x128x128xf32, #tpu.memory_space<vmem>> -> memref<128x128xf32, #tpu.memory_space<vmem>>
      %parallel_loop3A_595 = arith.index_cast %parallel_loop3A_300 : i32 to index
      %parallel_loop3A_596 = arith.constant 16 : index
      %parallel_loop3A_597 = tpu.vector_load %parallel_loop3A_594[%parallel_loop3A_595, %parallel_loop3A_596] {strides = array<i32>} : memref<128x128xf32, #tpu.memory_space<vmem>>, vector<1x16xf32>,
      %parallel_loop3A_598 = vector.shape_cast %parallel_loop3A_597 : vector<1x16xf32> to vector<16xf32>
      %parallel_loop3A_599 = vector.shape_cast %parallel_loop3A_590 : vector<16xf32> to vector<1x16xf32>
      tpu.vector_store %parallel_loop3A_594[%parallel_loop3A_595, %parallel_loop3A_596], %parallel_loop3A_599 {strides = array<i32>} : memref<128x128xf32, #tpu.memory_space<vmem>>, vector<1x16xf32>,
      %parallel_loop3A_600 = arith.constant 0 : i32
      %parallel_loop3A_601 = arith.constant 0 : i32
      %parallel_loop3A_602 = tpu.memref_slice %arg9[%parallel_loop3A_63, %parallel_loop3A_600, %parallel_loop3A_601] : memref<2x128x128xf32, #tpu.memory_space<vmem>> -> memref<1x128x128xf32, #tpu.memory_space<vmem>>
      %parallel_loop3A_603 = tpu.memref_squeeze %parallel_loop3A_602 : memref<1x128x128xf32, #tpu.memory_space<vmem>> -> memref<128x128xf32, #tpu.memory_space<vmem>>
      %parallel_loop3A_604 = arith.index_cast %parallel_loop3A_300 : i32 to index
      %parallel_loop3A_605 = arith.constant 32 : index
      %parallel_loop3A_606 = tpu.vector_load %parallel_loop3A_603[%parallel_loop3A_604, %parallel_loop3A_605] {strides = array<i32>} : memref<128x128xf32, #tpu.memory_space<vmem>>, vector<1x16xf32>,
      %parallel_loop3A_607 = vector.shape_cast %parallel_loop3A_606 : vector<1x16xf32> to vector<16xf32>
      %parallel_loop3A_608 = arith.constant 0 : i32
      %parallel_loop3A_609 = arith.constant 0 : i32
      %parallel_loop3A_610 = tpu.memref_slice %arg10[%parallel_loop3A_64, %parallel_loop3A_608, %parallel_loop3A_609] : memref<2x128x128xf32, #tpu.memory_space<vmem>> -> memref<1x128x128xf32, #tpu.memory_space<vmem>>
      %parallel_loop3A_611 = tpu.memref_squeeze %parallel_loop3A_610 : memref<1x128x128xf32, #tpu.memory_space<vmem>> -> memref<128x128xf32, #tpu.memory_space<vmem>>
      %parallel_loop3A_612 = arith.index_cast %parallel_loop3A_300 : i32 to index
      %parallel_loop3A_613 = arith.constant 32 : index
      %parallel_loop3A_614 = tpu.vector_load %parallel_loop3A_611[%parallel_loop3A_612, %parallel_loop3A_613] {strides = array<i32>} : memref<128x128xf32, #tpu.memory_space<vmem>>, vector<1x16xf32>,
      %parallel_loop3A_615 = vector.shape_cast %parallel_loop3A_614 : vector<1x16xf32> to vector<16xf32>
      %parallel_loop3A_616 = arith.mulf %parallel_loop3A_607, %parallel_loop3A_538 : vector<16xf32>
      %parallel_loop3A_617 = arith.mulf %parallel_loop3A_615, %parallel_loop3A_543 : vector<16xf32>
      %parallel_loop3A_618 = arith.addf %parallel_loop3A_616, %parallel_loop3A_617 : vector<16xf32>
      %parallel_loop3A_619 = arith.constant 0 : i32
      %parallel_loop3A_620 = arith.constant 0 : i32
      %parallel_loop3A_621 = tpu.memref_slice %arg9[%parallel_loop3A_63, %parallel_loop3A_619, %parallel_loop3A_620] : memref<2x128x128xf32, #tpu.memory_space<vmem>> -> memref<1x128x128xf32, #tpu.memory_space<vmem>>
      %parallel_loop3A_622 = tpu.memref_squeeze %parallel_loop3A_621 : memref<1x128x128xf32, #tpu.memory_space<vmem>> -> memref<128x128xf32, #tpu.memory_space<vmem>>
      %parallel_loop3A_623 = arith.index_cast %parallel_loop3A_300 : i32 to index
      %parallel_loop3A_624 = arith.constant 32 : index
      %parallel_loop3A_625 = tpu.vector_load %parallel_loop3A_622[%parallel_loop3A_623, %parallel_loop3A_624] {strides = array<i32>} : memref<128x128xf32, #tpu.memory_space<vmem>>, vector<1x16xf32>,
      %parallel_loop3A_626 = vector.shape_cast %parallel_loop3A_625 : vector<1x16xf32> to vector<16xf32>
      %parallel_loop3A_627 = vector.shape_cast %parallel_loop3A_618 : vector<16xf32> to vector<1x16xf32>
      tpu.vector_store %parallel_loop3A_622[%parallel_loop3A_623, %parallel_loop3A_624], %parallel_loop3A_627 {strides = array<i32>} : memref<128x128xf32, #tpu.memory_space<vmem>>, vector<1x16xf32>,
      %parallel_loop3A_628 = arith.constant 0 : i32
      %parallel_loop3A_629 = arith.constant 0 : i32
      %parallel_loop3A_630 = tpu.memref_slice %arg9[%parallel_loop3A_63, %parallel_loop3A_628, %parallel_loop3A_629] : memref<2x128x128xf32, #tpu.memory_space<vmem>> -> memref<1x128x128xf32, #tpu.memory_space<vmem>>
      %parallel_loop3A_631 = tpu.memref_squeeze %parallel_loop3A_630 : memref<1x128x128xf32, #tpu.memory_space<vmem>> -> memref<128x128xf32, #tpu.memory_space<vmem>>
      %parallel_loop3A_632 = arith.index_cast %parallel_loop3A_300 : i32 to index
      %parallel_loop3A_633 = arith.constant 48 : index
      %parallel_loop3A_634 = tpu.vector_load %parallel_loop3A_631[%parallel_loop3A_632, %parallel_loop3A_633] {strides = array<i32>} : memref<128x128xf32, #tpu.memory_space<vmem>>, vector<1x16xf32>,
      %parallel_loop3A_635 = vector.shape_cast %parallel_loop3A_634 : vector<1x16xf32> to vector<16xf32>
      %parallel_loop3A_636 = arith.constant 0 : i32
      %parallel_loop3A_637 = arith.constant 0 : i32
      %parallel_loop3A_638 = tpu.memref_slice %arg10[%parallel_loop3A_64, %parallel_loop3A_636, %parallel_loop3A_637] : memref<2x128x128xf32, #tpu.memory_space<vmem>> -> memref<1x128x128xf32, #tpu.memory_space<vmem>>
      %parallel_loop3A_639 = tpu.memref_squeeze %parallel_loop3A_638 : memref<1x128x128xf32, #tpu.memory_space<vmem>> -> memref<128x128xf32, #tpu.memory_space<vmem>>
      %parallel_loop3A_640 = arith.index_cast %parallel_loop3A_300 : i32 to index
      %parallel_loop3A_641 = arith.constant 48 : index
      %parallel_loop3A_642 = tpu.vector_load %parallel_loop3A_639[%parallel_loop3A_640, %parallel_loop3A_641] {strides = array<i32>} : memref<128x128xf32, #tpu.memory_space<vmem>>, vector<1x16xf32>,
      %parallel_loop3A_643 = vector.shape_cast %parallel_loop3A_642 : vector<1x16xf32> to vector<16xf32>
      %parallel_loop3A_644 = arith.mulf %parallel_loop3A_635, %parallel_loop3A_538 : vector<16xf32>
      %parallel_loop3A_645 = arith.mulf %parallel_loop3A_643, %parallel_loop3A_543 : vector<16xf32>
      %parallel_loop3A_646 = arith.addf %parallel_loop3A_644, %parallel_loop3A_645 : vector<16xf32>
      %parallel_loop3A_647 = arith.constant 0 : i32
      %parallel_loop3A_648 = arith.constant 0 : i32
      %parallel_loop3A_649 = tpu.memref_slice %arg9[%parallel_loop3A_63, %parallel_loop3A_647, %parallel_loop3A_648] : memref<2x128x128xf32, #tpu.memory_space<vmem>> -> memref<1x128x128xf32, #tpu.memory_space<vmem>>
      %parallel_loop3A_650 = tpu.memref_squeeze %parallel_loop3A_649 : memref<1x128x128xf32, #tpu.memory_space<vmem>> -> memref<128x128xf32, #tpu.memory_space<vmem>>
      %parallel_loop3A_651 = arith.index_cast %parallel_loop3A_300 : i32 to index
      %parallel_loop3A_652 = arith.constant 48 : index
      %parallel_loop3A_653 = tpu.vector_load %parallel_loop3A_650[%parallel_loop3A_651, %parallel_loop3A_652] {strides = array<i32>} : memref<128x128xf32, #tpu.memory_space<vmem>>, vector<1x16xf32>,
      %parallel_loop3A_654 = vector.shape_cast %parallel_loop3A_653 : vector<1x16xf32> to vector<16xf32>
      %parallel_loop3A_655 = vector.shape_cast %parallel_loop3A_646 : vector<16xf32> to vector<1x16xf32>
      tpu.vector_store %parallel_loop3A_650[%parallel_loop3A_651, %parallel_loop3A_652], %parallel_loop3A_655 {strides = array<i32>} : memref<128x128xf32, #tpu.memory_space<vmem>>, vector<1x16xf32>,
      %parallel_loop3A_656 = arith.constant 0 : i32
      %parallel_loop3A_657 = arith.constant 0 : i32
      %parallel_loop3A_658 = tpu.memref_slice %arg9[%parallel_loop3A_63, %parallel_loop3A_656, %parallel_loop3A_657] : memref<2x128x128xf32, #tpu.memory_space<vmem>> -> memref<1x128x128xf32, #tpu.memory_space<vmem>>
      %parallel_loop3A_659 = tpu.memref_squeeze %parallel_loop3A_658 : memref<1x128x128xf32, #tpu.memory_space<vmem>> -> memref<128x128xf32, #tpu.memory_space<vmem>>
      %parallel_loop3A_660 = arith.index_cast %parallel_loop3A_300 : i32 to index
      %parallel_loop3A_661 = arith.constant 64 : index
      %parallel_loop3A_662 = tpu.vector_load %parallel_loop3A_659[%parallel_loop3A_660, %parallel_loop3A_661] {strides = array<i32>} : memref<128x128xf32, #tpu.memory_space<vmem>>, vector<1x16xf32>,
      %parallel_loop3A_663 = vector.shape_cast %parallel_loop3A_662 : vector<1x16xf32> to vector<16xf32>
      %parallel_loop3A_664 = arith.constant 0 : i32
      %parallel_loop3A_665 = arith.constant 0 : i32
      %parallel_loop3A_666 = tpu.memref_slice %arg10[%parallel_loop3A_64, %parallel_loop3A_664, %parallel_loop3A_665] : memref<2x128x128xf32, #tpu.memory_space<vmem>> -> memref<1x128x128xf32, #tpu.memory_space<vmem>>
      %parallel_loop3A_667 = tpu.memref_squeeze %parallel_loop3A_666 : memref<1x128x128xf32, #tpu.memory_space<vmem>> -> memref<128x128xf32, #tpu.memory_space<vmem>>
      %parallel_loop3A_668 = arith.index_cast %parallel_loop3A_300 : i32 to index
      %parallel_loop3A_669 = arith.constant 64 : index
      %parallel_loop3A_670 = tpu.vector_load %parallel_loop3A_667[%parallel_loop3A_668, %parallel_loop3A_669] {strides = array<i32>} : memref<128x128xf32, #tpu.memory_space<vmem>>, vector<1x16xf32>,
      %parallel_loop3A_671 = vector.shape_cast %parallel_loop3A_670 : vector<1x16xf32> to vector<16xf32>
      %parallel_loop3A_672 = arith.mulf %parallel_loop3A_663, %parallel_loop3A_538 : vector<16xf32>
      %parallel_loop3A_673 = arith.mulf %parallel_loop3A_671, %parallel_loop3A_543 : vector<16xf32>
      %parallel_loop3A_674 = arith.addf %parallel_loop3A_672, %parallel_loop3A_673 : vector<16xf32>
      %parallel_loop3A_675 = arith.constant 0 : i32
      %parallel_loop3A_676 = arith.constant 0 : i32
      %parallel_loop3A_677 = tpu.memref_slice %arg9[%parallel_loop3A_63, %parallel_loop3A_675, %parallel_loop3A_676] : memref<2x128x128xf32, #tpu.memory_space<vmem>> -> memref<1x128x128xf32, #tpu.memory_space<vmem>>
      %parallel_loop3A_678 = tpu.memref_squeeze %parallel_loop3A_677 : memref<1x128x128xf32, #tpu.memory_space<vmem>> -> memref<128x128xf32, #tpu.memory_space<vmem>>
      %parallel_loop3A_679 = arith.index_cast %parallel_loop3A_300 : i32 to index
      %parallel_loop3A_680 = arith.constant 64 : index
      %parallel_loop3A_681 = tpu.vector_load %parallel_loop3A_678[%parallel_loop3A_679, %parallel_loop3A_680] {strides = array<i32>} : memref<128x128xf32, #tpu.memory_space<vmem>>, vector<1x16xf32>,
      %parallel_loop3A_682 = vector.shape_cast %parallel_loop3A_681 : vector<1x16xf32> to vector<16xf32>
      %parallel_loop3A_683 = vector.shape_cast %parallel_loop3A_674 : vector<16xf32> to vector<1x16xf32>
      tpu.vector_store %parallel_loop3A_678[%parallel_loop3A_679, %parallel_loop3A_680], %parallel_loop3A_683 {strides = array<i32>} : memref<128x128xf32, #tpu.memory_space<vmem>>, vector<1x16xf32>,
      %parallel_loop3A_684 = arith.constant 0 : i32
      %parallel_loop3A_685 = arith.constant 0 : i32
      %parallel_loop3A_686 = tpu.memref_slice %arg9[%parallel_loop3A_63, %parallel_loop3A_684, %parallel_loop3A_685] : memref<2x128x128xf32, #tpu.memory_space<vmem>> -> memref<1x128x128xf32, #tpu.memory_space<vmem>>
      %parallel_loop3A_687 = tpu.memref_squeeze %parallel_loop3A_686 : memref<1x128x128xf32, #tpu.memory_space<vmem>> -> memref<128x128xf32, #tpu.memory_space<vmem>>
      %parallel_loop3A_688 = arith.index_cast %parallel_loop3A_300 : i32 to index
      %parallel_loop3A_689 = arith.constant 80 : index
      %parallel_loop3A_690 = tpu.vector_load %parallel_loop3A_687[%parallel_loop3A_688, %parallel_loop3A_689] {strides = array<i32>} : memref<128x128xf32, #tpu.memory_space<vmem>>, vector<1x16xf32>,
      %parallel_loop3A_691 = vector.shape_cast %parallel_loop3A_690 : vector<1x16xf32> to vector<16xf32>
      %parallel_loop3A_692 = arith.constant 0 : i32
      %parallel_loop3A_693 = arith.constant 0 : i32
      %parallel_loop3A_694 = tpu.memref_slice %arg10[%parallel_loop3A_64, %parallel_loop3A_692, %parallel_loop3A_693] : memref<2x128x128xf32, #tpu.memory_space<vmem>> -> memref<1x128x128xf32, #tpu.memory_space<vmem>>
      %parallel_loop3A_695 = tpu.memref_squeeze %parallel_loop3A_694 : memref<1x128x128xf32, #tpu.memory_space<vmem>> -> memref<128x128xf32, #tpu.memory_space<vmem>>
      %parallel_loop3A_696 = arith.index_cast %parallel_loop3A_300 : i32 to index
      %parallel_loop3A_697 = arith.constant 80 : index
      %parallel_loop3A_698 = tpu.vector_load %parallel_loop3A_695[%parallel_loop3A_696, %parallel_loop3A_697] {strides = array<i32>} : memref<128x128xf32, #tpu.memory_space<vmem>>, vector<1x16xf32>,
      %parallel_loop3A_699 = vector.shape_cast %parallel_loop3A_698 : vector<1x16xf32> to vector<16xf32>
      %parallel_loop3A_700 = arith.mulf %parallel_loop3A_691, %parallel_loop3A_538 : vector<16xf32>
      %parallel_loop3A_701 = arith.mulf %parallel_loop3A_699, %parallel_loop3A_543 : vector<16xf32>
      %parallel_loop3A_702 = arith.addf %parallel_loop3A_700, %parallel_loop3A_701 : vector<16xf32>
      %parallel_loop3A_703 = arith.constant 0 : i32
      %parallel_loop3A_704 = arith.constant 0 : i32
      %parallel_loop3A_705 = tpu.memref_slice %arg9[%parallel_loop3A_63, %parallel_loop3A_703, %parallel_loop3A_704] : memref<2x128x128xf32, #tpu.memory_space<vmem>> -> memref<1x128x128xf32, #tpu.memory_space<vmem>>
      %parallel_loop3A_706 = tpu.memref_squeeze %parallel_loop3A_705 : memref<1x128x128xf32, #tpu.memory_space<vmem>> -> memref<128x128xf32, #tpu.memory_space<vmem>>
      %parallel_loop3A_707 = arith.index_cast %parallel_loop3A_300 : i32 to index
      %parallel_loop3A_708 = arith.constant 80 : index
      %parallel_loop3A_709 = tpu.vector_load %parallel_loop3A_706[%parallel_loop3A_707, %parallel_loop3A_708] {strides = array<i32>} : memref<128x128xf32, #tpu.memory_space<vmem>>, vector<1x16xf32>,
      %parallel_loop3A_710 = vector.shape_cast %parallel_loop3A_709 : vector<1x16xf32> to vector<16xf32>
      %parallel_loop3A_711 = vector.shape_cast %parallel_loop3A_702 : vector<16xf32> to vector<1x16xf32>
      tpu.vector_store %parallel_loop3A_706[%parallel_loop3A_707, %parallel_loop3A_708], %parallel_loop3A_711 {strides = array<i32>} : memref<128x128xf32, #tpu.memory_space<vmem>>, vector<1x16xf32>,
      %parallel_loop3A_712 = arith.constant 0 : i32
      %parallel_loop3A_713 = arith.constant 0 : i32
      %parallel_loop3A_714 = tpu.memref_slice %arg9[%parallel_loop3A_63, %parallel_loop3A_712, %parallel_loop3A_713] : memref<2x128x128xf32, #tpu.memory_space<vmem>> -> memref<1x128x128xf32, #tpu.memory_space<vmem>>
      %parallel_loop3A_715 = tpu.memref_squeeze %parallel_loop3A_714 : memref<1x128x128xf32, #tpu.memory_space<vmem>> -> memref<128x128xf32, #tpu.memory_space<vmem>>
      %parallel_loop3A_716 = arith.index_cast %parallel_loop3A_300 : i32 to index
      %parallel_loop3A_717 = arith.constant 96 : index
      %parallel_loop3A_718 = tpu.vector_load %parallel_loop3A_715[%parallel_loop3A_716, %parallel_loop3A_717] {strides = array<i32>} : memref<128x128xf32, #tpu.memory_space<vmem>>, vector<1x16xf32>,
      %parallel_loop3A_719 = vector.shape_cast %parallel_loop3A_718 : vector<1x16xf32> to vector<16xf32>
      %parallel_loop3A_720 = arith.constant 0 : i32
      %parallel_loop3A_721 = arith.constant 0 : i32
      %parallel_loop3A_722 = tpu.memref_slice %arg10[%parallel_loop3A_64, %parallel_loop3A_720, %parallel_loop3A_721] : memref<2x128x128xf32, #tpu.memory_space<vmem>> -> memref<1x128x128xf32, #tpu.memory_space<vmem>>
      %parallel_loop3A_723 = tpu.memref_squeeze %parallel_loop3A_722 : memref<1x128x128xf32, #tpu.memory_space<vmem>> -> memref<128x128xf32, #tpu.memory_space<vmem>>
      %parallel_loop3A_724 = arith.index_cast %parallel_loop3A_300 : i32 to index
      %parallel_loop3A_725 = arith.constant 96 : index
      %parallel_loop3A_726 = tpu.vector_load %parallel_loop3A_723[%parallel_loop3A_724, %parallel_loop3A_725] {strides = array<i32>} : memref<128x128xf32, #tpu.memory_space<vmem>>, vector<1x16xf32>,
      %parallel_loop3A_727 = vector.shape_cast %parallel_loop3A_726 : vector<1x16xf32> to vector<16xf32>
      %parallel_loop3A_728 = arith.mulf %parallel_loop3A_719, %parallel_loop3A_538 : vector<16xf32>
      %parallel_loop3A_729 = arith.mulf %parallel_loop3A_727, %parallel_loop3A_543 : vector<16xf32>
      %parallel_loop3A_730 = arith.addf %parallel_loop3A_728, %parallel_loop3A_729 : vector<16xf32>
      %parallel_loop3A_731 = arith.constant 0 : i32
      %parallel_loop3A_732 = arith.constant 0 : i32
      %parallel_loop3A_733 = tpu.memref_slice %arg9[%parallel_loop3A_63, %parallel_loop3A_731, %parallel_loop3A_732] : memref<2x128x128xf32, #tpu.memory_space<vmem>> -> memref<1x128x128xf32, #tpu.memory_space<vmem>>
      %parallel_loop3A_734 = tpu.memref_squeeze %parallel_loop3A_733 : memref<1x128x128xf32, #tpu.memory_space<vmem>> -> memref<128x128xf32, #tpu.memory_space<vmem>>
      %parallel_loop3A_735 = arith.index_cast %parallel_loop3A_300 : i32 to index
      %parallel_loop3A_736 = arith.constant 96 : index
      %parallel_loop3A_737 = tpu.vector_load %parallel_loop3A_734[%parallel_loop3A_735, %parallel_loop3A_736] {strides = array<i32>} : memref<128x128xf32, #tpu.memory_space<vmem>>, vector<1x16xf32>,
      %parallel_loop3A_738 = vector.shape_cast %parallel_loop3A_737 : vector<1x16xf32> to vector<16xf32>
      %parallel_loop3A_739 = vector.shape_cast %parallel_loop3A_730 : vector<16xf32> to vector<1x16xf32>
      tpu.vector_store %parallel_loop3A_734[%parallel_loop3A_735, %parallel_loop3A_736], %parallel_loop3A_739 {strides = array<i32>} : memref<128x128xf32, #tpu.memory_space<vmem>>, vector<1x16xf32>,
      %parallel_loop3A_740 = arith.constant 0 : i32
      %parallel_loop3A_741 = arith.constant 0 : i32
      %parallel_loop3A_742 = tpu.memref_slice %arg9[%parallel_loop3A_63, %parallel_loop3A_740, %parallel_loop3A_741] : memref<2x128x128xf32, #tpu.memory_space<vmem>> -> memref<1x128x128xf32, #tpu.memory_space<vmem>>
      %parallel_loop3A_743 = tpu.memref_squeeze %parallel_loop3A_742 : memref<1x128x128xf32, #tpu.memory_space<vmem>> -> memref<128x128xf32, #tpu.memory_space<vmem>>
      %parallel_loop3A_744 = arith.index_cast %parallel_loop3A_300 : i32 to index
      %parallel_loop3A_745 = arith.constant 112 : index
      %parallel_loop3A_746 = tpu.vector_load %parallel_loop3A_743[%parallel_loop3A_744, %parallel_loop3A_745] {strides = array<i32>} : memref<128x128xf32, #tpu.memory_space<vmem>>, vector<1x16xf32>,
      %parallel_loop3A_747 = vector.shape_cast %parallel_loop3A_746 : vector<1x16xf32> to vector<16xf32>
      %parallel_loop3A_748 = arith.constant 0 : i32
      %parallel_loop3A_749 = arith.constant 0 : i32
      %parallel_loop3A_750 = tpu.memref_slice %arg10[%parallel_loop3A_64, %parallel_loop3A_748, %parallel_loop3A_749] : memref<2x128x128xf32, #tpu.memory_space<vmem>> -> memref<1x128x128xf32, #tpu.memory_space<vmem>>
      %parallel_loop3A_751 = tpu.memref_squeeze %parallel_loop3A_750 : memref<1x128x128xf32, #tpu.memory_space<vmem>> -> memref<128x128xf32, #tpu.memory_space<vmem>>
      %parallel_loop3A_752 = arith.index_cast %parallel_loop3A_300 : i32 to index
      %parallel_loop3A_753 = arith.constant 112 : index
      %parallel_loop3A_754 = tpu.vector_load %parallel_loop3A_751[%parallel_loop3A_752, %parallel_loop3A_753] {strides = array<i32>} : memref<128x128xf32, #tpu.memory_space<vmem>>, vector<1x16xf32>,
      %parallel_loop3A_755 = vector.shape_cast %parallel_loop3A_754 : vector<1x16xf32> to vector<16xf32>
      %parallel_loop3A_756 = arith.mulf %parallel_loop3A_747, %parallel_loop3A_538 : vector<16xf32>
      %parallel_loop3A_757 = arith.mulf %parallel_loop3A_755, %parallel_loop3A_543 : vector<16xf32>
      %parallel_loop3A_758 = arith.addf %parallel_loop3A_756, %parallel_loop3A_757 : vector<16xf32>
      %parallel_loop3A_759 = arith.constant 0 : i32
      %parallel_loop3A_760 = arith.constant 0 : i32
      %parallel_loop3A_761 = tpu.memref_slice %arg9[%parallel_loop3A_63, %parallel_loop3A_759, %parallel_loop3A_760] : memref<2x128x128xf32, #tpu.memory_space<vmem>> -> memref<1x128x128xf32, #tpu.memory_space<vmem>>
      %parallel_loop3A_762 = tpu.memref_squeeze %parallel_loop3A_761 : memref<1x128x128xf32, #tpu.memory_space<vmem>> -> memref<128x128xf32, #tpu.memory_space<vmem>>
      %parallel_loop3A_763 = arith.index_cast %parallel_loop3A_300 : i32 to index
      %parallel_loop3A_764 = arith.constant 112 : index
      %parallel_loop3A_765 = tpu.vector_load %parallel_loop3A_762[%parallel_loop3A_763, %parallel_loop3A_764] {strides = array<i32>} : memref<128x128xf32, #tpu.memory_space<vmem>>, vector<1x16xf32>,
      %parallel_loop3A_766 = vector.shape_cast %parallel_loop3A_765 : vector<1x16xf32> to vector<16xf32>
      %parallel_loop3A_767 = vector.shape_cast %parallel_loop3A_758 : vector<16xf32> to vector<1x16xf32>
      tpu.vector_store %parallel_loop3A_762[%parallel_loop3A_763, %parallel_loop3A_764], %parallel_loop3A_767 {strides = array<i32>} : memref<128x128xf32, #tpu.memory_space<vmem>>, vector<1x16xf32>,
    } {sc.loop_unroll_factor = 2 : i64, sc.parallel_access}
    %add3A_65 = arith.constant 0 : i32
    %add3A_66 = arith.addi %mul3A_2, %add3A_65 : i32
    %dma_start3A_67 = arith.constant 0 : i32
    %dma_start3A_68 = arith.constant 0 : i32
    %dma_start3A_69 = arith.constant 0 : i32
    %dma_start3A_70 = tpu.memref_slice %arg9[%dma_start3A_67, %dma_start3A_68, %dma_start3A_69] : memref<2x128x128xf32, #tpu.memory_space<vmem>> -> memref<1x128x128xf32, #tpu.memory_space<vmem>>
    %dma_start3A_71 = tpu.memref_squeeze %dma_start3A_70 : memref<1x128x128xf32, #tpu.memory_space<vmem>> -> memref<128x128xf32, #tpu.memory_space<vmem>>
    %dma_start3A_72 = arith.constant 0 : i32
    %dma_start3A_73 = tpu.memref_slice %arg6[%add3A_66, %dma_start3A_72] : memref<16384x128xf32, #tpu.memory_space<hbm>> -> memref<128x128xf32, #tpu.memory_space<hbm>>
    %dma_start3A_74 = arith.constant 0 : i32
    %dma_start3A_75 = tpu.memref_slice %arg6[%add3A_66, %dma_start3A_74] : memref<16384x128xf32, #tpu.memory_space<hbm>> -> memref<128x128xf32, #tpu.memory_space<hbm>>
    %dma_start3A_76 = arith.constant 0 : i32
    %dma_start3A_77 = arith.constant 0 : i32
    %dma_start3A_78 = tpu.memref_slice %arg9[%dma_start3A_67, %dma_start3A_76, %dma_start3A_77] : memref<2x128x128xf32, #tpu.memory_space<vmem>> -> memref<1x128x128xf32, #tpu.memory_space<vmem>>
    %dma_start3A_79 = tpu.memref_squeeze %dma_start3A_78 : memref<1x128x128xf32, #tpu.memory_space<vmem>> -> memref<128x128xf32, #tpu.memory_space<vmem>>
    tpu.enqueue_dma source(%dma_start3A_79 : memref<128x128xf32, #tpu.memory_space<vmem>>) target(%dma_start3A_75 : memref<128x128xf32, #tpu.memory_space<hbm>>) target_semaphore(%arg13 : memref<!tpu.dma_semaphore, #tpu.memory_space<semaphore_mem>>)
    %add3A_80 = arith.constant 0 : i32
    %add3A_81 = arith.addi %mul3A_2, %add3A_80 : i32
    %dma_wait3A_82 = arith.constant 0 : i32
    %dma_wait3A_83 = arith.constant 0 : i32
    %dma_wait3A_84 = arith.constant 0 : i32
    %dma_wait3A_85 = tpu.memref_slice %arg9[%dma_wait3A_82, %dma_wait3A_83, %dma_wait3A_84] : memref<2x128x128xf32, #tpu.memory_space<vmem>> -> memref<1x128x128xf32, #tpu.memory_space<vmem>>
    %dma_wait3A_86 = tpu.memref_squeeze %dma_wait3A_85 : memref<1x128x128xf32, #tpu.memory_space<vmem>> -> memref<128x128xf32, #tpu.memory_space<vmem>>
    %dma_wait3A_87 = arith.constant 0 : i32
    %dma_wait3A_88 = tpu.memref_slice %arg6[%add3A_81, %dma_wait3A_87] : memref<16384x128xf32, #tpu.memory_space<hbm>> -> memref<128x128xf32, #tpu.memory_space<hbm>>
    %dma_wait3A_89 = arith.constant 0 : i32
    %dma_wait3A_90 = tpu.memref_slice %arg6[%add3A_81, %dma_wait3A_89] : memref<16384x128xf32, #tpu.memory_space<hbm>> -> memref<128x128xf32, #tpu.memory_space<hbm>>
    %dma_wait3A_91 = arith.constant 0 : i32
    %dma_wait3A_92 = arith.constant 0 : i32
    %dma_wait3A_93 = tpu.memref_slice %arg9[%dma_wait3A_82, %dma_wait3A_91, %dma_wait3A_92] : memref<2x128x128xf32, #tpu.memory_space<vmem>> -> memref<1x128x128xf32, #tpu.memory_space<vmem>>
    %dma_wait3A_94 = tpu.memref_squeeze %dma_wait3A_93 : memref<1x128x128xf32, #tpu.memory_space<vmem>> -> memref<128x128xf32, #tpu.memory_space<vmem>>
    tpu.wait_dma2 semaphore(%arg13 : memref<!tpu.dma_semaphore, #tpu.memory_space<semaphore_mem>>) src(%dma_wait3A_94 : memref<128x128xf32, #tpu.memory_space<vmem>>) dst(%dma_wait3A_90 : memref<128x128xf32, #tpu.memory_space<hbm>>)
    %dma_start3A_95 = arith.constant 0 : i32
    %dma_start3A_96 = arith.constant 0 : i32
    %dma_start3A_97 = arith.constant 0 : i32
    %dma_start3A_98 = tpu.memref_slice %arg9[%dma_start3A_95, %dma_start3A_96, %dma_start3A_97] : memref<2x128x128xf32, #tpu.memory_space<vmem>> -> memref<1x128x128xf32, #tpu.memory_space<vmem>>
    %dma_start3A_99 = tpu.memref_squeeze %dma_start3A_98 : memref<1x128x128xf32, #tpu.memory_space<vmem>> -> memref<128x128xf32, #tpu.memory_space<vmem>>
    %dma_start3A_100 = arith.constant 256 : i32
    %dma_start3A_101 = tpu.memref_slice %arg7[%dma_start3A_100] : memref<512xi32, #tpu.memory_space<vmem>> -> memref<128xi32, #tpu.memory_space<vmem>>
    %dma_start3A_102 = arith.constant 0 : i32
    %dma_start3A_103 = arith.constant 0 : i32
    %dma_start3A_104 = tpu.memref_slice %arg4[%dma_start3A_102, %dma_start3A_103] : memref<100000x128xf32, #tpu.memory_space<hbm>> -> memref<100000x128xf32, #tpu.memory_space<hbm>>
    tpu.enqueue_indirect_dma source(%dma_start3A_104 : memref<100000x128xf32, #tpu.memory_space<hbm>>) target(%dma_start3A_99 : memref<128x128xf32, #tpu.memory_space<vmem>>) offsets(%dma_start3A_101 : memref<128xi32, #tpu.memory_space<vmem>>) semaphore(%arg11 : memref<!tpu.dma_semaphore, #tpu.memory_space<semaphore_mem>>)
    %dma_start3A_105 = arith.constant 0 : i32
    %dma_start3A_106 = arith.constant 0 : i32
    %dma_start3A_107 = arith.constant 0 : i32
    %dma_start3A_108 = tpu.memref_slice %arg10[%dma_start3A_105, %dma_start3A_106, %dma_start3A_107] : memref<2x128x128xf32, #tpu.memory_space<vmem>> -> memref<1x128x128xf32, #tpu.memory_space<vmem>>
    %dma_start3A_109 = tpu.memref_squeeze %dma_start3A_108 : memref<1x128x128xf32, #tpu.memory_space<vmem>> -> memref<128x128xf32, #tpu.memory_space<vmem>>
    %dma_start3A_110 = arith.constant 256 : i32
    %dma_start3A_111 = tpu.memref_slice %arg8[%dma_start3A_110] : memref<512xi32, #tpu.memory_space<vmem>> -> memref<128xi32, #tpu.memory_space<vmem>>
    %dma_start3A_112 = arith.constant 0 : i32
    %dma_start3A_113 = arith.constant 0 : i32
    %dma_start3A_114 = tpu.memref_slice %arg5[%dma_start3A_112, %dma_start3A_113] : memref<1000x128xf32, #tpu.memory_space<hbm>> -> memref<1000x128xf32, #tpu.memory_space<hbm>>
    tpu.enqueue_indirect_dma source(%dma_start3A_114 : memref<1000x128xf32, #tpu.memory_space<hbm>>) target(%dma_start3A_109 : memref<128x128xf32, #tpu.memory_space<vmem>>) offsets(%dma_start3A_111 : memref<128xi32, #tpu.memory_space<vmem>>) semaphore(%arg11 : memref<!tpu.dma_semaphore, #tpu.memory_space<semaphore_mem>>)
    %dma_wait3A_115 = arith.constant 1 : i32
    %dma_wait3A_116 = arith.constant 0 : i32
    %dma_wait3A_117 = arith.constant 0 : i32
    %dma_wait3A_118 = tpu.memref_slice %arg9[%dma_wait3A_115, %dma_wait3A_116, %dma_wait3A_117] : memref<2x128x128xf32, #tpu.memory_space<vmem>> -> memref<1x128x128xf32, #tpu.memory_space<vmem>>
    %dma_wait3A_119 = tpu.memref_squeeze %dma_wait3A_118 : memref<1x128x128xf32, #tpu.memory_space<vmem>> -> memref<128x128xf32, #tpu.memory_space<vmem>>
    %dma_wait3A_120 = arith.constant 128 : i32
    %dma_wait3A_121 = tpu.memref_slice %arg7[%dma_wait3A_120] : memref<512xi32, #tpu.memory_space<vmem>> -> memref<128xi32, #tpu.memory_space<vmem>>
    %dma_wait3A_122 = arith.constant 0 : i32
    %dma_wait3A_123 = arith.constant 0 : i32
    %dma_wait3A_124 = tpu.memref_slice %arg4[%dma_wait3A_122, %dma_wait3A_123] : memref<100000x128xf32, #tpu.memory_space<hbm>> -> memref<100000x128xf32, #tpu.memory_space<hbm>>
    tpu.wait_indirect_dma semaphore(%arg12 : memref<!tpu.dma_semaphore, #tpu.memory_space<semaphore_mem>>) src(%dma_wait3A_124 : memref<100000x128xf32, #tpu.memory_space<hbm>>) dst(%dma_wait3A_119 : memref<128x128xf32, #tpu.memory_space<vmem>>)
    %dma_wait3A_125 = arith.constant 1 : i32
    %dma_wait3A_126 = arith.constant 0 : i32
    %dma_wait3A_127 = arith.constant 0 : i32
    %dma_wait3A_128 = tpu.memref_slice %arg10[%dma_wait3A_125, %dma_wait3A_126, %dma_wait3A_127] : memref<2x128x128xf32, #tpu.memory_space<vmem>> -> memref<1x128x128xf32, #tpu.memory_space<vmem>>
    %dma_wait3A_129 = tpu.memref_squeeze %dma_wait3A_128 : memref<1x128x128xf32, #tpu.memory_space<vmem>> -> memref<128x128xf32, #tpu.memory_space<vmem>>
    %dma_wait3A_130 = arith.constant 128 : i32
    %dma_wait3A_131 = tpu.memref_slice %arg8[%dma_wait3A_130] : memref<512xi32, #tpu.memory_space<vmem>> -> memref<128xi32, #tpu.memory_space<vmem>>
    %dma_wait3A_132 = arith.constant 0 : i32
    %dma_wait3A_133 = arith.constant 0 : i32
    %dma_wait3A_134 = tpu.memref_slice %arg5[%dma_wait3A_132, %dma_wait3A_133] : memref<1000x128xf32, #tpu.memory_space<hbm>> -> memref<1000x128xf32, #tpu.memory_space<hbm>>
    tpu.wait_indirect_dma semaphore(%arg12 : memref<!tpu.dma_semaphore, #tpu.memory_space<semaphore_mem>>) src(%dma_wait3A_134 : memref<1000x128xf32, #tpu.memory_space<hbm>>) dst(%dma_wait3A_129 : memref<128x128xf32, #tpu.memory_space<vmem>>)
    %parallel_loop3A_135 = arith.constant 0 : i32
    %parallel_loop3A_136 = arith.constant 128 : i32
    %parallel_loop3A_137 = arith.constant 1 : i32
    %parallel_loop3A_138 = arith.constant 1 : i32
    %parallel_loop3A_139 = arith.constant 1 : i32
    scf.for %parallel_loop3A_300 = %parallel_loop3A_135 to %parallel_loop3A_136 step %parallel_loop3A_137  : i32 {
      %parallel_loop3A_301 = arith.constant 0.000000e+00 : f32
      %parallel_loop3A_302 = vector.broadcast %parallel_loop3A_301 : f32 to vector<16xf32>
      %parallel_loop3A_303 = arith.constant 0.000000e+00 : f32
      %parallel_loop3A_304 = vector.broadcast %parallel_loop3A_303 : f32 to vector<16xf32>
      %parallel_loop3A_305 = arith.constant 0 : i32
      %parallel_loop3A_306 = arith.constant 0 : i32
      %parallel_loop3A_307 = tpu.memref_slice %arg9[%parallel_loop3A_138, %parallel_loop3A_305, %parallel_loop3A_306] : memref<2x128x128xf32, #tpu.memory_space<vmem>> -> memref<1x128x128xf32, #tpu.memory_space<vmem>>
      %parallel_loop3A_308 = tpu.memref_squeeze %parallel_loop3A_307 : memref<1x128x128xf32, #tpu.memory_space<vmem>> -> memref<128x128xf32, #tpu.memory_space<vmem>>
      %parallel_loop3A_309 = arith.index_cast %parallel_loop3A_300 : i32 to index
      %parallel_loop3A_310 = arith.constant 0 : index
      %parallel_loop3A_311 = tpu.vector_load %parallel_loop3A_308[%parallel_loop3A_309, %parallel_loop3A_310] {strides = array<i32>} : memref<128x128xf32, #tpu.memory_space<vmem>>, vector<1x16xf32>,
      %parallel_loop3A_312 = vector.shape_cast %parallel_loop3A_311 : vector<1x16xf32> to vector<16xf32>
      %parallel_loop3A_313 = arith.constant 0 : i32
      %parallel_loop3A_314 = arith.constant 0 : i32
      %parallel_loop3A_315 = tpu.memref_slice %arg10[%parallel_loop3A_139, %parallel_loop3A_313, %parallel_loop3A_314] : memref<2x128x128xf32, #tpu.memory_space<vmem>> -> memref<1x128x128xf32, #tpu.memory_space<vmem>>
      %parallel_loop3A_316 = tpu.memref_squeeze %parallel_loop3A_315 : memref<1x128x128xf32, #tpu.memory_space<vmem>> -> memref<128x128xf32, #tpu.memory_space<vmem>>
      %parallel_loop3A_317 = arith.index_cast %parallel_loop3A_300 : i32 to index
      %parallel_loop3A_318 = arith.constant 0 : index
      %parallel_loop3A_319 = tpu.vector_load %parallel_loop3A_316[%parallel_loop3A_317, %parallel_loop3A_318] {strides = array<i32>} : memref<128x128xf32, #tpu.memory_space<vmem>>, vector<1x16xf32>,
      %parallel_loop3A_320 = vector.shape_cast %parallel_loop3A_319 : vector<1x16xf32> to vector<16xf32>
      %parallel_loop3A_321 = arith.mulf %parallel_loop3A_312, %parallel_loop3A_312 : vector<16xf32>
      %parallel_loop3A_322 = arith.addf %parallel_loop3A_302, %parallel_loop3A_321 : vector<16xf32>
      %parallel_loop3A_323 = arith.mulf %parallel_loop3A_320, %parallel_loop3A_320 : vector<16xf32>
      %parallel_loop3A_324 = arith.addf %parallel_loop3A_304, %parallel_loop3A_323 : vector<16xf32>
      %parallel_loop3A_325 = arith.constant 0 : i32
      %parallel_loop3A_326 = arith.constant 0 : i32
      %parallel_loop3A_327 = tpu.memref_slice %arg9[%parallel_loop3A_138, %parallel_loop3A_325, %parallel_loop3A_326] : memref<2x128x128xf32, #tpu.memory_space<vmem>> -> memref<1x128x128xf32, #tpu.memory_space<vmem>>
      %parallel_loop3A_328 = tpu.memref_squeeze %parallel_loop3A_327 : memref<1x128x128xf32, #tpu.memory_space<vmem>> -> memref<128x128xf32, #tpu.memory_space<vmem>>
      %parallel_loop3A_329 = arith.index_cast %parallel_loop3A_300 : i32 to index
      %parallel_loop3A_330 = arith.constant 16 : index
      %parallel_loop3A_331 = tpu.vector_load %parallel_loop3A_328[%parallel_loop3A_329, %parallel_loop3A_330] {strides = array<i32>} : memref<128x128xf32, #tpu.memory_space<vmem>>, vector<1x16xf32>,
      %parallel_loop3A_332 = vector.shape_cast %parallel_loop3A_331 : vector<1x16xf32> to vector<16xf32>
      %parallel_loop3A_333 = arith.constant 0 : i32
      %parallel_loop3A_334 = arith.constant 0 : i32
      %parallel_loop3A_335 = tpu.memref_slice %arg10[%parallel_loop3A_139, %parallel_loop3A_333, %parallel_loop3A_334] : memref<2x128x128xf32, #tpu.memory_space<vmem>> -> memref<1x128x128xf32, #tpu.memory_space<vmem>>
      %parallel_loop3A_336 = tpu.memref_squeeze %parallel_loop3A_335 : memref<1x128x128xf32, #tpu.memory_space<vmem>> -> memref<128x128xf32, #tpu.memory_space<vmem>>
      %parallel_loop3A_337 = arith.index_cast %parallel_loop3A_300 : i32 to index
      %parallel_loop3A_338 = arith.constant 16 : index
      %parallel_loop3A_339 = tpu.vector_load %parallel_loop3A_336[%parallel_loop3A_337, %parallel_loop3A_338] {strides = array<i32>} : memref<128x128xf32, #tpu.memory_space<vmem>>, vector<1x16xf32>,
      %parallel_loop3A_340 = vector.shape_cast %parallel_loop3A_339 : vector<1x16xf32> to vector<16xf32>
      %parallel_loop3A_341 = arith.mulf %parallel_loop3A_332, %parallel_loop3A_332 : vector<16xf32>
      %parallel_loop3A_342 = arith.addf %parallel_loop3A_322, %parallel_loop3A_341 : vector<16xf32>
      %parallel_loop3A_343 = arith.mulf %parallel_loop3A_340, %parallel_loop3A_340 : vector<16xf32>
      %parallel_loop3A_344 = arith.addf %parallel_loop3A_324, %parallel_loop3A_343 : vector<16xf32>
      %parallel_loop3A_345 = arith.constant 0 : i32
      %parallel_loop3A_346 = arith.constant 0 : i32
      %parallel_loop3A_347 = tpu.memref_slice %arg9[%parallel_loop3A_138, %parallel_loop3A_345, %parallel_loop3A_346] : memref<2x128x128xf32, #tpu.memory_space<vmem>> -> memref<1x128x128xf32, #tpu.memory_space<vmem>>
      %parallel_loop3A_348 = tpu.memref_squeeze %parallel_loop3A_347 : memref<1x128x128xf32, #tpu.memory_space<vmem>> -> memref<128x128xf32, #tpu.memory_space<vmem>>
      %parallel_loop3A_349 = arith.index_cast %parallel_loop3A_300 : i32 to index
      %parallel_loop3A_350 = arith.constant 32 : index
      %parallel_loop3A_351 = tpu.vector_load %parallel_loop3A_348[%parallel_loop3A_349, %parallel_loop3A_350] {strides = array<i32>} : memref<128x128xf32, #tpu.memory_space<vmem>>, vector<1x16xf32>,
      %parallel_loop3A_352 = vector.shape_cast %parallel_loop3A_351 : vector<1x16xf32> to vector<16xf32>
      %parallel_loop3A_353 = arith.constant 0 : i32
      %parallel_loop3A_354 = arith.constant 0 : i32
      %parallel_loop3A_355 = tpu.memref_slice %arg10[%parallel_loop3A_139, %parallel_loop3A_353, %parallel_loop3A_354] : memref<2x128x128xf32, #tpu.memory_space<vmem>> -> memref<1x128x128xf32, #tpu.memory_space<vmem>>
      %parallel_loop3A_356 = tpu.memref_squeeze %parallel_loop3A_355 : memref<1x128x128xf32, #tpu.memory_space<vmem>> -> memref<128x128xf32, #tpu.memory_space<vmem>>
      %parallel_loop3A_357 = arith.index_cast %parallel_loop3A_300 : i32 to index
      %parallel_loop3A_358 = arith.constant 32 : index
      %parallel_loop3A_359 = tpu.vector_load %parallel_loop3A_356[%parallel_loop3A_357, %parallel_loop3A_358] {strides = array<i32>} : memref<128x128xf32, #tpu.memory_space<vmem>>, vector<1x16xf32>,
      %parallel_loop3A_360 = vector.shape_cast %parallel_loop3A_359 : vector<1x16xf32> to vector<16xf32>
      %parallel_loop3A_361 = arith.mulf %parallel_loop3A_352, %parallel_loop3A_352 : vector<16xf32>
      %parallel_loop3A_362 = arith.addf %parallel_loop3A_342, %parallel_loop3A_361 : vector<16xf32>
      %parallel_loop3A_363 = arith.mulf %parallel_loop3A_360, %parallel_loop3A_360 : vector<16xf32>
      %parallel_loop3A_364 = arith.addf %parallel_loop3A_344, %parallel_loop3A_363 : vector<16xf32>
      %parallel_loop3A_365 = arith.constant 0 : i32
      %parallel_loop3A_366 = arith.constant 0 : i32
      %parallel_loop3A_367 = tpu.memref_slice %arg9[%parallel_loop3A_138, %parallel_loop3A_365, %parallel_loop3A_366] : memref<2x128x128xf32, #tpu.memory_space<vmem>> -> memref<1x128x128xf32, #tpu.memory_space<vmem>>
      %parallel_loop3A_368 = tpu.memref_squeeze %parallel_loop3A_367 : memref<1x128x128xf32, #tpu.memory_space<vmem>> -> memref<128x128xf32, #tpu.memory_space<vmem>>
      %parallel_loop3A_369 = arith.index_cast %parallel_loop3A_300 : i32 to index
      %parallel_loop3A_370 = arith.constant 48 : index
      %parallel_loop3A_371 = tpu.vector_load %parallel_loop3A_368[%parallel_loop3A_369, %parallel_loop3A_370] {strides = array<i32>} : memref<128x128xf32, #tpu.memory_space<vmem>>, vector<1x16xf32>,
      %parallel_loop3A_372 = vector.shape_cast %parallel_loop3A_371 : vector<1x16xf32> to vector<16xf32>
      %parallel_loop3A_373 = arith.constant 0 : i32
      %parallel_loop3A_374 = arith.constant 0 : i32
      %parallel_loop3A_375 = tpu.memref_slice %arg10[%parallel_loop3A_139, %parallel_loop3A_373, %parallel_loop3A_374] : memref<2x128x128xf32, #tpu.memory_space<vmem>> -> memref<1x128x128xf32, #tpu.memory_space<vmem>>
      %parallel_loop3A_376 = tpu.memref_squeeze %parallel_loop3A_375 : memref<1x128x128xf32, #tpu.memory_space<vmem>> -> memref<128x128xf32, #tpu.memory_space<vmem>>
      %parallel_loop3A_377 = arith.index_cast %parallel_loop3A_300 : i32 to index
      %parallel_loop3A_378 = arith.constant 48 : index
      %parallel_loop3A_379 = tpu.vector_load %parallel_loop3A_376[%parallel_loop3A_377, %parallel_loop3A_378] {strides = array<i32>} : memref<128x128xf32, #tpu.memory_space<vmem>>, vector<1x16xf32>,
      %parallel_loop3A_380 = vector.shape_cast %parallel_loop3A_379 : vector<1x16xf32> to vector<16xf32>
      %parallel_loop3A_381 = arith.mulf %parallel_loop3A_372, %parallel_loop3A_372 : vector<16xf32>
      %parallel_loop3A_382 = arith.addf %parallel_loop3A_362, %parallel_loop3A_381 : vector<16xf32>
      %parallel_loop3A_383 = arith.mulf %parallel_loop3A_380, %parallel_loop3A_380 : vector<16xf32>
      %parallel_loop3A_384 = arith.addf %parallel_loop3A_364, %parallel_loop3A_383 : vector<16xf32>
      %parallel_loop3A_385 = arith.constant 0 : i32
      %parallel_loop3A_386 = arith.constant 0 : i32
      %parallel_loop3A_387 = tpu.memref_slice %arg9[%parallel_loop3A_138, %parallel_loop3A_385, %parallel_loop3A_386] : memref<2x128x128xf32, #tpu.memory_space<vmem>> -> memref<1x128x128xf32, #tpu.memory_space<vmem>>
      %parallel_loop3A_388 = tpu.memref_squeeze %parallel_loop3A_387 : memref<1x128x128xf32, #tpu.memory_space<vmem>> -> memref<128x128xf32, #tpu.memory_space<vmem>>
      %parallel_loop3A_389 = arith.index_cast %parallel_loop3A_300 : i32 to index
      %parallel_loop3A_390 = arith.constant 64 : index
      %parallel_loop3A_391 = tpu.vector_load %parallel_loop3A_388[%parallel_loop3A_389, %parallel_loop3A_390] {strides = array<i32>} : memref<128x128xf32, #tpu.memory_space<vmem>>, vector<1x16xf32>,
      %parallel_loop3A_392 = vector.shape_cast %parallel_loop3A_391 : vector<1x16xf32> to vector<16xf32>
      %parallel_loop3A_393 = arith.constant 0 : i32
      %parallel_loop3A_394 = arith.constant 0 : i32
      %parallel_loop3A_395 = tpu.memref_slice %arg10[%parallel_loop3A_139, %parallel_loop3A_393, %parallel_loop3A_394] : memref<2x128x128xf32, #tpu.memory_space<vmem>> -> memref<1x128x128xf32, #tpu.memory_space<vmem>>
      %parallel_loop3A_396 = tpu.memref_squeeze %parallel_loop3A_395 : memref<1x128x128xf32, #tpu.memory_space<vmem>> -> memref<128x128xf32, #tpu.memory_space<vmem>>
      %parallel_loop3A_397 = arith.index_cast %parallel_loop3A_300 : i32 to index
      %parallel_loop3A_398 = arith.constant 64 : index
      %parallel_loop3A_399 = tpu.vector_load %parallel_loop3A_396[%parallel_loop3A_397, %parallel_loop3A_398] {strides = array<i32>} : memref<128x128xf32, #tpu.memory_space<vmem>>, vector<1x16xf32>,
      %parallel_loop3A_400 = vector.shape_cast %parallel_loop3A_399 : vector<1x16xf32> to vector<16xf32>
      %parallel_loop3A_401 = arith.mulf %parallel_loop3A_392, %parallel_loop3A_392 : vector<16xf32>
      %parallel_loop3A_402 = arith.addf %parallel_loop3A_382, %parallel_loop3A_401 : vector<16xf32>
      %parallel_loop3A_403 = arith.mulf %parallel_loop3A_400, %parallel_loop3A_400 : vector<16xf32>
      %parallel_loop3A_404 = arith.addf %parallel_loop3A_384, %parallel_loop3A_403 : vector<16xf32>
      %parallel_loop3A_405 = arith.constant 0 : i32
      %parallel_loop3A_406 = arith.constant 0 : i32
      %parallel_loop3A_407 = tpu.memref_slice %arg9[%parallel_loop3A_138, %parallel_loop3A_405, %parallel_loop3A_406] : memref<2x128x128xf32, #tpu.memory_space<vmem>> -> memref<1x128x128xf32, #tpu.memory_space<vmem>>
      %parallel_loop3A_408 = tpu.memref_squeeze %parallel_loop3A_407 : memref<1x128x128xf32, #tpu.memory_space<vmem>> -> memref<128x128xf32, #tpu.memory_space<vmem>>
      %parallel_loop3A_409 = arith.index_cast %parallel_loop3A_300 : i32 to index
      %parallel_loop3A_410 = arith.constant 80 : index
      %parallel_loop3A_411 = tpu.vector_load %parallel_loop3A_408[%parallel_loop3A_409, %parallel_loop3A_410] {strides = array<i32>} : memref<128x128xf32, #tpu.memory_space<vmem>>, vector<1x16xf32>,
      %parallel_loop3A_412 = vector.shape_cast %parallel_loop3A_411 : vector<1x16xf32> to vector<16xf32>
      %parallel_loop3A_413 = arith.constant 0 : i32
      %parallel_loop3A_414 = arith.constant 0 : i32
      %parallel_loop3A_415 = tpu.memref_slice %arg10[%parallel_loop3A_139, %parallel_loop3A_413, %parallel_loop3A_414] : memref<2x128x128xf32, #tpu.memory_space<vmem>> -> memref<1x128x128xf32, #tpu.memory_space<vmem>>
      %parallel_loop3A_416 = tpu.memref_squeeze %parallel_loop3A_415 : memref<1x128x128xf32, #tpu.memory_space<vmem>> -> memref<128x128xf32, #tpu.memory_space<vmem>>
      %parallel_loop3A_417 = arith.index_cast %parallel_loop3A_300 : i32 to index
      %parallel_loop3A_418 = arith.constant 80 : index
      %parallel_loop3A_419 = tpu.vector_load %parallel_loop3A_416[%parallel_loop3A_417, %parallel_loop3A_418] {strides = array<i32>} : memref<128x128xf32, #tpu.memory_space<vmem>>, vector<1x16xf32>,
      %parallel_loop3A_420 = vector.shape_cast %parallel_loop3A_419 : vector<1x16xf32> to vector<16xf32>
      %parallel_loop3A_421 = arith.mulf %parallel_loop3A_412, %parallel_loop3A_412 : vector<16xf32>
      %parallel_loop3A_422 = arith.addf %parallel_loop3A_402, %parallel_loop3A_421 : vector<16xf32>
      %parallel_loop3A_423 = arith.mulf %parallel_loop3A_420, %parallel_loop3A_420 : vector<16xf32>
      %parallel_loop3A_424 = arith.addf %parallel_loop3A_404, %parallel_loop3A_423 : vector<16xf32>
      %parallel_loop3A_425 = arith.constant 0 : i32
      %parallel_loop3A_426 = arith.constant 0 : i32
      %parallel_loop3A_427 = tpu.memref_slice %arg9[%parallel_loop3A_138, %parallel_loop3A_425, %parallel_loop3A_426] : memref<2x128x128xf32, #tpu.memory_space<vmem>> -> memref<1x128x128xf32, #tpu.memory_space<vmem>>
      %parallel_loop3A_428 = tpu.memref_squeeze %parallel_loop3A_427 : memref<1x128x128xf32, #tpu.memory_space<vmem>> -> memref<128x128xf32, #tpu.memory_space<vmem>>
      %parallel_loop3A_429 = arith.index_cast %parallel_loop3A_300 : i32 to index
      %parallel_loop3A_430 = arith.constant 96 : index
      %parallel_loop3A_431 = tpu.vector_load %parallel_loop3A_428[%parallel_loop3A_429, %parallel_loop3A_430] {strides = array<i32>} : memref<128x128xf32, #tpu.memory_space<vmem>>, vector<1x16xf32>,
      %parallel_loop3A_432 = vector.shape_cast %parallel_loop3A_431 : vector<1x16xf32> to vector<16xf32>
      %parallel_loop3A_433 = arith.constant 0 : i32
      %parallel_loop3A_434 = arith.constant 0 : i32
      %parallel_loop3A_435 = tpu.memref_slice %arg10[%parallel_loop3A_139, %parallel_loop3A_433, %parallel_loop3A_434] : memref<2x128x128xf32, #tpu.memory_space<vmem>> -> memref<1x128x128xf32, #tpu.memory_space<vmem>>
      %parallel_loop3A_436 = tpu.memref_squeeze %parallel_loop3A_435 : memref<1x128x128xf32, #tpu.memory_space<vmem>> -> memref<128x128xf32, #tpu.memory_space<vmem>>
      %parallel_loop3A_437 = arith.index_cast %parallel_loop3A_300 : i32 to index
      %parallel_loop3A_438 = arith.constant 96 : index
      %parallel_loop3A_439 = tpu.vector_load %parallel_loop3A_436[%parallel_loop3A_437, %parallel_loop3A_438] {strides = array<i32>} : memref<128x128xf32, #tpu.memory_space<vmem>>, vector<1x16xf32>,
      %parallel_loop3A_440 = vector.shape_cast %parallel_loop3A_439 : vector<1x16xf32> to vector<16xf32>
      %parallel_loop3A_441 = arith.mulf %parallel_loop3A_432, %parallel_loop3A_432 : vector<16xf32>
      %parallel_loop3A_442 = arith.addf %parallel_loop3A_422, %parallel_loop3A_441 : vector<16xf32>
      %parallel_loop3A_443 = arith.mulf %parallel_loop3A_440, %parallel_loop3A_440 : vector<16xf32>
      %parallel_loop3A_444 = arith.addf %parallel_loop3A_424, %parallel_loop3A_443 : vector<16xf32>
      %parallel_loop3A_445 = arith.constant 0 : i32
      %parallel_loop3A_446 = arith.constant 0 : i32
      %parallel_loop3A_447 = tpu.memref_slice %arg9[%parallel_loop3A_138, %parallel_loop3A_445, %parallel_loop3A_446] : memref<2x128x128xf32, #tpu.memory_space<vmem>> -> memref<1x128x128xf32, #tpu.memory_space<vmem>>
      %parallel_loop3A_448 = tpu.memref_squeeze %parallel_loop3A_447 : memref<1x128x128xf32, #tpu.memory_space<vmem>> -> memref<128x128xf32, #tpu.memory_space<vmem>>
      %parallel_loop3A_449 = arith.index_cast %parallel_loop3A_300 : i32 to index
      %parallel_loop3A_450 = arith.constant 112 : index
      %parallel_loop3A_451 = tpu.vector_load %parallel_loop3A_448[%parallel_loop3A_449, %parallel_loop3A_450] {strides = array<i32>} : memref<128x128xf32, #tpu.memory_space<vmem>>, vector<1x16xf32>,
      %parallel_loop3A_452 = vector.shape_cast %parallel_loop3A_451 : vector<1x16xf32> to vector<16xf32>
      %parallel_loop3A_453 = arith.constant 0 : i32
      %parallel_loop3A_454 = arith.constant 0 : i32
      %parallel_loop3A_455 = tpu.memref_slice %arg10[%parallel_loop3A_139, %parallel_loop3A_453, %parallel_loop3A_454] : memref<2x128x128xf32, #tpu.memory_space<vmem>> -> memref<1x128x128xf32, #tpu.memory_space<vmem>>
      %parallel_loop3A_456 = tpu.memref_squeeze %parallel_loop3A_455 : memref<1x128x128xf32, #tpu.memory_space<vmem>> -> memref<128x128xf32, #tpu.memory_space<vmem>>
      %parallel_loop3A_457 = arith.index_cast %parallel_loop3A_300 : i32 to index
      %parallel_loop3A_458 = arith.constant 112 : index
      %parallel_loop3A_459 = tpu.vector_load %parallel_loop3A_456[%parallel_loop3A_457, %parallel_loop3A_458] {strides = array<i32>} : memref<128x128xf32, #tpu.memory_space<vmem>>, vector<1x16xf32>,
      %parallel_loop3A_460 = vector.shape_cast %parallel_loop3A_459 : vector<1x16xf32> to vector<16xf32>
      %parallel_loop3A_461 = arith.mulf %parallel_loop3A_452, %parallel_loop3A_452 : vector<16xf32>
      %parallel_loop3A_462 = arith.addf %parallel_loop3A_442, %parallel_loop3A_461 : vector<16xf32>
      %parallel_loop3A_463 = arith.mulf %parallel_loop3A_460, %parallel_loop3A_460 : vector<16xf32>
      %parallel_loop3A_464 = arith.addf %parallel_loop3A_444, %parallel_loop3A_463 : vector<16xf32>
      %parallel_loop3A_465 = tpu.iota {dimensions = array<i32: 0>} : vector<16xi32>
      %parallel_loop3A_466 = arith.constant 8 : i32
      %parallel_loop3A_467 = vector.broadcast %parallel_loop3A_466 : i32 to vector<16xi32>
      %parallel_loop3A_468 = arith.xori %parallel_loop3A_465, %parallel_loop3A_467 : vector<16xi32>
      %parallel_loop3A_469 = vector.shape_cast %parallel_loop3A_468 : vector<16xi32> to vector<16x1xi32>
      %parallel_loop3A_470 = vector.shape_cast %parallel_loop3A_469 : vector<16x1xi32> to vector<16xi32>
      %parallel_loop3A_471 = tpu.dynamic_gather %parallel_loop3A_462[%parallel_loop3A_470] in [0] : vector<16xf32>, vector<16xi32> -> vector<16xf32>
      %parallel_loop3A_472 = arith.addf %parallel_loop3A_462, %parallel_loop3A_471 : vector<16xf32>
      %parallel_loop3A_473 = arith.constant 8 : i32
      %parallel_loop3A_474 = vector.broadcast %parallel_loop3A_473 : i32 to vector<16xi32>
      %parallel_loop3A_475 = arith.xori %parallel_loop3A_465, %parallel_loop3A_474 : vector<16xi32>
      %parallel_loop3A_476 = vector.shape_cast %parallel_loop3A_475 : vector<16xi32> to vector<16x1xi32>
      %parallel_loop3A_477 = vector.shape_cast %parallel_loop3A_476 : vector<16x1xi32> to vector<16xi32>
      %parallel_loop3A_478 = tpu.dynamic_gather %parallel_loop3A_464[%parallel_loop3A_477] in [0] : vector<16xf32>, vector<16xi32> -> vector<16xf32>
      %parallel_loop3A_479 = arith.addf %parallel_loop3A_464, %parallel_loop3A_478 : vector<16xf32>
      %parallel_loop3A_480 = arith.constant 8 : i32
      %parallel_loop3A_481 = vector.broadcast %parallel_loop3A_480 : i32 to vector<16xi32>
      %parallel_loop3A_482 = arith.cmpi slt, %parallel_loop3A_465, %parallel_loop3A_481 : vector<16xi32>
      %parallel_loop3A_483 = arith.select %parallel_loop3A_482, %parallel_loop3A_472, %parallel_loop3A_479 : vector<16xi1>, vector<16xf32>
      %parallel_loop3A_484 = arith.constant 1 : i32
      %parallel_loop3A_485 = vector.broadcast %parallel_loop3A_484 : i32 to vector<16xi32>
      %parallel_loop3A_486 = arith.xori %parallel_loop3A_465, %parallel_loop3A_485 : vector<16xi32>
      %parallel_loop3A_487 = vector.shape_cast %parallel_loop3A_486 : vector<16xi32> to vector<16x1xi32>
      %parallel_loop3A_488 = vector.shape_cast %parallel_loop3A_487 : vector<16x1xi32> to vector<16xi32>
      %parallel_loop3A_489 = tpu.dynamic_gather %parallel_loop3A_483[%parallel_loop3A_488] in [0] : vector<16xf32>, vector<16xi32> -> vector<16xf32>
      %parallel_loop3A_490 = arith.addf %parallel_loop3A_483, %parallel_loop3A_489 : vector<16xf32>
      %parallel_loop3A_491 = arith.constant 2 : i32
      %parallel_loop3A_492 = vector.broadcast %parallel_loop3A_491 : i32 to vector<16xi32>
      %parallel_loop3A_493 = arith.xori %parallel_loop3A_465, %parallel_loop3A_492 : vector<16xi32>
      %parallel_loop3A_494 = vector.shape_cast %parallel_loop3A_493 : vector<16xi32> to vector<16x1xi32>
      %parallel_loop3A_495 = vector.shape_cast %parallel_loop3A_494 : vector<16x1xi32> to vector<16xi32>
      %parallel_loop3A_496 = tpu.dynamic_gather %parallel_loop3A_490[%parallel_loop3A_495] in [0] : vector<16xf32>, vector<16xi32> -> vector<16xf32>
      %parallel_loop3A_497 = arith.addf %parallel_loop3A_490, %parallel_loop3A_496 : vector<16xf32>
      %parallel_loop3A_498 = arith.constant 4 : i32
      %parallel_loop3A_499 = vector.broadcast %parallel_loop3A_498 : i32 to vector<16xi32>
      %parallel_loop3A_500 = arith.xori %parallel_loop3A_465, %parallel_loop3A_499 : vector<16xi32>
      %parallel_loop3A_501 = vector.shape_cast %parallel_loop3A_500 : vector<16xi32> to vector<16x1xi32>
      %parallel_loop3A_502 = vector.shape_cast %parallel_loop3A_501 : vector<16x1xi32> to vector<16xi32>
      %parallel_loop3A_503 = tpu.dynamic_gather %parallel_loop3A_497[%parallel_loop3A_502] in [0] : vector<16xf32>, vector<16xi32> -> vector<16xf32>
      %parallel_loop3A_504 = arith.addf %parallel_loop3A_497, %parallel_loop3A_503 : vector<16xf32>
      %parallel_loop3A_505 = arith.constant 9.99999996E-13 : f32
      %parallel_loop3A_506 = vector.broadcast %parallel_loop3A_505 : f32 to vector<16xf32>
      %parallel_loop3A_507 = arith.maximumf %parallel_loop3A_504, %parallel_loop3A_506 : vector<16xf32>
      %parallel_loop3A_508 = tpu.bitcast %parallel_loop3A_507 : vector<16xf32> -> vector<16xi32>
      %parallel_loop3A_509 = arith.constant 1 : i32
      %parallel_loop3A_510 = vector.broadcast %parallel_loop3A_509 : i32 to vector<16xi32>
      %parallel_loop3A_511 = arith.shrui %parallel_loop3A_508, %parallel_loop3A_510 : vector<16xi32>
      %parallel_loop3A_512 = arith.constant 1597463007 : i32
      %parallel_loop3A_513 = vector.broadcast %parallel_loop3A_512 : i32 to vector<16xi32>
      %parallel_loop3A_514 = arith.subi %parallel_loop3A_513, %parallel_loop3A_511 : vector<16xi32>
      %parallel_loop3A_515 = tpu.bitcast %parallel_loop3A_514 : vector<16xi32> -> vector<16xf32>
      %parallel_loop3A_516 = arith.constant 5.000000e-01 : f32
      %parallel_loop3A_517 = vector.broadcast %parallel_loop3A_516 : f32 to vector<16xf32>
      %parallel_loop3A_518 = arith.mulf %parallel_loop3A_517, %parallel_loop3A_507 : vector<16xf32>
      %parallel_loop3A_519 = arith.mulf %parallel_loop3A_518, %parallel_loop3A_515 : vector<16xf32>
      %parallel_loop3A_520 = arith.mulf %parallel_loop3A_519, %parallel_loop3A_515 : vector<16xf32>
      %parallel_loop3A_521 = arith.constant 1.500000e+00 : f32
      %parallel_loop3A_522 = vector.broadcast %parallel_loop3A_521 : f32 to vector<16xf32>
      %parallel_loop3A_523 = arith.subf %parallel_loop3A_522, %parallel_loop3A_520 : vector<16xf32>
      %parallel_loop3A_524 = arith.mulf %parallel_loop3A_515, %parallel_loop3A_523 : vector<16xf32>
      %parallel_loop3A_525 = arith.constant 5.000000e-01 : f32
      %parallel_loop3A_526 = vector.broadcast %parallel_loop3A_525 : f32 to vector<16xf32>
      %parallel_loop3A_527 = arith.mulf %parallel_loop3A_526, %parallel_loop3A_507 : vector<16xf32>
      %parallel_loop3A_528 = arith.mulf %parallel_loop3A_527, %parallel_loop3A_524 : vector<16xf32>
      %parallel_loop3A_529 = arith.mulf %parallel_loop3A_528, %parallel_loop3A_524 : vector<16xf32>
      %parallel_loop3A_530 = arith.constant 1.500000e+00 : f32
      %parallel_loop3A_531 = vector.broadcast %parallel_loop3A_530 : f32 to vector<16xf32>
      %parallel_loop3A_532 = arith.subf %parallel_loop3A_531, %parallel_loop3A_529 : vector<16xf32>
      %parallel_loop3A_533 = arith.mulf %parallel_loop3A_524, %parallel_loop3A_532 : vector<16xf32>
      %parallel_loop3A_534 = arith.constant 0 : i32
      %parallel_loop3A_535 = vector.broadcast %parallel_loop3A_534 : i32 to vector<16xi32>
      %parallel_loop3A_536 = vector.shape_cast %parallel_loop3A_535 : vector<16xi32> to vector<16x1xi32>
      %parallel_loop3A_537 = vector.shape_cast %parallel_loop3A_536 : vector<16x1xi32> to vector<16xi32>
      %parallel_loop3A_538 = tpu.dynamic_gather %parallel_loop3A_533[%parallel_loop3A_537] in [0] : vector<16xf32>, vector<16xi32> -> vector<16xf32>
      %parallel_loop3A_539 = arith.constant 8 : i32
      %parallel_loop3A_540 = vector.broadcast %parallel_loop3A_539 : i32 to vector<16xi32>
      %parallel_loop3A_541 = vector.shape_cast %parallel_loop3A_540 : vector<16xi32> to vector<16x1xi32>
      %parallel_loop3A_542 = vector.shape_cast %parallel_loop3A_541 : vector<16x1xi32> to vector<16xi32>
      %parallel_loop3A_543 = tpu.dynamic_gather %parallel_loop3A_533[%parallel_loop3A_542] in [0] : vector<16xf32>, vector<16xi32> -> vector<16xf32>
      %parallel_loop3A_544 = arith.constant 0 : i32
      %parallel_loop3A_545 = arith.constant 0 : i32
      %parallel_loop3A_546 = tpu.memref_slice %arg9[%parallel_loop3A_138, %parallel_loop3A_544, %parallel_loop3A_545] : memref<2x128x128xf32, #tpu.memory_space<vmem>> -> memref<1x128x128xf32, #tpu.memory_space<vmem>>
      %parallel_loop3A_547 = tpu.memref_squeeze %parallel_loop3A_546 : memref<1x128x128xf32, #tpu.memory_space<vmem>> -> memref<128x128xf32, #tpu.memory_space<vmem>>
      %parallel_loop3A_548 = arith.index_cast %parallel_loop3A_300 : i32 to index
      %parallel_loop3A_549 = arith.constant 0 : index
      %parallel_loop3A_550 = tpu.vector_load %parallel_loop3A_547[%parallel_loop3A_548, %parallel_loop3A_549] {strides = array<i32>} : memref<128x128xf32, #tpu.memory_space<vmem>>, vector<1x16xf32>,
      %parallel_loop3A_551 = vector.shape_cast %parallel_loop3A_550 : vector<1x16xf32> to vector<16xf32>
      %parallel_loop3A_552 = arith.constant 0 : i32
      %parallel_loop3A_553 = arith.constant 0 : i32
      %parallel_loop3A_554 = tpu.memref_slice %arg10[%parallel_loop3A_139, %parallel_loop3A_552, %parallel_loop3A_553] : memref<2x128x128xf32, #tpu.memory_space<vmem>> -> memref<1x128x128xf32, #tpu.memory_space<vmem>>
      %parallel_loop3A_555 = tpu.memref_squeeze %parallel_loop3A_554 : memref<1x128x128xf32, #tpu.memory_space<vmem>> -> memref<128x128xf32, #tpu.memory_space<vmem>>
      %parallel_loop3A_556 = arith.index_cast %parallel_loop3A_300 : i32 to index
      %parallel_loop3A_557 = arith.constant 0 : index
      %parallel_loop3A_558 = tpu.vector_load %parallel_loop3A_555[%parallel_loop3A_556, %parallel_loop3A_557] {strides = array<i32>} : memref<128x128xf32, #tpu.memory_space<vmem>>, vector<1x16xf32>,
      %parallel_loop3A_559 = vector.shape_cast %parallel_loop3A_558 : vector<1x16xf32> to vector<16xf32>
      %parallel_loop3A_560 = arith.mulf %parallel_loop3A_551, %parallel_loop3A_538 : vector<16xf32>
      %parallel_loop3A_561 = arith.mulf %parallel_loop3A_559, %parallel_loop3A_543 : vector<16xf32>
      %parallel_loop3A_562 = arith.addf %parallel_loop3A_560, %parallel_loop3A_561 : vector<16xf32>
      %parallel_loop3A_563 = arith.constant 0 : i32
      %parallel_loop3A_564 = arith.constant 0 : i32
      %parallel_loop3A_565 = tpu.memref_slice %arg9[%parallel_loop3A_138, %parallel_loop3A_563, %parallel_loop3A_564] : memref<2x128x128xf32, #tpu.memory_space<vmem>> -> memref<1x128x128xf32, #tpu.memory_space<vmem>>
      %parallel_loop3A_566 = tpu.memref_squeeze %parallel_loop3A_565 : memref<1x128x128xf32, #tpu.memory_space<vmem>> -> memref<128x128xf32, #tpu.memory_space<vmem>>
      %parallel_loop3A_567 = arith.index_cast %parallel_loop3A_300 : i32 to index
      %parallel_loop3A_568 = arith.constant 0 : index
      %parallel_loop3A_569 = tpu.vector_load %parallel_loop3A_566[%parallel_loop3A_567, %parallel_loop3A_568] {strides = array<i32>} : memref<128x128xf32, #tpu.memory_space<vmem>>, vector<1x16xf32>,
      %parallel_loop3A_570 = vector.shape_cast %parallel_loop3A_569 : vector<1x16xf32> to vector<16xf32>
      %parallel_loop3A_571 = vector.shape_cast %parallel_loop3A_562 : vector<16xf32> to vector<1x16xf32>
      tpu.vector_store %parallel_loop3A_566[%parallel_loop3A_567, %parallel_loop3A_568], %parallel_loop3A_571 {strides = array<i32>} : memref<128x128xf32, #tpu.memory_space<vmem>>, vector<1x16xf32>,
      %parallel_loop3A_572 = arith.constant 0 : i32
      %parallel_loop3A_573 = arith.constant 0 : i32
      %parallel_loop3A_574 = tpu.memref_slice %arg9[%parallel_loop3A_138, %parallel_loop3A_572, %parallel_loop3A_573] : memref<2x128x128xf32, #tpu.memory_space<vmem>> -> memref<1x128x128xf32, #tpu.memory_space<vmem>>
      %parallel_loop3A_575 = tpu.memref_squeeze %parallel_loop3A_574 : memref<1x128x128xf32, #tpu.memory_space<vmem>> -> memref<128x128xf32, #tpu.memory_space<vmem>>
      %parallel_loop3A_576 = arith.index_cast %parallel_loop3A_300 : i32 to index
      %parallel_loop3A_577 = arith.constant 16 : index
      %parallel_loop3A_578 = tpu.vector_load %parallel_loop3A_575[%parallel_loop3A_576, %parallel_loop3A_577] {strides = array<i32>} : memref<128x128xf32, #tpu.memory_space<vmem>>, vector<1x16xf32>,
      %parallel_loop3A_579 = vector.shape_cast %parallel_loop3A_578 : vector<1x16xf32> to vector<16xf32>
      %parallel_loop3A_580 = arith.constant 0 : i32
      %parallel_loop3A_581 = arith.constant 0 : i32
      %parallel_loop3A_582 = tpu.memref_slice %arg10[%parallel_loop3A_139, %parallel_loop3A_580, %parallel_loop3A_581] : memref<2x128x128xf32, #tpu.memory_space<vmem>> -> memref<1x128x128xf32, #tpu.memory_space<vmem>>
      %parallel_loop3A_583 = tpu.memref_squeeze %parallel_loop3A_582 : memref<1x128x128xf32, #tpu.memory_space<vmem>> -> memref<128x128xf32, #tpu.memory_space<vmem>>
      %parallel_loop3A_584 = arith.index_cast %parallel_loop3A_300 : i32 to index
      %parallel_loop3A_585 = arith.constant 16 : index
      %parallel_loop3A_586 = tpu.vector_load %parallel_loop3A_583[%parallel_loop3A_584, %parallel_loop3A_585] {strides = array<i32>} : memref<128x128xf32, #tpu.memory_space<vmem>>, vector<1x16xf32>,
      %parallel_loop3A_587 = vector.shape_cast %parallel_loop3A_586 : vector<1x16xf32> to vector<16xf32>
      %parallel_loop3A_588 = arith.mulf %parallel_loop3A_579, %parallel_loop3A_538 : vector<16xf32>
      %parallel_loop3A_589 = arith.mulf %parallel_loop3A_587, %parallel_loop3A_543 : vector<16xf32>
      %parallel_loop3A_590 = arith.addf %parallel_loop3A_588, %parallel_loop3A_589 : vector<16xf32>
      %parallel_loop3A_591 = arith.constant 0 : i32
      %parallel_loop3A_592 = arith.constant 0 : i32
      %parallel_loop3A_593 = tpu.memref_slice %arg9[%parallel_loop3A_138, %parallel_loop3A_591, %parallel_loop3A_592] : memref<2x128x128xf32, #tpu.memory_space<vmem>> -> memref<1x128x128xf32, #tpu.memory_space<vmem>>
      %parallel_loop3A_594 = tpu.memref_squeeze %parallel_loop3A_593 : memref<1x128x128xf32, #tpu.memory_space<vmem>> -> memref<128x128xf32, #tpu.memory_space<vmem>>
      %parallel_loop3A_595 = arith.index_cast %parallel_loop3A_300 : i32 to index
      %parallel_loop3A_596 = arith.constant 16 : index
      %parallel_loop3A_597 = tpu.vector_load %parallel_loop3A_594[%parallel_loop3A_595, %parallel_loop3A_596] {strides = array<i32>} : memref<128x128xf32, #tpu.memory_space<vmem>>, vector<1x16xf32>,
      %parallel_loop3A_598 = vector.shape_cast %parallel_loop3A_597 : vector<1x16xf32> to vector<16xf32>
      %parallel_loop3A_599 = vector.shape_cast %parallel_loop3A_590 : vector<16xf32> to vector<1x16xf32>
      tpu.vector_store %parallel_loop3A_594[%parallel_loop3A_595, %parallel_loop3A_596], %parallel_loop3A_599 {strides = array<i32>} : memref<128x128xf32, #tpu.memory_space<vmem>>, vector<1x16xf32>,
      %parallel_loop3A_600 = arith.constant 0 : i32
      %parallel_loop3A_601 = arith.constant 0 : i32
      %parallel_loop3A_602 = tpu.memref_slice %arg9[%parallel_loop3A_138, %parallel_loop3A_600, %parallel_loop3A_601] : memref<2x128x128xf32, #tpu.memory_space<vmem>> -> memref<1x128x128xf32, #tpu.memory_space<vmem>>
      %parallel_loop3A_603 = tpu.memref_squeeze %parallel_loop3A_602 : memref<1x128x128xf32, #tpu.memory_space<vmem>> -> memref<128x128xf32, #tpu.memory_space<vmem>>
      %parallel_loop3A_604 = arith.index_cast %parallel_loop3A_300 : i32 to index
      %parallel_loop3A_605 = arith.constant 32 : index
      %parallel_loop3A_606 = tpu.vector_load %parallel_loop3A_603[%parallel_loop3A_604, %parallel_loop3A_605] {strides = array<i32>} : memref<128x128xf32, #tpu.memory_space<vmem>>, vector<1x16xf32>,
      %parallel_loop3A_607 = vector.shape_cast %parallel_loop3A_606 : vector<1x16xf32> to vector<16xf32>
      %parallel_loop3A_608 = arith.constant 0 : i32
      %parallel_loop3A_609 = arith.constant 0 : i32
      %parallel_loop3A_610 = tpu.memref_slice %arg10[%parallel_loop3A_139, %parallel_loop3A_608, %parallel_loop3A_609] : memref<2x128x128xf32, #tpu.memory_space<vmem>> -> memref<1x128x128xf32, #tpu.memory_space<vmem>>
      %parallel_loop3A_611 = tpu.memref_squeeze %parallel_loop3A_610 : memref<1x128x128xf32, #tpu.memory_space<vmem>> -> memref<128x128xf32, #tpu.memory_space<vmem>>
      %parallel_loop3A_612 = arith.index_cast %parallel_loop3A_300 : i32 to index
      %parallel_loop3A_613 = arith.constant 32 : index
      %parallel_loop3A_614 = tpu.vector_load %parallel_loop3A_611[%parallel_loop3A_612, %parallel_loop3A_613] {strides = array<i32>} : memref<128x128xf32, #tpu.memory_space<vmem>>, vector<1x16xf32>,
      %parallel_loop3A_615 = vector.shape_cast %parallel_loop3A_614 : vector<1x16xf32> to vector<16xf32>
      %parallel_loop3A_616 = arith.mulf %parallel_loop3A_607, %parallel_loop3A_538 : vector<16xf32>
      %parallel_loop3A_617 = arith.mulf %parallel_loop3A_615, %parallel_loop3A_543 : vector<16xf32>
      %parallel_loop3A_618 = arith.addf %parallel_loop3A_616, %parallel_loop3A_617 : vector<16xf32>
      %parallel_loop3A_619 = arith.constant 0 : i32
      %parallel_loop3A_620 = arith.constant 0 : i32
      %parallel_loop3A_621 = tpu.memref_slice %arg9[%parallel_loop3A_138, %parallel_loop3A_619, %parallel_loop3A_620] : memref<2x128x128xf32, #tpu.memory_space<vmem>> -> memref<1x128x128xf32, #tpu.memory_space<vmem>>
      %parallel_loop3A_622 = tpu.memref_squeeze %parallel_loop3A_621 : memref<1x128x128xf32, #tpu.memory_space<vmem>> -> memref<128x128xf32, #tpu.memory_space<vmem>>
      %parallel_loop3A_623 = arith.index_cast %parallel_loop3A_300 : i32 to index
      %parallel_loop3A_624 = arith.constant 32 : index
      %parallel_loop3A_625 = tpu.vector_load %parallel_loop3A_622[%parallel_loop3A_623, %parallel_loop3A_624] {strides = array<i32>} : memref<128x128xf32, #tpu.memory_space<vmem>>, vector<1x16xf32>,
      %parallel_loop3A_626 = vector.shape_cast %parallel_loop3A_625 : vector<1x16xf32> to vector<16xf32>
      %parallel_loop3A_627 = vector.shape_cast %parallel_loop3A_618 : vector<16xf32> to vector<1x16xf32>
      tpu.vector_store %parallel_loop3A_622[%parallel_loop3A_623, %parallel_loop3A_624], %parallel_loop3A_627 {strides = array<i32>} : memref<128x128xf32, #tpu.memory_space<vmem>>, vector<1x16xf32>,
      %parallel_loop3A_628 = arith.constant 0 : i32
      %parallel_loop3A_629 = arith.constant 0 : i32
      %parallel_loop3A_630 = tpu.memref_slice %arg9[%parallel_loop3A_138, %parallel_loop3A_628, %parallel_loop3A_629] : memref<2x128x128xf32, #tpu.memory_space<vmem>> -> memref<1x128x128xf32, #tpu.memory_space<vmem>>
      %parallel_loop3A_631 = tpu.memref_squeeze %parallel_loop3A_630 : memref<1x128x128xf32, #tpu.memory_space<vmem>> -> memref<128x128xf32, #tpu.memory_space<vmem>>
      %parallel_loop3A_632 = arith.index_cast %parallel_loop3A_300 : i32 to index
      %parallel_loop3A_633 = arith.constant 48 : index
      %parallel_loop3A_634 = tpu.vector_load %parallel_loop3A_631[%parallel_loop3A_632, %parallel_loop3A_633] {strides = array<i32>} : memref<128x128xf32, #tpu.memory_space<vmem>>, vector<1x16xf32>,
      %parallel_loop3A_635 = vector.shape_cast %parallel_loop3A_634 : vector<1x16xf32> to vector<16xf32>
      %parallel_loop3A_636 = arith.constant 0 : i32
      %parallel_loop3A_637 = arith.constant 0 : i32
      %parallel_loop3A_638 = tpu.memref_slice %arg10[%parallel_loop3A_139, %parallel_loop3A_636, %parallel_loop3A_637] : memref<2x128x128xf32, #tpu.memory_space<vmem>> -> memref<1x128x128xf32, #tpu.memory_space<vmem>>
      %parallel_loop3A_639 = tpu.memref_squeeze %parallel_loop3A_638 : memref<1x128x128xf32, #tpu.memory_space<vmem>> -> memref<128x128xf32, #tpu.memory_space<vmem>>
      %parallel_loop3A_640 = arith.index_cast %parallel_loop3A_300 : i32 to index
      %parallel_loop3A_641 = arith.constant 48 : index
      %parallel_loop3A_642 = tpu.vector_load %parallel_loop3A_639[%parallel_loop3A_640, %parallel_loop3A_641] {strides = array<i32>} : memref<128x128xf32, #tpu.memory_space<vmem>>, vector<1x16xf32>,
      %parallel_loop3A_643 = vector.shape_cast %parallel_loop3A_642 : vector<1x16xf32> to vector<16xf32>
      %parallel_loop3A_644 = arith.mulf %parallel_loop3A_635, %parallel_loop3A_538 : vector<16xf32>
      %parallel_loop3A_645 = arith.mulf %parallel_loop3A_643, %parallel_loop3A_543 : vector<16xf32>
      %parallel_loop3A_646 = arith.addf %parallel_loop3A_644, %parallel_loop3A_645 : vector<16xf32>
      %parallel_loop3A_647 = arith.constant 0 : i32
      %parallel_loop3A_648 = arith.constant 0 : i32
      %parallel_loop3A_649 = tpu.memref_slice %arg9[%parallel_loop3A_138, %parallel_loop3A_647, %parallel_loop3A_648] : memref<2x128x128xf32, #tpu.memory_space<vmem>> -> memref<1x128x128xf32, #tpu.memory_space<vmem>>
      %parallel_loop3A_650 = tpu.memref_squeeze %parallel_loop3A_649 : memref<1x128x128xf32, #tpu.memory_space<vmem>> -> memref<128x128xf32, #tpu.memory_space<vmem>>
      %parallel_loop3A_651 = arith.index_cast %parallel_loop3A_300 : i32 to index
      %parallel_loop3A_652 = arith.constant 48 : index
      %parallel_loop3A_653 = tpu.vector_load %parallel_loop3A_650[%parallel_loop3A_651, %parallel_loop3A_652] {strides = array<i32>} : memref<128x128xf32, #tpu.memory_space<vmem>>, vector<1x16xf32>,
      %parallel_loop3A_654 = vector.shape_cast %parallel_loop3A_653 : vector<1x16xf32> to vector<16xf32>
      %parallel_loop3A_655 = vector.shape_cast %parallel_loop3A_646 : vector<16xf32> to vector<1x16xf32>
      tpu.vector_store %parallel_loop3A_650[%parallel_loop3A_651, %parallel_loop3A_652], %parallel_loop3A_655 {strides = array<i32>} : memref<128x128xf32, #tpu.memory_space<vmem>>, vector<1x16xf32>,
      %parallel_loop3A_656 = arith.constant 0 : i32
      %parallel_loop3A_657 = arith.constant 0 : i32
      %parallel_loop3A_658 = tpu.memref_slice %arg9[%parallel_loop3A_138, %parallel_loop3A_656, %parallel_loop3A_657] : memref<2x128x128xf32, #tpu.memory_space<vmem>> -> memref<1x128x128xf32, #tpu.memory_space<vmem>>
      %parallel_loop3A_659 = tpu.memref_squeeze %parallel_loop3A_658 : memref<1x128x128xf32, #tpu.memory_space<vmem>> -> memref<128x128xf32, #tpu.memory_space<vmem>>
      %parallel_loop3A_660 = arith.index_cast %parallel_loop3A_300 : i32 to index
      %parallel_loop3A_661 = arith.constant 64 : index
      %parallel_loop3A_662 = tpu.vector_load %parallel_loop3A_659[%parallel_loop3A_660, %parallel_loop3A_661] {strides = array<i32>} : memref<128x128xf32, #tpu.memory_space<vmem>>, vector<1x16xf32>,
      %parallel_loop3A_663 = vector.shape_cast %parallel_loop3A_662 : vector<1x16xf32> to vector<16xf32>
      %parallel_loop3A_664 = arith.constant 0 : i32
      %parallel_loop3A_665 = arith.constant 0 : i32
      %parallel_loop3A_666 = tpu.memref_slice %arg10[%parallel_loop3A_139, %parallel_loop3A_664, %parallel_loop3A_665] : memref<2x128x128xf32, #tpu.memory_space<vmem>> -> memref<1x128x128xf32, #tpu.memory_space<vmem>>
      %parallel_loop3A_667 = tpu.memref_squeeze %parallel_loop3A_666 : memref<1x128x128xf32, #tpu.memory_space<vmem>> -> memref<128x128xf32, #tpu.memory_space<vmem>>
      %parallel_loop3A_668 = arith.index_cast %parallel_loop3A_300 : i32 to index
      %parallel_loop3A_669 = arith.constant 64 : index
      %parallel_loop3A_670 = tpu.vector_load %parallel_loop3A_667[%parallel_loop3A_668, %parallel_loop3A_669] {strides = array<i32>} : memref<128x128xf32, #tpu.memory_space<vmem>>, vector<1x16xf32>,
      %parallel_loop3A_671 = vector.shape_cast %parallel_loop3A_670 : vector<1x16xf32> to vector<16xf32>
      %parallel_loop3A_672 = arith.mulf %parallel_loop3A_663, %parallel_loop3A_538 : vector<16xf32>
      %parallel_loop3A_673 = arith.mulf %parallel_loop3A_671, %parallel_loop3A_543 : vector<16xf32>
      %parallel_loop3A_674 = arith.addf %parallel_loop3A_672, %parallel_loop3A_673 : vector<16xf32>
      %parallel_loop3A_675 = arith.constant 0 : i32
      %parallel_loop3A_676 = arith.constant 0 : i32
      %parallel_loop3A_677 = tpu.memref_slice %arg9[%parallel_loop3A_138, %parallel_loop3A_675, %parallel_loop3A_676] : memref<2x128x128xf32, #tpu.memory_space<vmem>> -> memref<1x128x128xf32, #tpu.memory_space<vmem>>
      %parallel_loop3A_678 = tpu.memref_squeeze %parallel_loop3A_677 : memref<1x128x128xf32, #tpu.memory_space<vmem>> -> memref<128x128xf32, #tpu.memory_space<vmem>>
      %parallel_loop3A_679 = arith.index_cast %parallel_loop3A_300 : i32 to index
      %parallel_loop3A_680 = arith.constant 64 : index
      %parallel_loop3A_681 = tpu.vector_load %parallel_loop3A_678[%parallel_loop3A_679, %parallel_loop3A_680] {strides = array<i32>} : memref<128x128xf32, #tpu.memory_space<vmem>>, vector<1x16xf32>,
      %parallel_loop3A_682 = vector.shape_cast %parallel_loop3A_681 : vector<1x16xf32> to vector<16xf32>
      %parallel_loop3A_683 = vector.shape_cast %parallel_loop3A_674 : vector<16xf32> to vector<1x16xf32>
      tpu.vector_store %parallel_loop3A_678[%parallel_loop3A_679, %parallel_loop3A_680], %parallel_loop3A_683 {strides = array<i32>} : memref<128x128xf32, #tpu.memory_space<vmem>>, vector<1x16xf32>,
      %parallel_loop3A_684 = arith.constant 0 : i32
      %parallel_loop3A_685 = arith.constant 0 : i32
      %parallel_loop3A_686 = tpu.memref_slice %arg9[%parallel_loop3A_138, %parallel_loop3A_684, %parallel_loop3A_685] : memref<2x128x128xf32, #tpu.memory_space<vmem>> -> memref<1x128x128xf32, #tpu.memory_space<vmem>>
      %parallel_loop3A_687 = tpu.memref_squeeze %parallel_loop3A_686 : memref<1x128x128xf32, #tpu.memory_space<vmem>> -> memref<128x128xf32, #tpu.memory_space<vmem>>
      %parallel_loop3A_688 = arith.index_cast %parallel_loop3A_300 : i32 to index
      %parallel_loop3A_689 = arith.constant 80 : index
      %parallel_loop3A_690 = tpu.vector_load %parallel_loop3A_687[%parallel_loop3A_688, %parallel_loop3A_689] {strides = array<i32>} : memref<128x128xf32, #tpu.memory_space<vmem>>, vector<1x16xf32>,
      %parallel_loop3A_691 = vector.shape_cast %parallel_loop3A_690 : vector<1x16xf32> to vector<16xf32>
      %parallel_loop3A_692 = arith.constant 0 : i32
      %parallel_loop3A_693 = arith.constant 0 : i32
      %parallel_loop3A_694 = tpu.memref_slice %arg10[%parallel_loop3A_139, %parallel_loop3A_692, %parallel_loop3A_693] : memref<2x128x128xf32, #tpu.memory_space<vmem>> -> memref<1x128x128xf32, #tpu.memory_space<vmem>>
      %parallel_loop3A_695 = tpu.memref_squeeze %parallel_loop3A_694 : memref<1x128x128xf32, #tpu.memory_space<vmem>> -> memref<128x128xf32, #tpu.memory_space<vmem>>
      %parallel_loop3A_696 = arith.index_cast %parallel_loop3A_300 : i32 to index
      %parallel_loop3A_697 = arith.constant 80 : index
      %parallel_loop3A_698 = tpu.vector_load %parallel_loop3A_695[%parallel_loop3A_696, %parallel_loop3A_697] {strides = array<i32>} : memref<128x128xf32, #tpu.memory_space<vmem>>, vector<1x16xf32>,
      %parallel_loop3A_699 = vector.shape_cast %parallel_loop3A_698 : vector<1x16xf32> to vector<16xf32>
      %parallel_loop3A_700 = arith.mulf %parallel_loop3A_691, %parallel_loop3A_538 : vector<16xf32>
      %parallel_loop3A_701 = arith.mulf %parallel_loop3A_699, %parallel_loop3A_543 : vector<16xf32>
      %parallel_loop3A_702 = arith.addf %parallel_loop3A_700, %parallel_loop3A_701 : vector<16xf32>
      %parallel_loop3A_703 = arith.constant 0 : i32
      %parallel_loop3A_704 = arith.constant 0 : i32
      %parallel_loop3A_705 = tpu.memref_slice %arg9[%parallel_loop3A_138, %parallel_loop3A_703, %parallel_loop3A_704] : memref<2x128x128xf32, #tpu.memory_space<vmem>> -> memref<1x128x128xf32, #tpu.memory_space<vmem>>
      %parallel_loop3A_706 = tpu.memref_squeeze %parallel_loop3A_705 : memref<1x128x128xf32, #tpu.memory_space<vmem>> -> memref<128x128xf32, #tpu.memory_space<vmem>>
      %parallel_loop3A_707 = arith.index_cast %parallel_loop3A_300 : i32 to index
      %parallel_loop3A_708 = arith.constant 80 : index
      %parallel_loop3A_709 = tpu.vector_load %parallel_loop3A_706[%parallel_loop3A_707, %parallel_loop3A_708] {strides = array<i32>} : memref<128x128xf32, #tpu.memory_space<vmem>>, vector<1x16xf32>,
      %parallel_loop3A_710 = vector.shape_cast %parallel_loop3A_709 : vector<1x16xf32> to vector<16xf32>
      %parallel_loop3A_711 = vector.shape_cast %parallel_loop3A_702 : vector<16xf32> to vector<1x16xf32>
      tpu.vector_store %parallel_loop3A_706[%parallel_loop3A_707, %parallel_loop3A_708], %parallel_loop3A_711 {strides = array<i32>} : memref<128x128xf32, #tpu.memory_space<vmem>>, vector<1x16xf32>,
      %parallel_loop3A_712 = arith.constant 0 : i32
      %parallel_loop3A_713 = arith.constant 0 : i32
      %parallel_loop3A_714 = tpu.memref_slice %arg9[%parallel_loop3A_138, %parallel_loop3A_712, %parallel_loop3A_713] : memref<2x128x128xf32, #tpu.memory_space<vmem>> -> memref<1x128x128xf32, #tpu.memory_space<vmem>>
      %parallel_loop3A_715 = tpu.memref_squeeze %parallel_loop3A_714 : memref<1x128x128xf32, #tpu.memory_space<vmem>> -> memref<128x128xf32, #tpu.memory_space<vmem>>
      %parallel_loop3A_716 = arith.index_cast %parallel_loop3A_300 : i32 to index
      %parallel_loop3A_717 = arith.constant 96 : index
      %parallel_loop3A_718 = tpu.vector_load %parallel_loop3A_715[%parallel_loop3A_716, %parallel_loop3A_717] {strides = array<i32>} : memref<128x128xf32, #tpu.memory_space<vmem>>, vector<1x16xf32>,
      %parallel_loop3A_719 = vector.shape_cast %parallel_loop3A_718 : vector<1x16xf32> to vector<16xf32>
      %parallel_loop3A_720 = arith.constant 0 : i32
      %parallel_loop3A_721 = arith.constant 0 : i32
      %parallel_loop3A_722 = tpu.memref_slice %arg10[%parallel_loop3A_139, %parallel_loop3A_720, %parallel_loop3A_721] : memref<2x128x128xf32, #tpu.memory_space<vmem>> -> memref<1x128x128xf32, #tpu.memory_space<vmem>>
      %parallel_loop3A_723 = tpu.memref_squeeze %parallel_loop3A_722 : memref<1x128x128xf32, #tpu.memory_space<vmem>> -> memref<128x128xf32, #tpu.memory_space<vmem>>
      %parallel_loop3A_724 = arith.index_cast %parallel_loop3A_300 : i32 to index
      %parallel_loop3A_725 = arith.constant 96 : index
      %parallel_loop3A_726 = tpu.vector_load %parallel_loop3A_723[%parallel_loop3A_724, %parallel_loop3A_725] {strides = array<i32>} : memref<128x128xf32, #tpu.memory_space<vmem>>, vector<1x16xf32>,
      %parallel_loop3A_727 = vector.shape_cast %parallel_loop3A_726 : vector<1x16xf32> to vector<16xf32>
      %parallel_loop3A_728 = arith.mulf %parallel_loop3A_719, %parallel_loop3A_538 : vector<16xf32>
      %parallel_loop3A_729 = arith.mulf %parallel_loop3A_727, %parallel_loop3A_543 : vector<16xf32>
      %parallel_loop3A_730 = arith.addf %parallel_loop3A_728, %parallel_loop3A_729 : vector<16xf32>
      %parallel_loop3A_731 = arith.constant 0 : i32
      %parallel_loop3A_732 = arith.constant 0 : i32
      %parallel_loop3A_733 = tpu.memref_slice %arg9[%parallel_loop3A_138, %parallel_loop3A_731, %parallel_loop3A_732] : memref<2x128x128xf32, #tpu.memory_space<vmem>> -> memref<1x128x128xf32, #tpu.memory_space<vmem>>
      %parallel_loop3A_734 = tpu.memref_squeeze %parallel_loop3A_733 : memref<1x128x128xf32, #tpu.memory_space<vmem>> -> memref<128x128xf32, #tpu.memory_space<vmem>>
      %parallel_loop3A_735 = arith.index_cast %parallel_loop3A_300 : i32 to index
      %parallel_loop3A_736 = arith.constant 96 : index
      %parallel_loop3A_737 = tpu.vector_load %parallel_loop3A_734[%parallel_loop3A_735, %parallel_loop3A_736] {strides = array<i32>} : memref<128x128xf32, #tpu.memory_space<vmem>>, vector<1x16xf32>,
      %parallel_loop3A_738 = vector.shape_cast %parallel_loop3A_737 : vector<1x16xf32> to vector<16xf32>
      %parallel_loop3A_739 = vector.shape_cast %parallel_loop3A_730 : vector<16xf32> to vector<1x16xf32>
      tpu.vector_store %parallel_loop3A_734[%parallel_loop3A_735, %parallel_loop3A_736], %parallel_loop3A_739 {strides = array<i32>} : memref<128x128xf32, #tpu.memory_space<vmem>>, vector<1x16xf32>,
      %parallel_loop3A_740 = arith.constant 0 : i32
      %parallel_loop3A_741 = arith.constant 0 : i32
      %parallel_loop3A_742 = tpu.memref_slice %arg9[%parallel_loop3A_138, %parallel_loop3A_740, %parallel_loop3A_741] : memref<2x128x128xf32, #tpu.memory_space<vmem>> -> memref<1x128x128xf32, #tpu.memory_space<vmem>>
      %parallel_loop3A_743 = tpu.memref_squeeze %parallel_loop3A_742 : memref<1x128x128xf32, #tpu.memory_space<vmem>> -> memref<128x128xf32, #tpu.memory_space<vmem>>
      %parallel_loop3A_744 = arith.index_cast %parallel_loop3A_300 : i32 to index
      %parallel_loop3A_745 = arith.constant 112 : index
      %parallel_loop3A_746 = tpu.vector_load %parallel_loop3A_743[%parallel_loop3A_744, %parallel_loop3A_745] {strides = array<i32>} : memref<128x128xf32, #tpu.memory_space<vmem>>, vector<1x16xf32>,
      %parallel_loop3A_747 = vector.shape_cast %parallel_loop3A_746 : vector<1x16xf32> to vector<16xf32>
      %parallel_loop3A_748 = arith.constant 0 : i32
      %parallel_loop3A_749 = arith.constant 0 : i32
      %parallel_loop3A_750 = tpu.memref_slice %arg10[%parallel_loop3A_139, %parallel_loop3A_748, %parallel_loop3A_749] : memref<2x128x128xf32, #tpu.memory_space<vmem>> -> memref<1x128x128xf32, #tpu.memory_space<vmem>>
      %parallel_loop3A_751 = tpu.memref_squeeze %parallel_loop3A_750 : memref<1x128x128xf32, #tpu.memory_space<vmem>> -> memref<128x128xf32, #tpu.memory_space<vmem>>
      %parallel_loop3A_752 = arith.index_cast %parallel_loop3A_300 : i32 to index
      %parallel_loop3A_753 = arith.constant 112 : index
      %parallel_loop3A_754 = tpu.vector_load %parallel_loop3A_751[%parallel_loop3A_752, %parallel_loop3A_753] {strides = array<i32>} : memref<128x128xf32, #tpu.memory_space<vmem>>, vector<1x16xf32>,
      %parallel_loop3A_755 = vector.shape_cast %parallel_loop3A_754 : vector<1x16xf32> to vector<16xf32>
      %parallel_loop3A_756 = arith.mulf %parallel_loop3A_747, %parallel_loop3A_538 : vector<16xf32>
      %parallel_loop3A_757 = arith.mulf %parallel_loop3A_755, %parallel_loop3A_543 : vector<16xf32>
      %parallel_loop3A_758 = arith.addf %parallel_loop3A_756, %parallel_loop3A_757 : vector<16xf32>
      %parallel_loop3A_759 = arith.constant 0 : i32
      %parallel_loop3A_760 = arith.constant 0 : i32
      %parallel_loop3A_761 = tpu.memref_slice %arg9[%parallel_loop3A_138, %parallel_loop3A_759, %parallel_loop3A_760] : memref<2x128x128xf32, #tpu.memory_space<vmem>> -> memref<1x128x128xf32, #tpu.memory_space<vmem>>
      %parallel_loop3A_762 = tpu.memref_squeeze %parallel_loop3A_761 : memref<1x128x128xf32, #tpu.memory_space<vmem>> -> memref<128x128xf32, #tpu.memory_space<vmem>>
      %parallel_loop3A_763 = arith.index_cast %parallel_loop3A_300 : i32 to index
      %parallel_loop3A_764 = arith.constant 112 : index
      %parallel_loop3A_765 = tpu.vector_load %parallel_loop3A_762[%parallel_loop3A_763, %parallel_loop3A_764] {strides = array<i32>} : memref<128x128xf32, #tpu.memory_space<vmem>>, vector<1x16xf32>,
      %parallel_loop3A_766 = vector.shape_cast %parallel_loop3A_765 : vector<1x16xf32> to vector<16xf32>
      %parallel_loop3A_767 = vector.shape_cast %parallel_loop3A_758 : vector<16xf32> to vector<1x16xf32>
      tpu.vector_store %parallel_loop3A_762[%parallel_loop3A_763, %parallel_loop3A_764], %parallel_loop3A_767 {strides = array<i32>} : memref<128x128xf32, #tpu.memory_space<vmem>>, vector<1x16xf32>,
    } {sc.loop_unroll_factor = 2 : i64, sc.parallel_access}
    %add3A_140 = arith.constant 128 : i32
    %add3A_141 = arith.addi %mul3A_2, %add3A_140 : i32
    %dma_start3A_142 = arith.constant 1 : i32
    %dma_start3A_143 = arith.constant 0 : i32
    %dma_start3A_144 = arith.constant 0 : i32
    %dma_start3A_145 = tpu.memref_slice %arg9[%dma_start3A_142, %dma_start3A_143, %dma_start3A_144] : memref<2x128x128xf32, #tpu.memory_space<vmem>> -> memref<1x128x128xf32, #tpu.memory_space<vmem>>
    %dma_start3A_146 = tpu.memref_squeeze %dma_start3A_145 : memref<1x128x128xf32, #tpu.memory_space<vmem>> -> memref<128x128xf32, #tpu.memory_space<vmem>>
    %dma_start3A_147 = arith.constant 0 : i32
    %dma_start3A_148 = tpu.memref_slice %arg6[%add3A_141, %dma_start3A_147] : memref<16384x128xf32, #tpu.memory_space<hbm>> -> memref<128x128xf32, #tpu.memory_space<hbm>>
    %dma_start3A_149 = arith.constant 0 : i32
    %dma_start3A_150 = tpu.memref_slice %arg6[%add3A_141, %dma_start3A_149] : memref<16384x128xf32, #tpu.memory_space<hbm>> -> memref<128x128xf32, #tpu.memory_space<hbm>>
    %dma_start3A_151 = arith.constant 0 : i32
    %dma_start3A_152 = arith.constant 0 : i32
    %dma_start3A_153 = tpu.memref_slice %arg9[%dma_start3A_142, %dma_start3A_151, %dma_start3A_152] : memref<2x128x128xf32, #tpu.memory_space<vmem>> -> memref<1x128x128xf32, #tpu.memory_space<vmem>>
    %dma_start3A_154 = tpu.memref_squeeze %dma_start3A_153 : memref<1x128x128xf32, #tpu.memory_space<vmem>> -> memref<128x128xf32, #tpu.memory_space<vmem>>
    tpu.enqueue_dma source(%dma_start3A_154 : memref<128x128xf32, #tpu.memory_space<vmem>>) target(%dma_start3A_150 : memref<128x128xf32, #tpu.memory_space<hbm>>) target_semaphore(%arg14 : memref<!tpu.dma_semaphore, #tpu.memory_space<semaphore_mem>>)
    %add3A_155 = arith.constant 128 : i32
    %add3A_156 = arith.addi %mul3A_2, %add3A_155 : i32
    %dma_wait3A_157 = arith.constant 1 : i32
    %dma_wait3A_158 = arith.constant 0 : i32
    %dma_wait3A_159 = arith.constant 0 : i32
    %dma_wait3A_160 = tpu.memref_slice %arg9[%dma_wait3A_157, %dma_wait3A_158, %dma_wait3A_159] : memref<2x128x128xf32, #tpu.memory_space<vmem>> -> memref<1x128x128xf32, #tpu.memory_space<vmem>>
    %dma_wait3A_161 = tpu.memref_squeeze %dma_wait3A_160 : memref<1x128x128xf32, #tpu.memory_space<vmem>> -> memref<128x128xf32, #tpu.memory_space<vmem>>
    %dma_wait3A_162 = arith.constant 0 : i32
    %dma_wait3A_163 = tpu.memref_slice %arg6[%add3A_156, %dma_wait3A_162] : memref<16384x128xf32, #tpu.memory_space<hbm>> -> memref<128x128xf32, #tpu.memory_space<hbm>>
    %dma_wait3A_164 = arith.constant 0 : i32
    %dma_wait3A_165 = tpu.memref_slice %arg6[%add3A_156, %dma_wait3A_164] : memref<16384x128xf32, #tpu.memory_space<hbm>> -> memref<128x128xf32, #tpu.memory_space<hbm>>
    %dma_wait3A_166 = arith.constant 0 : i32
    %dma_wait3A_167 = arith.constant 0 : i32
    %dma_wait3A_168 = tpu.memref_slice %arg9[%dma_wait3A_157, %dma_wait3A_166, %dma_wait3A_167] : memref<2x128x128xf32, #tpu.memory_space<vmem>> -> memref<1x128x128xf32, #tpu.memory_space<vmem>>
    %dma_wait3A_169 = tpu.memref_squeeze %dma_wait3A_168 : memref<1x128x128xf32, #tpu.memory_space<vmem>> -> memref<128x128xf32, #tpu.memory_space<vmem>>
    tpu.wait_dma2 semaphore(%arg14 : memref<!tpu.dma_semaphore, #tpu.memory_space<semaphore_mem>>) src(%dma_wait3A_169 : memref<128x128xf32, #tpu.memory_space<vmem>>) dst(%dma_wait3A_165 : memref<128x128xf32, #tpu.memory_space<hbm>>)
    %dma_start3A_170 = arith.constant 1 : i32
    %dma_start3A_171 = arith.constant 0 : i32
    %dma_start3A_172 = arith.constant 0 : i32
    %dma_start3A_173 = tpu.memref_slice %arg9[%dma_start3A_170, %dma_start3A_171, %dma_start3A_172] : memref<2x128x128xf32, #tpu.memory_space<vmem>> -> memref<1x128x128xf32, #tpu.memory_space<vmem>>
    %dma_start3A_174 = tpu.memref_squeeze %dma_start3A_173 : memref<1x128x128xf32, #tpu.memory_space<vmem>> -> memref<128x128xf32, #tpu.memory_space<vmem>>
    %dma_start3A_175 = arith.constant 384 : i32
    %dma_start3A_176 = tpu.memref_slice %arg7[%dma_start3A_175] : memref<512xi32, #tpu.memory_space<vmem>> -> memref<128xi32, #tpu.memory_space<vmem>>
    %dma_start3A_177 = arith.constant 0 : i32
    %dma_start3A_178 = arith.constant 0 : i32
    %dma_start3A_179 = tpu.memref_slice %arg4[%dma_start3A_177, %dma_start3A_178] : memref<100000x128xf32, #tpu.memory_space<hbm>> -> memref<100000x128xf32, #tpu.memory_space<hbm>>
    tpu.enqueue_indirect_dma source(%dma_start3A_179 : memref<100000x128xf32, #tpu.memory_space<hbm>>) target(%dma_start3A_174 : memref<128x128xf32, #tpu.memory_space<vmem>>) offsets(%dma_start3A_176 : memref<128xi32, #tpu.memory_space<vmem>>) semaphore(%arg12 : memref<!tpu.dma_semaphore, #tpu.memory_space<semaphore_mem>>)
    %dma_start3A_180 = arith.constant 1 : i32
    %dma_start3A_181 = arith.constant 0 : i32
    %dma_start3A_182 = arith.constant 0 : i32
    %dma_start3A_183 = tpu.memref_slice %arg10[%dma_start3A_180, %dma_start3A_181, %dma_start3A_182] : memref<2x128x128xf32, #tpu.memory_space<vmem>> -> memref<1x128x128xf32, #tpu.memory_space<vmem>>
    %dma_start3A_184 = tpu.memref_squeeze %dma_start3A_183 : memref<1x128x128xf32, #tpu.memory_space<vmem>> -> memref<128x128xf32, #tpu.memory_space<vmem>>
    %dma_start3A_185 = arith.constant 384 : i32
    %dma_start3A_186 = tpu.memref_slice %arg8[%dma_start3A_185] : memref<512xi32, #tpu.memory_space<vmem>> -> memref<128xi32, #tpu.memory_space<vmem>>
    %dma_start3A_187 = arith.constant 0 : i32
    %dma_start3A_188 = arith.constant 0 : i32
    %dma_start3A_189 = tpu.memref_slice %arg5[%dma_start3A_187, %dma_start3A_188] : memref<1000x128xf32, #tpu.memory_space<hbm>> -> memref<1000x128xf32, #tpu.memory_space<hbm>>
    tpu.enqueue_indirect_dma source(%dma_start3A_189 : memref<1000x128xf32, #tpu.memory_space<hbm>>) target(%dma_start3A_184 : memref<128x128xf32, #tpu.memory_space<vmem>>) offsets(%dma_start3A_186 : memref<128xi32, #tpu.memory_space<vmem>>) semaphore(%arg12 : memref<!tpu.dma_semaphore, #tpu.memory_space<semaphore_mem>>)
    %dma_wait3A_190 = arith.constant 0 : i32
    %dma_wait3A_191 = arith.constant 0 : i32
    %dma_wait3A_192 = arith.constant 0 : i32
    %dma_wait3A_193 = tpu.memref_slice %arg9[%dma_wait3A_190, %dma_wait3A_191, %dma_wait3A_192] : memref<2x128x128xf32, #tpu.memory_space<vmem>> -> memref<1x128x128xf32, #tpu.memory_space<vmem>>
    %dma_wait3A_194 = tpu.memref_squeeze %dma_wait3A_193 : memref<1x128x128xf32, #tpu.memory_space<vmem>> -> memref<128x128xf32, #tpu.memory_space<vmem>>
    %dma_wait3A_195 = arith.constant 256 : i32
    %dma_wait3A_196 = tpu.memref_slice %arg7[%dma_wait3A_195] : memref<512xi32, #tpu.memory_space<vmem>> -> memref<128xi32, #tpu.memory_space<vmem>>
    %dma_wait3A_197 = arith.constant 0 : i32
    %dma_wait3A_198 = arith.constant 0 : i32
    %dma_wait3A_199 = tpu.memref_slice %arg4[%dma_wait3A_197, %dma_wait3A_198] : memref<100000x128xf32, #tpu.memory_space<hbm>> -> memref<100000x128xf32, #tpu.memory_space<hbm>>
    tpu.wait_indirect_dma semaphore(%arg11 : memref<!tpu.dma_semaphore, #tpu.memory_space<semaphore_mem>>) src(%dma_wait3A_199 : memref<100000x128xf32, #tpu.memory_space<hbm>>) dst(%dma_wait3A_194 : memref<128x128xf32, #tpu.memory_space<vmem>>)
    %dma_wait3A_200 = arith.constant 0 : i32
    %dma_wait3A_201 = arith.constant 0 : i32
    %dma_wait3A_202 = arith.constant 0 : i32
    %dma_wait3A_203 = tpu.memref_slice %arg10[%dma_wait3A_200, %dma_wait3A_201, %dma_wait3A_202] : memref<2x128x128xf32, #tpu.memory_space<vmem>> -> memref<1x128x128xf32, #tpu.memory_space<vmem>>
    %dma_wait3A_204 = tpu.memref_squeeze %dma_wait3A_203 : memref<1x128x128xf32, #tpu.memory_space<vmem>> -> memref<128x128xf32, #tpu.memory_space<vmem>>
    %dma_wait3A_205 = arith.constant 256 : i32
    %dma_wait3A_206 = tpu.memref_slice %arg8[%dma_wait3A_205] : memref<512xi32, #tpu.memory_space<vmem>> -> memref<128xi32, #tpu.memory_space<vmem>>
    %dma_wait3A_207 = arith.constant 0 : i32
    %dma_wait3A_208 = arith.constant 0 : i32
    %dma_wait3A_209 = tpu.memref_slice %arg5[%dma_wait3A_207, %dma_wait3A_208] : memref<1000x128xf32, #tpu.memory_space<hbm>> -> memref<1000x128xf32, #tpu.memory_space<hbm>>
    tpu.wait_indirect_dma semaphore(%arg11 : memref<!tpu.dma_semaphore, #tpu.memory_space<semaphore_mem>>) src(%dma_wait3A_209 : memref<1000x128xf32, #tpu.memory_space<hbm>>) dst(%dma_wait3A_204 : memref<128x128xf32, #tpu.memory_space<vmem>>)
    %parallel_loop3A_210 = arith.constant 0 : i32
    %parallel_loop3A_211 = arith.constant 128 : i32
    %parallel_loop3A_212 = arith.constant 1 : i32
    %parallel_loop3A_213 = arith.constant 0 : i32
    %parallel_loop3A_214 = arith.constant 0 : i32
    scf.for %parallel_loop3A_300 = %parallel_loop3A_210 to %parallel_loop3A_211 step %parallel_loop3A_212  : i32 {
      %parallel_loop3A_301 = arith.constant 0.000000e+00 : f32
      %parallel_loop3A_302 = vector.broadcast %parallel_loop3A_301 : f32 to vector<16xf32>
      %parallel_loop3A_303 = arith.constant 0.000000e+00 : f32
      %parallel_loop3A_304 = vector.broadcast %parallel_loop3A_303 : f32 to vector<16xf32>
      %parallel_loop3A_305 = arith.constant 0 : i32
      %parallel_loop3A_306 = arith.constant 0 : i32
      %parallel_loop3A_307 = tpu.memref_slice %arg9[%parallel_loop3A_213, %parallel_loop3A_305, %parallel_loop3A_306] : memref<2x128x128xf32, #tpu.memory_space<vmem>> -> memref<1x128x128xf32, #tpu.memory_space<vmem>>
      %parallel_loop3A_308 = tpu.memref_squeeze %parallel_loop3A_307 : memref<1x128x128xf32, #tpu.memory_space<vmem>> -> memref<128x128xf32, #tpu.memory_space<vmem>>
      %parallel_loop3A_309 = arith.index_cast %parallel_loop3A_300 : i32 to index
      %parallel_loop3A_310 = arith.constant 0 : index
      %parallel_loop3A_311 = tpu.vector_load %parallel_loop3A_308[%parallel_loop3A_309, %parallel_loop3A_310] {strides = array<i32>} : memref<128x128xf32, #tpu.memory_space<vmem>>, vector<1x16xf32>,
      %parallel_loop3A_312 = vector.shape_cast %parallel_loop3A_311 : vector<1x16xf32> to vector<16xf32>
      %parallel_loop3A_313 = arith.constant 0 : i32
      %parallel_loop3A_314 = arith.constant 0 : i32
      %parallel_loop3A_315 = tpu.memref_slice %arg10[%parallel_loop3A_214, %parallel_loop3A_313, %parallel_loop3A_314] : memref<2x128x128xf32, #tpu.memory_space<vmem>> -> memref<1x128x128xf32, #tpu.memory_space<vmem>>
      %parallel_loop3A_316 = tpu.memref_squeeze %parallel_loop3A_315 : memref<1x128x128xf32, #tpu.memory_space<vmem>> -> memref<128x128xf32, #tpu.memory_space<vmem>>
      %parallel_loop3A_317 = arith.index_cast %parallel_loop3A_300 : i32 to index
      %parallel_loop3A_318 = arith.constant 0 : index
      %parallel_loop3A_319 = tpu.vector_load %parallel_loop3A_316[%parallel_loop3A_317, %parallel_loop3A_318] {strides = array<i32>} : memref<128x128xf32, #tpu.memory_space<vmem>>, vector<1x16xf32>,
      %parallel_loop3A_320 = vector.shape_cast %parallel_loop3A_319 : vector<1x16xf32> to vector<16xf32>
      %parallel_loop3A_321 = arith.mulf %parallel_loop3A_312, %parallel_loop3A_312 : vector<16xf32>
      %parallel_loop3A_322 = arith.addf %parallel_loop3A_302, %parallel_loop3A_321 : vector<16xf32>
      %parallel_loop3A_323 = arith.mulf %parallel_loop3A_320, %parallel_loop3A_320 : vector<16xf32>
      %parallel_loop3A_324 = arith.addf %parallel_loop3A_304, %parallel_loop3A_323 : vector<16xf32>
      %parallel_loop3A_325 = arith.constant 0 : i32
      %parallel_loop3A_326 = arith.constant 0 : i32
      %parallel_loop3A_327 = tpu.memref_slice %arg9[%parallel_loop3A_213, %parallel_loop3A_325, %parallel_loop3A_326] : memref<2x128x128xf32, #tpu.memory_space<vmem>> -> memref<1x128x128xf32, #tpu.memory_space<vmem>>
      %parallel_loop3A_328 = tpu.memref_squeeze %parallel_loop3A_327 : memref<1x128x128xf32, #tpu.memory_space<vmem>> -> memref<128x128xf32, #tpu.memory_space<vmem>>
      %parallel_loop3A_329 = arith.index_cast %parallel_loop3A_300 : i32 to index
      %parallel_loop3A_330 = arith.constant 16 : index
      %parallel_loop3A_331 = tpu.vector_load %parallel_loop3A_328[%parallel_loop3A_329, %parallel_loop3A_330] {strides = array<i32>} : memref<128x128xf32, #tpu.memory_space<vmem>>, vector<1x16xf32>,
      %parallel_loop3A_332 = vector.shape_cast %parallel_loop3A_331 : vector<1x16xf32> to vector<16xf32>
      %parallel_loop3A_333 = arith.constant 0 : i32
      %parallel_loop3A_334 = arith.constant 0 : i32
      %parallel_loop3A_335 = tpu.memref_slice %arg10[%parallel_loop3A_214, %parallel_loop3A_333, %parallel_loop3A_334] : memref<2x128x128xf32, #tpu.memory_space<vmem>> -> memref<1x128x128xf32, #tpu.memory_space<vmem>>
      %parallel_loop3A_336 = tpu.memref_squeeze %parallel_loop3A_335 : memref<1x128x128xf32, #tpu.memory_space<vmem>> -> memref<128x128xf32, #tpu.memory_space<vmem>>
      %parallel_loop3A_337 = arith.index_cast %parallel_loop3A_300 : i32 to index
      %parallel_loop3A_338 = arith.constant 16 : index
      %parallel_loop3A_339 = tpu.vector_load %parallel_loop3A_336[%parallel_loop3A_337, %parallel_loop3A_338] {strides = array<i32>} : memref<128x128xf32, #tpu.memory_space<vmem>>, vector<1x16xf32>,
      %parallel_loop3A_340 = vector.shape_cast %parallel_loop3A_339 : vector<1x16xf32> to vector<16xf32>
      %parallel_loop3A_341 = arith.mulf %parallel_loop3A_332, %parallel_loop3A_332 : vector<16xf32>
      %parallel_loop3A_342 = arith.addf %parallel_loop3A_322, %parallel_loop3A_341 : vector<16xf32>
      %parallel_loop3A_343 = arith.mulf %parallel_loop3A_340, %parallel_loop3A_340 : vector<16xf32>
      %parallel_loop3A_344 = arith.addf %parallel_loop3A_324, %parallel_loop3A_343 : vector<16xf32>
      %parallel_loop3A_345 = arith.constant 0 : i32
      %parallel_loop3A_346 = arith.constant 0 : i32
      %parallel_loop3A_347 = tpu.memref_slice %arg9[%parallel_loop3A_213, %parallel_loop3A_345, %parallel_loop3A_346] : memref<2x128x128xf32, #tpu.memory_space<vmem>> -> memref<1x128x128xf32, #tpu.memory_space<vmem>>
      %parallel_loop3A_348 = tpu.memref_squeeze %parallel_loop3A_347 : memref<1x128x128xf32, #tpu.memory_space<vmem>> -> memref<128x128xf32, #tpu.memory_space<vmem>>
      %parallel_loop3A_349 = arith.index_cast %parallel_loop3A_300 : i32 to index
      %parallel_loop3A_350 = arith.constant 32 : index
      %parallel_loop3A_351 = tpu.vector_load %parallel_loop3A_348[%parallel_loop3A_349, %parallel_loop3A_350] {strides = array<i32>} : memref<128x128xf32, #tpu.memory_space<vmem>>, vector<1x16xf32>,
      %parallel_loop3A_352 = vector.shape_cast %parallel_loop3A_351 : vector<1x16xf32> to vector<16xf32>
      %parallel_loop3A_353 = arith.constant 0 : i32
      %parallel_loop3A_354 = arith.constant 0 : i32
      %parallel_loop3A_355 = tpu.memref_slice %arg10[%parallel_loop3A_214, %parallel_loop3A_353, %parallel_loop3A_354] : memref<2x128x128xf32, #tpu.memory_space<vmem>> -> memref<1x128x128xf32, #tpu.memory_space<vmem>>
      %parallel_loop3A_356 = tpu.memref_squeeze %parallel_loop3A_355 : memref<1x128x128xf32, #tpu.memory_space<vmem>> -> memref<128x128xf32, #tpu.memory_space<vmem>>
      %parallel_loop3A_357 = arith.index_cast %parallel_loop3A_300 : i32 to index
      %parallel_loop3A_358 = arith.constant 32 : index
      %parallel_loop3A_359 = tpu.vector_load %parallel_loop3A_356[%parallel_loop3A_357, %parallel_loop3A_358] {strides = array<i32>} : memref<128x128xf32, #tpu.memory_space<vmem>>, vector<1x16xf32>,
      %parallel_loop3A_360 = vector.shape_cast %parallel_loop3A_359 : vector<1x16xf32> to vector<16xf32>
      %parallel_loop3A_361 = arith.mulf %parallel_loop3A_352, %parallel_loop3A_352 : vector<16xf32>
      %parallel_loop3A_362 = arith.addf %parallel_loop3A_342, %parallel_loop3A_361 : vector<16xf32>
      %parallel_loop3A_363 = arith.mulf %parallel_loop3A_360, %parallel_loop3A_360 : vector<16xf32>
      %parallel_loop3A_364 = arith.addf %parallel_loop3A_344, %parallel_loop3A_363 : vector<16xf32>
      %parallel_loop3A_365 = arith.constant 0 : i32
      %parallel_loop3A_366 = arith.constant 0 : i32
      %parallel_loop3A_367 = tpu.memref_slice %arg9[%parallel_loop3A_213, %parallel_loop3A_365, %parallel_loop3A_366] : memref<2x128x128xf32, #tpu.memory_space<vmem>> -> memref<1x128x128xf32, #tpu.memory_space<vmem>>
      %parallel_loop3A_368 = tpu.memref_squeeze %parallel_loop3A_367 : memref<1x128x128xf32, #tpu.memory_space<vmem>> -> memref<128x128xf32, #tpu.memory_space<vmem>>
      %parallel_loop3A_369 = arith.index_cast %parallel_loop3A_300 : i32 to index
      %parallel_loop3A_370 = arith.constant 48 : index
      %parallel_loop3A_371 = tpu.vector_load %parallel_loop3A_368[%parallel_loop3A_369, %parallel_loop3A_370] {strides = array<i32>} : memref<128x128xf32, #tpu.memory_space<vmem>>, vector<1x16xf32>,
      %parallel_loop3A_372 = vector.shape_cast %parallel_loop3A_371 : vector<1x16xf32> to vector<16xf32>
      %parallel_loop3A_373 = arith.constant 0 : i32
      %parallel_loop3A_374 = arith.constant 0 : i32
      %parallel_loop3A_375 = tpu.memref_slice %arg10[%parallel_loop3A_214, %parallel_loop3A_373, %parallel_loop3A_374] : memref<2x128x128xf32, #tpu.memory_space<vmem>> -> memref<1x128x128xf32, #tpu.memory_space<vmem>>
      %parallel_loop3A_376 = tpu.memref_squeeze %parallel_loop3A_375 : memref<1x128x128xf32, #tpu.memory_space<vmem>> -> memref<128x128xf32, #tpu.memory_space<vmem>>
      %parallel_loop3A_377 = arith.index_cast %parallel_loop3A_300 : i32 to index
      %parallel_loop3A_378 = arith.constant 48 : index
      %parallel_loop3A_379 = tpu.vector_load %parallel_loop3A_376[%parallel_loop3A_377, %parallel_loop3A_378] {strides = array<i32>} : memref<128x128xf32, #tpu.memory_space<vmem>>, vector<1x16xf32>,
      %parallel_loop3A_380 = vector.shape_cast %parallel_loop3A_379 : vector<1x16xf32> to vector<16xf32>
      %parallel_loop3A_381 = arith.mulf %parallel_loop3A_372, %parallel_loop3A_372 : vector<16xf32>
      %parallel_loop3A_382 = arith.addf %parallel_loop3A_362, %parallel_loop3A_381 : vector<16xf32>
      %parallel_loop3A_383 = arith.mulf %parallel_loop3A_380, %parallel_loop3A_380 : vector<16xf32>
      %parallel_loop3A_384 = arith.addf %parallel_loop3A_364, %parallel_loop3A_383 : vector<16xf32>
      %parallel_loop3A_385 = arith.constant 0 : i32
      %parallel_loop3A_386 = arith.constant 0 : i32
      %parallel_loop3A_387 = tpu.memref_slice %arg9[%parallel_loop3A_213, %parallel_loop3A_385, %parallel_loop3A_386] : memref<2x128x128xf32, #tpu.memory_space<vmem>> -> memref<1x128x128xf32, #tpu.memory_space<vmem>>
      %parallel_loop3A_388 = tpu.memref_squeeze %parallel_loop3A_387 : memref<1x128x128xf32, #tpu.memory_space<vmem>> -> memref<128x128xf32, #tpu.memory_space<vmem>>
      %parallel_loop3A_389 = arith.index_cast %parallel_loop3A_300 : i32 to index
      %parallel_loop3A_390 = arith.constant 64 : index
      %parallel_loop3A_391 = tpu.vector_load %parallel_loop3A_388[%parallel_loop3A_389, %parallel_loop3A_390] {strides = array<i32>} : memref<128x128xf32, #tpu.memory_space<vmem>>, vector<1x16xf32>,
      %parallel_loop3A_392 = vector.shape_cast %parallel_loop3A_391 : vector<1x16xf32> to vector<16xf32>
      %parallel_loop3A_393 = arith.constant 0 : i32
      %parallel_loop3A_394 = arith.constant 0 : i32
      %parallel_loop3A_395 = tpu.memref_slice %arg10[%parallel_loop3A_214, %parallel_loop3A_393, %parallel_loop3A_394] : memref<2x128x128xf32, #tpu.memory_space<vmem>> -> memref<1x128x128xf32, #tpu.memory_space<vmem>>
      %parallel_loop3A_396 = tpu.memref_squeeze %parallel_loop3A_395 : memref<1x128x128xf32, #tpu.memory_space<vmem>> -> memref<128x128xf32, #tpu.memory_space<vmem>>
      %parallel_loop3A_397 = arith.index_cast %parallel_loop3A_300 : i32 to index
      %parallel_loop3A_398 = arith.constant 64 : index
      %parallel_loop3A_399 = tpu.vector_load %parallel_loop3A_396[%parallel_loop3A_397, %parallel_loop3A_398] {strides = array<i32>} : memref<128x128xf32, #tpu.memory_space<vmem>>, vector<1x16xf32>,
      %parallel_loop3A_400 = vector.shape_cast %parallel_loop3A_399 : vector<1x16xf32> to vector<16xf32>
      %parallel_loop3A_401 = arith.mulf %parallel_loop3A_392, %parallel_loop3A_392 : vector<16xf32>
      %parallel_loop3A_402 = arith.addf %parallel_loop3A_382, %parallel_loop3A_401 : vector<16xf32>
      %parallel_loop3A_403 = arith.mulf %parallel_loop3A_400, %parallel_loop3A_400 : vector<16xf32>
      %parallel_loop3A_404 = arith.addf %parallel_loop3A_384, %parallel_loop3A_403 : vector<16xf32>
      %parallel_loop3A_405 = arith.constant 0 : i32
      %parallel_loop3A_406 = arith.constant 0 : i32
      %parallel_loop3A_407 = tpu.memref_slice %arg9[%parallel_loop3A_213, %parallel_loop3A_405, %parallel_loop3A_406] : memref<2x128x128xf32, #tpu.memory_space<vmem>> -> memref<1x128x128xf32, #tpu.memory_space<vmem>>
      %parallel_loop3A_408 = tpu.memref_squeeze %parallel_loop3A_407 : memref<1x128x128xf32, #tpu.memory_space<vmem>> -> memref<128x128xf32, #tpu.memory_space<vmem>>
      %parallel_loop3A_409 = arith.index_cast %parallel_loop3A_300 : i32 to index
      %parallel_loop3A_410 = arith.constant 80 : index
      %parallel_loop3A_411 = tpu.vector_load %parallel_loop3A_408[%parallel_loop3A_409, %parallel_loop3A_410] {strides = array<i32>} : memref<128x128xf32, #tpu.memory_space<vmem>>, vector<1x16xf32>,
      %parallel_loop3A_412 = vector.shape_cast %parallel_loop3A_411 : vector<1x16xf32> to vector<16xf32>
      %parallel_loop3A_413 = arith.constant 0 : i32
      %parallel_loop3A_414 = arith.constant 0 : i32
      %parallel_loop3A_415 = tpu.memref_slice %arg10[%parallel_loop3A_214, %parallel_loop3A_413, %parallel_loop3A_414] : memref<2x128x128xf32, #tpu.memory_space<vmem>> -> memref<1x128x128xf32, #tpu.memory_space<vmem>>
      %parallel_loop3A_416 = tpu.memref_squeeze %parallel_loop3A_415 : memref<1x128x128xf32, #tpu.memory_space<vmem>> -> memref<128x128xf32, #tpu.memory_space<vmem>>
      %parallel_loop3A_417 = arith.index_cast %parallel_loop3A_300 : i32 to index
      %parallel_loop3A_418 = arith.constant 80 : index
      %parallel_loop3A_419 = tpu.vector_load %parallel_loop3A_416[%parallel_loop3A_417, %parallel_loop3A_418] {strides = array<i32>} : memref<128x128xf32, #tpu.memory_space<vmem>>, vector<1x16xf32>,
      %parallel_loop3A_420 = vector.shape_cast %parallel_loop3A_419 : vector<1x16xf32> to vector<16xf32>
      %parallel_loop3A_421 = arith.mulf %parallel_loop3A_412, %parallel_loop3A_412 : vector<16xf32>
      %parallel_loop3A_422 = arith.addf %parallel_loop3A_402, %parallel_loop3A_421 : vector<16xf32>
      %parallel_loop3A_423 = arith.mulf %parallel_loop3A_420, %parallel_loop3A_420 : vector<16xf32>
      %parallel_loop3A_424 = arith.addf %parallel_loop3A_404, %parallel_loop3A_423 : vector<16xf32>
      %parallel_loop3A_425 = arith.constant 0 : i32
      %parallel_loop3A_426 = arith.constant 0 : i32
      %parallel_loop3A_427 = tpu.memref_slice %arg9[%parallel_loop3A_213, %parallel_loop3A_425, %parallel_loop3A_426] : memref<2x128x128xf32, #tpu.memory_space<vmem>> -> memref<1x128x128xf32, #tpu.memory_space<vmem>>
      %parallel_loop3A_428 = tpu.memref_squeeze %parallel_loop3A_427 : memref<1x128x128xf32, #tpu.memory_space<vmem>> -> memref<128x128xf32, #tpu.memory_space<vmem>>
      %parallel_loop3A_429 = arith.index_cast %parallel_loop3A_300 : i32 to index
      %parallel_loop3A_430 = arith.constant 96 : index
      %parallel_loop3A_431 = tpu.vector_load %parallel_loop3A_428[%parallel_loop3A_429, %parallel_loop3A_430] {strides = array<i32>} : memref<128x128xf32, #tpu.memory_space<vmem>>, vector<1x16xf32>,
      %parallel_loop3A_432 = vector.shape_cast %parallel_loop3A_431 : vector<1x16xf32> to vector<16xf32>
      %parallel_loop3A_433 = arith.constant 0 : i32
      %parallel_loop3A_434 = arith.constant 0 : i32
      %parallel_loop3A_435 = tpu.memref_slice %arg10[%parallel_loop3A_214, %parallel_loop3A_433, %parallel_loop3A_434] : memref<2x128x128xf32, #tpu.memory_space<vmem>> -> memref<1x128x128xf32, #tpu.memory_space<vmem>>
      %parallel_loop3A_436 = tpu.memref_squeeze %parallel_loop3A_435 : memref<1x128x128xf32, #tpu.memory_space<vmem>> -> memref<128x128xf32, #tpu.memory_space<vmem>>
      %parallel_loop3A_437 = arith.index_cast %parallel_loop3A_300 : i32 to index
      %parallel_loop3A_438 = arith.constant 96 : index
      %parallel_loop3A_439 = tpu.vector_load %parallel_loop3A_436[%parallel_loop3A_437, %parallel_loop3A_438] {strides = array<i32>} : memref<128x128xf32, #tpu.memory_space<vmem>>, vector<1x16xf32>,
      %parallel_loop3A_440 = vector.shape_cast %parallel_loop3A_439 : vector<1x16xf32> to vector<16xf32>
      %parallel_loop3A_441 = arith.mulf %parallel_loop3A_432, %parallel_loop3A_432 : vector<16xf32>
      %parallel_loop3A_442 = arith.addf %parallel_loop3A_422, %parallel_loop3A_441 : vector<16xf32>
      %parallel_loop3A_443 = arith.mulf %parallel_loop3A_440, %parallel_loop3A_440 : vector<16xf32>
      %parallel_loop3A_444 = arith.addf %parallel_loop3A_424, %parallel_loop3A_443 : vector<16xf32>
      %parallel_loop3A_445 = arith.constant 0 : i32
      %parallel_loop3A_446 = arith.constant 0 : i32
      %parallel_loop3A_447 = tpu.memref_slice %arg9[%parallel_loop3A_213, %parallel_loop3A_445, %parallel_loop3A_446] : memref<2x128x128xf32, #tpu.memory_space<vmem>> -> memref<1x128x128xf32, #tpu.memory_space<vmem>>
      %parallel_loop3A_448 = tpu.memref_squeeze %parallel_loop3A_447 : memref<1x128x128xf32, #tpu.memory_space<vmem>> -> memref<128x128xf32, #tpu.memory_space<vmem>>
      %parallel_loop3A_449 = arith.index_cast %parallel_loop3A_300 : i32 to index
      %parallel_loop3A_450 = arith.constant 112 : index
      %parallel_loop3A_451 = tpu.vector_load %parallel_loop3A_448[%parallel_loop3A_449, %parallel_loop3A_450] {strides = array<i32>} : memref<128x128xf32, #tpu.memory_space<vmem>>, vector<1x16xf32>,
      %parallel_loop3A_452 = vector.shape_cast %parallel_loop3A_451 : vector<1x16xf32> to vector<16xf32>
      %parallel_loop3A_453 = arith.constant 0 : i32
      %parallel_loop3A_454 = arith.constant 0 : i32
      %parallel_loop3A_455 = tpu.memref_slice %arg10[%parallel_loop3A_214, %parallel_loop3A_453, %parallel_loop3A_454] : memref<2x128x128xf32, #tpu.memory_space<vmem>> -> memref<1x128x128xf32, #tpu.memory_space<vmem>>
      %parallel_loop3A_456 = tpu.memref_squeeze %parallel_loop3A_455 : memref<1x128x128xf32, #tpu.memory_space<vmem>> -> memref<128x128xf32, #tpu.memory_space<vmem>>
      %parallel_loop3A_457 = arith.index_cast %parallel_loop3A_300 : i32 to index
      %parallel_loop3A_458 = arith.constant 112 : index
      %parallel_loop3A_459 = tpu.vector_load %parallel_loop3A_456[%parallel_loop3A_457, %parallel_loop3A_458] {strides = array<i32>} : memref<128x128xf32, #tpu.memory_space<vmem>>, vector<1x16xf32>,
      %parallel_loop3A_460 = vector.shape_cast %parallel_loop3A_459 : vector<1x16xf32> to vector<16xf32>
      %parallel_loop3A_461 = arith.mulf %parallel_loop3A_452, %parallel_loop3A_452 : vector<16xf32>
      %parallel_loop3A_462 = arith.addf %parallel_loop3A_442, %parallel_loop3A_461 : vector<16xf32>
      %parallel_loop3A_463 = arith.mulf %parallel_loop3A_460, %parallel_loop3A_460 : vector<16xf32>
      %parallel_loop3A_464 = arith.addf %parallel_loop3A_444, %parallel_loop3A_463 : vector<16xf32>
      %parallel_loop3A_465 = tpu.iota {dimensions = array<i32: 0>} : vector<16xi32>
      %parallel_loop3A_466 = arith.constant 8 : i32
      %parallel_loop3A_467 = vector.broadcast %parallel_loop3A_466 : i32 to vector<16xi32>
      %parallel_loop3A_468 = arith.xori %parallel_loop3A_465, %parallel_loop3A_467 : vector<16xi32>
      %parallel_loop3A_469 = vector.shape_cast %parallel_loop3A_468 : vector<16xi32> to vector<16x1xi32>
      %parallel_loop3A_470 = vector.shape_cast %parallel_loop3A_469 : vector<16x1xi32> to vector<16xi32>
      %parallel_loop3A_471 = tpu.dynamic_gather %parallel_loop3A_462[%parallel_loop3A_470] in [0] : vector<16xf32>, vector<16xi32> -> vector<16xf32>
      %parallel_loop3A_472 = arith.addf %parallel_loop3A_462, %parallel_loop3A_471 : vector<16xf32>
      %parallel_loop3A_473 = arith.constant 8 : i32
      %parallel_loop3A_474 = vector.broadcast %parallel_loop3A_473 : i32 to vector<16xi32>
      %parallel_loop3A_475 = arith.xori %parallel_loop3A_465, %parallel_loop3A_474 : vector<16xi32>
      %parallel_loop3A_476 = vector.shape_cast %parallel_loop3A_475 : vector<16xi32> to vector<16x1xi32>
      %parallel_loop3A_477 = vector.shape_cast %parallel_loop3A_476 : vector<16x1xi32> to vector<16xi32>
      %parallel_loop3A_478 = tpu.dynamic_gather %parallel_loop3A_464[%parallel_loop3A_477] in [0] : vector<16xf32>, vector<16xi32> -> vector<16xf32>
      %parallel_loop3A_479 = arith.addf %parallel_loop3A_464, %parallel_loop3A_478 : vector<16xf32>
      %parallel_loop3A_480 = arith.constant 8 : i32
      %parallel_loop3A_481 = vector.broadcast %parallel_loop3A_480 : i32 to vector<16xi32>
      %parallel_loop3A_482 = arith.cmpi slt, %parallel_loop3A_465, %parallel_loop3A_481 : vector<16xi32>
      %parallel_loop3A_483 = arith.select %parallel_loop3A_482, %parallel_loop3A_472, %parallel_loop3A_479 : vector<16xi1>, vector<16xf32>
      %parallel_loop3A_484 = arith.constant 1 : i32
      %parallel_loop3A_485 = vector.broadcast %parallel_loop3A_484 : i32 to vector<16xi32>
      %parallel_loop3A_486 = arith.xori %parallel_loop3A_465, %parallel_loop3A_485 : vector<16xi32>
      %parallel_loop3A_487 = vector.shape_cast %parallel_loop3A_486 : vector<16xi32> to vector<16x1xi32>
      %parallel_loop3A_488 = vector.shape_cast %parallel_loop3A_487 : vector<16x1xi32> to vector<16xi32>
      %parallel_loop3A_489 = tpu.dynamic_gather %parallel_loop3A_483[%parallel_loop3A_488] in [0] : vector<16xf32>, vector<16xi32> -> vector<16xf32>
      %parallel_loop3A_490 = arith.addf %parallel_loop3A_483, %parallel_loop3A_489 : vector<16xf32>
      %parallel_loop3A_491 = arith.constant 2 : i32
      %parallel_loop3A_492 = vector.broadcast %parallel_loop3A_491 : i32 to vector<16xi32>
      %parallel_loop3A_493 = arith.xori %parallel_loop3A_465, %parallel_loop3A_492 : vector<16xi32>
      %parallel_loop3A_494 = vector.shape_cast %parallel_loop3A_493 : vector<16xi32> to vector<16x1xi32>
      %parallel_loop3A_495 = vector.shape_cast %parallel_loop3A_494 : vector<16x1xi32> to vector<16xi32>
      %parallel_loop3A_496 = tpu.dynamic_gather %parallel_loop3A_490[%parallel_loop3A_495] in [0] : vector<16xf32>, vector<16xi32> -> vector<16xf32>
      %parallel_loop3A_497 = arith.addf %parallel_loop3A_490, %parallel_loop3A_496 : vector<16xf32>
      %parallel_loop3A_498 = arith.constant 4 : i32
      %parallel_loop3A_499 = vector.broadcast %parallel_loop3A_498 : i32 to vector<16xi32>
      %parallel_loop3A_500 = arith.xori %parallel_loop3A_465, %parallel_loop3A_499 : vector<16xi32>
      %parallel_loop3A_501 = vector.shape_cast %parallel_loop3A_500 : vector<16xi32> to vector<16x1xi32>
      %parallel_loop3A_502 = vector.shape_cast %parallel_loop3A_501 : vector<16x1xi32> to vector<16xi32>
      %parallel_loop3A_503 = tpu.dynamic_gather %parallel_loop3A_497[%parallel_loop3A_502] in [0] : vector<16xf32>, vector<16xi32> -> vector<16xf32>
      %parallel_loop3A_504 = arith.addf %parallel_loop3A_497, %parallel_loop3A_503 : vector<16xf32>
      %parallel_loop3A_505 = arith.constant 9.99999996E-13 : f32
      %parallel_loop3A_506 = vector.broadcast %parallel_loop3A_505 : f32 to vector<16xf32>
      %parallel_loop3A_507 = arith.maximumf %parallel_loop3A_504, %parallel_loop3A_506 : vector<16xf32>
      %parallel_loop3A_508 = tpu.bitcast %parallel_loop3A_507 : vector<16xf32> -> vector<16xi32>
      %parallel_loop3A_509 = arith.constant 1 : i32
      %parallel_loop3A_510 = vector.broadcast %parallel_loop3A_509 : i32 to vector<16xi32>
      %parallel_loop3A_511 = arith.shrui %parallel_loop3A_508, %parallel_loop3A_510 : vector<16xi32>
      %parallel_loop3A_512 = arith.constant 1597463007 : i32
      %parallel_loop3A_513 = vector.broadcast %parallel_loop3A_512 : i32 to vector<16xi32>
      %parallel_loop3A_514 = arith.subi %parallel_loop3A_513, %parallel_loop3A_511 : vector<16xi32>
      %parallel_loop3A_515 = tpu.bitcast %parallel_loop3A_514 : vector<16xi32> -> vector<16xf32>
      %parallel_loop3A_516 = arith.constant 5.000000e-01 : f32
      %parallel_loop3A_517 = vector.broadcast %parallel_loop3A_516 : f32 to vector<16xf32>
      %parallel_loop3A_518 = arith.mulf %parallel_loop3A_517, %parallel_loop3A_507 : vector<16xf32>
      %parallel_loop3A_519 = arith.mulf %parallel_loop3A_518, %parallel_loop3A_515 : vector<16xf32>
      %parallel_loop3A_520 = arith.mulf %parallel_loop3A_519, %parallel_loop3A_515 : vector<16xf32>
      %parallel_loop3A_521 = arith.constant 1.500000e+00 : f32
      %parallel_loop3A_522 = vector.broadcast %parallel_loop3A_521 : f32 to vector<16xf32>
      %parallel_loop3A_523 = arith.subf %parallel_loop3A_522, %parallel_loop3A_520 : vector<16xf32>
      %parallel_loop3A_524 = arith.mulf %parallel_loop3A_515, %parallel_loop3A_523 : vector<16xf32>
      %parallel_loop3A_525 = arith.constant 5.000000e-01 : f32
      %parallel_loop3A_526 = vector.broadcast %parallel_loop3A_525 : f32 to vector<16xf32>
      %parallel_loop3A_527 = arith.mulf %parallel_loop3A_526, %parallel_loop3A_507 : vector<16xf32>
      %parallel_loop3A_528 = arith.mulf %parallel_loop3A_527, %parallel_loop3A_524 : vector<16xf32>
      %parallel_loop3A_529 = arith.mulf %parallel_loop3A_528, %parallel_loop3A_524 : vector<16xf32>
      %parallel_loop3A_530 = arith.constant 1.500000e+00 : f32
      %parallel_loop3A_531 = vector.broadcast %parallel_loop3A_530 : f32 to vector<16xf32>
      %parallel_loop3A_532 = arith.subf %parallel_loop3A_531, %parallel_loop3A_529 : vector<16xf32>
      %parallel_loop3A_533 = arith.mulf %parallel_loop3A_524, %parallel_loop3A_532 : vector<16xf32>
      %parallel_loop3A_534 = arith.constant 0 : i32
      %parallel_loop3A_535 = vector.broadcast %parallel_loop3A_534 : i32 to vector<16xi32>
      %parallel_loop3A_536 = vector.shape_cast %parallel_loop3A_535 : vector<16xi32> to vector<16x1xi32>
      %parallel_loop3A_537 = vector.shape_cast %parallel_loop3A_536 : vector<16x1xi32> to vector<16xi32>
      %parallel_loop3A_538 = tpu.dynamic_gather %parallel_loop3A_533[%parallel_loop3A_537] in [0] : vector<16xf32>, vector<16xi32> -> vector<16xf32>
      %parallel_loop3A_539 = arith.constant 8 : i32
      %parallel_loop3A_540 = vector.broadcast %parallel_loop3A_539 : i32 to vector<16xi32>
      %parallel_loop3A_541 = vector.shape_cast %parallel_loop3A_540 : vector<16xi32> to vector<16x1xi32>
      %parallel_loop3A_542 = vector.shape_cast %parallel_loop3A_541 : vector<16x1xi32> to vector<16xi32>
      %parallel_loop3A_543 = tpu.dynamic_gather %parallel_loop3A_533[%parallel_loop3A_542] in [0] : vector<16xf32>, vector<16xi32> -> vector<16xf32>
      %parallel_loop3A_544 = arith.constant 0 : i32
      %parallel_loop3A_545 = arith.constant 0 : i32
      %parallel_loop3A_546 = tpu.memref_slice %arg9[%parallel_loop3A_213, %parallel_loop3A_544, %parallel_loop3A_545] : memref<2x128x128xf32, #tpu.memory_space<vmem>> -> memref<1x128x128xf32, #tpu.memory_space<vmem>>
      %parallel_loop3A_547 = tpu.memref_squeeze %parallel_loop3A_546 : memref<1x128x128xf32, #tpu.memory_space<vmem>> -> memref<128x128xf32, #tpu.memory_space<vmem>>
      %parallel_loop3A_548 = arith.index_cast %parallel_loop3A_300 : i32 to index
      %parallel_loop3A_549 = arith.constant 0 : index
      %parallel_loop3A_550 = tpu.vector_load %parallel_loop3A_547[%parallel_loop3A_548, %parallel_loop3A_549] {strides = array<i32>} : memref<128x128xf32, #tpu.memory_space<vmem>>, vector<1x16xf32>,
      %parallel_loop3A_551 = vector.shape_cast %parallel_loop3A_550 : vector<1x16xf32> to vector<16xf32>
      %parallel_loop3A_552 = arith.constant 0 : i32
      %parallel_loop3A_553 = arith.constant 0 : i32
      %parallel_loop3A_554 = tpu.memref_slice %arg10[%parallel_loop3A_214, %parallel_loop3A_552, %parallel_loop3A_553] : memref<2x128x128xf32, #tpu.memory_space<vmem>> -> memref<1x128x128xf32, #tpu.memory_space<vmem>>
      %parallel_loop3A_555 = tpu.memref_squeeze %parallel_loop3A_554 : memref<1x128x128xf32, #tpu.memory_space<vmem>> -> memref<128x128xf32, #tpu.memory_space<vmem>>
      %parallel_loop3A_556 = arith.index_cast %parallel_loop3A_300 : i32 to index
      %parallel_loop3A_557 = arith.constant 0 : index
      %parallel_loop3A_558 = tpu.vector_load %parallel_loop3A_555[%parallel_loop3A_556, %parallel_loop3A_557] {strides = array<i32>} : memref<128x128xf32, #tpu.memory_space<vmem>>, vector<1x16xf32>,
      %parallel_loop3A_559 = vector.shape_cast %parallel_loop3A_558 : vector<1x16xf32> to vector<16xf32>
      %parallel_loop3A_560 = arith.mulf %parallel_loop3A_551, %parallel_loop3A_538 : vector<16xf32>
      %parallel_loop3A_561 = arith.mulf %parallel_loop3A_559, %parallel_loop3A_543 : vector<16xf32>
      %parallel_loop3A_562 = arith.addf %parallel_loop3A_560, %parallel_loop3A_561 : vector<16xf32>
      %parallel_loop3A_563 = arith.constant 0 : i32
      %parallel_loop3A_564 = arith.constant 0 : i32
      %parallel_loop3A_565 = tpu.memref_slice %arg9[%parallel_loop3A_213, %parallel_loop3A_563, %parallel_loop3A_564] : memref<2x128x128xf32, #tpu.memory_space<vmem>> -> memref<1x128x128xf32, #tpu.memory_space<vmem>>
      %parallel_loop3A_566 = tpu.memref_squeeze %parallel_loop3A_565 : memref<1x128x128xf32, #tpu.memory_space<vmem>> -> memref<128x128xf32, #tpu.memory_space<vmem>>
      %parallel_loop3A_567 = arith.index_cast %parallel_loop3A_300 : i32 to index
      %parallel_loop3A_568 = arith.constant 0 : index
      %parallel_loop3A_569 = tpu.vector_load %parallel_loop3A_566[%parallel_loop3A_567, %parallel_loop3A_568] {strides = array<i32>} : memref<128x128xf32, #tpu.memory_space<vmem>>, vector<1x16xf32>,
      %parallel_loop3A_570 = vector.shape_cast %parallel_loop3A_569 : vector<1x16xf32> to vector<16xf32>
      %parallel_loop3A_571 = vector.shape_cast %parallel_loop3A_562 : vector<16xf32> to vector<1x16xf32>
      tpu.vector_store %parallel_loop3A_566[%parallel_loop3A_567, %parallel_loop3A_568], %parallel_loop3A_571 {strides = array<i32>} : memref<128x128xf32, #tpu.memory_space<vmem>>, vector<1x16xf32>,
      %parallel_loop3A_572 = arith.constant 0 : i32
      %parallel_loop3A_573 = arith.constant 0 : i32
      %parallel_loop3A_574 = tpu.memref_slice %arg9[%parallel_loop3A_213, %parallel_loop3A_572, %parallel_loop3A_573] : memref<2x128x128xf32, #tpu.memory_space<vmem>> -> memref<1x128x128xf32, #tpu.memory_space<vmem>>
      %parallel_loop3A_575 = tpu.memref_squeeze %parallel_loop3A_574 : memref<1x128x128xf32, #tpu.memory_space<vmem>> -> memref<128x128xf32, #tpu.memory_space<vmem>>
      %parallel_loop3A_576 = arith.index_cast %parallel_loop3A_300 : i32 to index
      %parallel_loop3A_577 = arith.constant 16 : index
      %parallel_loop3A_578 = tpu.vector_load %parallel_loop3A_575[%parallel_loop3A_576, %parallel_loop3A_577] {strides = array<i32>} : memref<128x128xf32, #tpu.memory_space<vmem>>, vector<1x16xf32>,
      %parallel_loop3A_579 = vector.shape_cast %parallel_loop3A_578 : vector<1x16xf32> to vector<16xf32>
      %parallel_loop3A_580 = arith.constant 0 : i32
      %parallel_loop3A_581 = arith.constant 0 : i32
      %parallel_loop3A_582 = tpu.memref_slice %arg10[%parallel_loop3A_214, %parallel_loop3A_580, %parallel_loop3A_581] : memref<2x128x128xf32, #tpu.memory_space<vmem>> -> memref<1x128x128xf32, #tpu.memory_space<vmem>>
      %parallel_loop3A_583 = tpu.memref_squeeze %parallel_loop3A_582 : memref<1x128x128xf32, #tpu.memory_space<vmem>> -> memref<128x128xf32, #tpu.memory_space<vmem>>
      %parallel_loop3A_584 = arith.index_cast %parallel_loop3A_300 : i32 to index
      %parallel_loop3A_585 = arith.constant 16 : index
      %parallel_loop3A_586 = tpu.vector_load %parallel_loop3A_583[%parallel_loop3A_584, %parallel_loop3A_585] {strides = array<i32>} : memref<128x128xf32, #tpu.memory_space<vmem>>, vector<1x16xf32>,
      %parallel_loop3A_587 = vector.shape_cast %parallel_loop3A_586 : vector<1x16xf32> to vector<16xf32>
      %parallel_loop3A_588 = arith.mulf %parallel_loop3A_579, %parallel_loop3A_538 : vector<16xf32>
      %parallel_loop3A_589 = arith.mulf %parallel_loop3A_587, %parallel_loop3A_543 : vector<16xf32>
      %parallel_loop3A_590 = arith.addf %parallel_loop3A_588, %parallel_loop3A_589 : vector<16xf32>
      %parallel_loop3A_591 = arith.constant 0 : i32
      %parallel_loop3A_592 = arith.constant 0 : i32
      %parallel_loop3A_593 = tpu.memref_slice %arg9[%parallel_loop3A_213, %parallel_loop3A_591, %parallel_loop3A_592] : memref<2x128x128xf32, #tpu.memory_space<vmem>> -> memref<1x128x128xf32, #tpu.memory_space<vmem>>
      %parallel_loop3A_594 = tpu.memref_squeeze %parallel_loop3A_593 : memref<1x128x128xf32, #tpu.memory_space<vmem>> -> memref<128x128xf32, #tpu.memory_space<vmem>>
      %parallel_loop3A_595 = arith.index_cast %parallel_loop3A_300 : i32 to index
      %parallel_loop3A_596 = arith.constant 16 : index
      %parallel_loop3A_597 = tpu.vector_load %parallel_loop3A_594[%parallel_loop3A_595, %parallel_loop3A_596] {strides = array<i32>} : memref<128x128xf32, #tpu.memory_space<vmem>>, vector<1x16xf32>,
      %parallel_loop3A_598 = vector.shape_cast %parallel_loop3A_597 : vector<1x16xf32> to vector<16xf32>
      %parallel_loop3A_599 = vector.shape_cast %parallel_loop3A_590 : vector<16xf32> to vector<1x16xf32>
      tpu.vector_store %parallel_loop3A_594[%parallel_loop3A_595, %parallel_loop3A_596], %parallel_loop3A_599 {strides = array<i32>} : memref<128x128xf32, #tpu.memory_space<vmem>>, vector<1x16xf32>,
      %parallel_loop3A_600 = arith.constant 0 : i32
      %parallel_loop3A_601 = arith.constant 0 : i32
      %parallel_loop3A_602 = tpu.memref_slice %arg9[%parallel_loop3A_213, %parallel_loop3A_600, %parallel_loop3A_601] : memref<2x128x128xf32, #tpu.memory_space<vmem>> -> memref<1x128x128xf32, #tpu.memory_space<vmem>>
      %parallel_loop3A_603 = tpu.memref_squeeze %parallel_loop3A_602 : memref<1x128x128xf32, #tpu.memory_space<vmem>> -> memref<128x128xf32, #tpu.memory_space<vmem>>
      %parallel_loop3A_604 = arith.index_cast %parallel_loop3A_300 : i32 to index
      %parallel_loop3A_605 = arith.constant 32 : index
      %parallel_loop3A_606 = tpu.vector_load %parallel_loop3A_603[%parallel_loop3A_604, %parallel_loop3A_605] {strides = array<i32>} : memref<128x128xf32, #tpu.memory_space<vmem>>, vector<1x16xf32>,
      %parallel_loop3A_607 = vector.shape_cast %parallel_loop3A_606 : vector<1x16xf32> to vector<16xf32>
      %parallel_loop3A_608 = arith.constant 0 : i32
      %parallel_loop3A_609 = arith.constant 0 : i32
      %parallel_loop3A_610 = tpu.memref_slice %arg10[%parallel_loop3A_214, %parallel_loop3A_608, %parallel_loop3A_609] : memref<2x128x128xf32, #tpu.memory_space<vmem>> -> memref<1x128x128xf32, #tpu.memory_space<vmem>>
      %parallel_loop3A_611 = tpu.memref_squeeze %parallel_loop3A_610 : memref<1x128x128xf32, #tpu.memory_space<vmem>> -> memref<128x128xf32, #tpu.memory_space<vmem>>
      %parallel_loop3A_612 = arith.index_cast %parallel_loop3A_300 : i32 to index
      %parallel_loop3A_613 = arith.constant 32 : index
      %parallel_loop3A_614 = tpu.vector_load %parallel_loop3A_611[%parallel_loop3A_612, %parallel_loop3A_613] {strides = array<i32>} : memref<128x128xf32, #tpu.memory_space<vmem>>, vector<1x16xf32>,
      %parallel_loop3A_615 = vector.shape_cast %parallel_loop3A_614 : vector<1x16xf32> to vector<16xf32>
      %parallel_loop3A_616 = arith.mulf %parallel_loop3A_607, %parallel_loop3A_538 : vector<16xf32>
      %parallel_loop3A_617 = arith.mulf %parallel_loop3A_615, %parallel_loop3A_543 : vector<16xf32>
      %parallel_loop3A_618 = arith.addf %parallel_loop3A_616, %parallel_loop3A_617 : vector<16xf32>
      %parallel_loop3A_619 = arith.constant 0 : i32
      %parallel_loop3A_620 = arith.constant 0 : i32
      %parallel_loop3A_621 = tpu.memref_slice %arg9[%parallel_loop3A_213, %parallel_loop3A_619, %parallel_loop3A_620] : memref<2x128x128xf32, #tpu.memory_space<vmem>> -> memref<1x128x128xf32, #tpu.memory_space<vmem>>
      %parallel_loop3A_622 = tpu.memref_squeeze %parallel_loop3A_621 : memref<1x128x128xf32, #tpu.memory_space<vmem>> -> memref<128x128xf32, #tpu.memory_space<vmem>>
      %parallel_loop3A_623 = arith.index_cast %parallel_loop3A_300 : i32 to index
      %parallel_loop3A_624 = arith.constant 32 : index
      %parallel_loop3A_625 = tpu.vector_load %parallel_loop3A_622[%parallel_loop3A_623, %parallel_loop3A_624] {strides = array<i32>} : memref<128x128xf32, #tpu.memory_space<vmem>>, vector<1x16xf32>,
      %parallel_loop3A_626 = vector.shape_cast %parallel_loop3A_625 : vector<1x16xf32> to vector<16xf32>
      %parallel_loop3A_627 = vector.shape_cast %parallel_loop3A_618 : vector<16xf32> to vector<1x16xf32>
      tpu.vector_store %parallel_loop3A_622[%parallel_loop3A_623, %parallel_loop3A_624], %parallel_loop3A_627 {strides = array<i32>} : memref<128x128xf32, #tpu.memory_space<vmem>>, vector<1x16xf32>,
      %parallel_loop3A_628 = arith.constant 0 : i32
      %parallel_loop3A_629 = arith.constant 0 : i32
      %parallel_loop3A_630 = tpu.memref_slice %arg9[%parallel_loop3A_213, %parallel_loop3A_628, %parallel_loop3A_629] : memref<2x128x128xf32, #tpu.memory_space<vmem>> -> memref<1x128x128xf32, #tpu.memory_space<vmem>>
      %parallel_loop3A_631 = tpu.memref_squeeze %parallel_loop3A_630 : memref<1x128x128xf32, #tpu.memory_space<vmem>> -> memref<128x128xf32, #tpu.memory_space<vmem>>
      %parallel_loop3A_632 = arith.index_cast %parallel_loop3A_300 : i32 to index
      %parallel_loop3A_633 = arith.constant 48 : index
      %parallel_loop3A_634 = tpu.vector_load %parallel_loop3A_631[%parallel_loop3A_632, %parallel_loop3A_633] {strides = array<i32>} : memref<128x128xf32, #tpu.memory_space<vmem>>, vector<1x16xf32>,
      %parallel_loop3A_635 = vector.shape_cast %parallel_loop3A_634 : vector<1x16xf32> to vector<16xf32>
      %parallel_loop3A_636 = arith.constant 0 : i32
      %parallel_loop3A_637 = arith.constant 0 : i32
      %parallel_loop3A_638 = tpu.memref_slice %arg10[%parallel_loop3A_214, %parallel_loop3A_636, %parallel_loop3A_637] : memref<2x128x128xf32, #tpu.memory_space<vmem>> -> memref<1x128x128xf32, #tpu.memory_space<vmem>>
      %parallel_loop3A_639 = tpu.memref_squeeze %parallel_loop3A_638 : memref<1x128x128xf32, #tpu.memory_space<vmem>> -> memref<128x128xf32, #tpu.memory_space<vmem>>
      %parallel_loop3A_640 = arith.index_cast %parallel_loop3A_300 : i32 to index
      %parallel_loop3A_641 = arith.constant 48 : index
      %parallel_loop3A_642 = tpu.vector_load %parallel_loop3A_639[%parallel_loop3A_640, %parallel_loop3A_641] {strides = array<i32>} : memref<128x128xf32, #tpu.memory_space<vmem>>, vector<1x16xf32>,
      %parallel_loop3A_643 = vector.shape_cast %parallel_loop3A_642 : vector<1x16xf32> to vector<16xf32>
      %parallel_loop3A_644 = arith.mulf %parallel_loop3A_635, %parallel_loop3A_538 : vector<16xf32>
      %parallel_loop3A_645 = arith.mulf %parallel_loop3A_643, %parallel_loop3A_543 : vector<16xf32>
      %parallel_loop3A_646 = arith.addf %parallel_loop3A_644, %parallel_loop3A_645 : vector<16xf32>
      %parallel_loop3A_647 = arith.constant 0 : i32
      %parallel_loop3A_648 = arith.constant 0 : i32
      %parallel_loop3A_649 = tpu.memref_slice %arg9[%parallel_loop3A_213, %parallel_loop3A_647, %parallel_loop3A_648] : memref<2x128x128xf32, #tpu.memory_space<vmem>> -> memref<1x128x128xf32, #tpu.memory_space<vmem>>
      %parallel_loop3A_650 = tpu.memref_squeeze %parallel_loop3A_649 : memref<1x128x128xf32, #tpu.memory_space<vmem>> -> memref<128x128xf32, #tpu.memory_space<vmem>>
      %parallel_loop3A_651 = arith.index_cast %parallel_loop3A_300 : i32 to index
      %parallel_loop3A_652 = arith.constant 48 : index
      %parallel_loop3A_653 = tpu.vector_load %parallel_loop3A_650[%parallel_loop3A_651, %parallel_loop3A_652] {strides = array<i32>} : memref<128x128xf32, #tpu.memory_space<vmem>>, vector<1x16xf32>,
      %parallel_loop3A_654 = vector.shape_cast %parallel_loop3A_653 : vector<1x16xf32> to vector<16xf32>
      %parallel_loop3A_655 = vector.shape_cast %parallel_loop3A_646 : vector<16xf32> to vector<1x16xf32>
      tpu.vector_store %parallel_loop3A_650[%parallel_loop3A_651, %parallel_loop3A_652], %parallel_loop3A_655 {strides = array<i32>} : memref<128x128xf32, #tpu.memory_space<vmem>>, vector<1x16xf32>,
      %parallel_loop3A_656 = arith.constant 0 : i32
      %parallel_loop3A_657 = arith.constant 0 : i32
      %parallel_loop3A_658 = tpu.memref_slice %arg9[%parallel_loop3A_213, %parallel_loop3A_656, %parallel_loop3A_657] : memref<2x128x128xf32, #tpu.memory_space<vmem>> -> memref<1x128x128xf32, #tpu.memory_space<vmem>>
      %parallel_loop3A_659 = tpu.memref_squeeze %parallel_loop3A_658 : memref<1x128x128xf32, #tpu.memory_space<vmem>> -> memref<128x128xf32, #tpu.memory_space<vmem>>
      %parallel_loop3A_660 = arith.index_cast %parallel_loop3A_300 : i32 to index
      %parallel_loop3A_661 = arith.constant 64 : index
      %parallel_loop3A_662 = tpu.vector_load %parallel_loop3A_659[%parallel_loop3A_660, %parallel_loop3A_661] {strides = array<i32>} : memref<128x128xf32, #tpu.memory_space<vmem>>, vector<1x16xf32>,
      %parallel_loop3A_663 = vector.shape_cast %parallel_loop3A_662 : vector<1x16xf32> to vector<16xf32>
      %parallel_loop3A_664 = arith.constant 0 : i32
      %parallel_loop3A_665 = arith.constant 0 : i32
      %parallel_loop3A_666 = tpu.memref_slice %arg10[%parallel_loop3A_214, %parallel_loop3A_664, %parallel_loop3A_665] : memref<2x128x128xf32, #tpu.memory_space<vmem>> -> memref<1x128x128xf32, #tpu.memory_space<vmem>>
      %parallel_loop3A_667 = tpu.memref_squeeze %parallel_loop3A_666 : memref<1x128x128xf32, #tpu.memory_space<vmem>> -> memref<128x128xf32, #tpu.memory_space<vmem>>
      %parallel_loop3A_668 = arith.index_cast %parallel_loop3A_300 : i32 to index
      %parallel_loop3A_669 = arith.constant 64 : index
      %parallel_loop3A_670 = tpu.vector_load %parallel_loop3A_667[%parallel_loop3A_668, %parallel_loop3A_669] {strides = array<i32>} : memref<128x128xf32, #tpu.memory_space<vmem>>, vector<1x16xf32>,
      %parallel_loop3A_671 = vector.shape_cast %parallel_loop3A_670 : vector<1x16xf32> to vector<16xf32>
      %parallel_loop3A_672 = arith.mulf %parallel_loop3A_663, %parallel_loop3A_538 : vector<16xf32>
      %parallel_loop3A_673 = arith.mulf %parallel_loop3A_671, %parallel_loop3A_543 : vector<16xf32>
      %parallel_loop3A_674 = arith.addf %parallel_loop3A_672, %parallel_loop3A_673 : vector<16xf32>
      %parallel_loop3A_675 = arith.constant 0 : i32
      %parallel_loop3A_676 = arith.constant 0 : i32
      %parallel_loop3A_677 = tpu.memref_slice %arg9[%parallel_loop3A_213, %parallel_loop3A_675, %parallel_loop3A_676] : memref<2x128x128xf32, #tpu.memory_space<vmem>> -> memref<1x128x128xf32, #tpu.memory_space<vmem>>
      %parallel_loop3A_678 = tpu.memref_squeeze %parallel_loop3A_677 : memref<1x128x128xf32, #tpu.memory_space<vmem>> -> memref<128x128xf32, #tpu.memory_space<vmem>>
      %parallel_loop3A_679 = arith.index_cast %parallel_loop3A_300 : i32 to index
      %parallel_loop3A_680 = arith.constant 64 : index
      %parallel_loop3A_681 = tpu.vector_load %parallel_loop3A_678[%parallel_loop3A_679, %parallel_loop3A_680] {strides = array<i32>} : memref<128x128xf32, #tpu.memory_space<vmem>>, vector<1x16xf32>,
      %parallel_loop3A_682 = vector.shape_cast %parallel_loop3A_681 : vector<1x16xf32> to vector<16xf32>
      %parallel_loop3A_683 = vector.shape_cast %parallel_loop3A_674 : vector<16xf32> to vector<1x16xf32>
      tpu.vector_store %parallel_loop3A_678[%parallel_loop3A_679, %parallel_loop3A_680], %parallel_loop3A_683 {strides = array<i32>} : memref<128x128xf32, #tpu.memory_space<vmem>>, vector<1x16xf32>,
      %parallel_loop3A_684 = arith.constant 0 : i32
      %parallel_loop3A_685 = arith.constant 0 : i32
      %parallel_loop3A_686 = tpu.memref_slice %arg9[%parallel_loop3A_213, %parallel_loop3A_684, %parallel_loop3A_685] : memref<2x128x128xf32, #tpu.memory_space<vmem>> -> memref<1x128x128xf32, #tpu.memory_space<vmem>>
      %parallel_loop3A_687 = tpu.memref_squeeze %parallel_loop3A_686 : memref<1x128x128xf32, #tpu.memory_space<vmem>> -> memref<128x128xf32, #tpu.memory_space<vmem>>
      %parallel_loop3A_688 = arith.index_cast %parallel_loop3A_300 : i32 to index
      %parallel_loop3A_689 = arith.constant 80 : index
      %parallel_loop3A_690 = tpu.vector_load %parallel_loop3A_687[%parallel_loop3A_688, %parallel_loop3A_689] {strides = array<i32>} : memref<128x128xf32, #tpu.memory_space<vmem>>, vector<1x16xf32>,
      %parallel_loop3A_691 = vector.shape_cast %parallel_loop3A_690 : vector<1x16xf32> to vector<16xf32>
      %parallel_loop3A_692 = arith.constant 0 : i32
      %parallel_loop3A_693 = arith.constant 0 : i32
      %parallel_loop3A_694 = tpu.memref_slice %arg10[%parallel_loop3A_214, %parallel_loop3A_692, %parallel_loop3A_693] : memref<2x128x128xf32, #tpu.memory_space<vmem>> -> memref<1x128x128xf32, #tpu.memory_space<vmem>>
      %parallel_loop3A_695 = tpu.memref_squeeze %parallel_loop3A_694 : memref<1x128x128xf32, #tpu.memory_space<vmem>> -> memref<128x128xf32, #tpu.memory_space<vmem>>
      %parallel_loop3A_696 = arith.index_cast %parallel_loop3A_300 : i32 to index
      %parallel_loop3A_697 = arith.constant 80 : index
      %parallel_loop3A_698 = tpu.vector_load %parallel_loop3A_695[%parallel_loop3A_696, %parallel_loop3A_697] {strides = array<i32>} : memref<128x128xf32, #tpu.memory_space<vmem>>, vector<1x16xf32>,
      %parallel_loop3A_699 = vector.shape_cast %parallel_loop3A_698 : vector<1x16xf32> to vector<16xf32>
      %parallel_loop3A_700 = arith.mulf %parallel_loop3A_691, %parallel_loop3A_538 : vector<16xf32>
      %parallel_loop3A_701 = arith.mulf %parallel_loop3A_699, %parallel_loop3A_543 : vector<16xf32>
      %parallel_loop3A_702 = arith.addf %parallel_loop3A_700, %parallel_loop3A_701 : vector<16xf32>
      %parallel_loop3A_703 = arith.constant 0 : i32
      %parallel_loop3A_704 = arith.constant 0 : i32
      %parallel_loop3A_705 = tpu.memref_slice %arg9[%parallel_loop3A_213, %parallel_loop3A_703, %parallel_loop3A_704] : memref<2x128x128xf32, #tpu.memory_space<vmem>> -> memref<1x128x128xf32, #tpu.memory_space<vmem>>
      %parallel_loop3A_706 = tpu.memref_squeeze %parallel_loop3A_705 : memref<1x128x128xf32, #tpu.memory_space<vmem>> -> memref<128x128xf32, #tpu.memory_space<vmem>>
      %parallel_loop3A_707 = arith.index_cast %parallel_loop3A_300 : i32 to index
      %parallel_loop3A_708 = arith.constant 80 : index
      %parallel_loop3A_709 = tpu.vector_load %parallel_loop3A_706[%parallel_loop3A_707, %parallel_loop3A_708] {strides = array<i32>} : memref<128x128xf32, #tpu.memory_space<vmem>>, vector<1x16xf32>,
      %parallel_loop3A_710 = vector.shape_cast %parallel_loop3A_709 : vector<1x16xf32> to vector<16xf32>
      %parallel_loop3A_711 = vector.shape_cast %parallel_loop3A_702 : vector<16xf32> to vector<1x16xf32>
      tpu.vector_store %parallel_loop3A_706[%parallel_loop3A_707, %parallel_loop3A_708], %parallel_loop3A_711 {strides = array<i32>} : memref<128x128xf32, #tpu.memory_space<vmem>>, vector<1x16xf32>,
      %parallel_loop3A_712 = arith.constant 0 : i32
      %parallel_loop3A_713 = arith.constant 0 : i32
      %parallel_loop3A_714 = tpu.memref_slice %arg9[%parallel_loop3A_213, %parallel_loop3A_712, %parallel_loop3A_713] : memref<2x128x128xf32, #tpu.memory_space<vmem>> -> memref<1x128x128xf32, #tpu.memory_space<vmem>>
      %parallel_loop3A_715 = tpu.memref_squeeze %parallel_loop3A_714 : memref<1x128x128xf32, #tpu.memory_space<vmem>> -> memref<128x128xf32, #tpu.memory_space<vmem>>
      %parallel_loop3A_716 = arith.index_cast %parallel_loop3A_300 : i32 to index
      %parallel_loop3A_717 = arith.constant 96 : index
      %parallel_loop3A_718 = tpu.vector_load %parallel_loop3A_715[%parallel_loop3A_716, %parallel_loop3A_717] {strides = array<i32>} : memref<128x128xf32, #tpu.memory_space<vmem>>, vector<1x16xf32>,
      %parallel_loop3A_719 = vector.shape_cast %parallel_loop3A_718 : vector<1x16xf32> to vector<16xf32>
      %parallel_loop3A_720 = arith.constant 0 : i32
      %parallel_loop3A_721 = arith.constant 0 : i32
      %parallel_loop3A_722 = tpu.memref_slice %arg10[%parallel_loop3A_214, %parallel_loop3A_720, %parallel_loop3A_721] : memref<2x128x128xf32, #tpu.memory_space<vmem>> -> memref<1x128x128xf32, #tpu.memory_space<vmem>>
      %parallel_loop3A_723 = tpu.memref_squeeze %parallel_loop3A_722 : memref<1x128x128xf32, #tpu.memory_space<vmem>> -> memref<128x128xf32, #tpu.memory_space<vmem>>
      %parallel_loop3A_724 = arith.index_cast %parallel_loop3A_300 : i32 to index
      %parallel_loop3A_725 = arith.constant 96 : index
      %parallel_loop3A_726 = tpu.vector_load %parallel_loop3A_723[%parallel_loop3A_724, %parallel_loop3A_725] {strides = array<i32>} : memref<128x128xf32, #tpu.memory_space<vmem>>, vector<1x16xf32>,
      %parallel_loop3A_727 = vector.shape_cast %parallel_loop3A_726 : vector<1x16xf32> to vector<16xf32>
      %parallel_loop3A_728 = arith.mulf %parallel_loop3A_719, %parallel_loop3A_538 : vector<16xf32>
      %parallel_loop3A_729 = arith.mulf %parallel_loop3A_727, %parallel_loop3A_543 : vector<16xf32>
      %parallel_loop3A_730 = arith.addf %parallel_loop3A_728, %parallel_loop3A_729 : vector<16xf32>
      %parallel_loop3A_731 = arith.constant 0 : i32
      %parallel_loop3A_732 = arith.constant 0 : i32
      %parallel_loop3A_733 = tpu.memref_slice %arg9[%parallel_loop3A_213, %parallel_loop3A_731, %parallel_loop3A_732] : memref<2x128x128xf32, #tpu.memory_space<vmem>> -> memref<1x128x128xf32, #tpu.memory_space<vmem>>
      %parallel_loop3A_734 = tpu.memref_squeeze %parallel_loop3A_733 : memref<1x128x128xf32, #tpu.memory_space<vmem>> -> memref<128x128xf32, #tpu.memory_space<vmem>>
      %parallel_loop3A_735 = arith.index_cast %parallel_loop3A_300 : i32 to index
      %parallel_loop3A_736 = arith.constant 96 : index
      %parallel_loop3A_737 = tpu.vector_load %parallel_loop3A_734[%parallel_loop3A_735, %parallel_loop3A_736] {strides = array<i32>} : memref<128x128xf32, #tpu.memory_space<vmem>>, vector<1x16xf32>,
      %parallel_loop3A_738 = vector.shape_cast %parallel_loop3A_737 : vector<1x16xf32> to vector<16xf32>
      %parallel_loop3A_739 = vector.shape_cast %parallel_loop3A_730 : vector<16xf32> to vector<1x16xf32>
      tpu.vector_store %parallel_loop3A_734[%parallel_loop3A_735, %parallel_loop3A_736], %parallel_loop3A_739 {strides = array<i32>} : memref<128x128xf32, #tpu.memory_space<vmem>>, vector<1x16xf32>,
      %parallel_loop3A_740 = arith.constant 0 : i32
      %parallel_loop3A_741 = arith.constant 0 : i32
      %parallel_loop3A_742 = tpu.memref_slice %arg9[%parallel_loop3A_213, %parallel_loop3A_740, %parallel_loop3A_741] : memref<2x128x128xf32, #tpu.memory_space<vmem>> -> memref<1x128x128xf32, #tpu.memory_space<vmem>>
      %parallel_loop3A_743 = tpu.memref_squeeze %parallel_loop3A_742 : memref<1x128x128xf32, #tpu.memory_space<vmem>> -> memref<128x128xf32, #tpu.memory_space<vmem>>
      %parallel_loop3A_744 = arith.index_cast %parallel_loop3A_300 : i32 to index
      %parallel_loop3A_745 = arith.constant 112 : index
      %parallel_loop3A_746 = tpu.vector_load %parallel_loop3A_743[%parallel_loop3A_744, %parallel_loop3A_745] {strides = array<i32>} : memref<128x128xf32, #tpu.memory_space<vmem>>, vector<1x16xf32>,
      %parallel_loop3A_747 = vector.shape_cast %parallel_loop3A_746 : vector<1x16xf32> to vector<16xf32>
      %parallel_loop3A_748 = arith.constant 0 : i32
      %parallel_loop3A_749 = arith.constant 0 : i32
      %parallel_loop3A_750 = tpu.memref_slice %arg10[%parallel_loop3A_214, %parallel_loop3A_748, %parallel_loop3A_749] : memref<2x128x128xf32, #tpu.memory_space<vmem>> -> memref<1x128x128xf32, #tpu.memory_space<vmem>>
      %parallel_loop3A_751 = tpu.memref_squeeze %parallel_loop3A_750 : memref<1x128x128xf32, #tpu.memory_space<vmem>> -> memref<128x128xf32, #tpu.memory_space<vmem>>
      %parallel_loop3A_752 = arith.index_cast %parallel_loop3A_300 : i32 to index
      %parallel_loop3A_753 = arith.constant 112 : index
      %parallel_loop3A_754 = tpu.vector_load %parallel_loop3A_751[%parallel_loop3A_752, %parallel_loop3A_753] {strides = array<i32>} : memref<128x128xf32, #tpu.memory_space<vmem>>, vector<1x16xf32>,
      %parallel_loop3A_755 = vector.shape_cast %parallel_loop3A_754 : vector<1x16xf32> to vector<16xf32>
      %parallel_loop3A_756 = arith.mulf %parallel_loop3A_747, %parallel_loop3A_538 : vector<16xf32>
      %parallel_loop3A_757 = arith.mulf %parallel_loop3A_755, %parallel_loop3A_543 : vector<16xf32>
      %parallel_loop3A_758 = arith.addf %parallel_loop3A_756, %parallel_loop3A_757 : vector<16xf32>
      %parallel_loop3A_759 = arith.constant 0 : i32
      %parallel_loop3A_760 = arith.constant 0 : i32
      %parallel_loop3A_761 = tpu.memref_slice %arg9[%parallel_loop3A_213, %parallel_loop3A_759, %parallel_loop3A_760] : memref<2x128x128xf32, #tpu.memory_space<vmem>> -> memref<1x128x128xf32, #tpu.memory_space<vmem>>
      %parallel_loop3A_762 = tpu.memref_squeeze %parallel_loop3A_761 : memref<1x128x128xf32, #tpu.memory_space<vmem>> -> memref<128x128xf32, #tpu.memory_space<vmem>>
      %parallel_loop3A_763 = arith.index_cast %parallel_loop3A_300 : i32 to index
      %parallel_loop3A_764 = arith.constant 112 : index
      %parallel_loop3A_765 = tpu.vector_load %parallel_loop3A_762[%parallel_loop3A_763, %parallel_loop3A_764] {strides = array<i32>} : memref<128x128xf32, #tpu.memory_space<vmem>>, vector<1x16xf32>,
      %parallel_loop3A_766 = vector.shape_cast %parallel_loop3A_765 : vector<1x16xf32> to vector<16xf32>
      %parallel_loop3A_767 = vector.shape_cast %parallel_loop3A_758 : vector<16xf32> to vector<1x16xf32>
      tpu.vector_store %parallel_loop3A_762[%parallel_loop3A_763, %parallel_loop3A_764], %parallel_loop3A_767 {strides = array<i32>} : memref<128x128xf32, #tpu.memory_space<vmem>>, vector<1x16xf32>,
    } {sc.loop_unroll_factor = 2 : i64, sc.parallel_access}
    %add3A_215 = arith.constant 256 : i32
    %add3A_216 = arith.addi %mul3A_2, %add3A_215 : i32
    %dma_start3A_217 = arith.constant 0 : i32
    %dma_start3A_218 = arith.constant 0 : i32
    %dma_start3A_219 = arith.constant 0 : i32
    %dma_start3A_220 = tpu.memref_slice %arg9[%dma_start3A_217, %dma_start3A_218, %dma_start3A_219] : memref<2x128x128xf32, #tpu.memory_space<vmem>> -> memref<1x128x128xf32, #tpu.memory_space<vmem>>
    %dma_start3A_221 = tpu.memref_squeeze %dma_start3A_220 : memref<1x128x128xf32, #tpu.memory_space<vmem>> -> memref<128x128xf32, #tpu.memory_space<vmem>>
    %dma_start3A_222 = arith.constant 0 : i32
    %dma_start3A_223 = tpu.memref_slice %arg6[%add3A_216, %dma_start3A_222] : memref<16384x128xf32, #tpu.memory_space<hbm>> -> memref<128x128xf32, #tpu.memory_space<hbm>>
    %dma_start3A_224 = arith.constant 0 : i32
    %dma_start3A_225 = tpu.memref_slice %arg6[%add3A_216, %dma_start3A_224] : memref<16384x128xf32, #tpu.memory_space<hbm>> -> memref<128x128xf32, #tpu.memory_space<hbm>>
    %dma_start3A_226 = arith.constant 0 : i32
    %dma_start3A_227 = arith.constant 0 : i32
    %dma_start3A_228 = tpu.memref_slice %arg9[%dma_start3A_217, %dma_start3A_226, %dma_start3A_227] : memref<2x128x128xf32, #tpu.memory_space<vmem>> -> memref<1x128x128xf32, #tpu.memory_space<vmem>>
    %dma_start3A_229 = tpu.memref_squeeze %dma_start3A_228 : memref<1x128x128xf32, #tpu.memory_space<vmem>> -> memref<128x128xf32, #tpu.memory_space<vmem>>
    tpu.enqueue_dma source(%dma_start3A_229 : memref<128x128xf32, #tpu.memory_space<vmem>>) target(%dma_start3A_225 : memref<128x128xf32, #tpu.memory_space<hbm>>) target_semaphore(%arg13 : memref<!tpu.dma_semaphore, #tpu.memory_space<semaphore_mem>>)
    %dma_wait3A_230 = arith.constant 1 : i32
    %dma_wait3A_231 = arith.constant 0 : i32
    %dma_wait3A_232 = arith.constant 0 : i32
    %dma_wait3A_233 = tpu.memref_slice %arg9[%dma_wait3A_230, %dma_wait3A_231, %dma_wait3A_232] : memref<2x128x128xf32, #tpu.memory_space<vmem>> -> memref<1x128x128xf32, #tpu.memory_space<vmem>>
    %dma_wait3A_234 = tpu.memref_squeeze %dma_wait3A_233 : memref<1x128x128xf32, #tpu.memory_space<vmem>> -> memref<128x128xf32, #tpu.memory_space<vmem>>
    %dma_wait3A_235 = arith.constant 384 : i32
    %dma_wait3A_236 = tpu.memref_slice %arg7[%dma_wait3A_235] : memref<512xi32, #tpu.memory_space<vmem>> -> memref<128xi32, #tpu.memory_space<vmem>>
    %dma_wait3A_237 = arith.constant 0 : i32
    %dma_wait3A_238 = arith.constant 0 : i32
    %dma_wait3A_239 = tpu.memref_slice %arg4[%dma_wait3A_237, %dma_wait3A_238] : memref<100000x128xf32, #tpu.memory_space<hbm>> -> memref<100000x128xf32, #tpu.memory_space<hbm>>
    tpu.wait_indirect_dma semaphore(%arg12 : memref<!tpu.dma_semaphore, #tpu.memory_space<semaphore_mem>>) src(%dma_wait3A_239 : memref<100000x128xf32, #tpu.memory_space<hbm>>) dst(%dma_wait3A_234 : memref<128x128xf32, #tpu.memory_space<vmem>>)
    %dma_wait3A_240 = arith.constant 1 : i32
    %dma_wait3A_241 = arith.constant 0 : i32
    %dma_wait3A_242 = arith.constant 0 : i32
    %dma_wait3A_243 = tpu.memref_slice %arg10[%dma_wait3A_240, %dma_wait3A_241, %dma_wait3A_242] : memref<2x128x128xf32, #tpu.memory_space<vmem>> -> memref<1x128x128xf32, #tpu.memory_space<vmem>>
    %dma_wait3A_244 = tpu.memref_squeeze %dma_wait3A_243 : memref<1x128x128xf32, #tpu.memory_space<vmem>> -> memref<128x128xf32, #tpu.memory_space<vmem>>
    %dma_wait3A_245 = arith.constant 384 : i32
    %dma_wait3A_246 = tpu.memref_slice %arg8[%dma_wait3A_245] : memref<512xi32, #tpu.memory_space<vmem>> -> memref<128xi32, #tpu.memory_space<vmem>>
    %dma_wait3A_247 = arith.constant 0 : i32
    %dma_wait3A_248 = arith.constant 0 : i32
    %dma_wait3A_249 = tpu.memref_slice %arg5[%dma_wait3A_247, %dma_wait3A_248] : memref<1000x128xf32, #tpu.memory_space<hbm>> -> memref<1000x128xf32, #tpu.memory_space<hbm>>
    tpu.wait_indirect_dma semaphore(%arg12 : memref<!tpu.dma_semaphore, #tpu.memory_space<semaphore_mem>>) src(%dma_wait3A_249 : memref<1000x128xf32, #tpu.memory_space<hbm>>) dst(%dma_wait3A_244 : memref<128x128xf32, #tpu.memory_space<vmem>>)
    %parallel_loop3A_250 = arith.constant 0 : i32
    %parallel_loop3A_251 = arith.constant 128 : i32
    %parallel_loop3A_252 = arith.constant 1 : i32
    %parallel_loop3A_253 = arith.constant 1 : i32
    %parallel_loop3A_254 = arith.constant 1 : i32
    scf.for %parallel_loop3A_300 = %parallel_loop3A_250 to %parallel_loop3A_251 step %parallel_loop3A_252  : i32 {
      %parallel_loop3A_301 = arith.constant 0.000000e+00 : f32
      %parallel_loop3A_302 = vector.broadcast %parallel_loop3A_301 : f32 to vector<16xf32>
      %parallel_loop3A_303 = arith.constant 0.000000e+00 : f32
      %parallel_loop3A_304 = vector.broadcast %parallel_loop3A_303 : f32 to vector<16xf32>
      %parallel_loop3A_305 = arith.constant 0 : i32
      %parallel_loop3A_306 = arith.constant 0 : i32
      %parallel_loop3A_307 = tpu.memref_slice %arg9[%parallel_loop3A_253, %parallel_loop3A_305, %parallel_loop3A_306] : memref<2x128x128xf32, #tpu.memory_space<vmem>> -> memref<1x128x128xf32, #tpu.memory_space<vmem>>
      %parallel_loop3A_308 = tpu.memref_squeeze %parallel_loop3A_307 : memref<1x128x128xf32, #tpu.memory_space<vmem>> -> memref<128x128xf32, #tpu.memory_space<vmem>>
      %parallel_loop3A_309 = arith.index_cast %parallel_loop3A_300 : i32 to index
      %parallel_loop3A_310 = arith.constant 0 : index
      %parallel_loop3A_311 = tpu.vector_load %parallel_loop3A_308[%parallel_loop3A_309, %parallel_loop3A_310] {strides = array<i32>} : memref<128x128xf32, #tpu.memory_space<vmem>>, vector<1x16xf32>,
      %parallel_loop3A_312 = vector.shape_cast %parallel_loop3A_311 : vector<1x16xf32> to vector<16xf32>
      %parallel_loop3A_313 = arith.constant 0 : i32
      %parallel_loop3A_314 = arith.constant 0 : i32
      %parallel_loop3A_315 = tpu.memref_slice %arg10[%parallel_loop3A_254, %parallel_loop3A_313, %parallel_loop3A_314] : memref<2x128x128xf32, #tpu.memory_space<vmem>> -> memref<1x128x128xf32, #tpu.memory_space<vmem>>
      %parallel_loop3A_316 = tpu.memref_squeeze %parallel_loop3A_315 : memref<1x128x128xf32, #tpu.memory_space<vmem>> -> memref<128x128xf32, #tpu.memory_space<vmem>>
      %parallel_loop3A_317 = arith.index_cast %parallel_loop3A_300 : i32 to index
      %parallel_loop3A_318 = arith.constant 0 : index
      %parallel_loop3A_319 = tpu.vector_load %parallel_loop3A_316[%parallel_loop3A_317, %parallel_loop3A_318] {strides = array<i32>} : memref<128x128xf32, #tpu.memory_space<vmem>>, vector<1x16xf32>,
      %parallel_loop3A_320 = vector.shape_cast %parallel_loop3A_319 : vector<1x16xf32> to vector<16xf32>
      %parallel_loop3A_321 = arith.mulf %parallel_loop3A_312, %parallel_loop3A_312 : vector<16xf32>
      %parallel_loop3A_322 = arith.addf %parallel_loop3A_302, %parallel_loop3A_321 : vector<16xf32>
      %parallel_loop3A_323 = arith.mulf %parallel_loop3A_320, %parallel_loop3A_320 : vector<16xf32>
      %parallel_loop3A_324 = arith.addf %parallel_loop3A_304, %parallel_loop3A_323 : vector<16xf32>
      %parallel_loop3A_325 = arith.constant 0 : i32
      %parallel_loop3A_326 = arith.constant 0 : i32
      %parallel_loop3A_327 = tpu.memref_slice %arg9[%parallel_loop3A_253, %parallel_loop3A_325, %parallel_loop3A_326] : memref<2x128x128xf32, #tpu.memory_space<vmem>> -> memref<1x128x128xf32, #tpu.memory_space<vmem>>
      %parallel_loop3A_328 = tpu.memref_squeeze %parallel_loop3A_327 : memref<1x128x128xf32, #tpu.memory_space<vmem>> -> memref<128x128xf32, #tpu.memory_space<vmem>>
      %parallel_loop3A_329 = arith.index_cast %parallel_loop3A_300 : i32 to index
      %parallel_loop3A_330 = arith.constant 16 : index
      %parallel_loop3A_331 = tpu.vector_load %parallel_loop3A_328[%parallel_loop3A_329, %parallel_loop3A_330] {strides = array<i32>} : memref<128x128xf32, #tpu.memory_space<vmem>>, vector<1x16xf32>,
      %parallel_loop3A_332 = vector.shape_cast %parallel_loop3A_331 : vector<1x16xf32> to vector<16xf32>
      %parallel_loop3A_333 = arith.constant 0 : i32
      %parallel_loop3A_334 = arith.constant 0 : i32
      %parallel_loop3A_335 = tpu.memref_slice %arg10[%parallel_loop3A_254, %parallel_loop3A_333, %parallel_loop3A_334] : memref<2x128x128xf32, #tpu.memory_space<vmem>> -> memref<1x128x128xf32, #tpu.memory_space<vmem>>
      %parallel_loop3A_336 = tpu.memref_squeeze %parallel_loop3A_335 : memref<1x128x128xf32, #tpu.memory_space<vmem>> -> memref<128x128xf32, #tpu.memory_space<vmem>>
      %parallel_loop3A_337 = arith.index_cast %parallel_loop3A_300 : i32 to index
      %parallel_loop3A_338 = arith.constant 16 : index
      %parallel_loop3A_339 = tpu.vector_load %parallel_loop3A_336[%parallel_loop3A_337, %parallel_loop3A_338] {strides = array<i32>} : memref<128x128xf32, #tpu.memory_space<vmem>>, vector<1x16xf32>,
      %parallel_loop3A_340 = vector.shape_cast %parallel_loop3A_339 : vector<1x16xf32> to vector<16xf32>
      %parallel_loop3A_341 = arith.mulf %parallel_loop3A_332, %parallel_loop3A_332 : vector<16xf32>
      %parallel_loop3A_342 = arith.addf %parallel_loop3A_322, %parallel_loop3A_341 : vector<16xf32>
      %parallel_loop3A_343 = arith.mulf %parallel_loop3A_340, %parallel_loop3A_340 : vector<16xf32>
      %parallel_loop3A_344 = arith.addf %parallel_loop3A_324, %parallel_loop3A_343 : vector<16xf32>
      %parallel_loop3A_345 = arith.constant 0 : i32
      %parallel_loop3A_346 = arith.constant 0 : i32
      %parallel_loop3A_347 = tpu.memref_slice %arg9[%parallel_loop3A_253, %parallel_loop3A_345, %parallel_loop3A_346] : memref<2x128x128xf32, #tpu.memory_space<vmem>> -> memref<1x128x128xf32, #tpu.memory_space<vmem>>
      %parallel_loop3A_348 = tpu.memref_squeeze %parallel_loop3A_347 : memref<1x128x128xf32, #tpu.memory_space<vmem>> -> memref<128x128xf32, #tpu.memory_space<vmem>>
      %parallel_loop3A_349 = arith.index_cast %parallel_loop3A_300 : i32 to index
      %parallel_loop3A_350 = arith.constant 32 : index
      %parallel_loop3A_351 = tpu.vector_load %parallel_loop3A_348[%parallel_loop3A_349, %parallel_loop3A_350] {strides = array<i32>} : memref<128x128xf32, #tpu.memory_space<vmem>>, vector<1x16xf32>,
      %parallel_loop3A_352 = vector.shape_cast %parallel_loop3A_351 : vector<1x16xf32> to vector<16xf32>
      %parallel_loop3A_353 = arith.constant 0 : i32
      %parallel_loop3A_354 = arith.constant 0 : i32
      %parallel_loop3A_355 = tpu.memref_slice %arg10[%parallel_loop3A_254, %parallel_loop3A_353, %parallel_loop3A_354] : memref<2x128x128xf32, #tpu.memory_space<vmem>> -> memref<1x128x128xf32, #tpu.memory_space<vmem>>
      %parallel_loop3A_356 = tpu.memref_squeeze %parallel_loop3A_355 : memref<1x128x128xf32, #tpu.memory_space<vmem>> -> memref<128x128xf32, #tpu.memory_space<vmem>>
      %parallel_loop3A_357 = arith.index_cast %parallel_loop3A_300 : i32 to index
      %parallel_loop3A_358 = arith.constant 32 : index
      %parallel_loop3A_359 = tpu.vector_load %parallel_loop3A_356[%parallel_loop3A_357, %parallel_loop3A_358] {strides = array<i32>} : memref<128x128xf32, #tpu.memory_space<vmem>>, vector<1x16xf32>,
      %parallel_loop3A_360 = vector.shape_cast %parallel_loop3A_359 : vector<1x16xf32> to vector<16xf32>
      %parallel_loop3A_361 = arith.mulf %parallel_loop3A_352, %parallel_loop3A_352 : vector<16xf32>
      %parallel_loop3A_362 = arith.addf %parallel_loop3A_342, %parallel_loop3A_361 : vector<16xf32>
      %parallel_loop3A_363 = arith.mulf %parallel_loop3A_360, %parallel_loop3A_360 : vector<16xf32>
      %parallel_loop3A_364 = arith.addf %parallel_loop3A_344, %parallel_loop3A_363 : vector<16xf32>
      %parallel_loop3A_365 = arith.constant 0 : i32
      %parallel_loop3A_366 = arith.constant 0 : i32
      %parallel_loop3A_367 = tpu.memref_slice %arg9[%parallel_loop3A_253, %parallel_loop3A_365, %parallel_loop3A_366] : memref<2x128x128xf32, #tpu.memory_space<vmem>> -> memref<1x128x128xf32, #tpu.memory_space<vmem>>
      %parallel_loop3A_368 = tpu.memref_squeeze %parallel_loop3A_367 : memref<1x128x128xf32, #tpu.memory_space<vmem>> -> memref<128x128xf32, #tpu.memory_space<vmem>>
      %parallel_loop3A_369 = arith.index_cast %parallel_loop3A_300 : i32 to index
      %parallel_loop3A_370 = arith.constant 48 : index
      %parallel_loop3A_371 = tpu.vector_load %parallel_loop3A_368[%parallel_loop3A_369, %parallel_loop3A_370] {strides = array<i32>} : memref<128x128xf32, #tpu.memory_space<vmem>>, vector<1x16xf32>,
      %parallel_loop3A_372 = vector.shape_cast %parallel_loop3A_371 : vector<1x16xf32> to vector<16xf32>
      %parallel_loop3A_373 = arith.constant 0 : i32
      %parallel_loop3A_374 = arith.constant 0 : i32
      %parallel_loop3A_375 = tpu.memref_slice %arg10[%parallel_loop3A_254, %parallel_loop3A_373, %parallel_loop3A_374] : memref<2x128x128xf32, #tpu.memory_space<vmem>> -> memref<1x128x128xf32, #tpu.memory_space<vmem>>
      %parallel_loop3A_376 = tpu.memref_squeeze %parallel_loop3A_375 : memref<1x128x128xf32, #tpu.memory_space<vmem>> -> memref<128x128xf32, #tpu.memory_space<vmem>>
      %parallel_loop3A_377 = arith.index_cast %parallel_loop3A_300 : i32 to index
      %parallel_loop3A_378 = arith.constant 48 : index
      %parallel_loop3A_379 = tpu.vector_load %parallel_loop3A_376[%parallel_loop3A_377, %parallel_loop3A_378] {strides = array<i32>} : memref<128x128xf32, #tpu.memory_space<vmem>>, vector<1x16xf32>,
      %parallel_loop3A_380 = vector.shape_cast %parallel_loop3A_379 : vector<1x16xf32> to vector<16xf32>
      %parallel_loop3A_381 = arith.mulf %parallel_loop3A_372, %parallel_loop3A_372 : vector<16xf32>
      %parallel_loop3A_382 = arith.addf %parallel_loop3A_362, %parallel_loop3A_381 : vector<16xf32>
      %parallel_loop3A_383 = arith.mulf %parallel_loop3A_380, %parallel_loop3A_380 : vector<16xf32>
      %parallel_loop3A_384 = arith.addf %parallel_loop3A_364, %parallel_loop3A_383 : vector<16xf32>
      %parallel_loop3A_385 = arith.constant 0 : i32
      %parallel_loop3A_386 = arith.constant 0 : i32
      %parallel_loop3A_387 = tpu.memref_slice %arg9[%parallel_loop3A_253, %parallel_loop3A_385, %parallel_loop3A_386] : memref<2x128x128xf32, #tpu.memory_space<vmem>> -> memref<1x128x128xf32, #tpu.memory_space<vmem>>
      %parallel_loop3A_388 = tpu.memref_squeeze %parallel_loop3A_387 : memref<1x128x128xf32, #tpu.memory_space<vmem>> -> memref<128x128xf32, #tpu.memory_space<vmem>>
      %parallel_loop3A_389 = arith.index_cast %parallel_loop3A_300 : i32 to index
      %parallel_loop3A_390 = arith.constant 64 : index
      %parallel_loop3A_391 = tpu.vector_load %parallel_loop3A_388[%parallel_loop3A_389, %parallel_loop3A_390] {strides = array<i32>} : memref<128x128xf32, #tpu.memory_space<vmem>>, vector<1x16xf32>,
      %parallel_loop3A_392 = vector.shape_cast %parallel_loop3A_391 : vector<1x16xf32> to vector<16xf32>
      %parallel_loop3A_393 = arith.constant 0 : i32
      %parallel_loop3A_394 = arith.constant 0 : i32
      %parallel_loop3A_395 = tpu.memref_slice %arg10[%parallel_loop3A_254, %parallel_loop3A_393, %parallel_loop3A_394] : memref<2x128x128xf32, #tpu.memory_space<vmem>> -> memref<1x128x128xf32, #tpu.memory_space<vmem>>
      %parallel_loop3A_396 = tpu.memref_squeeze %parallel_loop3A_395 : memref<1x128x128xf32, #tpu.memory_space<vmem>> -> memref<128x128xf32, #tpu.memory_space<vmem>>
      %parallel_loop3A_397 = arith.index_cast %parallel_loop3A_300 : i32 to index
      %parallel_loop3A_398 = arith.constant 64 : index
      %parallel_loop3A_399 = tpu.vector_load %parallel_loop3A_396[%parallel_loop3A_397, %parallel_loop3A_398] {strides = array<i32>} : memref<128x128xf32, #tpu.memory_space<vmem>>, vector<1x16xf32>,
      %parallel_loop3A_400 = vector.shape_cast %parallel_loop3A_399 : vector<1x16xf32> to vector<16xf32>
      %parallel_loop3A_401 = arith.mulf %parallel_loop3A_392, %parallel_loop3A_392 : vector<16xf32>
      %parallel_loop3A_402 = arith.addf %parallel_loop3A_382, %parallel_loop3A_401 : vector<16xf32>
      %parallel_loop3A_403 = arith.mulf %parallel_loop3A_400, %parallel_loop3A_400 : vector<16xf32>
      %parallel_loop3A_404 = arith.addf %parallel_loop3A_384, %parallel_loop3A_403 : vector<16xf32>
      %parallel_loop3A_405 = arith.constant 0 : i32
      %parallel_loop3A_406 = arith.constant 0 : i32
      %parallel_loop3A_407 = tpu.memref_slice %arg9[%parallel_loop3A_253, %parallel_loop3A_405, %parallel_loop3A_406] : memref<2x128x128xf32, #tpu.memory_space<vmem>> -> memref<1x128x128xf32, #tpu.memory_space<vmem>>
      %parallel_loop3A_408 = tpu.memref_squeeze %parallel_loop3A_407 : memref<1x128x128xf32, #tpu.memory_space<vmem>> -> memref<128x128xf32, #tpu.memory_space<vmem>>
      %parallel_loop3A_409 = arith.index_cast %parallel_loop3A_300 : i32 to index
      %parallel_loop3A_410 = arith.constant 80 : index
      %parallel_loop3A_411 = tpu.vector_load %parallel_loop3A_408[%parallel_loop3A_409, %parallel_loop3A_410] {strides = array<i32>} : memref<128x128xf32, #tpu.memory_space<vmem>>, vector<1x16xf32>,
      %parallel_loop3A_412 = vector.shape_cast %parallel_loop3A_411 : vector<1x16xf32> to vector<16xf32>
      %parallel_loop3A_413 = arith.constant 0 : i32
      %parallel_loop3A_414 = arith.constant 0 : i32
      %parallel_loop3A_415 = tpu.memref_slice %arg10[%parallel_loop3A_254, %parallel_loop3A_413, %parallel_loop3A_414] : memref<2x128x128xf32, #tpu.memory_space<vmem>> -> memref<1x128x128xf32, #tpu.memory_space<vmem>>
      %parallel_loop3A_416 = tpu.memref_squeeze %parallel_loop3A_415 : memref<1x128x128xf32, #tpu.memory_space<vmem>> -> memref<128x128xf32, #tpu.memory_space<vmem>>
      %parallel_loop3A_417 = arith.index_cast %parallel_loop3A_300 : i32 to index
      %parallel_loop3A_418 = arith.constant 80 : index
      %parallel_loop3A_419 = tpu.vector_load %parallel_loop3A_416[%parallel_loop3A_417, %parallel_loop3A_418] {strides = array<i32>} : memref<128x128xf32, #tpu.memory_space<vmem>>, vector<1x16xf32>,
      %parallel_loop3A_420 = vector.shape_cast %parallel_loop3A_419 : vector<1x16xf32> to vector<16xf32>
      %parallel_loop3A_421 = arith.mulf %parallel_loop3A_412, %parallel_loop3A_412 : vector<16xf32>
      %parallel_loop3A_422 = arith.addf %parallel_loop3A_402, %parallel_loop3A_421 : vector<16xf32>
      %parallel_loop3A_423 = arith.mulf %parallel_loop3A_420, %parallel_loop3A_420 : vector<16xf32>
      %parallel_loop3A_424 = arith.addf %parallel_loop3A_404, %parallel_loop3A_423 : vector<16xf32>
      %parallel_loop3A_425 = arith.constant 0 : i32
      %parallel_loop3A_426 = arith.constant 0 : i32
      %parallel_loop3A_427 = tpu.memref_slice %arg9[%parallel_loop3A_253, %parallel_loop3A_425, %parallel_loop3A_426] : memref<2x128x128xf32, #tpu.memory_space<vmem>> -> memref<1x128x128xf32, #tpu.memory_space<vmem>>
      %parallel_loop3A_428 = tpu.memref_squeeze %parallel_loop3A_427 : memref<1x128x128xf32, #tpu.memory_space<vmem>> -> memref<128x128xf32, #tpu.memory_space<vmem>>
      %parallel_loop3A_429 = arith.index_cast %parallel_loop3A_300 : i32 to index
      %parallel_loop3A_430 = arith.constant 96 : index
      %parallel_loop3A_431 = tpu.vector_load %parallel_loop3A_428[%parallel_loop3A_429, %parallel_loop3A_430] {strides = array<i32>} : memref<128x128xf32, #tpu.memory_space<vmem>>, vector<1x16xf32>,
      %parallel_loop3A_432 = vector.shape_cast %parallel_loop3A_431 : vector<1x16xf32> to vector<16xf32>
      %parallel_loop3A_433 = arith.constant 0 : i32
      %parallel_loop3A_434 = arith.constant 0 : i32
      %parallel_loop3A_435 = tpu.memref_slice %arg10[%parallel_loop3A_254, %parallel_loop3A_433, %parallel_loop3A_434] : memref<2x128x128xf32, #tpu.memory_space<vmem>> -> memref<1x128x128xf32, #tpu.memory_space<vmem>>
      %parallel_loop3A_436 = tpu.memref_squeeze %parallel_loop3A_435 : memref<1x128x128xf32, #tpu.memory_space<vmem>> -> memref<128x128xf32, #tpu.memory_space<vmem>>
      %parallel_loop3A_437 = arith.index_cast %parallel_loop3A_300 : i32 to index
      %parallel_loop3A_438 = arith.constant 96 : index
      %parallel_loop3A_439 = tpu.vector_load %parallel_loop3A_436[%parallel_loop3A_437, %parallel_loop3A_438] {strides = array<i32>} : memref<128x128xf32, #tpu.memory_space<vmem>>, vector<1x16xf32>,
      %parallel_loop3A_440 = vector.shape_cast %parallel_loop3A_439 : vector<1x16xf32> to vector<16xf32>
      %parallel_loop3A_441 = arith.mulf %parallel_loop3A_432, %parallel_loop3A_432 : vector<16xf32>
      %parallel_loop3A_442 = arith.addf %parallel_loop3A_422, %parallel_loop3A_441 : vector<16xf32>
      %parallel_loop3A_443 = arith.mulf %parallel_loop3A_440, %parallel_loop3A_440 : vector<16xf32>
      %parallel_loop3A_444 = arith.addf %parallel_loop3A_424, %parallel_loop3A_443 : vector<16xf32>
      %parallel_loop3A_445 = arith.constant 0 : i32
      %parallel_loop3A_446 = arith.constant 0 : i32
      %parallel_loop3A_447 = tpu.memref_slice %arg9[%parallel_loop3A_253, %parallel_loop3A_445, %parallel_loop3A_446] : memref<2x128x128xf32, #tpu.memory_space<vmem>> -> memref<1x128x128xf32, #tpu.memory_space<vmem>>
      %parallel_loop3A_448 = tpu.memref_squeeze %parallel_loop3A_447 : memref<1x128x128xf32, #tpu.memory_space<vmem>> -> memref<128x128xf32, #tpu.memory_space<vmem>>
      %parallel_loop3A_449 = arith.index_cast %parallel_loop3A_300 : i32 to index
      %parallel_loop3A_450 = arith.constant 112 : index
      %parallel_loop3A_451 = tpu.vector_load %parallel_loop3A_448[%parallel_loop3A_449, %parallel_loop3A_450] {strides = array<i32>} : memref<128x128xf32, #tpu.memory_space<vmem>>, vector<1x16xf32>,
      %parallel_loop3A_452 = vector.shape_cast %parallel_loop3A_451 : vector<1x16xf32> to vector<16xf32>
      %parallel_loop3A_453 = arith.constant 0 : i32
      %parallel_loop3A_454 = arith.constant 0 : i32
      %parallel_loop3A_455 = tpu.memref_slice %arg10[%parallel_loop3A_254, %parallel_loop3A_453, %parallel_loop3A_454] : memref<2x128x128xf32, #tpu.memory_space<vmem>> -> memref<1x128x128xf32, #tpu.memory_space<vmem>>
      %parallel_loop3A_456 = tpu.memref_squeeze %parallel_loop3A_455 : memref<1x128x128xf32, #tpu.memory_space<vmem>> -> memref<128x128xf32, #tpu.memory_space<vmem>>
      %parallel_loop3A_457 = arith.index_cast %parallel_loop3A_300 : i32 to index
      %parallel_loop3A_458 = arith.constant 112 : index
      %parallel_loop3A_459 = tpu.vector_load %parallel_loop3A_456[%parallel_loop3A_457, %parallel_loop3A_458] {strides = array<i32>} : memref<128x128xf32, #tpu.memory_space<vmem>>, vector<1x16xf32>,
      %parallel_loop3A_460 = vector.shape_cast %parallel_loop3A_459 : vector<1x16xf32> to vector<16xf32>
      %parallel_loop3A_461 = arith.mulf %parallel_loop3A_452, %parallel_loop3A_452 : vector<16xf32>
      %parallel_loop3A_462 = arith.addf %parallel_loop3A_442, %parallel_loop3A_461 : vector<16xf32>
      %parallel_loop3A_463 = arith.mulf %parallel_loop3A_460, %parallel_loop3A_460 : vector<16xf32>
      %parallel_loop3A_464 = arith.addf %parallel_loop3A_444, %parallel_loop3A_463 : vector<16xf32>
      %parallel_loop3A_465 = tpu.iota {dimensions = array<i32: 0>} : vector<16xi32>
      %parallel_loop3A_466 = arith.constant 8 : i32
      %parallel_loop3A_467 = vector.broadcast %parallel_loop3A_466 : i32 to vector<16xi32>
      %parallel_loop3A_468 = arith.xori %parallel_loop3A_465, %parallel_loop3A_467 : vector<16xi32>
      %parallel_loop3A_469 = vector.shape_cast %parallel_loop3A_468 : vector<16xi32> to vector<16x1xi32>
      %parallel_loop3A_470 = vector.shape_cast %parallel_loop3A_469 : vector<16x1xi32> to vector<16xi32>
      %parallel_loop3A_471 = tpu.dynamic_gather %parallel_loop3A_462[%parallel_loop3A_470] in [0] : vector<16xf32>, vector<16xi32> -> vector<16xf32>
      %parallel_loop3A_472 = arith.addf %parallel_loop3A_462, %parallel_loop3A_471 : vector<16xf32>
      %parallel_loop3A_473 = arith.constant 8 : i32
      %parallel_loop3A_474 = vector.broadcast %parallel_loop3A_473 : i32 to vector<16xi32>
      %parallel_loop3A_475 = arith.xori %parallel_loop3A_465, %parallel_loop3A_474 : vector<16xi32>
      %parallel_loop3A_476 = vector.shape_cast %parallel_loop3A_475 : vector<16xi32> to vector<16x1xi32>
      %parallel_loop3A_477 = vector.shape_cast %parallel_loop3A_476 : vector<16x1xi32> to vector<16xi32>
      %parallel_loop3A_478 = tpu.dynamic_gather %parallel_loop3A_464[%parallel_loop3A_477] in [0] : vector<16xf32>, vector<16xi32> -> vector<16xf32>
      %parallel_loop3A_479 = arith.addf %parallel_loop3A_464, %parallel_loop3A_478 : vector<16xf32>
      %parallel_loop3A_480 = arith.constant 8 : i32
      %parallel_loop3A_481 = vector.broadcast %parallel_loop3A_480 : i32 to vector<16xi32>
      %parallel_loop3A_482 = arith.cmpi slt, %parallel_loop3A_465, %parallel_loop3A_481 : vector<16xi32>
      %parallel_loop3A_483 = arith.select %parallel_loop3A_482, %parallel_loop3A_472, %parallel_loop3A_479 : vector<16xi1>, vector<16xf32>
      %parallel_loop3A_484 = arith.constant 1 : i32
      %parallel_loop3A_485 = vector.broadcast %parallel_loop3A_484 : i32 to vector<16xi32>
      %parallel_loop3A_486 = arith.xori %parallel_loop3A_465, %parallel_loop3A_485 : vector<16xi32>
      %parallel_loop3A_487 = vector.shape_cast %parallel_loop3A_486 : vector<16xi32> to vector<16x1xi32>
      %parallel_loop3A_488 = vector.shape_cast %parallel_loop3A_487 : vector<16x1xi32> to vector<16xi32>
      %parallel_loop3A_489 = tpu.dynamic_gather %parallel_loop3A_483[%parallel_loop3A_488] in [0] : vector<16xf32>, vector<16xi32> -> vector<16xf32>
      %parallel_loop3A_490 = arith.addf %parallel_loop3A_483, %parallel_loop3A_489 : vector<16xf32>
      %parallel_loop3A_491 = arith.constant 2 : i32
      %parallel_loop3A_492 = vector.broadcast %parallel_loop3A_491 : i32 to vector<16xi32>
      %parallel_loop3A_493 = arith.xori %parallel_loop3A_465, %parallel_loop3A_492 : vector<16xi32>
      %parallel_loop3A_494 = vector.shape_cast %parallel_loop3A_493 : vector<16xi32> to vector<16x1xi32>
      %parallel_loop3A_495 = vector.shape_cast %parallel_loop3A_494 : vector<16x1xi32> to vector<16xi32>
      %parallel_loop3A_496 = tpu.dynamic_gather %parallel_loop3A_490[%parallel_loop3A_495] in [0] : vector<16xf32>, vector<16xi32> -> vector<16xf32>
      %parallel_loop3A_497 = arith.addf %parallel_loop3A_490, %parallel_loop3A_496 : vector<16xf32>
      %parallel_loop3A_498 = arith.constant 4 : i32
      %parallel_loop3A_499 = vector.broadcast %parallel_loop3A_498 : i32 to vector<16xi32>
      %parallel_loop3A_500 = arith.xori %parallel_loop3A_465, %parallel_loop3A_499 : vector<16xi32>
      %parallel_loop3A_501 = vector.shape_cast %parallel_loop3A_500 : vector<16xi32> to vector<16x1xi32>
      %parallel_loop3A_502 = vector.shape_cast %parallel_loop3A_501 : vector<16x1xi32> to vector<16xi32>
      %parallel_loop3A_503 = tpu.dynamic_gather %parallel_loop3A_497[%parallel_loop3A_502] in [0] : vector<16xf32>, vector<16xi32> -> vector<16xf32>
      %parallel_loop3A_504 = arith.addf %parallel_loop3A_497, %parallel_loop3A_503 : vector<16xf32>
      %parallel_loop3A_505 = arith.constant 9.99999996E-13 : f32
      %parallel_loop3A_506 = vector.broadcast %parallel_loop3A_505 : f32 to vector<16xf32>
      %parallel_loop3A_507 = arith.maximumf %parallel_loop3A_504, %parallel_loop3A_506 : vector<16xf32>
      %parallel_loop3A_508 = tpu.bitcast %parallel_loop3A_507 : vector<16xf32> -> vector<16xi32>
      %parallel_loop3A_509 = arith.constant 1 : i32
      %parallel_loop3A_510 = vector.broadcast %parallel_loop3A_509 : i32 to vector<16xi32>
      %parallel_loop3A_511 = arith.shrui %parallel_loop3A_508, %parallel_loop3A_510 : vector<16xi32>
      %parallel_loop3A_512 = arith.constant 1597463007 : i32
      %parallel_loop3A_513 = vector.broadcast %parallel_loop3A_512 : i32 to vector<16xi32>
      %parallel_loop3A_514 = arith.subi %parallel_loop3A_513, %parallel_loop3A_511 : vector<16xi32>
      %parallel_loop3A_515 = tpu.bitcast %parallel_loop3A_514 : vector<16xi32> -> vector<16xf32>
      %parallel_loop3A_516 = arith.constant 5.000000e-01 : f32
      %parallel_loop3A_517 = vector.broadcast %parallel_loop3A_516 : f32 to vector<16xf32>
      %parallel_loop3A_518 = arith.mulf %parallel_loop3A_517, %parallel_loop3A_507 : vector<16xf32>
      %parallel_loop3A_519 = arith.mulf %parallel_loop3A_518, %parallel_loop3A_515 : vector<16xf32>
      %parallel_loop3A_520 = arith.mulf %parallel_loop3A_519, %parallel_loop3A_515 : vector<16xf32>
      %parallel_loop3A_521 = arith.constant 1.500000e+00 : f32
      %parallel_loop3A_522 = vector.broadcast %parallel_loop3A_521 : f32 to vector<16xf32>
      %parallel_loop3A_523 = arith.subf %parallel_loop3A_522, %parallel_loop3A_520 : vector<16xf32>
      %parallel_loop3A_524 = arith.mulf %parallel_loop3A_515, %parallel_loop3A_523 : vector<16xf32>
      %parallel_loop3A_525 = arith.constant 5.000000e-01 : f32
      %parallel_loop3A_526 = vector.broadcast %parallel_loop3A_525 : f32 to vector<16xf32>
      %parallel_loop3A_527 = arith.mulf %parallel_loop3A_526, %parallel_loop3A_507 : vector<16xf32>
      %parallel_loop3A_528 = arith.mulf %parallel_loop3A_527, %parallel_loop3A_524 : vector<16xf32>
      %parallel_loop3A_529 = arith.mulf %parallel_loop3A_528, %parallel_loop3A_524 : vector<16xf32>
      %parallel_loop3A_530 = arith.constant 1.500000e+00 : f32
      %parallel_loop3A_531 = vector.broadcast %parallel_loop3A_530 : f32 to vector<16xf32>
      %parallel_loop3A_532 = arith.subf %parallel_loop3A_531, %parallel_loop3A_529 : vector<16xf32>
      %parallel_loop3A_533 = arith.mulf %parallel_loop3A_524, %parallel_loop3A_532 : vector<16xf32>
      %parallel_loop3A_534 = arith.constant 0 : i32
      %parallel_loop3A_535 = vector.broadcast %parallel_loop3A_534 : i32 to vector<16xi32>
      %parallel_loop3A_536 = vector.shape_cast %parallel_loop3A_535 : vector<16xi32> to vector<16x1xi32>
      %parallel_loop3A_537 = vector.shape_cast %parallel_loop3A_536 : vector<16x1xi32> to vector<16xi32>
      %parallel_loop3A_538 = tpu.dynamic_gather %parallel_loop3A_533[%parallel_loop3A_537] in [0] : vector<16xf32>, vector<16xi32> -> vector<16xf32>
      %parallel_loop3A_539 = arith.constant 8 : i32
      %parallel_loop3A_540 = vector.broadcast %parallel_loop3A_539 : i32 to vector<16xi32>
      %parallel_loop3A_541 = vector.shape_cast %parallel_loop3A_540 : vector<16xi32> to vector<16x1xi32>
      %parallel_loop3A_542 = vector.shape_cast %parallel_loop3A_541 : vector<16x1xi32> to vector<16xi32>
      %parallel_loop3A_543 = tpu.dynamic_gather %parallel_loop3A_533[%parallel_loop3A_542] in [0] : vector<16xf32>, vector<16xi32> -> vector<16xf32>
      %parallel_loop3A_544 = arith.constant 0 : i32
      %parallel_loop3A_545 = arith.constant 0 : i32
      %parallel_loop3A_546 = tpu.memref_slice %arg9[%parallel_loop3A_253, %parallel_loop3A_544, %parallel_loop3A_545] : memref<2x128x128xf32, #tpu.memory_space<vmem>> -> memref<1x128x128xf32, #tpu.memory_space<vmem>>
      %parallel_loop3A_547 = tpu.memref_squeeze %parallel_loop3A_546 : memref<1x128x128xf32, #tpu.memory_space<vmem>> -> memref<128x128xf32, #tpu.memory_space<vmem>>
      %parallel_loop3A_548 = arith.index_cast %parallel_loop3A_300 : i32 to index
      %parallel_loop3A_549 = arith.constant 0 : index
      %parallel_loop3A_550 = tpu.vector_load %parallel_loop3A_547[%parallel_loop3A_548, %parallel_loop3A_549] {strides = array<i32>} : memref<128x128xf32, #tpu.memory_space<vmem>>, vector<1x16xf32>,
      %parallel_loop3A_551 = vector.shape_cast %parallel_loop3A_550 : vector<1x16xf32> to vector<16xf32>
      %parallel_loop3A_552 = arith.constant 0 : i32
      %parallel_loop3A_553 = arith.constant 0 : i32
      %parallel_loop3A_554 = tpu.memref_slice %arg10[%parallel_loop3A_254, %parallel_loop3A_552, %parallel_loop3A_553] : memref<2x128x128xf32, #tpu.memory_space<vmem>> -> memref<1x128x128xf32, #tpu.memory_space<vmem>>
      %parallel_loop3A_555 = tpu.memref_squeeze %parallel_loop3A_554 : memref<1x128x128xf32, #tpu.memory_space<vmem>> -> memref<128x128xf32, #tpu.memory_space<vmem>>
      %parallel_loop3A_556 = arith.index_cast %parallel_loop3A_300 : i32 to index
      %parallel_loop3A_557 = arith.constant 0 : index
      %parallel_loop3A_558 = tpu.vector_load %parallel_loop3A_555[%parallel_loop3A_556, %parallel_loop3A_557] {strides = array<i32>} : memref<128x128xf32, #tpu.memory_space<vmem>>, vector<1x16xf32>,
      %parallel_loop3A_559 = vector.shape_cast %parallel_loop3A_558 : vector<1x16xf32> to vector<16xf32>
      %parallel_loop3A_560 = arith.mulf %parallel_loop3A_551, %parallel_loop3A_538 : vector<16xf32>
      %parallel_loop3A_561 = arith.mulf %parallel_loop3A_559, %parallel_loop3A_543 : vector<16xf32>
      %parallel_loop3A_562 = arith.addf %parallel_loop3A_560, %parallel_loop3A_561 : vector<16xf32>
      %parallel_loop3A_563 = arith.constant 0 : i32
      %parallel_loop3A_564 = arith.constant 0 : i32
      %parallel_loop3A_565 = tpu.memref_slice %arg9[%parallel_loop3A_253, %parallel_loop3A_563, %parallel_loop3A_564] : memref<2x128x128xf32, #tpu.memory_space<vmem>> -> memref<1x128x128xf32, #tpu.memory_space<vmem>>
      %parallel_loop3A_566 = tpu.memref_squeeze %parallel_loop3A_565 : memref<1x128x128xf32, #tpu.memory_space<vmem>> -> memref<128x128xf32, #tpu.memory_space<vmem>>
      %parallel_loop3A_567 = arith.index_cast %parallel_loop3A_300 : i32 to index
      %parallel_loop3A_568 = arith.constant 0 : index
      %parallel_loop3A_569 = tpu.vector_load %parallel_loop3A_566[%parallel_loop3A_567, %parallel_loop3A_568] {strides = array<i32>} : memref<128x128xf32, #tpu.memory_space<vmem>>, vector<1x16xf32>,
      %parallel_loop3A_570 = vector.shape_cast %parallel_loop3A_569 : vector<1x16xf32> to vector<16xf32>
      %parallel_loop3A_571 = vector.shape_cast %parallel_loop3A_562 : vector<16xf32> to vector<1x16xf32>
      tpu.vector_store %parallel_loop3A_566[%parallel_loop3A_567, %parallel_loop3A_568], %parallel_loop3A_571 {strides = array<i32>} : memref<128x128xf32, #tpu.memory_space<vmem>>, vector<1x16xf32>,
      %parallel_loop3A_572 = arith.constant 0 : i32
      %parallel_loop3A_573 = arith.constant 0 : i32
      %parallel_loop3A_574 = tpu.memref_slice %arg9[%parallel_loop3A_253, %parallel_loop3A_572, %parallel_loop3A_573] : memref<2x128x128xf32, #tpu.memory_space<vmem>> -> memref<1x128x128xf32, #tpu.memory_space<vmem>>
      %parallel_loop3A_575 = tpu.memref_squeeze %parallel_loop3A_574 : memref<1x128x128xf32, #tpu.memory_space<vmem>> -> memref<128x128xf32, #tpu.memory_space<vmem>>
      %parallel_loop3A_576 = arith.index_cast %parallel_loop3A_300 : i32 to index
      %parallel_loop3A_577 = arith.constant 16 : index
      %parallel_loop3A_578 = tpu.vector_load %parallel_loop3A_575[%parallel_loop3A_576, %parallel_loop3A_577] {strides = array<i32>} : memref<128x128xf32, #tpu.memory_space<vmem>>, vector<1x16xf32>,
      %parallel_loop3A_579 = vector.shape_cast %parallel_loop3A_578 : vector<1x16xf32> to vector<16xf32>
      %parallel_loop3A_580 = arith.constant 0 : i32
      %parallel_loop3A_581 = arith.constant 0 : i32
      %parallel_loop3A_582 = tpu.memref_slice %arg10[%parallel_loop3A_254, %parallel_loop3A_580, %parallel_loop3A_581] : memref<2x128x128xf32, #tpu.memory_space<vmem>> -> memref<1x128x128xf32, #tpu.memory_space<vmem>>
      %parallel_loop3A_583 = tpu.memref_squeeze %parallel_loop3A_582 : memref<1x128x128xf32, #tpu.memory_space<vmem>> -> memref<128x128xf32, #tpu.memory_space<vmem>>
      %parallel_loop3A_584 = arith.index_cast %parallel_loop3A_300 : i32 to index
      %parallel_loop3A_585 = arith.constant 16 : index
      %parallel_loop3A_586 = tpu.vector_load %parallel_loop3A_583[%parallel_loop3A_584, %parallel_loop3A_585] {strides = array<i32>} : memref<128x128xf32, #tpu.memory_space<vmem>>, vector<1x16xf32>,
      %parallel_loop3A_587 = vector.shape_cast %parallel_loop3A_586 : vector<1x16xf32> to vector<16xf32>
      %parallel_loop3A_588 = arith.mulf %parallel_loop3A_579, %parallel_loop3A_538 : vector<16xf32>
      %parallel_loop3A_589 = arith.mulf %parallel_loop3A_587, %parallel_loop3A_543 : vector<16xf32>
      %parallel_loop3A_590 = arith.addf %parallel_loop3A_588, %parallel_loop3A_589 : vector<16xf32>
      %parallel_loop3A_591 = arith.constant 0 : i32
      %parallel_loop3A_592 = arith.constant 0 : i32
      %parallel_loop3A_593 = tpu.memref_slice %arg9[%parallel_loop3A_253, %parallel_loop3A_591, %parallel_loop3A_592] : memref<2x128x128xf32, #tpu.memory_space<vmem>> -> memref<1x128x128xf32, #tpu.memory_space<vmem>>
      %parallel_loop3A_594 = tpu.memref_squeeze %parallel_loop3A_593 : memref<1x128x128xf32, #tpu.memory_space<vmem>> -> memref<128x128xf32, #tpu.memory_space<vmem>>
      %parallel_loop3A_595 = arith.index_cast %parallel_loop3A_300 : i32 to index
      %parallel_loop3A_596 = arith.constant 16 : index
      %parallel_loop3A_597 = tpu.vector_load %parallel_loop3A_594[%parallel_loop3A_595, %parallel_loop3A_596] {strides = array<i32>} : memref<128x128xf32, #tpu.memory_space<vmem>>, vector<1x16xf32>,
      %parallel_loop3A_598 = vector.shape_cast %parallel_loop3A_597 : vector<1x16xf32> to vector<16xf32>
      %parallel_loop3A_599 = vector.shape_cast %parallel_loop3A_590 : vector<16xf32> to vector<1x16xf32>
      tpu.vector_store %parallel_loop3A_594[%parallel_loop3A_595, %parallel_loop3A_596], %parallel_loop3A_599 {strides = array<i32>} : memref<128x128xf32, #tpu.memory_space<vmem>>, vector<1x16xf32>,
      %parallel_loop3A_600 = arith.constant 0 : i32
      %parallel_loop3A_601 = arith.constant 0 : i32
      %parallel_loop3A_602 = tpu.memref_slice %arg9[%parallel_loop3A_253, %parallel_loop3A_600, %parallel_loop3A_601] : memref<2x128x128xf32, #tpu.memory_space<vmem>> -> memref<1x128x128xf32, #tpu.memory_space<vmem>>
      %parallel_loop3A_603 = tpu.memref_squeeze %parallel_loop3A_602 : memref<1x128x128xf32, #tpu.memory_space<vmem>> -> memref<128x128xf32, #tpu.memory_space<vmem>>
      %parallel_loop3A_604 = arith.index_cast %parallel_loop3A_300 : i32 to index
      %parallel_loop3A_605 = arith.constant 32 : index
      %parallel_loop3A_606 = tpu.vector_load %parallel_loop3A_603[%parallel_loop3A_604, %parallel_loop3A_605] {strides = array<i32>} : memref<128x128xf32, #tpu.memory_space<vmem>>, vector<1x16xf32>,
      %parallel_loop3A_607 = vector.shape_cast %parallel_loop3A_606 : vector<1x16xf32> to vector<16xf32>
      %parallel_loop3A_608 = arith.constant 0 : i32
      %parallel_loop3A_609 = arith.constant 0 : i32
      %parallel_loop3A_610 = tpu.memref_slice %arg10[%parallel_loop3A_254, %parallel_loop3A_608, %parallel_loop3A_609] : memref<2x128x128xf32, #tpu.memory_space<vmem>> -> memref<1x128x128xf32, #tpu.memory_space<vmem>>
      %parallel_loop3A_611 = tpu.memref_squeeze %parallel_loop3A_610 : memref<1x128x128xf32, #tpu.memory_space<vmem>> -> memref<128x128xf32, #tpu.memory_space<vmem>>
      %parallel_loop3A_612 = arith.index_cast %parallel_loop3A_300 : i32 to index
      %parallel_loop3A_613 = arith.constant 32 : index
      %parallel_loop3A_614 = tpu.vector_load %parallel_loop3A_611[%parallel_loop3A_612, %parallel_loop3A_613] {strides = array<i32>} : memref<128x128xf32, #tpu.memory_space<vmem>>, vector<1x16xf32>,
      %parallel_loop3A_615 = vector.shape_cast %parallel_loop3A_614 : vector<1x16xf32> to vector<16xf32>
      %parallel_loop3A_616 = arith.mulf %parallel_loop3A_607, %parallel_loop3A_538 : vector<16xf32>
      %parallel_loop3A_617 = arith.mulf %parallel_loop3A_615, %parallel_loop3A_543 : vector<16xf32>
      %parallel_loop3A_618 = arith.addf %parallel_loop3A_616, %parallel_loop3A_617 : vector<16xf32>
      %parallel_loop3A_619 = arith.constant 0 : i32
      %parallel_loop3A_620 = arith.constant 0 : i32
      %parallel_loop3A_621 = tpu.memref_slice %arg9[%parallel_loop3A_253, %parallel_loop3A_619, %parallel_loop3A_620] : memref<2x128x128xf32, #tpu.memory_space<vmem>> -> memref<1x128x128xf32, #tpu.memory_space<vmem>>
      %parallel_loop3A_622 = tpu.memref_squeeze %parallel_loop3A_621 : memref<1x128x128xf32, #tpu.memory_space<vmem>> -> memref<128x128xf32, #tpu.memory_space<vmem>>
      %parallel_loop3A_623 = arith.index_cast %parallel_loop3A_300 : i32 to index
      %parallel_loop3A_624 = arith.constant 32 : index
      %parallel_loop3A_625 = tpu.vector_load %parallel_loop3A_622[%parallel_loop3A_623, %parallel_loop3A_624] {strides = array<i32>} : memref<128x128xf32, #tpu.memory_space<vmem>>, vector<1x16xf32>,
      %parallel_loop3A_626 = vector.shape_cast %parallel_loop3A_625 : vector<1x16xf32> to vector<16xf32>
      %parallel_loop3A_627 = vector.shape_cast %parallel_loop3A_618 : vector<16xf32> to vector<1x16xf32>
      tpu.vector_store %parallel_loop3A_622[%parallel_loop3A_623, %parallel_loop3A_624], %parallel_loop3A_627 {strides = array<i32>} : memref<128x128xf32, #tpu.memory_space<vmem>>, vector<1x16xf32>,
      %parallel_loop3A_628 = arith.constant 0 : i32
      %parallel_loop3A_629 = arith.constant 0 : i32
      %parallel_loop3A_630 = tpu.memref_slice %arg9[%parallel_loop3A_253, %parallel_loop3A_628, %parallel_loop3A_629] : memref<2x128x128xf32, #tpu.memory_space<vmem>> -> memref<1x128x128xf32, #tpu.memory_space<vmem>>
      %parallel_loop3A_631 = tpu.memref_squeeze %parallel_loop3A_630 : memref<1x128x128xf32, #tpu.memory_space<vmem>> -> memref<128x128xf32, #tpu.memory_space<vmem>>
      %parallel_loop3A_632 = arith.index_cast %parallel_loop3A_300 : i32 to index
      %parallel_loop3A_633 = arith.constant 48 : index
      %parallel_loop3A_634 = tpu.vector_load %parallel_loop3A_631[%parallel_loop3A_632, %parallel_loop3A_633] {strides = array<i32>} : memref<128x128xf32, #tpu.memory_space<vmem>>, vector<1x16xf32>,
      %parallel_loop3A_635 = vector.shape_cast %parallel_loop3A_634 : vector<1x16xf32> to vector<16xf32>
      %parallel_loop3A_636 = arith.constant 0 : i32
      %parallel_loop3A_637 = arith.constant 0 : i32
      %parallel_loop3A_638 = tpu.memref_slice %arg10[%parallel_loop3A_254, %parallel_loop3A_636, %parallel_loop3A_637] : memref<2x128x128xf32, #tpu.memory_space<vmem>> -> memref<1x128x128xf32, #tpu.memory_space<vmem>>
      %parallel_loop3A_639 = tpu.memref_squeeze %parallel_loop3A_638 : memref<1x128x128xf32, #tpu.memory_space<vmem>> -> memref<128x128xf32, #tpu.memory_space<vmem>>
      %parallel_loop3A_640 = arith.index_cast %parallel_loop3A_300 : i32 to index
      %parallel_loop3A_641 = arith.constant 48 : index
      %parallel_loop3A_642 = tpu.vector_load %parallel_loop3A_639[%parallel_loop3A_640, %parallel_loop3A_641] {strides = array<i32>} : memref<128x128xf32, #tpu.memory_space<vmem>>, vector<1x16xf32>,
      %parallel_loop3A_643 = vector.shape_cast %parallel_loop3A_642 : vector<1x16xf32> to vector<16xf32>
      %parallel_loop3A_644 = arith.mulf %parallel_loop3A_635, %parallel_loop3A_538 : vector<16xf32>
      %parallel_loop3A_645 = arith.mulf %parallel_loop3A_643, %parallel_loop3A_543 : vector<16xf32>
      %parallel_loop3A_646 = arith.addf %parallel_loop3A_644, %parallel_loop3A_645 : vector<16xf32>
      %parallel_loop3A_647 = arith.constant 0 : i32
      %parallel_loop3A_648 = arith.constant 0 : i32
      %parallel_loop3A_649 = tpu.memref_slice %arg9[%parallel_loop3A_253, %parallel_loop3A_647, %parallel_loop3A_648] : memref<2x128x128xf32, #tpu.memory_space<vmem>> -> memref<1x128x128xf32, #tpu.memory_space<vmem>>
      %parallel_loop3A_650 = tpu.memref_squeeze %parallel_loop3A_649 : memref<1x128x128xf32, #tpu.memory_space<vmem>> -> memref<128x128xf32, #tpu.memory_space<vmem>>
      %parallel_loop3A_651 = arith.index_cast %parallel_loop3A_300 : i32 to index
      %parallel_loop3A_652 = arith.constant 48 : index
      %parallel_loop3A_653 = tpu.vector_load %parallel_loop3A_650[%parallel_loop3A_651, %parallel_loop3A_652] {strides = array<i32>} : memref<128x128xf32, #tpu.memory_space<vmem>>, vector<1x16xf32>,
      %parallel_loop3A_654 = vector.shape_cast %parallel_loop3A_653 : vector<1x16xf32> to vector<16xf32>
      %parallel_loop3A_655 = vector.shape_cast %parallel_loop3A_646 : vector<16xf32> to vector<1x16xf32>
      tpu.vector_store %parallel_loop3A_650[%parallel_loop3A_651, %parallel_loop3A_652], %parallel_loop3A_655 {strides = array<i32>} : memref<128x128xf32, #tpu.memory_space<vmem>>, vector<1x16xf32>,
      %parallel_loop3A_656 = arith.constant 0 : i32
      %parallel_loop3A_657 = arith.constant 0 : i32
      %parallel_loop3A_658 = tpu.memref_slice %arg9[%parallel_loop3A_253, %parallel_loop3A_656, %parallel_loop3A_657] : memref<2x128x128xf32, #tpu.memory_space<vmem>> -> memref<1x128x128xf32, #tpu.memory_space<vmem>>
      %parallel_loop3A_659 = tpu.memref_squeeze %parallel_loop3A_658 : memref<1x128x128xf32, #tpu.memory_space<vmem>> -> memref<128x128xf32, #tpu.memory_space<vmem>>
      %parallel_loop3A_660 = arith.index_cast %parallel_loop3A_300 : i32 to index
      %parallel_loop3A_661 = arith.constant 64 : index
      %parallel_loop3A_662 = tpu.vector_load %parallel_loop3A_659[%parallel_loop3A_660, %parallel_loop3A_661] {strides = array<i32>} : memref<128x128xf32, #tpu.memory_space<vmem>>, vector<1x16xf32>,
      %parallel_loop3A_663 = vector.shape_cast %parallel_loop3A_662 : vector<1x16xf32> to vector<16xf32>
      %parallel_loop3A_664 = arith.constant 0 : i32
      %parallel_loop3A_665 = arith.constant 0 : i32
      %parallel_loop3A_666 = tpu.memref_slice %arg10[%parallel_loop3A_254, %parallel_loop3A_664, %parallel_loop3A_665] : memref<2x128x128xf32, #tpu.memory_space<vmem>> -> memref<1x128x128xf32, #tpu.memory_space<vmem>>
      %parallel_loop3A_667 = tpu.memref_squeeze %parallel_loop3A_666 : memref<1x128x128xf32, #tpu.memory_space<vmem>> -> memref<128x128xf32, #tpu.memory_space<vmem>>
      %parallel_loop3A_668 = arith.index_cast %parallel_loop3A_300 : i32 to index
      %parallel_loop3A_669 = arith.constant 64 : index
      %parallel_loop3A_670 = tpu.vector_load %parallel_loop3A_667[%parallel_loop3A_668, %parallel_loop3A_669] {strides = array<i32>} : memref<128x128xf32, #tpu.memory_space<vmem>>, vector<1x16xf32>,
      %parallel_loop3A_671 = vector.shape_cast %parallel_loop3A_670 : vector<1x16xf32> to vector<16xf32>
      %parallel_loop3A_672 = arith.mulf %parallel_loop3A_663, %parallel_loop3A_538 : vector<16xf32>
      %parallel_loop3A_673 = arith.mulf %parallel_loop3A_671, %parallel_loop3A_543 : vector<16xf32>
      %parallel_loop3A_674 = arith.addf %parallel_loop3A_672, %parallel_loop3A_673 : vector<16xf32>
      %parallel_loop3A_675 = arith.constant 0 : i32
      %parallel_loop3A_676 = arith.constant 0 : i32
      %parallel_loop3A_677 = tpu.memref_slice %arg9[%parallel_loop3A_253, %parallel_loop3A_675, %parallel_loop3A_676] : memref<2x128x128xf32, #tpu.memory_space<vmem>> -> memref<1x128x128xf32, #tpu.memory_space<vmem>>
      %parallel_loop3A_678 = tpu.memref_squeeze %parallel_loop3A_677 : memref<1x128x128xf32, #tpu.memory_space<vmem>> -> memref<128x128xf32, #tpu.memory_space<vmem>>
      %parallel_loop3A_679 = arith.index_cast %parallel_loop3A_300 : i32 to index
      %parallel_loop3A_680 = arith.constant 64 : index
      %parallel_loop3A_681 = tpu.vector_load %parallel_loop3A_678[%parallel_loop3A_679, %parallel_loop3A_680] {strides = array<i32>} : memref<128x128xf32, #tpu.memory_space<vmem>>, vector<1x16xf32>,
      %parallel_loop3A_682 = vector.shape_cast %parallel_loop3A_681 : vector<1x16xf32> to vector<16xf32>
      %parallel_loop3A_683 = vector.shape_cast %parallel_loop3A_674 : vector<16xf32> to vector<1x16xf32>
      tpu.vector_store %parallel_loop3A_678[%parallel_loop3A_679, %parallel_loop3A_680], %parallel_loop3A_683 {strides = array<i32>} : memref<128x128xf32, #tpu.memory_space<vmem>>, vector<1x16xf32>,
      %parallel_loop3A_684 = arith.constant 0 : i32
      %parallel_loop3A_685 = arith.constant 0 : i32
      %parallel_loop3A_686 = tpu.memref_slice %arg9[%parallel_loop3A_253, %parallel_loop3A_684, %parallel_loop3A_685] : memref<2x128x128xf32, #tpu.memory_space<vmem>> -> memref<1x128x128xf32, #tpu.memory_space<vmem>>
      %parallel_loop3A_687 = tpu.memref_squeeze %parallel_loop3A_686 : memref<1x128x128xf32, #tpu.memory_space<vmem>> -> memref<128x128xf32, #tpu.memory_space<vmem>>
      %parallel_loop3A_688 = arith.index_cast %parallel_loop3A_300 : i32 to index
      %parallel_loop3A_689 = arith.constant 80 : index
      %parallel_loop3A_690 = tpu.vector_load %parallel_loop3A_687[%parallel_loop3A_688, %parallel_loop3A_689] {strides = array<i32>} : memref<128x128xf32, #tpu.memory_space<vmem>>, vector<1x16xf32>,
      %parallel_loop3A_691 = vector.shape_cast %parallel_loop3A_690 : vector<1x16xf32> to vector<16xf32>
      %parallel_loop3A_692 = arith.constant 0 : i32
      %parallel_loop3A_693 = arith.constant 0 : i32
      %parallel_loop3A_694 = tpu.memref_slice %arg10[%parallel_loop3A_254, %parallel_loop3A_692, %parallel_loop3A_693] : memref<2x128x128xf32, #tpu.memory_space<vmem>> -> memref<1x128x128xf32, #tpu.memory_space<vmem>>
      %parallel_loop3A_695 = tpu.memref_squeeze %parallel_loop3A_694 : memref<1x128x128xf32, #tpu.memory_space<vmem>> -> memref<128x128xf32, #tpu.memory_space<vmem>>
      %parallel_loop3A_696 = arith.index_cast %parallel_loop3A_300 : i32 to index
      %parallel_loop3A_697 = arith.constant 80 : index
      %parallel_loop3A_698 = tpu.vector_load %parallel_loop3A_695[%parallel_loop3A_696, %parallel_loop3A_697] {strides = array<i32>} : memref<128x128xf32, #tpu.memory_space<vmem>>, vector<1x16xf32>,
      %parallel_loop3A_699 = vector.shape_cast %parallel_loop3A_698 : vector<1x16xf32> to vector<16xf32>
      %parallel_loop3A_700 = arith.mulf %parallel_loop3A_691, %parallel_loop3A_538 : vector<16xf32>
      %parallel_loop3A_701 = arith.mulf %parallel_loop3A_699, %parallel_loop3A_543 : vector<16xf32>
      %parallel_loop3A_702 = arith.addf %parallel_loop3A_700, %parallel_loop3A_701 : vector<16xf32>
      %parallel_loop3A_703 = arith.constant 0 : i32
      %parallel_loop3A_704 = arith.constant 0 : i32
      %parallel_loop3A_705 = tpu.memref_slice %arg9[%parallel_loop3A_253, %parallel_loop3A_703, %parallel_loop3A_704] : memref<2x128x128xf32, #tpu.memory_space<vmem>> -> memref<1x128x128xf32, #tpu.memory_space<vmem>>
      %parallel_loop3A_706 = tpu.memref_squeeze %parallel_loop3A_705 : memref<1x128x128xf32, #tpu.memory_space<vmem>> -> memref<128x128xf32, #tpu.memory_space<vmem>>
      %parallel_loop3A_707 = arith.index_cast %parallel_loop3A_300 : i32 to index
      %parallel_loop3A_708 = arith.constant 80 : index
      %parallel_loop3A_709 = tpu.vector_load %parallel_loop3A_706[%parallel_loop3A_707, %parallel_loop3A_708] {strides = array<i32>} : memref<128x128xf32, #tpu.memory_space<vmem>>, vector<1x16xf32>,
      %parallel_loop3A_710 = vector.shape_cast %parallel_loop3A_709 : vector<1x16xf32> to vector<16xf32>
      %parallel_loop3A_711 = vector.shape_cast %parallel_loop3A_702 : vector<16xf32> to vector<1x16xf32>
      tpu.vector_store %parallel_loop3A_706[%parallel_loop3A_707, %parallel_loop3A_708], %parallel_loop3A_711 {strides = array<i32>} : memref<128x128xf32, #tpu.memory_space<vmem>>, vector<1x16xf32>,
      %parallel_loop3A_712 = arith.constant 0 : i32
      %parallel_loop3A_713 = arith.constant 0 : i32
      %parallel_loop3A_714 = tpu.memref_slice %arg9[%parallel_loop3A_253, %parallel_loop3A_712, %parallel_loop3A_713] : memref<2x128x128xf32, #tpu.memory_space<vmem>> -> memref<1x128x128xf32, #tpu.memory_space<vmem>>
      %parallel_loop3A_715 = tpu.memref_squeeze %parallel_loop3A_714 : memref<1x128x128xf32, #tpu.memory_space<vmem>> -> memref<128x128xf32, #tpu.memory_space<vmem>>
      %parallel_loop3A_716 = arith.index_cast %parallel_loop3A_300 : i32 to index
      %parallel_loop3A_717 = arith.constant 96 : index
      %parallel_loop3A_718 = tpu.vector_load %parallel_loop3A_715[%parallel_loop3A_716, %parallel_loop3A_717] {strides = array<i32>} : memref<128x128xf32, #tpu.memory_space<vmem>>, vector<1x16xf32>,
      %parallel_loop3A_719 = vector.shape_cast %parallel_loop3A_718 : vector<1x16xf32> to vector<16xf32>
      %parallel_loop3A_720 = arith.constant 0 : i32
      %parallel_loop3A_721 = arith.constant 0 : i32
      %parallel_loop3A_722 = tpu.memref_slice %arg10[%parallel_loop3A_254, %parallel_loop3A_720, %parallel_loop3A_721] : memref<2x128x128xf32, #tpu.memory_space<vmem>> -> memref<1x128x128xf32, #tpu.memory_space<vmem>>
      %parallel_loop3A_723 = tpu.memref_squeeze %parallel_loop3A_722 : memref<1x128x128xf32, #tpu.memory_space<vmem>> -> memref<128x128xf32, #tpu.memory_space<vmem>>
      %parallel_loop3A_724 = arith.index_cast %parallel_loop3A_300 : i32 to index
      %parallel_loop3A_725 = arith.constant 96 : index
      %parallel_loop3A_726 = tpu.vector_load %parallel_loop3A_723[%parallel_loop3A_724, %parallel_loop3A_725] {strides = array<i32>} : memref<128x128xf32, #tpu.memory_space<vmem>>, vector<1x16xf32>,
      %parallel_loop3A_727 = vector.shape_cast %parallel_loop3A_726 : vector<1x16xf32> to vector<16xf32>
      %parallel_loop3A_728 = arith.mulf %parallel_loop3A_719, %parallel_loop3A_538 : vector<16xf32>
      %parallel_loop3A_729 = arith.mulf %parallel_loop3A_727, %parallel_loop3A_543 : vector<16xf32>
      %parallel_loop3A_730 = arith.addf %parallel_loop3A_728, %parallel_loop3A_729 : vector<16xf32>
      %parallel_loop3A_731 = arith.constant 0 : i32
      %parallel_loop3A_732 = arith.constant 0 : i32
      %parallel_loop3A_733 = tpu.memref_slice %arg9[%parallel_loop3A_253, %parallel_loop3A_731, %parallel_loop3A_732] : memref<2x128x128xf32, #tpu.memory_space<vmem>> -> memref<1x128x128xf32, #tpu.memory_space<vmem>>
      %parallel_loop3A_734 = tpu.memref_squeeze %parallel_loop3A_733 : memref<1x128x128xf32, #tpu.memory_space<vmem>> -> memref<128x128xf32, #tpu.memory_space<vmem>>
      %parallel_loop3A_735 = arith.index_cast %parallel_loop3A_300 : i32 to index
      %parallel_loop3A_736 = arith.constant 96 : index
      %parallel_loop3A_737 = tpu.vector_load %parallel_loop3A_734[%parallel_loop3A_735, %parallel_loop3A_736] {strides = array<i32>} : memref<128x128xf32, #tpu.memory_space<vmem>>, vector<1x16xf32>,
      %parallel_loop3A_738 = vector.shape_cast %parallel_loop3A_737 : vector<1x16xf32> to vector<16xf32>
      %parallel_loop3A_739 = vector.shape_cast %parallel_loop3A_730 : vector<16xf32> to vector<1x16xf32>
      tpu.vector_store %parallel_loop3A_734[%parallel_loop3A_735, %parallel_loop3A_736], %parallel_loop3A_739 {strides = array<i32>} : memref<128x128xf32, #tpu.memory_space<vmem>>, vector<1x16xf32>,
      %parallel_loop3A_740 = arith.constant 0 : i32
      %parallel_loop3A_741 = arith.constant 0 : i32
      %parallel_loop3A_742 = tpu.memref_slice %arg9[%parallel_loop3A_253, %parallel_loop3A_740, %parallel_loop3A_741] : memref<2x128x128xf32, #tpu.memory_space<vmem>> -> memref<1x128x128xf32, #tpu.memory_space<vmem>>
      %parallel_loop3A_743 = tpu.memref_squeeze %parallel_loop3A_742 : memref<1x128x128xf32, #tpu.memory_space<vmem>> -> memref<128x128xf32, #tpu.memory_space<vmem>>
      %parallel_loop3A_744 = arith.index_cast %parallel_loop3A_300 : i32 to index
      %parallel_loop3A_745 = arith.constant 112 : index
      %parallel_loop3A_746 = tpu.vector_load %parallel_loop3A_743[%parallel_loop3A_744, %parallel_loop3A_745] {strides = array<i32>} : memref<128x128xf32, #tpu.memory_space<vmem>>, vector<1x16xf32>,
      %parallel_loop3A_747 = vector.shape_cast %parallel_loop3A_746 : vector<1x16xf32> to vector<16xf32>
      %parallel_loop3A_748 = arith.constant 0 : i32
      %parallel_loop3A_749 = arith.constant 0 : i32
      %parallel_loop3A_750 = tpu.memref_slice %arg10[%parallel_loop3A_254, %parallel_loop3A_748, %parallel_loop3A_749] : memref<2x128x128xf32, #tpu.memory_space<vmem>> -> memref<1x128x128xf32, #tpu.memory_space<vmem>>
      %parallel_loop3A_751 = tpu.memref_squeeze %parallel_loop3A_750 : memref<1x128x128xf32, #tpu.memory_space<vmem>> -> memref<128x128xf32, #tpu.memory_space<vmem>>
      %parallel_loop3A_752 = arith.index_cast %parallel_loop3A_300 : i32 to index
      %parallel_loop3A_753 = arith.constant 112 : index
      %parallel_loop3A_754 = tpu.vector_load %parallel_loop3A_751[%parallel_loop3A_752, %parallel_loop3A_753] {strides = array<i32>} : memref<128x128xf32, #tpu.memory_space<vmem>>, vector<1x16xf32>,
      %parallel_loop3A_755 = vector.shape_cast %parallel_loop3A_754 : vector<1x16xf32> to vector<16xf32>
      %parallel_loop3A_756 = arith.mulf %parallel_loop3A_747, %parallel_loop3A_538 : vector<16xf32>
      %parallel_loop3A_757 = arith.mulf %parallel_loop3A_755, %parallel_loop3A_543 : vector<16xf32>
      %parallel_loop3A_758 = arith.addf %parallel_loop3A_756, %parallel_loop3A_757 : vector<16xf32>
      %parallel_loop3A_759 = arith.constant 0 : i32
      %parallel_loop3A_760 = arith.constant 0 : i32
      %parallel_loop3A_761 = tpu.memref_slice %arg9[%parallel_loop3A_253, %parallel_loop3A_759, %parallel_loop3A_760] : memref<2x128x128xf32, #tpu.memory_space<vmem>> -> memref<1x128x128xf32, #tpu.memory_space<vmem>>
      %parallel_loop3A_762 = tpu.memref_squeeze %parallel_loop3A_761 : memref<1x128x128xf32, #tpu.memory_space<vmem>> -> memref<128x128xf32, #tpu.memory_space<vmem>>
      %parallel_loop3A_763 = arith.index_cast %parallel_loop3A_300 : i32 to index
      %parallel_loop3A_764 = arith.constant 112 : index
      %parallel_loop3A_765 = tpu.vector_load %parallel_loop3A_762[%parallel_loop3A_763, %parallel_loop3A_764] {strides = array<i32>} : memref<128x128xf32, #tpu.memory_space<vmem>>, vector<1x16xf32>,
      %parallel_loop3A_766 = vector.shape_cast %parallel_loop3A_765 : vector<1x16xf32> to vector<16xf32>
      %parallel_loop3A_767 = vector.shape_cast %parallel_loop3A_758 : vector<16xf32> to vector<1x16xf32>
      tpu.vector_store %parallel_loop3A_762[%parallel_loop3A_763, %parallel_loop3A_764], %parallel_loop3A_767 {strides = array<i32>} : memref<128x128xf32, #tpu.memory_space<vmem>>, vector<1x16xf32>,
    } {sc.loop_unroll_factor = 2 : i64, sc.parallel_access}
    %add3A_255 = arith.constant 384 : i32
    %add3A_256 = arith.addi %mul3A_2, %add3A_255 : i32
    %dma_start3A_257 = arith.constant 1 : i32
    %dma_start3A_258 = arith.constant 0 : i32
    %dma_start3A_259 = arith.constant 0 : i32
    %dma_start3A_260 = tpu.memref_slice %arg9[%dma_start3A_257, %dma_start3A_258, %dma_start3A_259] : memref<2x128x128xf32, #tpu.memory_space<vmem>> -> memref<1x128x128xf32, #tpu.memory_space<vmem>>
    %dma_start3A_261 = tpu.memref_squeeze %dma_start3A_260 : memref<1x128x128xf32, #tpu.memory_space<vmem>> -> memref<128x128xf32, #tpu.memory_space<vmem>>
    %dma_start3A_262 = arith.constant 0 : i32
    %dma_start3A_263 = tpu.memref_slice %arg6[%add3A_256, %dma_start3A_262] : memref<16384x128xf32, #tpu.memory_space<hbm>> -> memref<128x128xf32, #tpu.memory_space<hbm>>
    %dma_start3A_264 = arith.constant 0 : i32
    %dma_start3A_265 = tpu.memref_slice %arg6[%add3A_256, %dma_start3A_264] : memref<16384x128xf32, #tpu.memory_space<hbm>> -> memref<128x128xf32, #tpu.memory_space<hbm>>
    %dma_start3A_266 = arith.constant 0 : i32
    %dma_start3A_267 = arith.constant 0 : i32
    %dma_start3A_268 = tpu.memref_slice %arg9[%dma_start3A_257, %dma_start3A_266, %dma_start3A_267] : memref<2x128x128xf32, #tpu.memory_space<vmem>> -> memref<1x128x128xf32, #tpu.memory_space<vmem>>
    %dma_start3A_269 = tpu.memref_squeeze %dma_start3A_268 : memref<1x128x128xf32, #tpu.memory_space<vmem>> -> memref<128x128xf32, #tpu.memory_space<vmem>>
    tpu.enqueue_dma source(%dma_start3A_269 : memref<128x128xf32, #tpu.memory_space<vmem>>) target(%dma_start3A_265 : memref<128x128xf32, #tpu.memory_space<hbm>>) target_semaphore(%arg14 : memref<!tpu.dma_semaphore, #tpu.memory_space<semaphore_mem>>)
    %add3A_270 = arith.constant 256 : i32
    %add3A_271 = arith.addi %mul3A_2, %add3A_270 : i32
    %dma_wait3A_272 = arith.constant 0 : i32
    %dma_wait3A_273 = arith.constant 0 : i32
    %dma_wait3A_274 = arith.constant 0 : i32
    %dma_wait3A_275 = tpu.memref_slice %arg9[%dma_wait3A_272, %dma_wait3A_273, %dma_wait3A_274] : memref<2x128x128xf32, #tpu.memory_space<vmem>> -> memref<1x128x128xf32, #tpu.memory_space<vmem>>
    %dma_wait3A_276 = tpu.memref_squeeze %dma_wait3A_275 : memref<1x128x128xf32, #tpu.memory_space<vmem>> -> memref<128x128xf32, #tpu.memory_space<vmem>>
    %dma_wait3A_277 = arith.constant 0 : i32
    %dma_wait3A_278 = tpu.memref_slice %arg6[%add3A_271, %dma_wait3A_277] : memref<16384x128xf32, #tpu.memory_space<hbm>> -> memref<128x128xf32, #tpu.memory_space<hbm>>
    %dma_wait3A_279 = arith.constant 0 : i32
    %dma_wait3A_280 = tpu.memref_slice %arg6[%add3A_271, %dma_wait3A_279] : memref<16384x128xf32, #tpu.memory_space<hbm>> -> memref<128x128xf32, #tpu.memory_space<hbm>>
    %dma_wait3A_281 = arith.constant 0 : i32
    %dma_wait3A_282 = arith.constant 0 : i32
    %dma_wait3A_283 = tpu.memref_slice %arg9[%dma_wait3A_272, %dma_wait3A_281, %dma_wait3A_282] : memref<2x128x128xf32, #tpu.memory_space<vmem>> -> memref<1x128x128xf32, #tpu.memory_space<vmem>>
    %dma_wait3A_284 = tpu.memref_squeeze %dma_wait3A_283 : memref<1x128x128xf32, #tpu.memory_space<vmem>> -> memref<128x128xf32, #tpu.memory_space<vmem>>
    tpu.wait_dma2 semaphore(%arg13 : memref<!tpu.dma_semaphore, #tpu.memory_space<semaphore_mem>>) src(%dma_wait3A_284 : memref<128x128xf32, #tpu.memory_space<vmem>>) dst(%dma_wait3A_280 : memref<128x128xf32, #tpu.memory_space<hbm>>)
    %add3A_285 = arith.constant 384 : i32
    %add3A_286 = arith.addi %mul3A_2, %add3A_285 : i32
    %dma_wait3A_287 = arith.constant 1 : i32
    %dma_wait3A_288 = arith.constant 0 : i32
    %dma_wait3A_289 = arith.constant 0 : i32
    %dma_wait3A_290 = tpu.memref_slice %arg9[%dma_wait3A_287, %dma_wait3A_288, %dma_wait3A_289] : memref<2x128x128xf32, #tpu.memory_space<vmem>> -> memref<1x128x128xf32, #tpu.memory_space<vmem>>
    %dma_wait3A_291 = tpu.memref_squeeze %dma_wait3A_290 : memref<1x128x128xf32, #tpu.memory_space<vmem>> -> memref<128x128xf32, #tpu.memory_space<vmem>>
    %dma_wait3A_292 = arith.constant 0 : i32
    %dma_wait3A_293 = tpu.memref_slice %arg6[%add3A_286, %dma_wait3A_292] : memref<16384x128xf32, #tpu.memory_space<hbm>> -> memref<128x128xf32, #tpu.memory_space<hbm>>
    %dma_wait3A_294 = arith.constant 0 : i32
    %dma_wait3A_295 = tpu.memref_slice %arg6[%add3A_286, %dma_wait3A_294] : memref<16384x128xf32, #tpu.memory_space<hbm>> -> memref<128x128xf32, #tpu.memory_space<hbm>>
    %dma_wait3A_296 = arith.constant 0 : i32
    %dma_wait3A_297 = arith.constant 0 : i32
    %dma_wait3A_298 = tpu.memref_slice %arg9[%dma_wait3A_287, %dma_wait3A_296, %dma_wait3A_297] : memref<2x128x128xf32, #tpu.memory_space<vmem>> -> memref<1x128x128xf32, #tpu.memory_space<vmem>>
    %dma_wait3A_299 = tpu.memref_squeeze %dma_wait3A_298 : memref<1x128x128xf32, #tpu.memory_space<vmem>> -> memref<128x128xf32, #tpu.memory_space<vmem>>
    tpu.wait_dma2 semaphore(%arg14 : memref<!tpu.dma_semaphore, #tpu.memory_space<semaphore_mem>>) src(%dma_wait3A_299 : memref<128x128xf32, #tpu.memory_space<vmem>>) dst(%dma_wait3A_295 : memref<128x128xf32, #tpu.memory_space<hbm>>)
    return
  }
}

</mosaic_0001>

<sc_bundles>
// kernel: kernel.3.cloned.1.call-start
scs
__scs_entry_jumppad:
0x0: {  	(pc) =	sbr.rel $0x88, $3  }
0x1: {  	(tag) =	ssettag $0x0;
	lr =	simm.s32 $0x1  }
0x2: {  	[smem:$0x3F9D] =	sst lr;
	_ =	strace $0xD0000000  }
0x3: {  	_ = 	snop  }
0x4: {  	_ = 	snop  }
0x5: {  	_ = 	snop  }
0x6: {  	_ = 	snop  }
0x7: {  	_ = 	snop  }
__scs_overlays_trampoline_lowered:
0x8: {  	[smem:$0x3FAC] =	sst s0  }
0x9: {  	[smem:$0x3FAD] =	sst s1  }
0xa: {  	[smem:$0x3FAE] =	sst s2  }
0xb: {  	[smem:$0x3FAF] =	sst s3  }
0xc: {  	[smem:$0x3FB0] =	sst s4  }
0xd: {  	[smem:$0x3FB1] =	sst s5  }
0xe: {  	[smem:$0x3FB2] =	sst s6  }
0xf: {  	[smem:$0x3FB3] =	sst s7  }
0x10: {  	[smem:$0x3FB4] =	sst s8  }
0x11: {  	[smem:$0x3FB5] =	sst s9;
	s0 =	simm.s32 @!p0 $0x0  }
0x12: {  	s1 =	sld [smem:$0x3F9B];
	s0 =	simm.s32 @p0 $0x1  }
0x13: {  	[smem:$0x3FB6] =	sst s0;
	s0 =	simm.s32 @!p1 $0x0  }
0x14: {  	s2 =	sld [smem:$0x3F9A];
	s0 =	simm.s32 @p1 $0x1  }
0x15: {  	[smem:$0x3FB7] =	sst s0;
	s0 =	simm.s32 @!p2 $0x0  }
0x16: {  	s3 =	sld [smem:$0x3FDB];
	s0 =	simm.s32 @p2 $0x1  }
0x17: {  	s4 =	simm.s32 $0x1BF5;
	[smem:$0x3FB9] =	sst s0  }
0x18: {  	s0 =	sld [smem:$0x3F9C];
	_ =	swait.ge [sflag:s4], $0x0  }
0x19: {  	s7 =	sld [smem:$0x3F9D]  }
0x1a: {  	s8 =	sadd.s32 $0xFFFFE003, lr  }
0x1b: {  	s9 =	sadd.s32 $0xFFFFFEF7, lr;
	s5 =	simm.s32 $0xFFFFFFFF;
	p2 =	slt.u32 s8, $0xFFFFF086  }
0x1c: {  	p1 =	slt.u32 s9, $0xF7A;
	s5 =	simm.s32 @!p2 $0x0  }
0x1d: {  	s5 =	simm.s32 @p1 $0x1;
	p0 =	seq.s32 s7, s2  }
0x1e: {  	s7 =	smul.u32 @!p0 $0xF7A, s2;
	p2 =	seq.s32 @!p0 s5, $0x0  }
0x1f: {  	s9 =	smul.u32 $0xF7A, s1;
	s8 =	simm.s32 @!p0 $0x1BF5;
	p2 =	por !p2, p0  }
0x20: {  	[sflag:s8] =	ssyncset.s32 @!p0 $0xFFFFF086;
	s6 =	sadd.s32 @!p0 s3, s7;
	s7 =	simm.s32 @!p0 $0x108  }
0x21: {  	s3 =	sadd.s32 s3, s9;
	s6 =	sadd.s32 @!p0 $0x88, s6;
	s7 =	simm.s32 @p2 $0x1082  }
0x22: {  	[simem:s7], [sflag:s8] =	dma.local @!p0 [hbm:s6], $0xF7A  }
0x23: {  	s9 =	sor.u32 $0xD0000000, s2;
	s6 =	simm.s32 $0x108;
	_ =	swait.ge @!p0 [sflag:s8], $0x0  }
0x24: {  	s3 =	sadd.s32 $0x88, s3;
	s6 =	simm.s32 @!p1 $0x1082;
	[sflag:s4] =	ssyncset.s32 $0xFFFFF086  }
0x25: {  	[simem:s6], [sflag:s4] =	dma.local [hbm:s3], $0xF7A  }
0x26: {  	[smem:$0x3F9D] =	sst s1;
	(tag) =	ssettag s2;
	_ =	strace s9  }
0x27: {  	s1 =	sld [smem:$0x3FAD]  }
0x28: {  	s2 =	sld [smem:$0x3FAE]  }
0x29: {  	s4 =	sld [smem:$0x3FB0]  }
0x2a: {  	p0 =	seq.s32 s5, $0x0;
	s5 =	sld [smem:$0x3FB1]  }
0x2b: {  	s6 =	sld [smem:$0x3FB2]  }
0x2c: {  	s7 =	sld [smem:$0x3FB3]  }
0x2d: {  	s3 =	simm.s32 $0x108;
	s8 =	sld [smem:$0x3FB4]  }
0x2e: {  	s3 =	simm.s32 @!p0 $0x1082;
	s9 =	sld [smem:$0x3FB5]  }
0x2f: {  	lr =	sadd.s32 s0, s3;
	s0 =	sld [smem:$0x3FAC]  }
0x30: {  	s3 =	sld [smem:$0x3FAF]  }
0x31: {  	[smem:$0x3FB8] =	sst s10  }
0x32: {  	s10 =	sld [smem:$0x3FB6];
	_ =	sdelay $0x3  }
0x33: {  	p0 =	seq.s32 s10, $0x1;
	s10 =	sld [smem:$0x3FB8];
	_ =	sdelay $0x3  }
0x34: {  	[smem:$0x3FB8] =	sst s10  }
0x35: {  	s10 =	sld [smem:$0x3FB7];
	_ =	sdelay $0x3  }
0x36: {  	p1 =	seq.s32 s10, $0x1;
	s10 =	sld [smem:$0x3FB8];
	_ =	sdelay $0x3  }
0x37: {  	[smem:$0x3FB8] =	sst s10  }
0x38: {  	s10 =	sld [smem:$0x3FB9]  }
0x39: {  	_ = 	snop;
	(pc) =	sbr.ind lr, $3  }
0x3a: {  	_ = 	snop  }
0x3b: {  	_ = 	snop  }
0x3c: {  	p2 =	seq.s32 s10, $0x1;
	s10 =	sld [smem:$0x3FB8]  }
0x3d: {  	_ =	shalt  }
0x3e: {  	_ =	shalt  }
0x3f: {  	_ =	shalt  }
0x40: {  	_ =	shalt  }
0x41: {  	_ =	shalt  }
0x42: {  	_ =	shalt  }
0x43: {  	_ =	shalt  }
0x44: {  	_ =	shalt  }
0x45: {  	_ =	shalt  }
0x46: {  	_ =	shalt  }
0x47: {  	_ =	shalt  }
0x48: {  	_ =	shalt  }
0x49: {  	_ =	shalt  }
0x4a: {  	_ =	shalt  }
0x4b: {  	_ =	shalt  }
0x4c: {  	_ =	shalt  }
0x4d: {  	_ =	shalt  }
0x4e: {  	_ =	shalt  }
0x4f: {  	_ =	shalt  }
0x50: {  	_ =	shalt  }
0x51: {  	_ =	shalt  }
0x52: {  	_ =	shalt  }
0x53: {  	_ =	shalt  }
0x54: {  	_ =	shalt  }
0x55: {  	_ =	shalt  }
0x56: {  	_ =	shalt  }
0x57: {  	_ =	shalt  }
0x58: {  	_ =	shalt  }
0x59: {  	_ =	shalt  }
0x5a: {  	_ =	shalt  }
0x5b: {  	_ =	shalt  }
0x5c: {  	_ =	shalt  }
0x5d: {  	_ =	shalt  }
0x5e: {  	_ =	shalt  }
0x5f: {  	_ =	shalt  }
0x60: {  	_ =	shalt  }
0x61: {  	_ =	shalt  }
0x62: {  	_ =	shalt  }
0x63: {  	_ =	shalt  }
0x64: {  	_ =	shalt  }
0x65: {  	_ =	shalt  }
0x66: {  	_ =	shalt  }
0x67: {  	_ =	shalt  }
0x68: {  	_ =	shalt  }
0x69: {  	_ =	shalt  }
0x6a: {  	_ =	shalt  }
0x6b: {  	_ =	shalt  }
0x6c: {  	_ =	shalt  }
0x6d: {  	_ =	shalt  }
0x6e: {  	_ =	shalt  }
0x6f: {  	_ =	shalt  }
0x70: {  	_ =	shalt  }
0x71: {  	_ =	shalt  }
0x72: {  	_ =	shalt  }
0x73: {  	_ =	shalt  }
0x74: {  	_ =	shalt  }
0x75: {  	_ =	shalt  }
0x76: {  	_ =	shalt  }
0x77: {  	_ =	shalt  }
0x78: {  	_ =	shalt  }
0x79: {  	_ =	shalt  }
0x7a: {  	_ =	shalt  }
0x7b: {  	_ =	shalt  }
0x7c: {  	_ =	shalt  }
0x7d: {  	_ =	shalt  }
0x7e: {  	_ =	shalt  }
0x7f: {  	_ =	shalt  }
0x80: {  	_ =	shalt  }
0x81: {  	_ =	shalt  }
0x82: {  	_ =	shalt  }
0x83: {  	_ =	shalt  }
0x84: {  	_ =	shalt  }
0x85: {  	_ =	shalt  }
0x86: {  	_ =	shalt  }
0x87: {  	_ =	shalt  }
.Lfunc_end0:
.L_simem_size_0:
called_computation_lowered:
.L_overlay_start_0:
0x88: {  	s2 =	sld [smem:$0x3FD9]  }
0x89: {  	s3 =	sld [smem:$0x3FFE];
	_ =	sdelay $0x1  }
0x8a: {  	s1 =	srdreg.scid  }
0x8b: {  	s0 =	sand.u32 $0x1, s1  }
0x8c: {  	s18 =	sshll.u32 s0, $0xA;
	s2 =	sadd.s32 s3, s2  }
0x8d: {  	s2 =	sadd.s32 s2, s18  }
0x8e: {  	[smem:$0x3FC4] =	sst s2  }
0x8f: {  	_ = 	snop  }
0x90: {  	s2 =	sld [smem:$0x3FC9]  }
0x91: {  	s19 =	sld [smem:$0x3FC8]  }
0x92: {  	s4 =	sld [smem:$0x3FC7]  }
0x93: {  	s5 =	sld [smem:$0x3FC6]  }
0x94: {  	s6 =	sld [smem:$0x3FD0];
	(tm) =	ssettm $0x1  }
0x95: {  	s7 =	sld [smem:$0x3FFB];
	_ =	sdelay $0x3  }
0x96: {  	_ =	strace s7  }
0x97: {  	s7 =	sld [smem:$0x3FFC];
	_ =	sdelay $0x3  }
0x98: {  	_ =	strace s7  }
0x99: {  	s7 =	sld [smem:$0x3FFD];
	_ =	sdelay $0x3  }
0x9a: {  	_ =	strace s7  }
0x9b: {  	_ =	strace $0x8FFFFFFF  }
0x9c: {  	s20 =	sld [smem:$0x3FDB];
	_ =	sdelay $0x1  }
0x9d: {  	s8 =	simm.s32 $_scs_section_size  }
0x9e: {  	s9 =	simm.s32 $_size__tile_overlayer_lowered;
	s10 =	simm.s32 $_tile_overlayer_lowered  }
0x9f: {  	s23 =	simm.s32 $0x1BFF;
	s22 =	sshll.u32 s10, $0x1;
	s7 =	sadd.s32 s8, s20  }
0xa0: {  	s11 =	simm.s32 $0x0;
	s21 =	sshll.u32 s9, $0x1;
	s9 =	sadd.s32 s22, s7  }
0xa1: {  	[timem:s11], [sflag:s23] =	dma.local [hbm:s9], s21  }
0xa2: {  	_ =	swait.ge [sflag:s23], s21  }
0xa3: {  	s8 =	ssub.s32 $0x0, s21;
	[sflag:s23] =	ssyncset.done $0x0  }
0xa4: {  	[sflag:s23] =	ssyncadd.s32 s8;
	_ =	sdelay $0x1  }
0xa5: {  	s24 =	simm.s32 $0x1B8B  }
0xa6: {  	_ =	swait.ge [sflag:s24], $0x1  }
0xa7: {  	[sflag:s24] =	ssyncset.done $0x0  }
0xa8: {  	s25 =	simm.s32 $0x1B8E;
	[sflag:s24] =	ssyncadd.s32 $0xFFFFFFFF  }
0xa9: {  	s26 =	simm.s32 $execute0_lowered;
	[smem:$0x3FD2] =	sst s25  }
0xaa: {  	s8 =	sshll.u32 s26, $0x1;
	_ =	strace $0x80000046;
	[dreg:$0x1] =	wrdreg $0xFFFFFFFF  }
0xab: {  	s28 =	simm.s32 $_size_execute0_lowered;
	s7 =	sadd.s32 s7, s8;
	[dreg:$0x0] =	wrdreg $0x0  }
0xac: {  	s8 =	sshll.u32 s28, $0x1;
	[dreg:$0x2] =	wrdreg s7  }
0xad: {  	[dreg:$0x3] =	wrdreg s8  }
0xae: {  	[dreg:$0x4] =	wrdreg $0xC0  }
0xaf: {  	_ =	task [dreg:s11], $0x5FFFF  }
0xb0: {  	[dreg:$0x1] =	wrdreg $0xFFFFFFFF  }
0xb1: {  	[dreg:$0x0] =	wrdreg $0x60  }
0xb2: {  	[dreg:$0x2] =	wrdreg s2  }
0xb3: {  	[dreg:$0x3] =	wrdreg s19  }
0xb4: {  	[dreg:$0x4] =	wrdreg s4  }
0xb5: {  	[dreg:$0x5] =	wrdreg s5  }
0xb6: {  	[dreg:$0x6] =	wrdreg s6  }
0xb7: {  	[dreg:$0x7] =	wrdreg $0x9  }
0xb8: {  	_ =	task.clear_ibuf [dreg:s11], $0x8FFFF;
	_ =	strace $0x90000046  }
0xb9: {  	s29 =	simm.s32 $0x9;
	_ =	strace $0x80000048  }
0xba: {  	_ =	swait.ge [sflag:s29], $0x1  }
0xbb: {  	[sflag:s29] =	ssyncadd.s32 $0xFFFFFFFF  }
0xbc: {  	_ =	strace $0x90000048  }
0xbd: {  	_ =	sfence  }
0xbe: {  	s30 =	sld [smem:$0x0];
	_ =	sdelay $0x2  }
0xbf: {  	s31 =	sshll.u32 s1, $0xD;
	s1 =	sshrl.u32 s1, $0x2  }
0xc0: {  	s3 =	sand.u32 $0x4000, s31;
	s1 =	sadd.s32 s1, s30  }
0xc1: {  	s0 =	sor.u32 s3, s0;
	s1 =	sshll.u32 s1, $0x11  }
0xc2: {  	s0 =	sor.u32 s1, s0  }
0xc3: {  	s0 =	sadd.s32 $0x8F2B, s0  }
0xc4: {  	[sflag:s0] =	ssyncadd.remote.s32 $0x1  }
0xc5: {  	_ =	sfence.sel $0xFFFF  }
0xc6: {  	[dreg:$0x0] =	wrdreg $0xFFFFFFFF;
	(pc) =	sbr.abs _section_cstart, $3  }
0xc7: {  	[dreg:$0x1] =	wrdreg $0xFFFFFFFF  }
0xc8: {  	_ =	task.clear_ibuf [dreg:s11], $0x2FFFF;
	_ =	strace $0x9FFFFFFF  }
0xc9: {  	(tm) =	ssettm $0x7FFFFFFF  }
tec
execute0_lowered:
.L_overlay_start_1:
0x0: {  	(tag) =	ssettag $0x1  }
0x1: {  	s0 =	rddreg [dreg:$0x0]  }
0x2: {  	s3 =	rddreg [dreg:$0x1];
	v0 =	vimm.s32 $0xFEDCBA98  }
0x3: {  	s1 =	rddreg [dreg:$0x2];
	v1 =	vimm.s32 $0x76543210;
	v2 =	vimm.s32 $0xEFCDAB89;
	v3 =	vimm.s32 $0x67452301  }
0x4: {  	s2 =	rddreg [dreg:$0x3];
	v4 =	vimm.s32 $0xDCFE98BA;
	v5 =	vimm.s32 $0x54761032;
	v6 =	vimm.s32 $0xBA98FEDC  }
0x5: {  	s5 =	rddreg [dreg:$0x4];
	s4 =	simm.s32 $0x0;
	v7 =	vimm.s32 $0x32107654;
	v0 =	vunpack.c.l.s4.s8 v0;
	v1 =	vunpack.c.l.s4.s8 v1  }
0x6: {  	s6 =	srdreg.scid;
	s8 =	stileid.u32;
	s12 =	simm.s32 $0x5;
	v2 =	vunpack.c.l.s4.s8 v2;
	v6 =	vunpack.c.l.s4.s8 v6;
	v7 =	vunpack.c.l.s4.s8 v7  }
0x7: {  	s14 =	simm.s32 $0x80;
	s15 =	simm.s32 $0x400;
	s17 =	simm.s32 $0x4400;
	v3 =	vunpack.c.l.s4.s8 v3;
	v4 =	vunpack.c.l.s4.s8 v4;
	v5 =	vunpack.c.l.s4.s8 v5  }
0x8: {  	s20 =	simm.s32 $0x1;
	s21 =	simm.s32 $0x3;
	s6 =	sand.u32 $0x1, s6;
	v0 =	vunpack.c.0.s8.s32 v0;
	v6 =	vunpack.c.0.s8.s32 v6;
	v7 =	vunpack.c.0.s8.s32 v7  }
0x9: {  	s8 =	sshll.u32 s8, $0xA;
	s7 =	ssub.s32 $0x2, s6;
	s6 =	sshll.u32 s6, $0x9;
	v2 =	vunpack.c.0.s8.s32 v2;
	v3 =	vunpack.c.0.s8.s32 v3;
	v4 =	vunpack.c.0.s8.s32 v4  }
0xa: {  	s24 =	simm.s32 $0x2;
	[smem:$0x7FF] =	sst s4;
	s6 =	sor.u32 s6, s8;
	v5 =	vunpack.c.0.s8.s32 v5;
	v1 =	vunpack.c.0.s8.s32 v1;
	v59 =	vcombine.low v7, v6  }
0xb: {  	_ =	strace $0x80000047;
	s9 =	sshrl.u32 s7, $0x1;
	s26 =	sshrl.u32 s6, $0x3;
	v2 =	vcombine.low v3, v2;
	v0 =	vand.u32 $0xF, v0  }
0xc: {  	s25 =	ssub.s32 s7, s9;
	s6 =	sshll.u32 s6, $0x4;
	s0 =	sadd.s32 s0, s26;
	v58 =	vcombine.low v5, v4;
	v9 =	vcombine.low v0, v1;
	v0 =	vand.u32 $0xF, v59  }
0xd: {  	s28 =	sadd.s32 s3, s26;
	s7 =	sadd.s32 s5, s6;
	[dreg:$0x6] =	wrdreg s0;
	v61 =	vand.u32 $0xF, v2;
	[tilespmem:$0x1FFC0] =	vst v0  }
0xe: {  	s29 =	simm.s32 $0x0;
	[dreg:$0x7] =	wrdreg s28;
	s30 =	sadd.s32 $0x800, s7;
	v63 =	vand.u32 $0xF, v58;
	[tilespmem:$0x1FFD0] =	vst v61  }
0xf: {  	s11 =	smax.u32 s25, $0x1;
	s31 =	sadd.s32 $0x1000, s7;
	[dreg:$0x8] =	wrdreg s30;
	[tilespmem:$0x1FFE0] =	vst v63  }
0x10: {  	vm0 =	vmmov $0xff;
	s25 =	simm.s32 $0x4;
	s10 =	sadd.s32 $0x1800, s7;
	[dreg:$0x9] =	wrdreg s31;
	[tilespmem:$0x1FFF0] =	vst v9  }
.LBB2_1:
0x11: {  	s0 =	rddreg [dreg:$0x6]  }
0x12: {  	[tilespmem:s4], [sflag:$0x5] =	stream.linear.gather [hbm4b:s0+s4], $0x200, $0x38;
	[tilespmem:$0x10400] =	vst v63  }
0x13: {  	_ =	swait.ge [sflag:s12], $0x200  }
0x14: {  	[sflag:s12] =	ssyncset.done $0x0  }
0x15: {  	s3 =	simm.s32 $0x200;
	s19 =	rddreg [dreg:$0x7];
	[sflag:s12] =	ssyncadd.s32 $0xFFFFFE00  }
0x16: {  	[tilespmem:s3], [sflag:$0x5] =	stream.linear.gather [hbm4b:s19+s4], $0x200, $0x38;
	[tilespmem:$0x10400] =	vst v63  }
0x17: {  	_ =	swait.ge [sflag:s12], $0x200  }
0x18: {  	[sflag:s12] =	ssyncset.done $0x0  }
0x19: {  	[sflag:s12] =	ssyncadd.s32 $0xFFFFFE00  }
0x1a: {  	[tilespmem:s15], [sflag:$0x1] =	stream.indirect.gather [hbm4b:s1+s14], $0x80, s4, s14, $0xb8;
	[tilespmem:$0x10400] =	vst v63  }
0x1b: {  	s22 =	simm.s32 $0x8400  }
0x1c: {  	[tilespmem:s22], [sflag:$0x1] =	stream.indirect.gather [hbm4b:s2+s14], $0x80, s3, s14, $0xb8;
	[tilespmem:$0x10400] =	vst v63  }
0x1d: {  	_ = 	snop  }
0x1e: {  	[tilespmem:s17], [sflag:$0x2] =	stream.indirect.gather [hbm4b:s1+s14], $0x80, s14, s14, $0xb8;
	[tilespmem:$0x10400] =	vst v63  }
0x1f: {  	s23 =	simm.s32 $0x280;
	s26 =	simm.s32 $0xC400  }
0x20: {  	[tilespmem:s26], [sflag:$0x2] =	stream.indirect.gather [hbm4b:s2+s14], $0x80, s23, s14, $0xb8;
	[tilespmem:$0x10400] =	vst v63  }
0x21: {  	_ =	swait.ge [sflag:s20], $0x4000  }
0x22: {  	[sflag:s20] =	ssyncset.done $0x0  }
0x23: {  	[sflag:s20] =	ssyncadd.s32 $0xFFFFC000  }
0x24: {  	_ =	swait.ge [sflag:s20], $0x4000  }
0x25: {  	[sflag:s20] =	ssyncset.done $0x0  }
0x26: {  	s30 =	simm.s32 $0x480;
	[sflag:s20] =	ssyncadd.s32 $0xFFFFC000  }
0x27: {  	s26 =	simm.s32 $0x8480;
	v15 =	vld [tilespmem:s30+$0x0]  }
0x28: {  	v13 =	vld [tilespmem:s26+$0x0]  }
0x29: {  	v12 =	vld [tilespmem:s30+$0x10]  }
0x2a: {  	v0 =	vld [tilespmem:s26+$0x10]  }
0x2b: {  	v11 =	vld [tilespmem:s30+$0x20]  }
0x2c: {  	v1 =	vld [tilespmem:s26+$0x20]  }
0x2d: {  	v14 =	vld [tilespmem:s30+$0x30]  }
0x2e: {  	v4 =	vld [tilespmem:s26+$0x30]  }
0x2f: {  	v6 =	vld [tilespmem:s30+$0x40];
	v2 =	vmul.f32 v15, v15;
	v3 =	vmul.f32 v12, v12  }
0x30: {  	v8 =	vld [tilespmem:s26+$0x40];
	v5 =	vmul.f32 v13, v13;
	v0 =	vmul.f32 v0, v0  }
0x31: {  	v7 =	vld [tilespmem:s30+$0x70];
	v2 =	vadd.f32 v3, v2;
	v3 =	vmul.f32 v11, v11  }
0x32: {  	v20 =	vld [tilespmem:s30+$0x50];
	v1 =	vmul.f32 v1, v1;
	v0 =	vadd.f32 v0, v5  }
0x33: {  	v5 =	vld [tilespmem:s26+$0x50];
	v2 =	vadd.f32 v3, v2;
	v3 =	vmul.f32 v14, v14  }
0x34: {  	v24 =	vld [tilespmem:s30+$0x60];
	v0 =	vadd.f32 v1, v0;
	v1 =	vmul.f32 v4, v4  }
0x35: {  	v10 =	vld [tilespmem:s26+$0x60];
	v4 =	vmul.f32 v6, v6;
	v2 =	vadd.f32 v3, v2  }
0x36: {  	[tilespmem:$0x1FCE0] =	vst v7;
	v0 =	vadd.f32 v1, v0;
	v1 =	vmul.f32 v8, v8  }
0x37: {  	v3 =	vmul.f32 v20, v20;
	v2 =	vadd.f32 v4, v2;
	v4 =	vld [tilespmem:s26+$0x70]  }
0x38: {  	v0 =	vadd.f32 v1, v0;
	v1 =	vmul.f32 v5, v5  }
0x39: {  	v2 =	vadd.f32 v3, v2;
	v3 =	vmul.f32 v24, v24  }
0x3a: {  	v5 =	vmul.f32 v10, v10;
	v0 =	vadd.f32 v1, v0  }
0x3b: {  	v1 =	vadd.f32 v3, v2;
	v2 =	vmul.f32 v7, v7  }
0x3c: {  	v0 =	vadd.f32 v5, v0;
	v7 =	vld [tilespmem:s30+$0xFFFFFFA0];
	v3 =	vmul.f32 v4, v4  }
0x3d: {  	v1 =	vadd.f32 v2, v1  }
0x3e: {  	v32 =	vld [tilespmem:s26+$0xFFFFFF80];
	v0 =	vadd.f32 v3, v0  }
0x3f: {  	v23 =	vld [tilespmem:s30+$0xFFFFFF90];
	v2 =	vperm.xlane v1, v9  }
0x40: {  	v35 =	vld [tilespmem:s30+$0xFFFFFF80];
	v3 =	vperm.xlane v0, v9  }
0x41: {  	v1 =	vadd.f32 v2, v1;
	v2 =	vld [tilespmem:s26+$0xFFFFFF90];
	[tilespmem:$0x1FCA0] =	vst v7  }
0x42: {  	v0 =	vadd.f32 v3, v0;
	v8 =	vld [tilespmem:s30+$0xFFFFFFB0];
	_ =	sdelay $0x1  }
0x43: {  	v0 =	vsel vm0, v1, v0  }
0x44: {  	v1 =	vperm.xlane v0, v61;
	_ =	sdelay $0x1  }
0x45: {  	v0 =	vadd.f32 v0, v1;
	v1 =	vld [tilespmem:s26+$0xFFFFFFA0];
	[tilespmem:$0x1FCB0] =	vst v8  }
0x46: {  	v18 =	vld [tilespmem:s30+$0xFFFFFFC0]  }
0x47: {  	v29 =	vld [tilespmem:$0x1FFC0]  }
0x48: {  	v3 =	vperm.xlane v0, v63  }
0x49: {  	v4 =	vmul.f32 v32, v32;
	v2 =	vmul.f32 v2, v2  }
0x4a: {  	v5 =	vmul.f32 v23, v23;
	v10 =	vld [tilespmem:s26+$0xFFFFFFB0];
	v0 =	vadd.f32 v0, v3;
	v3 =	vmul.f32 v35, v35  }
0x4b: {  	v2 =	vadd.f32 v2, v4;
	v1 =	vmul.f32 v1, v1;
	[tilespmem:$0x1FCC0] =	vst v18  }
0x4c: {  	v16 =	vmul.f32 v7, v7;
	v17 =	vperm.xlane v0, v29;
	v3 =	vadd.f32 v5, v3;
	v4 =	vld [tilespmem:s26+$0xFFFFFFC0]  }
0x4d: {  	v25 =	vld [tilespmem:s30+$0xFFFFFFD0];
	v1 =	vadd.f32 v1, v2  }
0x4e: {  	v5 =	vmul.f32 v8, v8;
	v2 =	vld [tilespmem:s26+$0xFFFFFFD0];
	v0 =	vadd.f32 v0, v17;
	v3 =	vadd.f32 v16, v3  }
0x4f: {  	v10 =	vmul.f32 v10, v10;
	v26 =	vld [tilespmem:s30+$0xFFFFFFE0]  }
0x50: {  	v16 =	vmul.f32 v18, v18;
	v17 =	vld [tilespmem:s26+$0xFFFFFFE0];
	v0 =	vmax.f32 v0, $9.999999960e-13;
	v3 =	vadd.f32 v5, v3  }
0x51: {  	v27 =	vld [tilespmem:s30+$0xFFFFFFF0];
	v1 =	vadd.f32 v10, v1;
	v5 =	vshrl.u32 v0, $0x1;
	v4 =	vmul.f32 v4, v4  }
0x52: {  	v18 =	vld [tilespmem:s26+$0xFFFFFFF0];
	v0 =	vmul.f32 $5.000000000e-01, v0;
	v10 =	vmul.f32 v25, v25;
	v3 =	vadd.f32 v16, v3  }
0x53: {  	v5 =	vsub.s32 $0x5F3759DF, v5;
	v2 =	vmul.f32 v2, v2;
	v1 =	vadd.f32 v4, v1  }
0x54: {  	s0 =	simm.s32 $0x8580;
	v16 =	vmul.f32 v5, v0;
	v4 =	vmul.f32 v26, v26;
	v3 =	vadd.f32 v10, v3  }
0x55: {  	s31 =	simm.s32 $0x580;
	v40 =	vld [tilespmem:s0+$0x0];
	v1 =	vadd.f32 v2, v1;
	v2 =	vmul.f32 v17, v17  }
0x56: {  	v36 =	vld [tilespmem:s31+$0x20];
	v10 =	vmul.f32 v5, v16;
	v17 =	vmul.f32 v27, v27;
	v3 =	vadd.f32 v4, v3  }
0x57: {  	v16 =	vld [tilespmem:s31+$0x0];
	v1 =	vadd.f32 v2, v1;
	v2 =	vmul.f32 v18, v18  }
0x58: {  	v4 =	vsub.f32 $1.500000000e+00, v10;
	v10 =	vld [tilespmem:s31+$0x10];
	v3 =	vadd.f32 v17, v3  }
0x59: {  	v1 =	vadd.f32 v2, v1;
	v2 =	vld [tilespmem:s0+$0x10]  }
0x5a: {  	v21 =	vld [tilespmem:s31+$0x30];
	v4 =	vmul.f32 v5, v4;
	v5 =	vperm.xlane v3, v9  }
0x5b: {  	v7 =	vimm.s32 $0x0;
	v18 =	vld [tilespmem:s0+$0x20];
	v17 =	vperm.xlane v1, v9  }
0x5c: {  	v19 =	vld [tilespmem:s0+$0x30];
	v28 =	vmul.f32 v40, v40;
	v0 =	vmul.f32 v4, v0;
	v3 =	vadd.f32 v5, v3  }
0x5d: {  	v22 =	vld [tilespmem:s31+$0x40];
	v5 =	vmul.f32 v16, v16;
	v1 =	vadd.f32 v17, v1;
	v17 =	vmul.f32 v10, v10  }
0x5e: {  	v8 =	vimm.s32 $0x8;
	v33 =	vld [tilespmem:s31+$0x70];
	v0 =	vmul.f32 v0, v4;
	v2 =	vmul.f32 v2, v2  }
0x5f: {  	v1 =	vsel vm0, v3, v1;
	v3 =	vadd.f32 v17, v5;
	v5 =	vmul.f32 v36, v36;
	v17 =	vld [tilespmem:s0+$0x40]  }
0x60: {  	v18 =	vmul.f32 v18, v18;
	v0 =	vsub.f32 $1.500000000e+00, v0;
	v2 =	vadd.f32 v2, v28;
	v28 =	vld [tilespmem:s31+$0x50]  }
0x61: {  	v34 =	vld [tilespmem:s0+$0x50];
	v30 =	vperm.xlane v1, v61;
	v3 =	vadd.f32 v5, v3;
	v5 =	vmul.f32 v21, v21  }
0x62: {  	v55 =	vld [tilespmem:s31+$0x60];
	v0 =	vmul.f32 v0, v4;
	v4 =	vmul.f32 v19, v19;
	v2 =	vadd.f32 v18, v2  }
0x63: {  	v19 =	vld [tilespmem:s0+$0x60];
	[tilespmem:$0x1FD50] =	vst v33;
	v1 =	vadd.f32 v1, v30;
	v18 =	vmul.f32 v22, v22;
	v3 =	vadd.f32 v5, v3  }
0x64: {  	v30 =	vperm.xlane v0, v7;
	v5 =	vld [tilespmem:s0+$0x70];
	v2 =	vadd.f32 v4, v2;
	v4 =	vmul.f32 v17, v17  }
0x65: {  	v31 =	vperm.xlane v0, v8;
	v0 =	vadd.f32 v18, v3;
	v3 =	vmul.f32 v28, v28  }
0x66: {  	v15 =	vmul.f32 v30, v15;
	v2 =	vadd.f32 v4, v2;
	v4 =	vmul.f32 v34, v34  }
0x67: {  	v13 =	vmul.f32 v31, v13;
	v0 =	vadd.f32 v3, v0;
	v3 =	vmul.f32 v55, v55  }
0x68: {  	v17 =	vmul.f32 v19, v19;
	v2 =	vadd.f32 v4, v2;
	v4 =	vperm.xlane v1, v63  }
0x69: {  	v13 =	vadd.f32 v13, v15;
	v5 =	vmul.f32 v5, v5;
	v0 =	vadd.f32 v3, v0  }
0x6a: {  	v3 =	vmul.f32 v33, v33;
	v2 =	vadd.f32 v17, v2;
	v1 =	vadd.f32 v1, v4  }
0x6b: {  	[tilespmem:s30+$0x0] =	vst v13  }
0x6c: {  	v4 =	vld [tilespmem:s26+$0x10];
	v0 =	vadd.f32 v3, v0;
	v2 =	vadd.f32 v5, v2;
	v3 =	vperm.xlane v1, v29;
	_ =	sdelay $0x1  }
0x6d: {  	v5 =	vperm.xlane v0, v9;
	v13 =	vperm.xlane v2, v9;
	v1 =	vadd.f32 v1, v3  }
0x6e: {  	v3 =	vmul.f32 v30, v12  }
0x6f: {  	v0 =	vadd.f32 v5, v0;
	v2 =	vadd.f32 v13, v2;
	v1 =	vmax.f32 v1, $9.999999960e-13  }
0x70: {  	v4 =	vmul.f32 v4, v31;
	v5 =	vshrl.u32 v1, $0x1;
	v1 =	vmul.f32 $5.000000000e-01, v1  }
0x71: {  	v0 =	vsel vm0, v0, v2;
	v2 =	vsub.s32 $0x5F3759DF, v5  }
0x72: {  	v12 =	vld [tilespmem:s31+$0xFFFFFFA0];
	v3 =	vadd.f32 v4, v3;
	v5 =	vmul.f32 v2, v1  }
0x73: {  	v41 =	vld [tilespmem:s0+$0xFFFFFF80]  }
0x74: {  	v37 =	vld [tilespmem:s31+$0xFFFFFF90];
	[tilespmem:s30+$0x10] =	vst v3;
	v3 =	vmul.f32 v2, v5  }
0x75: {  	v19 =	vld [tilespmem:s31+$0xFFFFFF80];
	v4 =	vperm.xlane v0, v61  }
0x76: {  	v13 =	vld [tilespmem:s0+$0xFFFFFF90];
	v3 =	vsub.f32 $1.500000000e+00, v3  }
0x77: {  	v0 =	vadd.f32 v0, v4;
	v4 =	vld [tilespmem:s26+$0x20];
	[tilespmem:$0x1FCF0] =	vst v12  }
0x78: {  	v2 =	vmul.f32 v2, v3;
	v3 =	vmul.f32 v30, v11;
	v11 =	vld [tilespmem:s31+$0xFFFFFFB0];
	_ =	sdelay $0x2  }
0x79: {  	v5 =	vperm.xlane v0, v63  }
0x7a: {  	v4 =	vmul.f32 v4, v31  }
0x7b: {  	v0 =	vadd.f32 v0, v5;
	v5 =	vld [tilespmem:s0+$0xFFFFFFA0];
	[tilespmem:$0x1FD00] =	vst v11  }
0x7c: {  	v3 =	vadd.f32 v4, v3;
	v4 =	vmul.f32 v13, v13;
	v13 =	vld [tilespmem:s31+$0xFFFFFFC0];
	_ =	sdelay $0x1  }
0x7d: {  	v15 =	vperm.xlane v0, v29;
	_ =	sdelay $0x1  }
0x7e: {  	v0 =	vadd.f32 v0, v15  }
0x7f: {  	v38 =	vld [tilespmem:s0+$0xFFFFFFB0];
	[tilespmem:$0x1FD10] =	vst v13  }
0x80: {  	v15 =	vmul.f32 v12, v12;
	v0 =	vmax.f32 v0, $9.999999960e-13;
	v12 =	vld [tilespmem:s31+$0xFFFFFFD0]  }
0x81: {  	v39 =	vshrl.u32 v0, $0x1;
	v0 =	vmul.f32 $5.000000000e-01, v0  }
0x82: {  	v18 =	vmul.f32 v37, v37;
	v54 =	vmul.f32 v19, v19;
	v39 =	vsub.s32 $0x5F3759DF, v39  }
0x83: {  	v17 =	vmul.f32 v41, v41;
	v44 =	vmul.f32 v39, v0  }
0x84: {  	v18 =	vadd.f32 v18, v54;
	v56 =	vld [tilespmem:s0+$0xFFFFFFC0];
	[tilespmem:s30+$0x20] =	vst v3  }
0x85: {  	v1 =	vmul.f32 v2, v1;
	v44 =	vmul.f32 v39, v44;
	v3 =	vadd.f32 v4, v17;
	v4 =	vld [tilespmem:s26+$0x30];
	[tilespmem:$0x1FD20] =	vst v12  }
0x86: {  	v5 =	vmul.f32 v5, v5;
	v42 =	vmul.f32 v11, v11;
	v18 =	vadd.f32 v15, v18;
	v43 =	vld [tilespmem:s0+$0xFFFFFFD0]  }
0x87: {  	v14 =	vmul.f32 v30, v14;
	v1 =	vmul.f32 v1, v2;
	v44 =	vsub.f32 $1.500000000e+00, v44;
	v15 =	vld [tilespmem:s31+$0xFFFFFFE0]  }
0x88: {  	v42 =	vadd.f32 v42, v18;
	v3 =	vadd.f32 v5, v3;
	v5 =	vmul.f32 v13, v13;
	v45 =	vld [tilespmem:s0+$0xFFFFFFE0]  }
0x89: {  	v38 =	vmul.f32 v38, v38;
	v39 =	vmul.f32 v39, v44;
	v18 =	vld [tilespmem:s31+$0xFFFFFFF0]  }
0x8a: {  	s3 =	simm.s32 $0x680;
	v5 =	vadd.f32 v5, v42;
	v57 =	vmul.f32 v12, v12;
	v4 =	vmul.f32 v4, v31;
	v58 =	vld [tilespmem:s0+$0xFFFFFFF0]  }
0x8b: {  	v3 =	vadd.f32 v38, v3;
	v34 =	vmul.f32 v56, v56;
	v0 =	vmul.f32 v39, v0;
	v11 =	vld [tilespmem:s3+$0x60]  }
0x8c: {  	s18 =	simm.s32 $0x8680;
	v50 =	vld [tilespmem:s3+$0x0];
	v5 =	vadd.f32 v57, v5;
	v4 =	vadd.f32 v4, v14;
	v14 =	vmul.f32 v15, v15  }
0x8d: {  	v1 =	vsub.f32 $1.500000000e+00, v1;
	v51 =	vld [tilespmem:s18+$0x0];
	v3 =	vadd.f32 v34, v3;
	v59 =	vmul.f32 v43, v43  }
0x8e: {  	v44 =	vld [tilespmem:s3+$0x10];
	v0 =	vmul.f32 v0, v39;
	[tilespmem:s30+$0x30] =	vst v4;
	v4 =	vmul.f32 v18, v18;
	v5 =	vadd.f32 v14, v5  }
0x8f: {  	v60 =	vmul.f32 v45, v45;
	v62 =	vld [tilespmem:s26+$0x40];
	v3 =	vadd.f32 v59, v3  }
0x90: {  	v1 =	vmul.f32 v1, v2;
	v0 =	vsub.f32 $1.500000000e+00, v0;
	v2 =	vadd.f32 v4, v5;
	v4 =	vld [tilespmem:s18+$0x10];
	[tilespmem:$0x1FDB0] =	vst v11  }
0x91: {  	v14 =	vmul.f32 v58, v58;
	v3 =	vadd.f32 v60, v3;
	v43 =	vld [tilespmem:s3+$0x20]  }
0x92: {  	v0 =	vmul.f32 v0, v39;
	v48 =	vld [tilespmem:s18+$0x20]  }
0x93: {  	v6 =	vmul.f32 v30, v6;
	v46 =	vperm.xlane v1, v7;
	v13 =	vld [tilespmem:s3+$0x50];
	v3 =	vadd.f32 v14, v3  }
0x94: {  	v38 =	vperm.xlane v0, v7;
	v5 =	vperm.xlane v2, v9  }
0x95: {  	v34 =	vperm.xlane v0, v8;
	v39 =	vld [tilespmem:s3+$0x30];
	v14 =	vperm.xlane v3, v9  }
0x96: {  	v0 =	vmul.f32 v44, v44;
	v42 =	vld [tilespmem:s3+$0x40];
	v2 =	vadd.f32 v5, v2;
	v5 =	vmul.f32 v50, v50  }
0x97: {  	v47 =	vmul.f32 v51, v51;
	v4 =	vmul.f32 v4, v4;
	v3 =	vadd.f32 v14, v3;
	v14 =	vld [tilespmem:s18+$0x30]  }
0x98: {  	v49 =	vld [tilespmem:s18+$0x40];
	v0 =	vadd.f32 v0, v5;
	v5 =	vmul.f32 v43, v43;
	v52 =	vmul.f32 v48, v48;
	[tilespmem:$0x1FD80] =	vst v13  }
0x99: {  	v7 =	vld [tilespmem:s3+$0x70];
	v2 =	vsel vm0, v2, v3;
	v3 =	vmul.f32 v38, v16;
	v16 =	vmul.f32 v34, v40  }
0x9a: {  	v4 =	vadd.f32 v4, v47;
	v0 =	vadd.f32 v5, v0;
	v33 =	vperm.xlane v2, v61  }
0x9b: {  	v53 =	vld [tilespmem:s18+$0x50];
	v5 =	vmul.f32 v39, v39;
	v3 =	vadd.f32 v16, v3;
	v16 =	vmul.f32 v62, v31  }
0x9c: {  	v54 =	vld [tilespmem:s18+$0x60];
	v4 =	vadd.f32 v52, v4;
	v2 =	vadd.f32 v2, v33;
	v14 =	vmul.f32 v14, v14  }
0x9d: {  	v0 =	vadd.f32 v5, v0;
	[tilespmem:s31+$0x0] =	vst v3;
	v3 =	vadd.f32 v16, v6;
	v6 =	vmul.f32 v42, v42  }
0x9e: {  	v5 =	vld [tilespmem:s0+$0x10];
	v16 =	vperm.xlane v2, v63;
	v4 =	vadd.f32 v14, v4;
	v14 =	vmul.f32 v49, v49;
	[tilespmem:$0x1FDE0] =	vst v7  }
0x9f: {  	v12 =	vperm.xlane v1, v8;
	v1 =	vmul.f32 v13, v13;
	v0 =	vadd.f32 v6, v0;
	v6 =	vld [tilespmem:s18+$0x70]  }
0xa0: {  	[tilespmem:s30+$0x40] =	vst v3;
	v17 =	vld [tilespmem:s3+$0xFFFFFF90];
	v2 =	vadd.f32 v2, v16;
	v3 =	vadd.f32 v14, v4;
	v4 =	vmul.f32 v53, v53  }
0xa1: {  	v16 =	vmul.f32 v54, v54;
	v0 =	vadd.f32 v1, v0;
	v1 =	vmul.f32 v11, v11  }
0xa2: {  	v59 =	vld [tilespmem:s3+$0xFFFFFF80];
	v3 =	vadd.f32 v4, v3;
	v4 =	vmul.f32 v38, v10;
	v10 =	vperm.xlane v2, v29  }
0xa3: {  	v45 =	vld [tilespmem:s3+$0xFFFFFFA0];
	v5 =	vmul.f32 v5, v34;
	v0 =	vadd.f32 v1, v0;
	v1 =	vmul.f32 v7, v7  }
0xa4: {  	v47 =	vld [tilespmem:s3+$0xFFFFFFB0];
	v3 =	vadd.f32 v16, v3;
	v6 =	vmul.f32 v6, v6;
	v16 =	vmul.f32 v12, v32  }
0xa5: {  	v40 =	vld [tilespmem:s18+$0xFFFFFF80];
	v2 =	vadd.f32 v2, v10;
	v56 =	vmul.f32 v17, v17;
	v4 =	vadd.f32 v5, v4  }
0xa6: {  	v10 =	vld [tilespmem:s18+$0xFFFFFF90];
	v5 =	vmul.f32 v46, v35;
	v0 =	vadd.f32 v1, v0;
	v1 =	vadd.f32 v6, v3  }
0xa7: {  	v11 =	vmov v9;
	v58 =	vmul.f32 v59, v59;
	v3 =	vmul.f32 v30, v20  }
0xa8: {  	v57 =	vld [tilespmem:s18+$0xFFFFFFA0];
	[tilespmem:s31+$0x10] =	vst v4;
	v9 =	vadd.f32 v16, v5;
	v16 =	vperm.xlane v0, v11;
	v20 =	vperm.xlane v1, v11  }
0xa9: {  	v53 =	vmul.f32 v45, v45;
	v60 =	vmul.f32 v47, v47;
	v32 =	vadd.f32 v56, v58;
	v5 =	vld [tilespmem:s0+$0x20]  }
0xaa: {  	v2 =	vmax.f32 v2, $9.999999960e-13;
	v0 =	vadd.f32 v16, v0;
	v1 =	vadd.f32 v20, v1;
	v20 =	vld [tilespmem:s18+$0xFFFFFFB0]  }
0xab: {  	v48 =	vld [tilespmem:s3+$0xFFFFFFC0];
	v6 =	vshrl.u32 v2, $0x1;
	v16 =	vmul.f32 v40, v40;
	v10 =	vmul.f32 v10, v10  }
0xac: {  	v4 =	vmul.f32 $5.000000000e-01, v2;
	v0 =	vsel vm0, v0, v1;
	v1 =	vmul.f32 v38, v36;
	v36 =	vld [tilespmem:s18+$0xFFFFFFC0]  }
0xad: {  	v52 =	vld [tilespmem:s3+$0xFFFFFFD0];
	v6 =	vsub.s32 $0x5F3759DF, v6;
	v10 =	vadd.f32 v10, v16;
	v16 =	vmul.f32 v57, v57  }
0xae: {  	v54 =	vld [tilespmem:s18+$0xFFFFFFD0];
	v32 =	vadd.f32 v53, v32;
	v56 =	vmul.f32 v6, v4;
	v5 =	vmul.f32 v5, v34  }
0xaf: {  	v49 =	vld [tilespmem:s3+$0xFFFFFFE0];
	v62 =	vperm.xlane v0, v61;
	v10 =	vadd.f32 v16, v10;
	v16 =	vmul.f32 v20, v20  }
0xb0: {  	v32 =	vadd.f32 v60, v32;
	v57 =	vld [tilespmem:s18+$0xFFFFFFE0];
	v1 =	vadd.f32 v5, v1;
	v5 =	vmul.f32 v48, v48  }
0xb1: {  	v53 =	vld [tilespmem:s3+$0xFFFFFFF0];
	v0 =	vadd.f32 v0, v62;
	v10 =	vadd.f32 v16, v10;
	v16 =	vmul.f32 v36, v36  }
0xb2: {  	s22 =	simm.s32 $0x780;
	v14 =	vld [tilespmem:s26+$0x50];
	v20 =	vmul.f32 v6, v56;
	[tilespmem:s31+$0x20] =	vst v1;
	v1 =	vmul.f32 v52, v52;
	v5 =	vadd.f32 v5, v32  }
0xb3: {  	v62 =	vld [tilespmem:s22+$0x0];
	v35 =	vperm.xlane v0, v63;
	v10 =	vadd.f32 v16, v10;
	v16 =	vmul.f32 v54, v54  }
0xb4: {  	v56 =	vmul.f32 v49, v49;
	v32 =	vld [tilespmem:s0+$0x30];
	v1 =	vadd.f32 v1, v5;
	v5 =	vsub.f32 $1.500000000e+00, v20  }
0xb5: {  	s23 =	simm.s32 $0x8780;
	v0 =	vadd.f32 v0, v35;
	v20 =	vld [tilespmem:s22+$0x10];
	v10 =	vadd.f32 v16, v10;
	v16 =	vmul.f32 v57, v57  }
0xb6: {  	v13 =	vld [tilespmem:s23+$0x0];
	v60 =	vmul.f32 v53, v53;
	v1 =	vadd.f32 v56, v1  }
0xb7: {  	v5 =	vmul.f32 v6, v5;
	v6 =	vperm.xlane v0, v29;
	v10 =	vadd.f32 v16, v10;
	v16 =	vld [tilespmem:s23+$0x10]  }
0xb8: {  	v21 =	vmul.f32 v38, v21;
	v14 =	vmul.f32 v14, v31  }
0xb9: {  	v1 =	vadd.f32 v60, v1;
	v32 =	vmul.f32 v32, v34;
	v0 =	vadd.f32 v0, v6;
	v60 =	vld [tilespmem:s22+$0x20]  }
0xba: {  	v33 =	vmovc v63;
	v8 =	vadd.f32 v14, v3;
	v54 =	vld [tilespmem:s23+$0x20];
	v14 =	vmul.f32 v62, v62;
	v63 =	vmul.f32 v20, v20  }
0xbb: {  	v36 =	vld [tilespmem:s18+$0xFFFFFFF0];
	v6 =	vperm.xlane v1, v11;
	v57 =	vadd.f32 v32, v21;
	v0 =	vmax.f32 v0, $9.999999960e-13  }
0xbc: {  	v21 =	vld [tilespmem:s23+$0x30];
	v14 =	vadd.f32 v63, v14;
	v63 =	vmul.f32 v13, v13;
	v16 =	vmul.f32 v16, v16  }
0xbd: {  	v2 =	vld [tilespmem:s23+$0x40];
	v7 =	vadd.f32 v6, v1;
	v6 =	vmul.f32 $5.000000000e-01, v0;
	v0 =	vshrl.u32 v0, $0x1  }
0xbe: {  	v0 =	vsub.s32 $0x5F3759DF, v0;
	v58 =	vmul.f32 v60, v60;
	v16 =	vadd.f32 v16, v63;
	v63 =	vld [tilespmem:s22+$0x60]  }
0xbf: {  	v54 =	vmul.f32 v54, v54;
	v1 =	vmul.f32 v0, v6  }
0xc0: {  	v35 =	vmul.f32 v36, v36;
	v14 =	vadd.f32 v58, v14;
	v58 =	vld [tilespmem:s23+$0x50]  }
0xc1: {  	v56 =	vld [tilespmem:s22+$0x30];
	v1 =	vmul.f32 v0, v1;
	v16 =	vadd.f32 v54, v16;
	v54 =	vmul.f32 v21, v21  }
0xc2: {  	v36 =	vld [tilespmem:s22+$0x40];
	v10 =	vadd.f32 v35, v10  }
0xc3: {  	v2 =	vmul.f32 v2, v2;
	v32 =	vld [tilespmem:s22+$0x50];
	v1 =	vsub.f32 $1.500000000e+00, v1;
	v16 =	vadd.f32 v54, v16;
	[tilespmem:$0x1FDF0] =	vst v63  }
0xc4: {  	v4 =	vmul.f32 v5, v4;
	v35 =	vperm.xlane v10, v11;
	v21 =	vld [tilespmem:s22+$0x70]  }
0xc5: {  	v0 =	vmul.f32 v0, v1;
	v1 =	vadd.f32 v2, v16;
	v2 =	vmul.f32 v58, v58  }
0xc6: {  	v10 =	vadd.f32 v35, v10;
	v35 =	vmul.f32 v56, v56  }
0xc7: {  	v4 =	vmul.f32 v4, v5;
	v3 =	vld [tilespmem:s23+$0x60];
	v1 =	vadd.f32 v2, v1;
	v2 =	vmul.f32 v0, v6  }
0xc8: {  	v14 =	vadd.f32 v35, v14;
	v35 =	vmul.f32 v36, v36  }
0xc9: {  	v4 =	vsub.f32 $1.500000000e+00, v4;
	v2 =	vmul.f32 v2, v0;
	[tilespmem:$0x1FE20] =	vst v21  }
0xca: {  	v14 =	vadd.f32 v35, v14;
	v54 =	vmul.f32 v32, v32;
	[tilespmem:s30+$0xFFFFFF80] =	vst v9;
	v9 =	vld [tilespmem:s23+$0x70]  }
0xcb: {  	v4 =	vmul.f32 v4, v5;
	v7 =	vsel vm0, v7, v10;
	[tilespmem:s31+$0x30] =	vst v57;
	v2 =	vsub.f32 $1.500000000e+00, v2  }
0xcc: {  	v14 =	vadd.f32 v54, v14;
	v58 =	vmul.f32 v63, v63;
	v3 =	vmul.f32 v3, v3;
	v6 =	vld [tilespmem:s0+$0x40]  }
0xcd: {  	v16 =	vld [tilespmem:s26+$0xFFFFFF90];
	v0 =	vmul.f32 v2, v0;
	v2 =	vperm.xlane v7, v61  }
0xce: {  	v5 =	vadd.f32 v58, v14;
	v14 =	vmul.f32 v21, v21;
	v1 =	vadd.f32 v3, v1  }
0xcf: {  	[tilespmem:s30+$0x50] =	vst v8;
	v2 =	vadd.f32 v7, v2;
	v7 =	vimm.s32 $0x0;
	v8 =	vmul.f32 v9, v9  }
0xd0: {  	v3 =	vadd.f32 v14, v5;
	v5 =	vmul.f32 v46, v23;
	v10 =	vperm.xlane v4, v7  }
0xd1: {  	v9 =	vld [tilespmem:s26+$0x60];
	v6 =	vmul.f32 v6, v34;
	v1 =	vadd.f32 v8, v1;
	v8 =	vmul.f32 v38, v22  }
0xd2: {  	v35 =	vperm.xlane v0, v7;
	v7 =	vimm.s32 $0x8;
	v14 =	vmul.f32 v16, v12  }
0xd3: {  	v6 =	vadd.f32 v6, v8;
	v8 =	vperm.xlane v3, v11;
	v22 =	vperm.xlane v1, v11  }
0xd4: {  	v16 =	vmul.f32 v30, v24;
	v23 =	vperm.xlane v0, v7  }
0xd5: {  	v7 =	vperm.xlane v4, v7;
	v3 =	vadd.f32 v8, v3;
	v1 =	vadd.f32 v22, v1  }
0xd6: {  	v4 =	vmul.f32 v23, v51;
	v9 =	vmul.f32 v9, v31;
	[tilespmem:s31+$0x40] =	vst v6  }
0xd7: {  	v6 =	vperm.xlane v2, v33;
	v0 =	vld [tilespmem:s0+$0x50];
	v1 =	vsel vm0, v3, v1;
	v3 =	vmul.f32 v35, v50  }
0xd8: {  	v8 =	vadd.f32 v9, v16  }
0xd9: {  	v2 =	vadd.f32 v2, v6;
	v6 =	vperm.xlane v1, v61;
	v3 =	vadd.f32 v4, v3  }
0xda: {  	v9 =	vmul.f32 v10, v19;
	v16 =	vmul.f32 v7, v41;
	[tilespmem:s30+$0x60] =	vst v8;
	v4 =	vadd.f32 v14, v5  }
0xdb: {  	v1 =	vadd.f32 v1, v6;
	[tilespmem:s3+$0x0] =	vst v3  }
0xdc: {  	v8 =	vadd.f32 v16, v9;
	v5 =	vmul.f32 v38, v28;
	v0 =	vmul.f32 v0, v34;
	[tilespmem:s30+$0xFFFFFF90] =	vst v4  }
0xdd: {  	v3 =	vperm.xlane v1, v33;
	v9 =	vld [tilespmem:$0x1FCB0]  }
0xde: {  	v0 =	vadd.f32 v0, v5;
	v5 =	vld [tilespmem:$0x1FCA0];
	[tilespmem:s31+$0xFFFFFF80] =	vst v8  }
0xdf: {  	v1 =	vadd.f32 v1, v3;
	v3 =	vld [tilespmem:$0x1FCC0];
	_ =	sdelay $0x4  }
0xe0: {  	v6 =	vld [tilespmem:s26+$0x70];
	v3 =	vmul.f32 v46, v3  }
0xe1: {  	v4 =	vld [tilespmem:s18+$0x10]  }
0xe2: {  	v22 =	vmul.f32 v46, v9;
	v9 =	vld [tilespmem:s26+$0xFFFFFFA0];
	[tilespmem:$0x1FDC0] =	vst v3;
	v3 =	vmul.f32 v46, v25;
	_ =	sdelay $0x1  }
0xe3: {  	[tilespmem:$0x1FDD0] =	vst v3  }
0xe4: {  	[tilespmem:s31+$0x50] =	vst v0;
	v0 =	vmul.f32 v46, v26;
	_ =	sdelay $0x1  }
0xe5: {  	v8 =	vmul.f32 v46, v27;
	v3 =	vld [tilespmem:s0+$0xFFFFFF90];
	[tilespmem:$0x1FEF0] =	vst v0  }
0xe6: {  	v14 =	vld [tilespmem:s0+$0x60]  }
0xe7: {  	[tilespmem:$0x1FCD0] =	vst v8;
	v8 =	vld [tilespmem:$0x1FCE0]  }
0xe8: {  	v21 =	vld [tilespmem:s22+$0xFFFFFF90];
	_ =	sdelay $0x3  }
0xe9: {  	v8 =	vmul.f32 v30, v8  }
0xea: {  	v6 =	vmul.f32 v6, v31;
	v54 =	vld [tilespmem:s23+$0xFFFFFF80];
	[tilespmem:$0x1FE10] =	vst v21  }
0xeb: {  	[tilespmem:$0x1FE30] =	vst v8  }
0xec: {  	v19 =	vperm.xlane v2, v29;
	v26 =	vld [tilespmem:s23+$0xFFFFFF90];
	[tilespmem:$0x1FE40] =	vst v6  }
0xed: {  	v8 =	vld [tilespmem:s22+$0xFFFFFFA0]  }
0xee: {  	v2 =	vadd.f32 v2, v19;
	_ =	sdelay $0x1  }
0xef: {  	v2 =	vmax.f32 v2, $9.999999960e-13;
	v16 =	vperm.xlane v1, v29  }
0xf0: {  	v19 =	vmul.f32 v35, v44;
	v0 =	vshrl.u32 v2, $0x1;
	v2 =	vmul.f32 $5.000000000e-01, v2  }
0xf1: {  	v4 =	vmul.f32 v4, v23;
	v1 =	vadd.f32 v1, v16;
	v0 =	vsub.s32 $0x5F3759DF, v0;
	v57 =	vld [tilespmem:s22+$0xFFFFFF80];
	[tilespmem:$0x1FE50] =	vst v8  }
0xf2: {  	v63 =	vmov v11;
	v5 =	vmul.f32 v46, v5;
	v16 =	vmul.f32 v0, v2;
	v11 =	vld [tilespmem:s22+$0xFFFFFFB0]  }
0xf3: {  	v4 =	vadd.f32 v4, v19;
	v1 =	vmax.f32 v1, $9.999999960e-13;
	v9 =	vmul.f32 v9, v12  }
0xf4: {  	v6 =	vmul.f32 v0, v16;
	v16 =	vshrl.u32 v1, $0x1;
	v1 =	vmul.f32 $5.000000000e-01, v1  }
0xf5: {  	v25 =	vadd.f32 v9, v5;
	v5 =	vmul.f32 v38, v55;
	[tilespmem:s3+$0x10] =	vst v4;
	v4 =	vsub.s32 $0x5F3759DF, v16  }
0xf6: {  	v9 =	vmul.f32 v14, v34;
	v27 =	vld [tilespmem:s23+$0xFFFFFFA0];
	v24 =	vmul.f32 v4, v1  }
0xf7: {  	v16 =	vld [tilespmem:s18+$0x20];
	[tilespmem:$0x1FE60] =	vst v11  }
0xf8: {  	v14 =	vmul.f32 v4, v24;
	v24 =	vadd.f32 v9, v5;
	v5 =	vmul.f32 v21, v21;
	v21 =	vld [tilespmem:s22+$0xFFFFFFC0];
	_ =	sdelay $0x2  }
0xf9: {  	v6 =	vsub.f32 $1.500000000e+00, v6;
	_ =	sdelay $0x1  }
0xfa: {  	v0 =	vmul.f32 v0, v6;
	v6 =	vld [tilespmem:s23+$0xFFFFFFB0];
	[tilespmem:$0x1FE70] =	vst v21  }
0xfb: {  	v30 =	vld [tilespmem:s22+$0xFFFFFFD0];
	_ =	sdelay $0x3  }
0xfc: {  	v14 =	vsub.f32 $1.500000000e+00, v14  }
0xfd: {  	v28 =	vld [tilespmem:s23+$0xFFFFFFC0];
	[tilespmem:$0x1FE80] =	vst v30  }
0xfe: {  	v4 =	vmul.f32 v4, v14;
	v14 =	vmul.f32 v8, v8;
	v8 =	vld [tilespmem:s22+$0xFFFFFFE0]  }
0xff: {  	v19 =	vmul.f32 v10, v37;
	v3 =	vmul.f32 v3, v7  }
0x100: {  	v9 =	vmul.f32 v57, v57  }
0x101: {  	v3 =	vadd.f32 v3, v19;
	v19 =	vmul.f32 v26, v26;
	v26 =	vmul.f32 v54, v54  }
0x102: {  	v5 =	vadd.f32 v5, v9  }
0x103: {  	v19 =	vadd.f32 v19, v26;
	v9 =	vmul.f32 v35, v43;
	v26 =	vld [tilespmem:s23+$0xFFFFFFD0];
	[tilespmem:$0x1FEA0] =	vst v8  }
0x104: {  	v16 =	vmul.f32 v16, v23;
	v5 =	vadd.f32 v14, v5;
	v14 =	vmul.f32 v11, v11;
	v11 =	vld [tilespmem:s22+$0xFFFFFFF0];
	_ =	sdelay $0x1  }
0x105: {  	v2 =	vmul.f32 v0, v2;
	v9 =	vadd.f32 v16, v9;
	v16 =	vmul.f32 v27, v27  }
0x106: {  	v1 =	vmul.f32 v4, v1  }
0x107: {  	v2 =	vmul.f32 v2, v0;
	v16 =	vadd.f32 v16, v19;
	v6 =	vmul.f32 v6, v6;
	[tilespmem:s3+$0x20] =	vst v9  }
0x108: {  	v5 =	vadd.f32 v14, v5;
	v1 =	vmul.f32 v1, v4;
	v27 =	vld [tilespmem:s23+$0xFFFFFFE0];
	v9 =	vmul.f32 v21, v21;
	[tilespmem:$0x1FEB0] =	vst v11  }
0x109: {  	v2 =	vsub.f32 $1.500000000e+00, v2;
	v6 =	vadd.f32 v6, v16;
	v16 =	vmul.f32 v28, v28;
	v19 =	vld [tilespmem:s18+$0x30]  }
0x10a: {  	s28 =	simm.s32 $0x880;
	v1 =	vsub.f32 $1.500000000e+00, v1;
	v5 =	vadd.f32 v9, v5;
	v9 =	vmul.f32 v30, v30;
	v28 =	vld [tilespmem:s23+$0xFFFFFFF0]  }
0x10b: {  	s13 =	simm.s32 $0x8880;
	v0 =	vmul.f32 v2, v0;
	v6 =	vadd.f32 v16, v6;
	v2 =	vmul.f32 v26, v26;
	v14 =	vld [tilespmem:s28+$0x0]  }
0x10c: {  	v1 =	vmul.f32 v1, v4;
	v4 =	vmul.f32 v8, v8;
	v5 =	vadd.f32 v9, v5;
	v26 =	vld [tilespmem:s13+$0x10]  }
0x10d: {  	v8 =	vimm.s32 $0x8;
	v2 =	vadd.f32 v2, v6;
	v6 =	vmul.f32 v27, v27;
	v46 =	vld [tilespmem:s28+$0x10]  }
0x10e: {  	v43 =	vperm.xlane v1, v8;
	v21 =	vld [tilespmem:s13+$0x0];
	v4 =	vadd.f32 v4, v5  }
0x10f: {  	v2 =	vadd.f32 v6, v2;
	v6 =	vmul.f32 v11, v11;
	v5 =	vmul.f32 v19, v23;
	v19 =	vld [tilespmem:s28+$0x20]  }
0x110: {  	v9 =	vmul.f32 v35, v39;
	v11 =	vimm.s32 $0x0;
	v27 =	vmul.f32 v28, v28;
	v28 =	vld [tilespmem:s13+$0x20]  }
0x111: {  	v58 =	vld [tilespmem:s28+$0x30];
	v50 =	vperm.xlane v1, v11;
	v4 =	vadd.f32 v6, v4;
	v1 =	vmul.f32 v26, v26  }
0x112: {  	v51 =	vld [tilespmem:s28+$0x40];
	v6 =	vmul.f32 v14, v14;
	v5 =	vadd.f32 v5, v9;
	v9 =	vmul.f32 v46, v46  }
0x113: {  	v41 =	vld [tilespmem:s28+$0x50];
	v2 =	vadd.f32 v27, v2;
	v27 =	vmul.f32 v50, v62;
	v62 =	vmul.f32 v21, v21  }
0x114: {  	v26 =	vld [tilespmem:s13+$0x30];
	v6 =	vadd.f32 v9, v6;
	v9 =	vperm.xlane v4, v63;
	v55 =	vmul.f32 v19, v19  }
0x115: {  	v37 =	vperm.xlane v0, v11;
	v11 =	vld [tilespmem:s28+$0x70];
	v1 =	vadd.f32 v1, v62;
	v28 =	vmul.f32 v28, v28  }
0x116: {  	v4 =	vadd.f32 v9, v4;
	v9 =	vmul.f32 v58, v58;
	v6 =	vadd.f32 v55, v6  }
0x117: {  	v44 =	vld [tilespmem:s13+$0x40];
	v62 =	vmul.f32 v43, v13  }
0x118: {  	v39 =	vld [tilespmem:s28+$0x60];
	v1 =	vadd.f32 v28, v1;
	v28 =	vmul.f32 v51, v51;
	v6 =	vadd.f32 v9, v6  }
0x119: {  	v26 =	vmul.f32 v26, v26;
	v27 =	vadd.f32 v62, v27;
	v62 =	vld [tilespmem:s13+$0x60]  }
0x11a: {  	v8 =	vperm.xlane v0, v8;
	v55 =	vld [tilespmem:s13+$0x50];
	[tilespmem:$0x1FEE0] =	vst v11;
	v6 =	vadd.f32 v28, v6;
	v28 =	vmul.f32 v41, v41  }
0x11b: {  	[tilespmem:s22+$0x0] =	vst v27;
	v1 =	vadd.f32 v26, v1  }
0x11c: {  	[tilespmem:s31+$0xFFFFFF90] =	vst v3;
	v26 =	vmul.f32 v37, v59;
	v6 =	vadd.f32 v28, v6;
	v28 =	vmul.f32 v8, v40  }
0x11d: {  	v0 =	vmul.f32 v44, v44;
	v44 =	vmul.f32 v39, v39;
	[tilespmem:s3+$0x30] =	vst v5  }
0x11e: {  	v3 =	vadd.f32 v28, v26;
	v26 =	vmul.f32 v11, v11;
	v11 =	vld [tilespmem:$0x1FD00]  }
0x11f: {  	v6 =	vadd.f32 v44, v6;
	_ =	sdelay $0x1  }
0x120: {  	v27 =	vperm.xlane v2, v63;
	v59 =	vld [tilespmem:s13+$0x70];
	v5 =	vadd.f32 v26, v6  }
0x121: {  	v0 =	vadd.f32 v0, v1;
	v1 =	vmul.f32 v55, v55;
	v40 =	vld [tilespmem:s23+$0x10]  }
0x122: {  	v2 =	vadd.f32 v27, v2;
	v6 =	vld [tilespmem:$0x1FCF0];
	[tilespmem:s30+$0xFFFFFFA0] =	vst v25;
	v27 =	vmul.f32 v10, v11;
	v11 =	vperm.xlane v5, v63  }
0x123: {  	v13 =	vld [tilespmem:$0x1FD10];
	[tilespmem:s3+$0xFFFFFF80] =	vst v3  }
0x124: {  	v0 =	vadd.f32 v1, v0;
	v1 =	vmul.f32 v62, v62;
	v3 =	vadd.f32 v11, v5;
	v5 =	vld [tilespmem:$0x1FD20]  }
0x125: {  	v2 =	vsel vm0, v4, v2;
	v4 =	vld [tilespmem:s0+$0xFFFFFFA0]  }
0x126: {  	v0 =	vadd.f32 v1, v0;
	v1 =	vmul.f32 v59, v59;
	_ =	sdelay $0x1  }
0x127: {  	v0 =	vadd.f32 v1, v0;
	v1 =	vmul.f32 v50, v20;
	v20 =	vmul.f32 v40, v43  }
0x128: {  	v26 =	vperm.xlane v2, v61;
	v5 =	vmul.f32 v10, v5  }
0x129: {  	v4 =	vmul.f32 v4, v7;
	v1 =	vadd.f32 v20, v1;
	v6 =	vmul.f32 v10, v6  }
0x12a: {  	v9 =	vmov v12;
	v12 =	vld [tilespmem:s18+$0x40];
	v20 =	vmul.f32 v10, v13;
	v13 =	vperm.xlane v0, v63;
	[tilespmem:$0x1FEC0] =	vst v5  }
0x12b: {  	v2 =	vadd.f32 v2, v26;
	v4 =	vadd.f32 v4, v6;
	v6 =	vmul.f32 v10, v15;
	[tilespmem:s22+$0x10] =	vst v1  }
0x12c: {  	v0 =	vadd.f32 v13, v0;
	v13 =	vld [tilespmem:s18+$0xFFFFFF90];
	[tilespmem:s31+$0x60] =	vst v24  }
0x12d: {  	v5 =	vld [tilespmem:s26+$0xFFFFFFB0];
	[tilespmem:$0x1FD30] =	vst v6;
	v6 =	vperm.xlane v2, v33;
	_ =	sdelay $0x1  }
0x12e: {  	v12 =	vmul.f32 v12, v23;
	v1 =	vmul.f32 v35, v42;
	v2 =	vadd.f32 v2, v6  }
0x12f: {  	v11 =	vmov v7;
	v7 =	vmul.f32 v10, v18  }
0x130: {  	v15 =	vld [tilespmem:s23+$0x20];
	v1 =	vadd.f32 v12, v1;
	v12 =	vmul.f32 v13, v8;
	v13 =	vperm.xlane v2, v29  }
0x131: {  	[tilespmem:$0x1FD40] =	vst v7;
	v7 =	vld [tilespmem:$0x1FD50]  }
0x132: {  	v0 =	vsel vm0, v3, v0;
	v3 =	vld [tilespmem:s0+$0x70]  }
0x133: {  	[tilespmem:s31+$0xFFFFFFA0] =	vst v4;
	v4 =	vperm.xlane v0, v61;
	v44 =	vld [tilespmem:s28+$0xFFFFFF90]  }
0x134: {  	v2 =	vadd.f32 v2, v13;
	v13 =	vmov v8;
	v8 =	vld [tilespmem:s28+$0xFFFFFFA0]  }
0x135: {  	v31 =	vld [tilespmem:s13+$0xFFFFFF80];
	v0 =	vadd.f32 v0, v4  }
0x136: {  	[tilespmem:s3+$0x40] =	vst v1;
	v1 =	vld [tilespmem:s0+$0xFFFFFFB0];
	v5 =	vmul.f32 v5, v9  }
0x137: {  	v4 =	vld [tilespmem:s18+$0x50];
	v30 =	vmul.f32 v3, v34;
	v3 =	vperm.xlane v0, v33  }
0x138: {  	v59 =	vadd.f32 v5, v22;
	v34 =	vld [tilespmem:s28+$0xFFFFFF80]  }
0x139: {  	v5 =	vmul.f32 v50, v60;
	v15 =	vmul.f32 v15, v43;
	v0 =	vadd.f32 v0, v3;
	v3 =	vld [tilespmem:s13+$0xFFFFFF90];
	[tilespmem:$0x1FF00] =	vst v8  }
0x13a: {  	v10 =	vld [tilespmem:s28+$0xFFFFFFB0]  }
0x13b: {  	v5 =	vadd.f32 v15, v5  }
0x13c: {  	v40 =	vmul.f32 v38, v7;
	v7 =	vmul.f32 v37, v49  }
0x13d: {  	v6 =	vmul.f32 v37, v17;
	[tilespmem:s22+$0x20] =	vst v5  }
0x13e: {  	v15 =	vld [tilespmem:s13+$0xFFFFFFA0];
	[tilespmem:$0x1FD60] =	vst v7;
	v7 =	vmul.f32 v37, v53  }
0x13f: {  	v24 =	vadd.f32 v12, v6;
	v12 =	vperm.xlane v0, v29;
	[tilespmem:$0x1FF10] =	vst v10  }
0x140: {  	v26 =	vmul.f32 v37, v47;
	v47 =	vld [tilespmem:s23+$0x30];
	[tilespmem:$0x1FD70] =	vst v7  }
0x141: {  	v0 =	vadd.f32 v0, v12;
	v12 =	vld [tilespmem:s28+$0xFFFFFFC0]  }
0x142: {  	v2 =	vmax.f32 v2, $9.999999960e-13  }
0x143: {  	v1 =	vmul.f32 v1, v11;
	v6 =	vshrl.u32 v2, $0x1  }
0x144: {  	v17 =	vmul.f32 v34, v34;
	v5 =	vsub.s32 $0x5F3759DF, v6;
	v6 =	vmul.f32 v44, v44;
	_ =	sdelay $0x1  }
0x145: {  	v16 =	vadd.f32 v1, v27;
	v1 =	vadd.f32 v6, v17;
	v6 =	vld [tilespmem:s13+$0xFFFFFFB0];
	[tilespmem:$0x1FF20] =	vst v12  }
0x146: {  	v60 =	vmul.f32 v8, v8;
	v8 =	vld [tilespmem:s28+$0xFFFFFFD0];
	_ =	sdelay $0x3  }
0x147: {  	v28 =	vmul.f32 v37, v45  }
0x148: {  	v18 =	vmul.f32 v37, v52;
	v38 =	vmul.f32 v37, v48;
	v37 =	vld [tilespmem:s13+$0xFFFFFFC0];
	[tilespmem:$0x1FF30] =	vst v8  }
0x149: {  	v22 =	vld [tilespmem:s28+$0xFFFFFFE0];
	_ =	sdelay $0x1  }
0x14a: {  	v2 =	vmul.f32 $5.000000000e-01, v2;
	_ =	sdelay $0x1  }
0x14b: {  	v56 =	vmul.f32 v50, v56;
	v25 =	vmul.f32 v5, v2  }
0x14c: {  	v27 =	vmul.f32 v31, v31;
	v3 =	vmul.f32 v3, v3;
	v0 =	vmax.f32 v0, $9.999999960e-13;
	v62 =	vld [tilespmem:s13+$0xFFFFFFD0];
	[tilespmem:$0x1FF40] =	vst v22  }
0x14d: {  	v17 =	vmul.f32 v5, v25;
	v25 =	vshrl.u32 v0, $0x1;
	v0 =	vmul.f32 $5.000000000e-01, v0;
	v7 =	vld [tilespmem:s28+$0xFFFFFFF0]  }
0x14e: {  	v3 =	vadd.f32 v3, v27;
	v25 =	vsub.s32 $0x5F3759DF, v25;
	v15 =	vmul.f32 v15, v15  }
0x14f: {  	v42 =	vmul.f32 v25, v0;
	v27 =	vmul.f32 v47, v43  }
0x150: {  	v1 =	vadd.f32 v60, v1;
	v3 =	vadd.f32 v15, v3;
	v6 =	vmul.f32 v6, v6  }
0x151: {  	v17 =	vsub.f32 $1.500000000e+00, v17;
	v45 =	vmul.f32 v25, v42;
	v27 =	vadd.f32 v27, v56  }
0x152: {  	v47 =	vmul.f32 v10, v10;
	v3 =	vadd.f32 v6, v3;
	v6 =	vmul.f32 v37, v37;
	v56 =	vld [tilespmem:s13+$0xFFFFFFE0];
	[tilespmem:$0x1FF60] =	vst v7  }
0x153: {  	v5 =	vmul.f32 v5, v17;
	v15 =	vsub.f32 $1.500000000e+00, v45;
	[tilespmem:s22+$0x30] =	vst v27  }
0x154: {  	v17 =	vmul.f32 v12, v12;
	v1 =	vadd.f32 v47, v1;
	v3 =	vadd.f32 v6, v3;
	v6 =	vld [tilespmem:$0x1FD80]  }
0x155: {  	s16 =	simm.s32 $0x980;
	v2 =	vmul.f32 v5, v2;
	v42 =	vld [tilespmem:s13+$0xFFFFFFF0]  }
0x156: {  	s19 =	simm.s32 $0x8980;
	v15 =	vmul.f32 v25, v15;
	v1 =	vadd.f32 v17, v1;
	v17 =	vmul.f32 v8, v8;
	v27 =	vld [tilespmem:s16+$0x0]  }
0x157: {  	v2 =	vmul.f32 v2, v5;
	v8 =	vld [tilespmem:s19+$0x0]  }
0x158: {  	v0 =	vmul.f32 v15, v0;
	v1 =	vadd.f32 v17, v1;
	v17 =	vmul.f32 v62, v62;
	v47 =	vld [tilespmem:s16+$0x10]  }
0x159: {  	v4 =	vmul.f32 v4, v23;
	v2 =	vsub.f32 $1.500000000e+00, v2;
	v62 =	vld [tilespmem:s19+$0x10];
	v6 =	vmul.f32 v35, v6  }
0x15a: {  	v0 =	vmul.f32 v0, v15;
	v3 =	vadd.f32 v17, v3;
	v17 =	vmul.f32 v7, v7;
	v7 =	vld [tilespmem:s16+$0x40]  }
0x15b: {  	v60 =	vmul.f32 v22, v22;
	v4 =	vadd.f32 v4, v6;
	v6 =	vmul.f32 v56, v56;
	v56 =	vld [tilespmem:s16+$0x20]  }
0x15c: {  	v12 =	vimm.s32 $0x8;
	v2 =	vmul.f32 v2, v5;
	v5 =	vld [tilespmem:s19+$0x20]  }
0x15d: {  	v0 =	vsub.f32 $1.500000000e+00, v0;
	v1 =	vadd.f32 v60, v1;
	v53 =	vld [tilespmem:s16+$0x30];
	v45 =	vmul.f32 v47, v47  }
0x15e: {  	v55 =	vld [tilespmem:s19+$0x30];
	v3 =	vadd.f32 v6, v3;
	v6 =	vmul.f32 v42, v42;
	v42 =	vmul.f32 v27, v27  }
0x15f: {  	v52 =	vld [tilespmem:s23+$0x40];
	v1 =	vadd.f32 v17, v1;
	v17 =	vmul.f32 v62, v62;
	v60 =	vmul.f32 v8, v8;
	[tilespmem:$0x1FF80] =	vst v7  }
0x160: {  	v0 =	vmul.f32 v0, v15;
	v49 =	vld [tilespmem:s19+$0x40];
	v15 =	vadd.f32 v45, v42;
	v62 =	vmul.f32 v56, v56  }
0x161: {  	v5 =	vmul.f32 v5, v5;
	v3 =	vadd.f32 v6, v3;
	v6 =	vadd.f32 v17, v60  }
0x162: {  	v42 =	vmul.f32 v53, v53;
	v45 =	vperm.xlane v0, v12;
	v48 =	vadd.f32 v62, v15;
	v62 =	vld [tilespmem:s19+$0x50]  }
0x163: {  	v10 =	vld [tilespmem:s16+$0x60];
	v5 =	vadd.f32 v5, v6;
	v6 =	vmul.f32 v55, v55;
	v15 =	vimm.s32 $0x0  }
0x164: {  	v37 =	vperm.xlane v0, v15;
	v0 =	vld [tilespmem:s19+$0x60];
	v48 =	vadd.f32 v42, v48;
	v42 =	vmul.f32 v7, v7  }
0x165: {  	v5 =	vadd.f32 v6, v5;
	v6 =	vmul.f32 v49, v49;
	v7 =	vld [tilespmem:s16+$0x70]  }
0x166: {  	v21 =	vmul.f32 v45, v21;
	v49 =	vperm.xlane v1, v63;
	v48 =	vadd.f32 v42, v48;
	v42 =	vld [tilespmem:s19+$0x70]  }
0x167: {  	[tilespmem:s30+$0xFFFFFFB0] =	vst v59;
	v17 =	vld [tilespmem:s16+$0x50];
	v55 =	vmul.f32 v37, v14;
	v5 =	vadd.f32 v6, v5;
	v6 =	vmul.f32 v62, v62  }
0x168: {  	[tilespmem:s3+$0x50] =	vst v4;
	v1 =	vadd.f32 v49, v1  }
0x169: {  	v49 =	vld [tilespmem:s26+$0xFFFFFFC0];
	[tilespmem:$0x1FD90] =	vst v10;
	v4 =	vadd.f32 v21, v55;
	v0 =	vmul.f32 v0, v0;
	v5 =	vadd.f32 v6, v5  }
0x16a: {  	v6 =	vmul.f32 v50, v36;
	v36 =	vld [tilespmem:s18+$0x60];
	[tilespmem:$0x1FDA0] =	vst v7  }
0x16b: {  	[tilespmem:s28+$0x0] =	vst v4;
	v0 =	vadd.f32 v0, v5;
	v5 =	vmul.f32 v42, v42  }
0x16c: {  	v59 =	vmul.f32 v17, v17;
	[tilespmem:s3+$0xFFFFFF90] =	vst v24  }
0x16d: {  	v0 =	vadd.f32 v5, v0;
	v5 =	vld [tilespmem:$0x1FDB0]  }
0x16e: {  	v21 =	vadd.f32 v59, v48;
	v59 =	vmul.f32 v52, v43  }
0x16f: {  	v55 =	vmul.f32 v10, v10  }
0x170: {  	v62 =	vmul.f32 v7, v7;
	v6 =	vadd.f32 v59, v6;
	v7 =	vld [tilespmem:$0x1FDC0]  }
0x171: {  	v21 =	vadd.f32 v55, v21  }
0x172: {  	[tilespmem:s22+$0x40] =	vst v6;
	v6 =	vmul.f32 v36, v23;
	v5 =	vmul.f32 v35, v5  }
0x173: {  	v42 =	vperm.xlane v3, v63;
	v4 =	vadd.f32 v62, v21;
	v21 =	vmul.f32 v49, v9  }
0x174: {  	v25 =	vadd.f32 v6, v5;
	v5 =	vld [tilespmem:s16+$0xFFFFFF90]  }
0x175: {  	v59 =	vld [tilespmem:s13+$0x10];
	v3 =	vadd.f32 v42, v3;
	v21 =	vadd.f32 v21, v7  }
0x176: {  	v60 =	vld [tilespmem:s18+$0xFFFFFFA0]  }
0x177: {  	v1 =	vsel vm0, v1, v3;
	v3 =	vld [tilespmem:s23+$0x50];
	[tilespmem:s30+$0xFFFFFFC0] =	vst v21  }
0x178: {  	[tilespmem:s31+$0xFFFFFFB0] =	vst v16;
	v42 =	vld [tilespmem:s26+$0xFFFFFFD0]  }
0x179: {  	v6 =	vld [tilespmem:s0+$0xFFFFFFC0];
	[tilespmem:$0x1FF70] =	vst v5  }
0x17a: {  	v10 =	vld [tilespmem:s16+$0xFFFFFF80]  }
0x17b: {  	v62 =	vperm.xlane v4, v63;
	v16 =	vperm.xlane v0, v63;
	_ =	sdelay $0x1  }
0x17c: {  	v14 =	vperm.xlane v2, v12;
	v4 =	vadd.f32 v62, v4;
	v0 =	vadd.f32 v16, v0  }
0x17d: {  	v21 =	vperm.xlane v1, v61  }
0x17e: {  	v0 =	vsel vm0, v4, v0;
	v4 =	vmul.f32 v14, v54;
	v54 =	vld [tilespmem:s19+$0xFFFFFF90];
	[tilespmem:$0x1FF50] =	vst v10  }
0x17f: {  	v52 =	vmul.f32 v59, v45;
	v1 =	vadd.f32 v1, v21;
	v21 =	vmul.f32 v37, v46;
	v7 =	vld [tilespmem:s16+$0xFFFFFFA0]  }
0x180: {  	v24 =	vperm.xlane v2, v15  }
0x181: {  	v32 =	vmul.f32 v50, v32;
	v3 =	vmul.f32 v3, v43;
	v21 =	vadd.f32 v52, v21  }
0x182: {  	v2 =	vmul.f32 v24, v57  }
0x183: {  	v3 =	vadd.f32 v3, v32;
	[tilespmem:s28+$0x10] =	vst v21  }
0x184: {  	v22 =	vadd.f32 v4, v2;
	v4 =	vmul.f32 v60, v13;
	v60 =	vld [tilespmem:s19+$0xFFFFFF80];
	[tilespmem:$0x1FF90] =	vst v7  }
0x185: {  	[tilespmem:s22+$0x50] =	vst v3  }
0x186: {  	v55 =	vperm.xlane v0, v61;
	v2 =	vld [tilespmem:$0x1FDD0]  }
0x187: {  	v6 =	vmul.f32 v6, v11  }
0x188: {  	v0 =	vadd.f32 v0, v55;
	v28 =	vadd.f32 v4, v28  }
0x189: {  	v4 =	vmul.f32 v42, v9;
	v6 =	vadd.f32 v6, v20;
	v21 =	vperm.xlane v1, v33;
	v20 =	vld [tilespmem:s13+$0x20]  }
0x18a: {  	v16 =	vld [tilespmem:s16+$0xFFFFFFB0]  }
0x18b: {  	v1 =	vadd.f32 v1, v21;
	v21 =	vperm.xlane v0, v33;
	v32 =	vadd.f32 v4, v2;
	v2 =	vld [tilespmem:$0x1FDE0]  }
0x18c: {  	v19 =	vmul.f32 v37, v19  }
0x18d: {  	v57 =	vmul.f32 v5, v5;
	v0 =	vadd.f32 v0, v21;
	v21 =	vperm.xlane v1, v29  }
0x18e: {  	v15 =	vmov v33;
	v59 =	vmul.f32 v10, v10;
	v33 =	vmul.f32 v60, v60;
	v62 =	vld [tilespmem:s19+$0xFFFFFFA0]  }
0x18f: {  	v1 =	vadd.f32 v1, v21;
	v21 =	vperm.xlane v0, v29;
	v20 =	vmul.f32 v20, v45;
	v4 =	vld [tilespmem:s23+$0x60]  }
0x190: {  	v36 =	vadd.f32 v57, v59;
	v42 =	vmul.f32 v7, v7;
	[tilespmem:$0x1FFA0] =	vst v16;
	v52 =	vmul.f32 v35, v2;
	v2 =	vld [tilespmem:$0x1FDF0]  }
0x191: {  	v3 =	vmul.f32 v54, v54;
	v0 =	vadd.f32 v0, v21;
	v19 =	vadd.f32 v20, v19;
	v21 =	vld [tilespmem:s19+$0xFFFFFFB0]  }
0x192: {  	v58 =	vmul.f32 v37, v58;
	v54 =	vadd.f32 v42, v36;
	v1 =	vmax.f32 v1, $9.999999960e-13;
	v7 =	vld [tilespmem:s16+$0xFFFFFFC0]  }
0x193: {  	v3 =	vadd.f32 v3, v33;
	v57 =	vshrl.u32 v1, $0x1;
	v5 =	vmul.f32 $5.000000000e-01, v1;
	v48 =	vld [tilespmem:s19+$0xFFFFFFC0];
	[tilespmem:s28+$0x20] =	vst v19  }
0x194: {  	v36 =	vsub.s32 $0x5F3759DF, v57;
	v55 =	vmul.f32 v62, v62;
	v59 =	vmul.f32 v16, v16;
	v46 =	vld [tilespmem:s13+$0x30]  }
0x195: {  	v10 =	vmovc v29;
	v0 =	vmax.f32 v0, $9.999999960e-13;
	v29 =	vld [tilespmem:s16+$0xFFFFFFD0];
	v4 =	vmul.f32 v4, v43;
	v20 =	vmul.f32 v50, v2  }
0x196: {  	v62 =	vmul.f32 v36, v5;
	v3 =	vadd.f32 v55, v3;
	v42 =	vld [tilespmem:s19+$0xFFFFFFD0];
	v49 =	vmul.f32 v21, v21  }
0x197: {  	v19 =	vadd.f32 v59, v54;
	v59 =	vmul.f32 v7, v7;
	v20 =	vadd.f32 v4, v20;
	v4 =	vld [tilespmem:s16+$0xFFFFFFE0]  }
0x198: {  	v16 =	vld [tilespmem:s16+$0xFFFFFFF0];
	v35 =	vmul.f32 v36, v62;
	v48 =	vmul.f32 v48, v48;
	v3 =	vadd.f32 v49, v3  }
0x199: {  	[tilespmem:s22+$0xFFFFFF80] =	vst v22;
	v21 =	vshrl.u32 v0, $0x1;
	v49 =	vld [tilespmem:s19+$0xFFFFFFE0];
	v62 =	vadd.f32 v59, v19;
	v22 =	vmul.f32 v46, v45  }
0x19a: {  	v2 =	vmul.f32 $5.000000000e-01, v0;
	v0 =	vmul.f32 v29, v29;
	v3 =	vadd.f32 v48, v3;
	v48 =	vld [tilespmem:s23+$0xFFFFFF90]  }
0x19b: {  	[tilespmem:s3+$0xFFFFFFA0] =	vst v28;
	v46 =	vld [tilespmem:s19+$0xFFFFFFF0];
	v22 =	vadd.f32 v22, v58  }
0x19c: {  	v0 =	vadd.f32 v0, v62;
	v62 =	vld [tilespmem:s18+$0xFFFFFFB0];
	[tilespmem:$0x1FE00] =	vst v4  }
0x19d: {  	[tilespmem:s28+$0x30] =	vst v22  }
0x19e: {  	[tilespmem:s3+$0x60] =	vst v25  }
0x19f: {  	v28 =	vsub.f32 $1.500000000e+00, v35;
	v35 =	vmul.f32 v42, v42;
	v42 =	vmul.f32 v4, v4;
	v4 =	vld [tilespmem:$0x1FE10]  }
0x1a0: {  	v57 =	vsub.s32 $0x5F3759DF, v21  }
0x1a1: {  	v1 =	vmul.f32 v57, v2  }
0x1a2: {  	v55 =	vmul.f32 v49, v49;
	v22 =	vmul.f32 v16, v16;
	v0 =	vadd.f32 v42, v0  }
0x1a3: {  	v3 =	vadd.f32 v35, v3;
	v1 =	vmul.f32 v57, v1;
	[tilespmem:s22+$0x60] =	vst v20;
	v20 =	vmul.f32 v62, v13  }
0x1a4: {  	v58 =	vmul.f32 v48, v14;
	v0 =	vadd.f32 v22, v0;
	v22 =	vmul.f32 v24, v4  }
0x1a5: {  	v3 =	vadd.f32 v55, v3;
	v25 =	vmul.f32 v46, v46;
	v20 =	vadd.f32 v20, v26  }
0x1a6: {  	v1 =	vsub.f32 $1.500000000e+00, v1;
	[tilespmem:s31+$0xFFFFFFC0] =	vst v6;
	v22 =	vadd.f32 v58, v22  }
0x1a7: {  	v3 =	vadd.f32 v25, v3;
	[tilespmem:s3+$0xFFFFFFB0] =	vst v20  }
0x1a8: {  	v1 =	vmul.f32 v57, v1;
	v57 =	vld [tilespmem:s13+$0x40];
	[tilespmem:s22+$0xFFFFFF90] =	vst v22  }
0x1a9: {  	v42 =	vperm.xlane v3, v63;
	v62 =	vperm.xlane v0, v63;
	v4 =	vld [tilespmem:$0x1FE20];
	_ =	sdelay $0x1  }
0x1aa: {  	v3 =	vadd.f32 v42, v3;
	v0 =	vadd.f32 v62, v0  }
0x1ab: {  	[tilespmem:s30+$0xFFFFFFD0] =	vst v32  }
0x1ac: {  	v26 =	vmul.f32 v37, v51;
	v3 =	vsel vm0, v0, v3;
	v0 =	vld [tilespmem:$0x1FE30]  }
0x1ad: {  	v22 =	vmul.f32 v57, v45;
	v6 =	vmul.f32 v50, v4;
	v4 =	vld [tilespmem:$0x1FE40];
	_ =	sdelay $0x1  }
0x1ae: {  	v20 =	vadd.f32 v22, v26;
	_ =	sdelay $0x1  }
0x1af: {  	v59 =	vld [tilespmem:s18+$0x70];
	[tilespmem:s28+$0x40] =	vst v20  }
0x1b0: {  	v54 =	vadd.f32 v4, v0;
	v4 =	vld [tilespmem:$0x1FE50];
	_ =	sdelay $0x3  }
0x1b1: {  	v28 =	vmul.f32 v36, v28;
	v25 =	vld [tilespmem:s23+$0x70]  }
0x1b2: {  	v23 =	vmul.f32 v59, v23;
	v59 =	vadd.f32 v30, v40;
	v30 =	vmul.f32 v24, v4;
	v4 =	vld [tilespmem:$0x1FE60];
	_ =	sdelay $0x1  }
0x1b3: {  	v5 =	vmul.f32 v28, v5  }
0x1b4: {  	v2 =	vmul.f32 v1, v2  }
0x1b5: {  	v5 =	vmul.f32 v5, v28;
	v25 =	vmul.f32 v25, v43;
	v43 =	vld [tilespmem:s0+$0xFFFFFFD0]  }
0x1b6: {  	s6 =	simm.s32 $0x8A80;
	v2 =	vmul.f32 v2, v1;
	v50 =	vmul.f32 v24, v4;
	v4 =	vld [tilespmem:$0x1FE70]  }
0x1b7: {  	v62 =	vld [tilespmem:s6+$0x0]  }
0x1b8: {  	v5 =	vsub.f32 $1.500000000e+00, v5;
	v2 =	vsub.f32 $1.500000000e+00, v2;
	v46 =	vld [tilespmem:s23+$0xFFFFFFA0]  }
0x1b9: {  	v22 =	vld [tilespmem:s18+$0xFFFFFFC0]  }
0x1ba: {  	s5 =	simm.s32 $0xA80;
	v5 =	vmul.f32 v5, v28;
	v1 =	vmul.f32 v2, v1;
	v2 =	vimm.s32 $0x8;
	v42 =	vld [tilespmem:s26+$0xFFFFFFE0]  }
0x1bb: {  	v12 =	vmovc v61;
	v26 =	vperm.xlane v3, v61;
	v61 =	vld [tilespmem:s5+$0x0];
	v0 =	vimm.s32 $0x0;
	v4 =	vmul.f32 v24, v4  }
0x1bc: {  	v20 =	vperm.xlane v5, v2;
	v28 =	vperm.xlane v5, v0;
	v5 =	vld [tilespmem:s13+$0x50]  }
0x1bd: {  	[tilespmem:$0x1FFB0] =	vst v4;
	v4 =	vld [tilespmem:$0x1FE80];
	_ =	sdelay $0x4  }
0x1be: {  	v3 =	vadd.f32 v3, v26;
	v4 =	vmul.f32 v24, v4  }
0x1bf: {  	v21 =	vmovc v7;
	v19 =	vmov v29;
	v52 =	vadd.f32 v23, v52;
	v26 =	vmul.f32 v20, v31  }
0x1c0: {  	v7 =	vadd.f32 v25, v6;
	v6 =	vperm.xlane v3, v15;
	v23 =	vmul.f32 v28, v34;
	v29 =	vld [tilespmem:s5+$0x10];
	[tilespmem:$0x1FE90] =	vst v4  }
0x1c1: {  	v25 =	vmul.f32 v46, v14;
	v31 =	vld [tilespmem:s6+$0x10]  }
0x1c2: {  	v46 =	vmul.f32 v37, v41;
	v3 =	vadd.f32 v3, v6;
	v23 =	vadd.f32 v26, v23;
	v4 =	vld [tilespmem:s5+$0x20]  }
0x1c3: {  	v6 =	vmul.f32 v22, v13;
	v5 =	vmul.f32 v5, v45;
	v41 =	vadd.f32 v25, v30;
	v25 =	vld [tilespmem:s6+$0x20]  }
0x1c4: {  	v22 =	vperm.xlane v1, v0;
	[tilespmem:s28+$0xFFFFFF80] =	vst v23;
	v23 =	vperm.xlane v1, v2;
	v2 =	vld [tilespmem:s5+$0x30]  }
0x1c5: {  	v51 =	vmul.f32 v61, v61;
	v5 =	vadd.f32 v5, v46;
	v0 =	vmul.f32 v29, v29;
	v30 =	vld [tilespmem:s5+$0x40]  }
0x1c6: {  	v27 =	vmul.f32 v22, v27;
	v35 =	vmov v29;
	v40 =	vld [tilespmem:s6+$0x30]  }
0x1c7: {  	[tilespmem:s28+$0x50] =	vst v5;
	v5 =	vadd.f32 v0, v51;
	v58 =	vld [tilespmem:s6+$0x50];
	v29 =	vmul.f32 v23, v8;
	v0 =	vmul.f32 v4, v4  }
0x1c8: {  	v1 =	vperm.xlane v3, v10;
	v51 =	vld [tilespmem:s6+$0x70]  }
0x1c9: {  	v27 =	vadd.f32 v29, v27;
	v5 =	vadd.f32 v0, v5;
	v0 =	vld [tilespmem:$0x1FEA0]  }
0x1ca: {  	v55 =	vld [tilespmem:s13+$0x60];
	v1 =	vadd.f32 v3, v1;
	v3 =	vmul.f32 v31, v31  }
0x1cb: {  	v36 =	vmovc v61;
	v31 =	vmul.f32 v62, v62;
	v33 =	vmov v2;
	v61 =	vmul.f32 v2, v2;
	v2 =	vld [tilespmem:$0x1FEB0];
	[tilespmem:s16+$0x0] =	vst v27  }
0x1cc: {  	v29 =	vld [tilespmem:s5+$0x60];
	[tilespmem:s22+$0xFFFFFFA0] =	vst v41  }
0x1cd: {  	v39 =	vmul.f32 v37, v39;
	v3 =	vadd.f32 v3, v31;
	v31 =	vmul.f32 v25, v25;
	v8 =	vld [tilespmem:$0x1FEC0]  }
0x1ce: {  	v49 =	vadd.f32 v6, v38;
	v1 =	vmax.f32 v1, $9.999999960e-13;
	v25 =	vmul.f32 v24, v0;
	v0 =	vld [tilespmem:s6+$0x40]  }
0x1cf: {  	v46 =	vmovc v62;
	v62 =	vshrl.u32 v1, $0x1;
	v38 =	vmul.f32 $5.000000000e-01, v1;
	v3 =	vadd.f32 v31, v3;
	v31 =	vld [tilespmem:s5+$0x50]  }
0x1d0: {  	v34 =	vmovc v4;
	v40 =	vmul.f32 v40, v40;
	v4 =	vld [tilespmem:s5+$0x70];
	v57 =	vsub.s32 $0x5F3759DF, v62;
	v32 =	vmul.f32 v55, v45  }
0x1d1: {  	v5 =	vadd.f32 v61, v5;
	v61 =	vmul.f32 v57, v38;
	v24 =	vmul.f32 v24, v2;
	v2 =	vld [tilespmem:s19+$0x10]  }
0x1d2: {  	v43 =	vmul.f32 v43, v11;
	v62 =	vld [tilespmem:s6+$0x60];
	v27 =	vmul.f32 v30, v30;
	v39 =	vadd.f32 v32, v39  }
0x1d3: {  	v6 =	vld [tilespmem:s13+$0xFFFFFF90];
	v3 =	vadd.f32 v40, v3;
	v32 =	vmul.f32 v57, v61;
	v1 =	vmul.f32 v0, v0  }
0x1d4: {  	v41 =	vld [tilespmem:s5+$0xFFFFFF90];
	v5 =	vadd.f32 v27, v5;
	v55 =	vadd.f32 v43, v8;
	v0 =	vmul.f32 v31, v31  }
0x1d5: {  	v40 =	vld [tilespmem:s6+$0xFFFFFF80];
	v48 =	vsub.f32 $1.500000000e+00, v32;
	v1 =	vadd.f32 v1, v3;
	v3 =	vmul.f32 v58, v58  }
0x1d6: {  	v32 =	vmul.f32 v29, v29;
	v2 =	vmul.f32 v2, v23;
	v0 =	vadd.f32 v0, v5;
	v5 =	vld [tilespmem:s23+$0xFFFFFFB0];
	[tilespmem:$0x1FED0] =	vst v4  }
0x1d7: {  	v58 =	vmul.f32 v62, v62;
	v43 =	vld [tilespmem:s5+$0xFFFFFF80];
	v1 =	vadd.f32 v3, v1;
	v3 =	vmul.f32 v22, v47  }
0x1d8: {  	v57 =	vmul.f32 v57, v48;
	v48 =	vmul.f32 v4, v4;
	[tilespmem:s28+$0x60] =	vst v39;
	v39 =	vld [tilespmem:s6+$0xFFFFFF90];
	v0 =	vadd.f32 v32, v0  }
0x1d9: {  	v1 =	vadd.f32 v58, v1;
	v2 =	vadd.f32 v2, v3;
	v3 =	vmul.f32 v51, v51;
	v51 =	vld [tilespmem:s13+$0x70]  }
0x1da: {  	v44 =	vmul.f32 v28, v44;
	v58 =	vld [tilespmem:s6+$0xFFFFFFA0]  }
0x1db: {  	v6 =	vmul.f32 v6, v20;
	v0 =	vadd.f32 v48, v0;
	v1 =	vadd.f32 v3, v1;
	v3 =	vld [tilespmem:$0x1FEE0];
	[tilespmem:s16+$0x10] =	vst v2  }
0x1dc: {  	v2 =	vld [tilespmem:$0x1FEF0]  }
0x1dd: {  	v62 =	vmul.f32 v42, v9;
	v42 =	vld [tilespmem:s5+$0xFFFFFFA0];
	v47 =	vadd.f32 v6, v44;
	v44 =	vperm.xlane v0, v63  }
0x1de: {  	v39 =	vmul.f32 v39, v39;
	v32 =	vld [tilespmem:s19+$0x20];
	v48 =	vperm.xlane v1, v63  }
0x1df: {  	v4 =	vadd.f32 v44, v0;
	v0 =	vmul.f32 v40, v40;
	v45 =	vmul.f32 v51, v45  }
0x1e0: {  	v44 =	vld [tilespmem:s5+$0xFFFFFFB0];
	v51 =	vmul.f32 v58, v58;
	v1 =	vadd.f32 v48, v1;
	v8 =	vmul.f32 v37, v3  }
0x1e1: {  	v3 =	vmul.f32 v41, v41;
	v61 =	vadd.f32 v62, v2;
	v2 =	vmul.f32 v43, v43  }
0x1e2: {  	v0 =	vadd.f32 v39, v0;
	v1 =	vsel vm0, v4, v1;
	v4 =	vmul.f32 v22, v56  }
0x1e3: {  	v6 =	vld [tilespmem:s6+$0xFFFFFFB0];
	v56 =	vmul.f32 v42, v42;
	v32 =	vmul.f32 v32, v23;
	v2 =	vadd.f32 v3, v2  }
0x1e4: {  	v3 =	vadd.f32 v51, v0  }
0x1e5: {  	v58 =	vld [tilespmem:s6+$0xFFFFFFC0];
	v0 =	vmul.f32 v44, v44;
	v4 =	vadd.f32 v32, v4;
	v2 =	vadd.f32 v56, v2  }
0x1e6: {  	v48 =	vperm.xlane v1, v12  }
0x1e7: {  	v56 =	vld [tilespmem:s6+$0xFFFFFFD0];
	[tilespmem:s16+$0x20] =	vst v4;
	v0 =	vadd.f32 v0, v2;
	v2 =	vmul.f32 v57, v38  }
0x1e8: {  	v6 =	vmul.f32 v6, v6;
	v1 =	vadd.f32 v1, v48;
	v48 =	vadd.f32 v45, v8;
	v8 =	vld [tilespmem:$0x1FF00]  }
0x1e9: {  	v62 =	vld [tilespmem:s6+$0xFFFFFFE0];
	v2 =	vmul.f32 v2, v57  }
0x1ea: {  	v3 =	vadd.f32 v6, v3;
	v4 =	vmul.f32 v58, v58;
	v6 =	vperm.xlane v1, v15  }
0x1eb: {  	v58 =	vld [tilespmem:s19+$0x30];
	v2 =	vsub.f32 $1.500000000e+00, v2  }
0x1ec: {  	[tilespmem:s28+$0xFFFFFF90] =	vst v47;
	v3 =	vadd.f32 v4, v3;
	v1 =	vadd.f32 v1, v6;
	v6 =	vld [tilespmem:s6+$0xFFFFFFF0];
	v4 =	vmul.f32 v56, v56  }
0x1ed: {  	v2 =	vmul.f32 v2, v57;
	v57 =	vmul.f32 v28, v8;
	v8 =	vld [tilespmem:$0x1FF10]  }
0x1ee: {  	v39 =	vld [tilespmem:s5+$0xFFFFFFC0];
	v3 =	vadd.f32 v4, v3;
	v4 =	vmul.f32 v62, v62;
	_ =	sdelay $0x1  }
0x1ef: {  	v37 =	vld [tilespmem:s5+$0xFFFFFFD0];
	v3 =	vadd.f32 v4, v3;
	v4 =	vmul.f32 v22, v53;
	v53 =	vmul.f32 v58, v23  }
0x1f0: {  	v5 =	vmul.f32 v5, v14;
	v51 =	vld [tilespmem:s5+$0xFFFFFFE0];
	v6 =	vmul.f32 v6, v6  }
0x1f1: {  	v4 =	vadd.f32 v53, v4;
	v53 =	vmul.f32 v28, v8;
	v8 =	vld [tilespmem:$0x1FF20];
	[tilespmem:s30+$0x70] =	vst v54  }
0x1f2: {  	v5 =	vadd.f32 v5, v50;
	v50 =	vmul.f32 v39, v39;
	v3 =	vadd.f32 v6, v3;
	v6 =	vld [tilespmem:$0x1FF30];
	_ =	sdelay $0x1  }
0x1f3: {  	v32 =	vmul.f32 v37, v37;
	v0 =	vadd.f32 v50, v0;
	_ =	sdelay $0x1  }
0x1f4: {  	v50 =	vld [tilespmem:s5+$0xFFFFFFF0];
	v56 =	vmul.f32 v51, v51;
	v0 =	vadd.f32 v32, v0  }
0x1f5: {  	v26 =	vimm.s32 $0x0;
	[tilespmem:s16+$0x30] =	vst v4;
	v45 =	vmul.f32 v28, v6;
	v6 =	vimm.s32 $0x8  }
0x1f6: {  	v0 =	vadd.f32 v56, v0;
	v56 =	vperm.xlane v2, v26;
	v47 =	vperm.xlane v2, v6;
	v2 =	vld [tilespmem:$0x1FF40]  }
0x1f7: {  	v32 =	vperm.xlane v1, v10;
	_ =	sdelay $0x1  }
0x1f8: {  	v1 =	vadd.f32 v1, v32;
	v62 =	vmul.f32 v50, v50;
	_ =	sdelay $0x1  }
0x1f9: {  	v1 =	vmax.f32 v1, $9.999999960e-13;
	v0 =	vadd.f32 v62, v0;
	v38 =	vmul.f32 v28, v2;
	v2 =	vld [tilespmem:$0x1FF50];
	[tilespmem:s22+$0xFFFFFFB0] =	vst v5  }
0x1fa: {  	v4 =	vmul.f32 v47, v60;
	v5 =	vshrl.u32 v1, $0x1;
	[tilespmem:s31+$0x70] =	vst v59  }
0x1fb: {  	v32 =	vld [tilespmem:s13+$0xFFFFFFA0];
	[tilespmem:s3+$0x70] =	vst v52;
	v60 =	vsub.s32 $0x5F3759DF, v5;
	v5 =	vperm.xlane v0, v63;
	v63 =	vperm.xlane v3, v63  }
0x1fc: {  	v6 =	vld [tilespmem:s19+$0x40];
	[tilespmem:s3+$0xFFFFFFC0] =	vst v49  }
0x1fd: {  	v58 =	vmul.f32 v28, v8;
	v8 =	vld [tilespmem:$0x1FF60];
	[tilespmem:s22+$0x70] =	vst v7;
	v0 =	vadd.f32 v5, v0;
	v3 =	vadd.f32 v63, v3  }
0x1fe: {  	v5 =	vld [tilespmem:$0x1FF70];
	[tilespmem:s31+$0xFFFFFFD0] =	vst v55  }
0x1ff: {  	v2 =	vmul.f32 v56, v2;
	v0 =	vsel vm0, v0, v3;
	v3 =	vld [tilespmem:$0x1FF80];
	_ =	sdelay $0x1  }
0x200: {  	v2 =	vadd.f32 v4, v2;
	v4 =	vmul.f32 v32, v20;
	_ =	sdelay $0x1  }
0x201: {  	v1 =	vmul.f32 $5.000000000e-01, v1;
	v6 =	vmul.f32 v6, v23;
	v54 =	vld [tilespmem:s23+$0xFFFFFFC0];
	[tilespmem:s30+$0xFFFFFFE0] =	vst v61;
	v4 =	vadd.f32 v4, v57  }
0x202: {  	v62 =	vmul.f32 v56, v5;
	v5 =	vld [tilespmem:$0x1FF90];
	[tilespmem:s16+$0xFFFFFF80] =	vst v2;
	v3 =	vmul.f32 v22, v3  }
0x203: {  	v2 =	vld [tilespmem:$0x1FFA0];
	[tilespmem:s28+$0xFFFFFFA0] =	vst v4  }
0x204: {  	v32 =	vmul.f32 v60, v1;
	v57 =	vadd.f32 v6, v3;
	v3 =	vld [tilespmem:$0x1FFB0]  }
0x205: {  	v7 =	vld [tilespmem:s18+$0xFFFFFFD0]  }
0x206: {  	v52 =	vmul.f32 v56, v21;
	v32 =	vmul.f32 v60, v32  }
0x207: {  	v59 =	vld [tilespmem:s0+$0xFFFFFFE0];
	v28 =	vmul.f32 v28, v8;
	v63 =	vmul.f32 v54, v14  }
0x208: {  	v54 =	vld [tilespmem:s26+$0xFFFFFFF0];
	v49 =	vsub.f32 $1.500000000e+00, v32;
	v55 =	vmul.f32 v56, v2;
	v2 =	vperm.xlane v0, v12  }
0x209: {  	v6 =	vld [tilespmem:s19+$0xFFFFFF90];
	[tilespmem:s28+$0x70] =	vst v48;
	v48 =	vmul.f32 v56, v19;
	v5 =	vmul.f32 v56, v5;
	v61 =	vadd.f32 v63, v3  }
0x20a: {  	s8 =	simm.s32 $0xC;
	s9 =	simm.s32 $0xB80;
	v15 =	vmovc v14;
	s26 =	simm.s32 $0x8A80;
	v3 =	vmul.f32 v60, v49;
	v0 =	vadd.f32 v0, v2;
	v2 =	vld [tilespmem:s13+$0xFFFFFFB0];
	v60 =	vmul.f32 v7, v13  }
.LBB2_2:
0x20b: {  	v63 =	vld [tilespmem:s9+$0x60]  }
0x20c: {  	v12 =	vld [tilespmem:$0x1FFE0]  }
0x20d: {  	v8 =	vld [tilespmem:$0x1FD60]  }
0x20e: {  	[tilespmem:s16+$0x40] =	vst v57;
	v19 =	vmul.f32 v54, v9;
	v9 =	vld [tilespmem:$0x1FD40]  }
0x20f: {  	v49 =	vld [tilespmem:s19+$0x50]  }
0x210: {  	[tilespmem:s22+$0xFFFFFFC0] =	vst v61;
	v7 =	vmovc v5;
	v5 =	vmov v58;
	v58 =	vld [tilespmem:s9+$0x10];
	v4 =	vmul.f32 v6, v47;
	v6 =	vadd.f32 v60, v18  }
0x211: {  	[tilespmem:$0x1FC80] =	vst v7;
	v7 =	vld [tilespmem:$0x1FE00]  }
0x212: {  	[tilespmem:s3+$0xFFFFFFD0] =	vst v6;
	v6 =	vld [tilespmem:$0x1FD30]  }
0x213: {  	v57 =	vld [tilespmem:s9+$0x40];
	v8 =	vmov v8  }
0x214: {  	v1 =	vmul.f32 v3, v1;
	v2 =	vmul.f32 v2, v20;
	[tilespmem:$0x1FD30] =	vst v8;
	v8 =	vld [tilespmem:$0x1FCD0]  }
0x215: {  	s6 =	sadd.s32 $0x100, s6;
	v54 =	vld [tilespmem:s9+$0x30];
	v18 =	vmul.f32 v59, v11;
	v4 =	vadd.f32 v4, v62  }
0x216: {  	v61 =	vld [tilespmem:s6+$0x30];
	[tilespmem:$0x1FC90] =	vst v5;
	v1 =	vmul.f32 v1, v3  }
0x217: {  	v5 =	vld [tilespmem:s9+$0x0];
	v21 =	vmul.f32 v56, v7;
	[tilespmem:s16+$0xFFFFFF90] =	vst v4;
	v7 =	vmov v25;
	v6 =	vadd.f32 v18, v6  }
0x218: {  	v32 =	vperm.xlane v0, v12;
	v1 =	vsub.f32 $1.500000000e+00, v1;
	v10 =	vadd.f32 v2, v53;
	[tilespmem:$0x1FD60] =	vst v7;
	v7 =	vld [tilespmem:$0x1FFC0];
	v2 =	vmovc v24  }
0x219: {  	v60 =	vld [tilespmem:s6+$0x10];
	v19 =	vadd.f32 v19, v8;
	[tilespmem:s31+$0xFFFFFFE0] =	vst v6;
	v6 =	vmul.f32 v22, v17;
	v17 =	vmul.f32 v49, v23  }
0x21a: {  	v0 =	vadd.f32 v0, v32;
	v1 =	vmul.f32 v1, v3;
	v3 =	vld [tilespmem:$0x1FD70];
	[tilespmem:$0x1FD70] =	vst v2  }
0x21b: {  	v4 =	vmul.f32 v56, v16;
	v56 =	vld [tilespmem:s9+$0x20];
	v32 =	vimm.s32 $0x0;
	[tilespmem:s30+$0xFFFFFFF0] =	vst v19;
	s30 =	smov.u32 s31;
	s31 =	smov.u32 s3;
	v6 =	vadd.f32 v17, v6  }
0x21c: {  	v59 =	vperm.xlane v1, v32;
	v18 =	vld [tilespmem:s6+$0x0];
	v49 =	vimm.s32 $0x8;
	[tilespmem:s28+$0xFFFFFFB0] =	vst v10;
	s3 =	smov.u32 s22;
	s22 =	smov.u32 s28;
	s28 =	smov.u32 s16  }
0x21d: {  	v53 =	vld [tilespmem:s6+$0x20];
	v8 =	vmov v9;
	v62 =	vperm.xlane v0, v7;
	v1 =	vperm.xlane v1, v49;
	[tilespmem:s28+$0x50] =	vst v6  }
0x21e: {  	v24 =	vmovc v28;
	v2 =	vmul.f32 v5, v5;
	v28 =	vmov v4;
	v4 =	vmul.f32 v58, v58;
	[tilespmem:$0x1FCD0] =	vst v8;
	v10 =	vld [tilespmem:s19+$0x60]  }
0x21f: {  	v0 =	vadd.f32 v0, v62;
	v62 =	vmul.f32 v59, v36;
	v8 =	vmul.f32 v1, v46;
	v36 =	vmovc v5;
	v5 =	vld [tilespmem:s6+$0x40]  }
0x220: {  	v26 =	vmovc v31;
	v27 =	vmovc v50;
	v2 =	vadd.f32 v4, v2;
	v3 =	vmov v3;
	v4 =	vmul.f32 v56, v56;
	v31 =	vld [tilespmem:s9+$0x50]  }
0x221: {  	v60 =	vmul.f32 v60, v60;
	[tilespmem:$0x1FD40] =	vst v3;
	v3 =	vmul.f32 v18, v18;
	v8 =	vadd.f32 v8, v62;
	v50 =	vld [tilespmem:s6+$0x50]  }
0x222: {  	s16 =	smov.u32 s5;
	v2 =	vadd.f32 v4, v2;
	v46 =	vmov v18;
	v18 =	vmul.f32 v53, v53;
	v53 =	vld [tilespmem:s6+$0x60]  }
0x223: {  	v4 =	vmul.f32 v54, v54;
	v0 =	vmax.f32 v0, $9.999999960e-13;
	v3 =	vadd.f32 v60, v3;
	[tilespmem:s16+$0x0] =	vst v8;
	v8 =	vld [tilespmem:$0x1FD90]  }
0x224: {  	v19 =	vshrl.u32 v0, $0x1  }
0x225: {  	v9 =	vmovc v51;
	v2 =	vadd.f32 v4, v2;
	v3 =	vadd.f32 v18, v3;
	v18 =	vmul.f32 v57, v57  }
0x226: {  	[tilespmem:$0x1FE00] =	vst v9;
	v9 =	vmul.f32 v61, v61  }
0x227: {  	v6 =	vsub.s32 $0x5F3759DF, v19;
	v19 =	vmovc v11;
	v11 =	vmovc v29;
	v2 =	vadd.f32 v18, v2;
	v18 =	vmul.f32 v31, v31  }
0x228: {  	v3 =	vadd.f32 v9, v3;
	v29 =	vmovc v63;
	v9 =	vld [tilespmem:$0x1FE90];
	v10 =	vmul.f32 v10, v23;
	v8 =	vmul.f32 v22, v8  }
0x229: {  	v4 =	vld [tilespmem:s26+$0x10];
	v2 =	vadd.f32 v18, v2;
	v18 =	vmul.f32 v63, v29  }
0x22a: {  	v61 =	vld [tilespmem:s9+$0xFFFFFF90];
	v5 =	vmul.f32 v5, v5;
	v8 =	vadd.f32 v10, v8  }
0x22b: {  	v62 =	vld [tilespmem:s9+$0x70];
	v0 =	vmul.f32 $5.000000000e-01, v0;
	[tilespmem:$0x1FD90] =	vst v11  }
0x22c: {  	v11 =	vld [tilespmem:s6+$0x70];
	v3 =	vadd.f32 v5, v3;
	v5 =	vmul.f32 v50, v50;
	[tilespmem:s28+$0x60] =	vst v8  }
0x22d: {  	v51 =	vmul.f32 v6, v0;
	v2 =	vadd.f32 v18, v2;
	v18 =	vmovc v9;
	v9 =	vmov v45;
	v8 =	vld [tilespmem:s19+$0x70]  }
0x22e: {  	v4 =	vmul.f32 v4, v1;
	v3 =	vadd.f32 v5, v3;
	v5 =	vmul.f32 v59, v35;
	[tilespmem:$0x1FE90] =	vst v9;
	v9 =	vld [tilespmem:$0x1FED0]  }
0x22f: {  	v60 =	vld [tilespmem:s6+$0xFFFFFF80]  }
0x230: {  	v51 =	vmul.f32 v6, v51;
	v50 =	vld [tilespmem:s6+$0xFFFFFF90];
	v4 =	vadd.f32 v4, v5  }
0x231: {  	v25 =	vmovc v38;
	v38 =	vmovc v21;
	v21 =	vmov v13;
	v13 =	vmov v62;
	v63 =	vmul.f32 v62, v62;
	v62 =	vld [tilespmem:s6+$0xFFFFFFB0]  }
0x232: {  	v14 =	vmovc v20;
	v20 =	vmov v47;
	v47 =	vmul.f32 v53, v53;
	v10 =	vsub.f32 $1.500000000e+00, v51;
	[tilespmem:s16+$0x10] =	vst v4;
	v4 =	vld [tilespmem:$0x1FDA0]  }
0x233: {  	v8 =	vmul.f32 v8, v23;
	v23 =	vmov v1;
	v1 =	vmov v9;
	v9 =	vld [tilespmem:$0x1FFF0]  }
0x234: {  	v11 =	vmul.f32 v11, v11;
	v6 =	vmul.f32 v6, v10;
	v10 =	vld [tilespmem:s9+$0xFFFFFF80];
	v3 =	vadd.f32 v47, v3  }
0x235: {  	v35 =	vmov v58;
	v58 =	vmov v52;
	v52 =	vld [tilespmem:s9+$0xFFFFFFA0];
	v5 =	vmul.f32 v60, v60  }
0x236: {  	v47 =	vmul.f32 v61, v61;
	v2 =	vadd.f32 v63, v2;
	v3 =	vadd.f32 v11, v3;
	v11 =	vld [tilespmem:s26+$0x20]  }
0x237: {  	v53 =	vmov v55;
	v55 =	vld [tilespmem:s6+$0xFFFFFFA0];
	v50 =	vmul.f32 v50, v50;
	v4 =	vmul.f32 v22, v4  }
0x238: {  	v17 =	vld [tilespmem:$0x1FFD0];
	v45 =	vmov v48;
	[tilespmem:$0x1FDA0] =	vst v1;
	v1 =	vperm.xlane v2, v9;
	v51 =	vperm.xlane v3, v9  }
0x239: {  	v48 =	vld [tilespmem:s9+$0xFFFFFFB0];
	v5 =	vadd.f32 v50, v5;
	v22 =	vmovc v59;
	v59 =	vmul.f32 v10, v10;
	v4 =	vadd.f32 v8, v4  }
0x23a: {  	v63 =	vld [tilespmem:s9+$0xFFFFFFC0];
	v62 =	vmul.f32 v62, v62;
	v1 =	vadd.f32 v1, v2;
	v2 =	vadd.f32 v51, v3  }
0x23b: {  	v50 =	vld [tilespmem:s6+$0xFFFFFFC0];
	v11 =	vmul.f32 v11, v23;
	v8 =	vmul.f32 v52, v52;
	v3 =	vadd.f32 v47, v59  }
0x23c: {  	[tilespmem:s28+$0x70] =	vst v4;
	v4 =	vld [tilespmem:s9+$0xFFFFFFD0];
	v59 =	vmul.f32 v55, v55;
	v1 =	vsel vm0, v1, v2;
	v2 =	vmul.f32 v22, v34  }
0x23d: {  	v0 =	vmul.f32 v6, v0;
	v3 =	vadd.f32 v8, v3;
	v8 =	vld [tilespmem:s6+$0xFFFFFFD0];
	v47 =	vperm.xlane v1, v17  }
0x23e: {  	v55 =	vmul.f32 v48, v48;
	v51 =	vld [tilespmem:s9+$0xFFFFFFE0];
	v5 =	vadd.f32 v59, v5;
	v2 =	vadd.f32 v11, v2  }
0x23f: {  	v0 =	vmul.f32 v0, v6;
	v59 =	vld [tilespmem:s6+$0xFFFFFFE0];
	v11 =	vmul.f32 v63, v63;
	v1 =	vadd.f32 v1, v47  }
0x240: {  	v3 =	vadd.f32 v55, v3;
	v5 =	vadd.f32 v62, v5;
	v47 =	vmul.f32 v50, v50;
	v50 =	vld [tilespmem:s9+$0xFFFFFFF0];
	[tilespmem:s16+$0x20] =	vst v2  }
0x241: {  	v0 =	vsub.f32 $1.500000000e+00, v0;
	v34 =	vmovc v56;
	v2 =	vmul.f32 v4, v4;
	v62 =	vperm.xlane v1, v12;
	v56 =	vld [tilespmem:s26+$0x30]  }
0x242: {  	v3 =	vadd.f32 v11, v3;
	v5 =	vadd.f32 v47, v5;
	v8 =	vmul.f32 v8, v8  }
0x243: {  	v0 =	vmul.f32 v0, v6;
	v11 =	vld [tilespmem:s6+$0xFFFFFFF0];
	v47 =	vmul.f32 v51, v51;
	v1 =	vadd.f32 v1, v62  }
0x244: {  	v2 =	vadd.f32 v2, v3;
	v3 =	vadd.f32 v8, v5;
	v5 =	vmul.f32 v59, v59  }
0x245: {  	v55 =	vmul.f32 v50, v50;
	v62 =	vperm.xlane v1, v7  }
0x246: {  	[tilespmem:$0x1FED0] =	vst v13;
	v6 =	vld [tilespmem:s19+$0xFFFFFFA0];
	v7 =	vmul.f32 v22, v33;
	v13 =	vmul.f32 v56, v23  }
0x247: {  	v12 =	vld [tilespmem:s23+$0xFFFFFFD0];
	v2 =	vadd.f32 v47, v2;
	v47 =	vperm.xlane v0, v49;
	v3 =	vadd.f32 v5, v3  }
0x248: {  	v59 =	vld [tilespmem:s18+$0xFFFFFFE0];
	v5 =	vmul.f32 v11, v11;
	v56 =	vperm.xlane v0, v32;
	v0 =	vadd.f32 v13, v7  }
0x249: {  	v33 =	vmov v54;
	v54 =	vld [tilespmem:s0+$0xFFFFFFF0];
	s0 =	smov.u32 s18;
	s18 =	smov.u32 s23  }
0x24a: {  	v8 =	vld [tilespmem:s13+$0xFFFFFFC0];
	s23 =	smov.u32 s13;
	s13 =	smov.u32 s19;
	s19 =	smov.u32 s26;
	v2 =	vadd.f32 v55, v2;
	v3 =	vadd.f32 v5, v3;
	[tilespmem:s16+$0x30] =	vst v0  }
0x24b: {  	v1 =	vadd.f32 v1, v62;
	v5 =	vmul.f32 v56, v43;
	v11 =	vld [tilespmem:s19+$0x40]  }
0x24c: {  	v13 =	vperm.xlane v3, v9;
	v0 =	vperm.xlane v2, v9  }
0x24d: {  	v7 =	vmul.f32 v47, v40;
	v62 =	vmul.f32 v56, v41;
	v1 =	vmax.f32 v1, $9.999999960e-13  }
0x24e: {  	v43 =	vmovc v10;
	v10 =	vshrl.u32 v1, $0x1;
	v3 =	vadd.f32 v13, v3;
	v0 =	vadd.f32 v0, v2  }
0x24f: {  	v16 =	vmovc v15;
	v8 =	vmul.f32 v8, v14;
	v1 =	vmul.f32 $5.000000000e-01, v1;
	v10 =	vsub.s32 $0x5F3759DF, v10;
	v13 =	vld [tilespmem:$0x1FC80]  }
0x250: {  	v15 =	vmovc v14;
	v0 =	vsel vm0, v0, v3;
	v3 =	vmul.f32 v22, v30;
	v14 =	vmul.f32 v11, v23  }
0x251: {  	s8 =	sadd.s32 $0x2, s8;
	v55 =	vmul.f32 v56, v44;
	v2 =	vmul.f32 v10, v1  }
0x252: {  	p0 =	slt.u32 s8, $0x7E;
	v5 =	vadd.f32 v7, v5;
	v7 =	vmul.f32 v6, v20;
	v30 =	vmovc v57;
	v57 =	vadd.f32 v14, v3;
	v3 =	vld [tilespmem:$0x1FC90]  }
.Ltmp0:
0x253: {  	v40 =	vmovc v60;
	v41 =	vmov v61;
	v60 =	vmul.f32 v12, v16;
	v2 =	vmul.f32 v10, v2;
	(pc) =	sbr.rel @p0 .LBB2_2-.Ltmp0, $4  }
0x254: {  	v44 =	vmovc v48;
	v48 =	vmul.f32 v56, v37;
	v37 =	vmovc v4;
	v9 =	vmov v19;
	v7 =	vadd.f32 v7, v13  }
0x255: {  	[tilespmem:s16+$0xFFFFFF80] =	vst v5;
	v5 =	vmul.f32 v56, v42;
	v42 =	vmovc v52;
	v19 =	vperm.xlane v0, v17;
	v32 =	vsub.f32 $1.500000000e+00, v2  }
0x256: {  	v52 =	vmul.f32 v56, v39;
	v39 =	vmovc v63;
	v6 =	vld [tilespmem:s19+$0xFFFFFF90];
	v17 =	vmovc v26;
	v11 =	vmov v21;
	v13 =	vmov v16;
	[tilespmem:s28+$0xFFFFFFA0] =	vst v7  }
0x257: {  	s5 =	smov.u32 s9;
	s9 =	sadd.s32 $0x100, s9;
	s26 =	smov.u32 s6;
	v16 =	vmovc v27;
	v0 =	vadd.f32 v0, v19;
	v2 =	vld [tilespmem:s13+$0xFFFFFFB0];
	v61 =	vadd.f32 v8, v3;
	v3 =	vmul.f32 v10, v32  }
0x258: {  	v63 =	vld [tilespmem:$0x1FFE0];
	_ =	sdelay $0x3  }
0x259: {  	v19 =	vld [tilespmem:$0x1FFC0]  }
0x25a: {  	v4 =	vperm.xlane v0, v63;
	_ =	sdelay $0x1  }
0x25b: {  	v0 =	vadd.f32 v0, v4;
	_ =	sdelay $0x1  }
0x25c: {  	v4 =	vperm.xlane v0, v19;
	_ =	sdelay $0x1  }
0x25d: {  	v0 =	vadd.f32 v0, v4;
	_ =	sdelay $0x1  }
0x25e: {  	v0 =	vmax.f32 v0, $9.999999960e-13  }
0x25f: {  	v4 =	vshrl.u32 v0, $0x1;
	v0 =	vmul.f32 $5.000000000e-01, v0  }
0x260: {  	v4 =	vsub.s32 $0x5F3759DF, v4  }
0x261: {  	v7 =	vmul.f32 v4, v0;
	_ =	sdelay $0x1  }
0x262: {  	v7 =	vmul.f32 v4, v7  }
0x263: {  	v1 =	vmul.f32 v3, v1  }
0x264: {  	v7 =	vsub.f32 $1.500000000e+00, v7  }
0x265: {  	v1 =	vmul.f32 v1, v3  }
0x266: {  	v4 =	vmul.f32 v4, v7  }
0x267: {  	v1 =	vsub.f32 $1.500000000e+00, v1  }
0x268: {  	v0 =	vmul.f32 v4, v0  }
0x269: {  	v1 =	vmul.f32 v1, v3  }
0x26a: {  	v8 =	vimm.s32 $0x0;
	v7 =	vimm.s32 $0x8;
	v0 =	vmul.f32 v0, v4  }
0x26b: {  	v12 =	vperm.xlane v1, v8;
	v49 =	vperm.xlane v1, v7  }
0x26c: {  	v0 =	vsub.f32 $1.500000000e+00, v0  }
0x26d: {  	v1 =	vmul.f32 v12, v36;
	v3 =	vmul.f32 v49, v46  }
0x26e: {  	v0 =	vmul.f32 v0, v4  }
0x26f: {  	v1 =	vadd.f32 v3, v1  }
0x270: {  	v46 =	vperm.xlane v0, v8;
	v14 =	vperm.xlane v0, v7  }
0x271: {  	[tilespmem:s5+$0x0] =	vst v1  }
0x272: {  	v0 =	vld [tilespmem:s26+$0x10];
	v1 =	vmul.f32 v46, v43;
	v3 =	vmul.f32 v14, v40;
	_ =	sdelay $0x1  }
0x273: {  	v1 =	vadd.f32 v3, v1;
	_ =	sdelay $0x1  }
0x274: {  	[tilespmem:s5+$0xFFFFFF80] =	vst v1  }
0x275: {  	v0 =	vmul.f32 v0, v49;
	v1 =	vmul.f32 v12, v35;
	v3 =	vld [tilespmem:s26+$0xFFFFFF90];
	_ =	sdelay $0x1  }
0x276: {  	v0 =	vadd.f32 v0, v1;
	_ =	sdelay $0x1  }
0x277: {  	v1 =	vmul.f32 v6, v47;
	[tilespmem:s5+$0x10] =	vst v0  }
0x278: {  	v4 =	vmul.f32 v46, v41;
	v0 =	vld [tilespmem:s26+$0x20];
	v3 =	vmul.f32 v3, v14  }
0x279: {  	v1 =	vadd.f32 v1, v62  }
0x27a: {  	v3 =	vadd.f32 v3, v4  }
0x27b: {  	[tilespmem:s16+$0xFFFFFF90] =	vst v1  }
0x27c: {  	v1 =	vld [tilespmem:s19+$0xFFFFFFA0];
	[tilespmem:s5+$0xFFFFFF90] =	vst v3  }
0x27d: {  	v3 =	vmul.f32 v12, v34;
	v0 =	vmul.f32 v0, v49;
	v4 =	vld [tilespmem:s26+$0xFFFFFFA0];
	_ =	sdelay $0x1  }
0x27e: {  	v0 =	vadd.f32 v0, v3;
	_ =	sdelay $0x1  }
0x27f: {  	[tilespmem:s5+$0x20] =	vst v0;
	v0 =	vmul.f32 v1, v47  }
0x280: {  	v3 =	vmul.f32 v46, v42;
	v1 =	vld [tilespmem:s26+$0x30];
	v4 =	vmul.f32 v4, v14  }
0x281: {  	v0 =	vadd.f32 v0, v5  }
0x282: {  	v3 =	vadd.f32 v4, v3  }
0x283: {  	[tilespmem:s16+$0xFFFFFFA0] =	vst v0  }
0x284: {  	v0 =	vld [tilespmem:s19+$0xFFFFFFB0];
	[tilespmem:s5+$0xFFFFFFA0] =	vst v3  }
0x285: {  	v3 =	vmul.f32 v12, v33;
	v1 =	vmul.f32 v1, v49;
	v4 =	vld [tilespmem:s26+$0xFFFFFFB0];
	_ =	sdelay $0x1  }
0x286: {  	v1 =	vadd.f32 v1, v3  }
0x287: {  	v2 =	vmul.f32 v2, v20  }
0x288: {  	[tilespmem:s5+$0x30] =	vst v1;
	v0 =	vmul.f32 v0, v47  }
0x289: {  	v3 =	vmul.f32 v46, v44;
	v1 =	vadd.f32 v2, v53;
	v2 =	vld [tilespmem:s26+$0x40];
	v4 =	vmul.f32 v4, v14  }
0x28a: {  	v0 =	vadd.f32 v0, v55  }
0x28b: {  	[tilespmem:s28+$0xFFFFFFB0] =	vst v1;
	v1 =	vadd.f32 v4, v3  }
0x28c: {  	v3 =	vld [tilespmem:s13+$0xFFFFFFC0];
	[tilespmem:s16+$0xFFFFFFB0] =	vst v0  }
0x28d: {  	v0 =	vld [tilespmem:s19+$0xFFFFFFC0];
	[tilespmem:s5+$0xFFFFFFB0] =	vst v1  }
0x28e: {  	v1 =	vmul.f32 v12, v30;
	v2 =	vmul.f32 v2, v49;
	v4 =	vld [tilespmem:s26+$0xFFFFFFC0]  }
0x28f: {  	[tilespmem:s16+$0x40] =	vst v57  }
0x290: {  	v1 =	vadd.f32 v2, v1;
	v2 =	vld [tilespmem:s19+$0x50]  }
0x291: {  	v3 =	vmul.f32 v3, v20  }
0x292: {  	v0 =	vmul.f32 v0, v47  }
0x293: {  	[tilespmem:s5+$0x40] =	vst v1;
	v1 =	vmul.f32 v46, v39;
	v3 =	vadd.f32 v3, v58;
	v4 =	vmul.f32 v4, v14  }
0x294: {  	[tilespmem:s22+$0xFFFFFFC0] =	vst v61;
	v5 =	vld [tilespmem:s26+$0x50];
	v0 =	vadd.f32 v0, v52  }
0x295: {  	[tilespmem:s28+$0xFFFFFFC0] =	vst v3;
	v3 =	vmul.f32 v22, v17;
	v2 =	vmul.f32 v2, v23;
	v1 =	vadd.f32 v4, v1  }
0x296: {  	v6 =	vld [tilespmem:s23+$0xFFFFFFD0];
	[tilespmem:s16+$0xFFFFFFC0] =	vst v0  }
0x297: {  	v4 =	vld [tilespmem:s13+$0xFFFFFFD0];
	[tilespmem:s5+$0xFFFFFFC0] =	vst v1;
	v1 =	vadd.f32 v2, v3  }
0x298: {  	v0 =	vld [tilespmem:s19+$0xFFFFFFD0]  }
0x299: {  	v3 =	vmul.f32 v5, v49;
	v5 =	vld [tilespmem:s26+$0xFFFFFFD0];
	[tilespmem:s16+$0x50] =	vst v1  }
0x29a: {  	v2 =	vmul.f32 v12, v31;
	v7 =	vld [tilespmem:$0x1FE90];
	_ =	sdelay $0x1  }
0x29b: {  	v2 =	vadd.f32 v3, v2;
	v4 =	vmul.f32 v4, v20  }
0x29c: {  	v1 =	vmul.f32 v6, v15;
	v3 =	vadd.f32 v60, v18  }
0x29d: {  	[tilespmem:s5+$0x50] =	vst v2;
	v0 =	vmul.f32 v0, v47;
	v4 =	vadd.f32 v4, v45  }
0x29e: {  	[tilespmem:s3+$0xFFFFFFD0] =	vst v3;
	v2 =	vmul.f32 v46, v37;
	v5 =	vmul.f32 v5, v14;
	v1 =	vadd.f32 v1, v7  }
0x29f: {  	v0 =	vadd.f32 v0, v48;
	[tilespmem:s28+$0xFFFFFFD0] =	vst v4  }
0x2a0: {  	v2 =	vadd.f32 v5, v2;
	[tilespmem:s22+$0xFFFFFFD0] =	vst v1  }
0x2a1: {  	v4 =	vld [tilespmem:$0x1FD90];
	[tilespmem:s16+$0xFFFFFFD0] =	vst v0  }
0x2a2: {  	v6 =	vld [tilespmem:s19+$0x60];
	[tilespmem:s5+$0xFFFFFFD0] =	vst v2  }
0x2a3: {  	v10 =	vld [tilespmem:$0x1FD30];
	_ =	sdelay $0x1  }
0x2a4: {  	v3 =	vld [tilespmem:s26+$0x60]  }
0x2a5: {  	v0 =	vmul.f32 v59, v11  }
0x2a6: {  	v5 =	vmul.f32 v6, v23;
	v6 =	vld [tilespmem:s13+$0xFFFFFFE0];
	v4 =	vmul.f32 v22, v4  }
0x2a7: {  	v0 =	vadd.f32 v0, v10  }
0x2a8: {  	v1 =	vld [tilespmem:s23+$0xFFFFFFE0];
	v2 =	vadd.f32 v5, v4  }
0x2a9: {  	v7 =	vld [tilespmem:s18+$0xFFFFFFE0];
	v3 =	vmul.f32 v3, v49;
	v4 =	vmul.f32 v12, v29;
	[tilespmem:s31+$0xFFFFFFE0] =	vst v0  }
0x2aa: {  	v8 =	vld [tilespmem:s19+$0xFFFFFFE0];
	[tilespmem:s16+$0x60] =	vst v2  }
0x2ab: {  	v2 =	vadd.f32 v3, v4;
	v4 =	vmul.f32 v6, v20;
	v6 =	vld [tilespmem:$0x1FE00]  }
0x2ac: {  	v3 =	vld [tilespmem:$0x1FD60]  }
0x2ad: {  	v1 =	vmul.f32 v1, v15;
	v5 =	vld [tilespmem:s26+$0xFFFFFFE0];
	_ =	sdelay $0x1  }
0x2ae: {  	v7 =	vmul.f32 v7, v13;
	v1 =	vadd.f32 v1, v25  }
0x2af: {  	[tilespmem:s5+$0x60] =	vst v2;
	v2 =	vmul.f32 v8, v47;
	v4 =	vadd.f32 v4, v38;
	v6 =	vmul.f32 v56, v6  }
0x2b0: {  	[tilespmem:s22+$0xFFFFFFE0] =	vst v1;
	v3 =	vadd.f32 v7, v3  }
0x2b1: {  	v8 =	vmul.f32 v46, v51;
	v5 =	vmul.f32 v5, v14;
	[tilespmem:s28+$0xFFFFFFE0] =	vst v4;
	v1 =	vadd.f32 v2, v6  }
0x2b2: {  	[tilespmem:s3+$0xFFFFFFE0] =	vst v3  }
0x2b3: {  	v4 =	vadd.f32 v5, v8;
	v5 =	vld [tilespmem:$0x1FDA0];
	[tilespmem:s16+$0xFFFFFFE0] =	vst v1  }
0x2b4: {  	v1 =	vld [tilespmem:$0x1FCD0];
	_ =	sdelay $0x2  }
0x2b5: {  	v2 =	vmul.f32 v54, v9;
	_ =	sdelay $0x1  }
0x2b6: {  	v0 =	vld [tilespmem:s19+$0x70];
	v1 =	vadd.f32 v2, v1  }
0x2b7: {  	v7 =	vld [tilespmem:s0+$0xFFFFFFF0];
	[tilespmem:s5+$0xFFFFFFE0] =	vst v4  }
0x2b8: {  	v4 =	vld [tilespmem:$0x1FED0];
	[tilespmem:s30+$0xFFFFFFF0] =	vst v1  }
0x2b9: {  	v1 =	vld [tilespmem:$0x1FD40];
	_ =	sdelay $0x1  }
0x2ba: {  	v0 =	vmul.f32 v0, v23;
	v5 =	vmul.f32 v22, v5  }
0x2bb: {  	v2 =	vmul.f32 v7, v11  }
0x2bc: {  	v8 =	vld [tilespmem:s13+$0xFFFFFFF0];
	v0 =	vadd.f32 v0, v5  }
0x2bd: {  	v3 =	vld [tilespmem:s26+$0x70];
	v1 =	vadd.f32 v2, v1  }
0x2be: {  	v10 =	vld [tilespmem:s18+$0xFFFFFFF0];
	[tilespmem:s16+$0x70] =	vst v0  }
0x2bf: {  	v6 =	vld [tilespmem:s23+$0xFFFFFFF0];
	[tilespmem:s31+$0xFFFFFFF0] =	vst v1  }
0x2c0: {  	v1 =	vld [tilespmem:$0x1FD70]  }
0x2c1: {  	v7 =	vld [tilespmem:s19+$0xFFFFFFF0]  }
0x2c2: {  	v3 =	vmul.f32 v3, v49;
	v5 =	vld [tilespmem:s26+$0xFFFFFFF0];
	v4 =	vmul.f32 v12, v4  }
0x2c3: {  	v2 =	vmul.f32 v10, v13  }
0x2c4: {  	v0 =	vadd.f32 v3, v4;
	v3 =	vmul.f32 v6, v15  }
0x2c5: {  	v1 =	vadd.f32 v2, v1;
	v2 =	vmul.f32 v8, v20  }
0x2c6: {  	v4 =	vmul.f32 v56, v16;
	[tilespmem:s5+$0x70] =	vst v0;
	v0 =	vadd.f32 v3, v24;
	v3 =	vmul.f32 v7, v47  }
0x2c7: {  	v6 =	vmul.f32 v46, v50;
	[tilespmem:s3+$0xFFFFFFF0] =	vst v1;
	v1 =	vadd.f32 v2, v28;
	v2 =	vmul.f32 v5, v14  }
0x2c8: {  	[tilespmem:s22+$0xFFFFFFF0] =	vst v0;
	v0 =	vadd.f32 v3, v4  }
0x2c9: {  	[tilespmem:s28+$0xFFFFFFF0] =	vst v1;
	v1 =	vadd.f32 v2, v6  }
0x2ca: {  	[tilespmem:s16+$0xFFFFFFF0] =	vst v0  }
0x2cb: {  	s26 =	simm.s32 $0x0;
	[tilespmem:s5+$0xFFFFFFF0] =	vst v1  }
0x2cc: {  	[hbm4b:s7+s26] =	stream.linear.scatter [tilespmem:s15], [sflag:$0x3], $0x4000, $0x38;
	[tilespmem:$0x10400] =	vst v63  }
0x2cd: {  	_ =	swait.ge [sflag:s21], $0x4000  }
0x2ce: {  	[sflag:s21] =	ssyncset.done $0x0  }
0x2cf: {  	s28 =	simm.s32 $0x100;
	[sflag:s21] =	ssyncadd.s32 $0xFFFFC000  }
0x2d0: {  	[tilespmem:s15], [sflag:$0x1] =	stream.indirect.gather [hbm4b:s1+s14], $0x80, s28, s14, $0xb8;
	[tilespmem:$0x10400] =	vst v63  }
0x2d1: {  	s30 =	simm.s32 $0x8400;
	s31 =	simm.s32 $0x300  }
0x2d2: {  	[tilespmem:s30], [sflag:$0x1] =	stream.indirect.gather [hbm4b:s2+s14], $0x80, s31, s14, $0xb8;
	[tilespmem:$0x10400] =	vst v63  }
0x2d3: {  	_ =	swait.ge [sflag:s24], $0x4000  }
0x2d4: {  	[sflag:s24] =	ssyncset.done $0x0  }
0x2d5: {  	[sflag:s24] =	ssyncadd.s32 $0xFFFFC000  }
0x2d6: {  	_ =	swait.ge [sflag:s24], $0x4000  }
0x2d7: {  	[sflag:s24] =	ssyncset.done $0x0  }
0x2d8: {  	s0 =	simm.s32 $0x0;
	[sflag:s24] =	ssyncadd.s32 $0xFFFFC000  }
0x2d9: {  	v23 =	vld [tilespmem:s0+$0x4480]  }
0x2da: {  	v26 =	vld [tilespmem:s0+$0xC480]  }
0x2db: {  	v38 =	vld [tilespmem:s0+$0x4490]  }
0x2dc: {  	v0 =	vld [tilespmem:s0+$0xC490]  }
0x2dd: {  	v37 =	vld [tilespmem:s0+$0x44A0]  }
0x2de: {  	v1 =	vld [tilespmem:s0+$0xC4A0]  }
0x2df: {  	v8 =	vld [tilespmem:s0+$0x44B0]  }
0x2e0: {  	v4 =	vld [tilespmem:s0+$0xC4B0]  }
0x2e1: {  	v6 =	vld [tilespmem:s0+$0x44C0];
	v2 =	vmul.f32 v23, v23;
	v3 =	vmul.f32 v26, v26  }
0x2e2: {  	v5 =	vmul.f32 v38, v38;
	v0 =	vmul.f32 v0, v0  }
0x2e3: {  	v9 =	vld [tilespmem:s0+$0xC4C0];
	v7 =	vmul.f32 v37, v37  }
0x2e4: {  	v62 =	vld [tilespmem:s0+$0x44D0];
	v1 =	vmul.f32 v1, v1;
	v2 =	vadd.f32 v5, v2;
	v0 =	vadd.f32 v0, v3  }
0x2e5: {  	v3 =	vmul.f32 v8, v8;
	v5 =	vld [tilespmem:s0+$0xC4D0]  }
0x2e6: {  	v36 =	vld [tilespmem:s0+$0x44E0];
	[tilespmem:$0x1FC50] =	vst v6;
	v2 =	vadd.f32 v7, v2;
	v0 =	vadd.f32 v1, v0;
	v1 =	vmul.f32 v4, v4  }
0x2e7: {  	v10 =	vld [tilespmem:s0+$0xC4E0];
	v4 =	vmul.f32 v6, v6  }
0x2e8: {  	v17 =	vld [tilespmem:s0+$0x44F0];
	v2 =	vadd.f32 v3, v2;
	v0 =	vadd.f32 v1, v0;
	v1 =	vmul.f32 v9, v9  }
0x2e9: {  	v3 =	vmul.f32 v62, v62;
	v9 =	vld [tilespmem:s0+$0xC4F0]  }
0x2ea: {  	v61 =	vld [tilespmem:$0x1FFD0];
	v2 =	vadd.f32 v4, v2;
	v0 =	vadd.f32 v1, v0;
	v1 =	vmul.f32 v5, v5  }
0x2eb: {  	v35 =	vld [tilespmem:s0+$0x4400];
	v4 =	vmul.f32 v36, v36  }
0x2ec: {  	v34 =	vld [tilespmem:s0+$0xC410];
	v2 =	vadd.f32 v3, v2;
	v0 =	vadd.f32 v1, v0;
	v1 =	vmul.f32 v10, v10  }
0x2ed: {  	v6 =	vld [tilespmem:$0x1FFF0];
	v3 =	vmul.f32 v17, v17  }
0x2ee: {  	v33 =	vld [tilespmem:s0+$0x4410];
	v2 =	vadd.f32 v4, v2;
	v0 =	vadd.f32 v1, v0;
	v1 =	vmul.f32 v9, v9  }
0x2ef: {  	v32 =	vld [tilespmem:s0+$0xC400]  }
0x2f0: {  	v30 =	vld [tilespmem:s0+$0x4420];
	v2 =	vadd.f32 v3, v2;
	v0 =	vadd.f32 v1, v0  }
0x2f1: {  	v12 =	vmul.f32 v34, v34;
	v3 =	vld [tilespmem:s0+$0xC420]  }
0x2f2: {  	v31 =	vld [tilespmem:s0+$0x4430];
	v4 =	vperm.xlane v2, v6;
	v5 =	vperm.xlane v0, v6  }
0x2f3: {  	v11 =	vld [tilespmem:s0+$0xC430];
	v10 =	vmul.f32 v33, v33;
	v1 =	vmul.f32 v35, v35  }
0x2f4: {  	v39 =	vld [tilespmem:s0+$0x4440];
	v9 =	vmul.f32 v32, v32;
	v2 =	vadd.f32 v4, v2;
	v0 =	vadd.f32 v5, v0  }
0x2f5: {  	v1 =	vadd.f32 v10, v1;
	v4 =	vmul.f32 v30, v30;
	v5 =	vld [tilespmem:s0+$0xC440]  }
0x2f6: {  	v40 =	vld [tilespmem:s0+$0x4450];
	v9 =	vadd.f32 v12, v9;
	v3 =	vmul.f32 v3, v3;
	v0 =	vsel vm0, v2, v0  }
0x2f7: {  	v1 =	vadd.f32 v4, v1;
	v2 =	vmul.f32 v31, v31;
	v4 =	vld [tilespmem:s0+$0xC450];
	v10 =	vperm.xlane v0, v61  }
0x2f8: {  	v41 =	vld [tilespmem:s0+$0x4460];
	v11 =	vmul.f32 v11, v11;
	v3 =	vadd.f32 v3, v9  }
0x2f9: {  	v9 =	vmul.f32 v39, v39;
	v1 =	vadd.f32 v2, v1;
	v2 =	vld [tilespmem:s0+$0xC460];
	v0 =	vadd.f32 v0, v10  }
0x2fa: {  	v43 =	vld [tilespmem:s0+$0x4470];
	v5 =	vmul.f32 v5, v5;
	v3 =	vadd.f32 v11, v3  }
0x2fb: {  	v10 =	vmul.f32 v40, v40;
	v11 =	vld [tilespmem:s0+$0xC470];
	v1 =	vadd.f32 v9, v1;
	v9 =	vperm.xlane v0, v63  }
0x2fc: {  	v4 =	vmul.f32 v4, v4;
	v3 =	vadd.f32 v5, v3  }
0x2fd: {  	v5 =	vmul.f32 v41, v41;
	v1 =	vadd.f32 v10, v1;
	v0 =	vadd.f32 v0, v9  }
0x2fe: {  	v2 =	vmul.f32 v2, v2;
	v3 =	vadd.f32 v4, v3  }
0x2ff: {  	v4 =	vmul.f32 v43, v43;
	v1 =	vadd.f32 v5, v1;
	v5 =	vperm.xlane v0, v19  }
0x300: {  	v9 =	vmul.f32 v11, v11;
	v2 =	vadd.f32 v2, v3  }
0x301: {  	v1 =	vadd.f32 v4, v1;
	v0 =	vadd.f32 v0, v5  }
0x302: {  	v2 =	vadd.f32 v9, v2  }
0x303: {  	v3 =	vperm.xlane v1, v6;
	v0 =	vmax.f32 v0, $9.999999960e-13  }
0x304: {  	v4 =	vperm.xlane v2, v6;
	v5 =	vshrl.u32 v0, $0x1;
	v0 =	vmul.f32 $5.000000000e-01, v0  }
0x305: {  	v5 =	vsub.s32 $0x5F3759DF, v5  }
0x306: {  	v1 =	vadd.f32 v3, v1;
	v2 =	vadd.f32 v4, v2;
	v3 =	vmul.f32 v5, v0;
	_ =	sdelay $0x1  }
0x307: {  	v1 =	vsel vm0, v1, v2;
	v2 =	vmul.f32 v5, v3  }
0x308: {  	v3 =	vperm.xlane v1, v61  }
0x309: {  	v2 =	vsub.f32 $1.500000000e+00, v2  }
0x30a: {  	v1 =	vadd.f32 v1, v3  }
0x30b: {  	v44 =	vld [tilespmem:s0+$0xC420];
	v2 =	vmul.f32 v5, v2  }
0x30c: {  	s3 =	simm.s32 $0x100;
	v42 =	vld [tilespmem:s0+$0xC430];
	v3 =	vperm.xlane v1, v63  }
0x30d: {  	v13 =	vld [tilespmem:s3+$0x44B0];
	v0 =	vmul.f32 v2, v0  }
0x30e: {  	v9 =	vld [tilespmem:s3+$0xC480];
	v1 =	vadd.f32 v1, v3  }
0x30f: {  	v7 =	vld [tilespmem:s3+$0x4490];
	v0 =	vmul.f32 v0, v2  }
0x310: {  	v10 =	vld [tilespmem:s3+$0x44A0];
	v3 =	vperm.xlane v1, v19  }
0x311: {  	v5 =	vld [tilespmem:s3+$0x4480];
	v0 =	vsub.f32 $1.500000000e+00, v0  }
0x312: {  	v1 =	vadd.f32 v1, v3;
	v3 =	vld [tilespmem:s3+$0xC490]  }
0x313: {  	v0 =	vmul.f32 v0, v2;
	v2 =	vld [tilespmem:s3+$0xC4A0];
	[tilespmem:$0x1FC60] =	vst v9  }
0x314: {  	v16 =	vld [tilespmem:s3+$0xC4B0];
	[tilespmem:$0x1FC70] =	vst v7  }
0x315: {  	v18 =	vmul.f32 v7, v7;
	v15 =	vmul.f32 v9, v9;
	v1 =	vmax.f32 v1, $9.999999960e-13;
	v14 =	vld [tilespmem:s3+$0x44C0]  }
0x316: {  	v52 =	vimm.s32 $0x0;
	v12 =	vmovc v5;
	v5 =	vmul.f32 v5, v5;
	v4 =	vmul.f32 $5.000000000e-01, v1;
	v21 =	vld [tilespmem:s3+$0xC4C0]  }
0x317: {  	v1 =	vshrl.u32 v1, $0x1;
	v7 =	vimm.s32 $0x8;
	v20 =	vperm.xlane v0, v52;
	v24 =	vld [tilespmem:s3+$0xC4D0]  }
0x318: {  	v11 =	vmovc v19;
	v1 =	vsub.s32 $0x5F3759DF, v1;
	v19 =	vperm.xlane v0, v7;
	v25 =	vld [tilespmem:s3+$0xC4E0];
	v3 =	vmul.f32 v3, v3  }
0x319: {  	v5 =	vadd.f32 v18, v5;
	v0 =	vmul.f32 v10, v10;
	v60 =	vld [tilespmem:s3+$0xC440];
	v18 =	vmul.f32 v1, v4  }
0x31a: {  	v47 =	vmul.f32 v19, v26;
	v26 =	vld [tilespmem:s3+$0x4450];
	v3 =	vadd.f32 v3, v15;
	v2 =	vmul.f32 v2, v2  }
0x31b: {  	v22 =	vmul.f32 v13, v13;
	v0 =	vadd.f32 v0, v5;
	v15 =	vld [tilespmem:s3+$0x44D0];
	v5 =	vmul.f32 v1, v18  }
0x31c: {  	v27 =	vmul.f32 v20, v17;
	v2 =	vadd.f32 v2, v3;
	v3 =	vmul.f32 v16, v16;
	v16 =	vld [tilespmem:s3+$0x44E0]  }
0x31d: {  	v29 =	vld [tilespmem:s3+$0x44F0];
	v0 =	vadd.f32 v22, v0;
	v18 =	vmul.f32 v14, v14;
	v5 =	vsub.f32 $1.500000000e+00, v5  }
0x31e: {  	v28 =	vld [tilespmem:s3+$0xC4F0];
	v45 =	vmul.f32 v20, v23;
	v2 =	vadd.f32 v3, v2;
	v3 =	vmul.f32 v21, v21  }
0x31f: {  	v55 =	vld [tilespmem:s0+$0xC4F0];
	v51 =	vmul.f32 v60, v60;
	v0 =	vadd.f32 v18, v0;
	v1 =	vmul.f32 v1, v5  }
0x320: {  	v17 =	vld [tilespmem:s3+$0x4410];
	v21 =	vmul.f32 v15, v15;
	v2 =	vadd.f32 v3, v2;
	v3 =	vmul.f32 v24, v24  }
0x321: {  	v23 =	vld [tilespmem:s3+$0x4430];
	v60 =	vmul.f32 v26, v26;
	v5 =	vmul.f32 v16, v16  }
0x322: {  	v18 =	vld [tilespmem:s3+$0x4400];
	v0 =	vadd.f32 v21, v0;
	v2 =	vadd.f32 v3, v2;
	v3 =	vmul.f32 v25, v25  }
0x323: {  	v22 =	vld [tilespmem:s3+$0xC410];
	v4 =	vmul.f32 v1, v4;
	v25 =	vmul.f32 v29, v29  }
0x324: {  	v21 =	vld [tilespmem:s3+$0xC400];
	v0 =	vadd.f32 v5, v0;
	v2 =	vadd.f32 v3, v2;
	v3 =	vmul.f32 v28, v28  }
0x325: {  	v24 =	vld [tilespmem:s3+$0x4420];
	v4 =	vmul.f32 v4, v1;
	v5 =	vmul.f32 v55, v19  }
0x326: {  	v55 =	vmul.f32 v23, v23;
	v28 =	vld [tilespmem:s3+$0xC420];
	v0 =	vadd.f32 v25, v0;
	v2 =	vadd.f32 v3, v2  }
0x327: {  	v25 =	vld [tilespmem:s3+$0x4440];
	v3 =	vadd.f32 v5, v27;
	v5 =	vmul.f32 v18, v18;
	v27 =	vmul.f32 v17, v17  }
0x328: {  	v46 =	vld [tilespmem:s3+$0xC430];
	v4 =	vsub.f32 $1.500000000e+00, v4;
	v56 =	vperm.xlane v0, v6;
	v57 =	vperm.xlane v2, v6  }
0x329: {  	v58 =	vmul.f32 v21, v21;
	v5 =	vadd.f32 v27, v5;
	v27 =	vmul.f32 v22, v22  }
0x32a: {  	v59 =	vmul.f32 v24, v24;
	v0 =	vadd.f32 v56, v0;
	v56 =	vld [tilespmem:s3+$0xC450];
	v2 =	vadd.f32 v57, v2  }
0x32b: {  	v1 =	vmul.f32 v4, v1;
	v28 =	vmul.f32 v28, v28;
	v54 =	vadd.f32 v27, v58  }
0x32c: {  	v48 =	vld [tilespmem:s0+$0xC460];
	v5 =	vadd.f32 v59, v5;
	v59 =	vmul.f32 v25, v25;
	v0 =	vsel vm0, v0, v2  }
0x32d: {  	v27 =	vld [tilespmem:s3+$0x4460];
	v2 =	vmul.f32 v46, v46;
	v57 =	vadd.f32 v28, v54;
	v58 =	vperm.xlane v0, v61  }
0x32e: {  	v4 =	vadd.f32 v55, v5;
	v5 =	vld [tilespmem:s3+$0xC460];
	v46 =	vperm.xlane v1, v52;
	v1 =	vperm.xlane v1, v7  }
0x32f: {  	v28 =	vld [tilespmem:s3+$0x4470];
	v2 =	vadd.f32 v2, v57;
	v50 =	vmul.f32 v56, v56;
	v0 =	vadd.f32 v0, v58  }
0x330: {  	v57 =	vld [tilespmem:s3+$0xC470];
	v4 =	vadd.f32 v59, v4;
	v32 =	vmul.f32 v1, v32;
	v56 =	vmul.f32 v46, v33  }
0x331: {  	v49 =	vld [tilespmem:s0+$0xC440];
	v44 =	vmul.f32 v44, v1;
	v2 =	vadd.f32 v51, v2;
	v58 =	vperm.xlane v0, v63  }
0x332: {  	v53 =	vld [tilespmem:s0+$0xC450];
	v41 =	vmul.f32 v46, v41;
	v59 =	vmul.f32 v27, v27;
	v4 =	vadd.f32 v60, v4  }
0x333: {  	v54 =	vld [tilespmem:s0+$0xC490];
	v5 =	vmul.f32 v5, v5;
	v2 =	vadd.f32 v50, v2;
	v0 =	vadd.f32 v0, v58  }
0x334: {  	v55 =	vld [tilespmem:s0+$0xC4A0];
	v48 =	vmul.f32 v48, v1;
	v60 =	vmul.f32 v28, v28;
	v4 =	vadd.f32 v59, v4  }
0x335: {  	v33 =	vld [tilespmem:s0+$0xC4E0];
	v52 =	vmul.f32 v57, v57;
	v2 =	vadd.f32 v5, v2;
	v5 =	vperm.xlane v0, v11  }
0x336: {  	v51 =	vmul.f32 v46, v35;
	v35 =	vld [tilespmem:s0+$0xC4C0];
	v48 =	vadd.f32 v48, v41;
	v4 =	vadd.f32 v60, v4  }
0x337: {  	v41 =	vld [tilespmem:s3+$0xC4C0];
	v59 =	vmul.f32 v46, v39;
	v2 =	vadd.f32 v52, v2;
	v0 =	vadd.f32 v0, v5  }
0x338: {  	v50 =	vld [tilespmem:s0+$0xC470];
	v5 =	vadd.f32 v47, v45;
	v45 =	vmul.f32 v46, v30;
	v30 =	vperm.xlane v4, v6  }
0x339: {  	v39 =	vld [tilespmem:s3+$0xC490];
	v58 =	vmul.f32 v34, v1;
	v60 =	vperm.xlane v2, v6;
	v0 =	vmax.f32 v0, $9.999999960e-13  }
0x33a: {  	v57 =	vld [tilespmem:s0+$0xC4B0];
	v4 =	vadd.f32 v30, v4;
	v30 =	vshrl.u32 v0, $0x1;
	v0 =	vmul.f32 $5.000000000e-01, v0  }
0x33b: {  	v34 =	vld [tilespmem:s0+$0xC4D0];
	v56 =	vadd.f32 v58, v56;
	v47 =	vadd.f32 v32, v51;
	v51 =	vsub.s32 $0x5F3759DF, v30  }
0x33c: {  	[tilespmem:s0+$0x44F0] =	vst v3;
	v52 =	vmul.f32 v46, v31;
	v31 =	vld [tilespmem:s3+$0xC440];
	v2 =	vadd.f32 v60, v2;
	v58 =	vmul.f32 v51, v0  }
0x33d: {  	v32 =	vld [tilespmem:s3+$0xC420];
	v3 =	vadd.f32 v44, v45;
	[tilespmem:s0+$0x4400] =	vst v47;
	v47 =	vmul.f32 v46, v43;
	v43 =	vmul.f32 v49, v1  }
0x33e: {  	[tilespmem:s0+$0x4480] =	vst v5;
	v45 =	vld [tilespmem:s3+$0xC470];
	v2 =	vsel vm0, v4, v2;
	v4 =	vmul.f32 v42, v1;
	v58 =	vmul.f32 v51, v58  }
0x33f: {  	v50 =	vmul.f32 v50, v1;
	v44 =	vld [tilespmem:s3+$0xC4A0];
	[tilespmem:s0+$0x4420] =	vst v3;
	v3 =	vadd.f32 v43, v59;
	v5 =	vperm.xlane v2, v61  }
0x340: {  	v60 =	vmul.f32 v46, v40;
	v40 =	vld [tilespmem:s3+$0xC460];
	v4 =	vadd.f32 v4, v52;
	v52 =	vsub.f32 $1.500000000e+00, v58  }
0x341: {  	[tilespmem:s0+$0x4460] =	vst v48;
	v49 =	vmul.f32 v55, v19;
	v46 =	vld [tilespmem:s3+$0xC4B0];
	v5 =	vadd.f32 v2, v5;
	v58 =	vmul.f32 v53, v1  }
0x342: {  	v30 =	vld [tilespmem:s3+$0xC430];
	[tilespmem:s0+$0x4440] =	vst v3;
	v3 =	vmul.f32 v20, v37;
	v1 =	vmul.f32 v51, v52  }
0x343: {  	v43 =	vld [tilespmem:s3+$0xC4D0];
	v2 =	vmul.f32 v20, v38;
	[tilespmem:s0+$0x4430] =	vst v4;
	v4 =	vadd.f32 v58, v60;
	v60 =	vperm.xlane v5, v63  }
0x344: {  	[tilespmem:s0+$0x4410] =	vst v56;
	v50 =	vadd.f32 v50, v47;
	v47 =	vld [tilespmem:s3+$0xC4E0];
	v38 =	vmul.f32 v54, v19;
	v0 =	vmul.f32 v1, v0  }
0x345: {  	s6 =	simm.s32 $0x800;
	s5 =	simm.s32 $0x2;
	v42 =	vld [tilespmem:s3+$0xC450];
	v52 =	vadd.f32 v5, v60;
	[tilespmem:s0+$0x4450] =	vst v4;
	v4 =	vmul.f32 v20, v8;
	v5 =	vmul.f32 v57, v19  }
.LBB2_4:
0x346: {  	v6 =	vld [tilespmem:$0x1FFC0]  }
0x347: {  	v7 =	vmov v10  }
0x348: {  	[tilespmem:$0x1FC40] =	vst v7;
	v7 =	vld [tilespmem:$0x1FC50]  }
0x349: {  	s8 =	sshra.s32 s6, $0x2;
	v48 =	vld [tilespmem:s3+$0xC4F0];
	v2 =	vadd.f32 v38, v2  }
0x34a: {  	v0 =	vmul.f32 v0, v1;
	v54 =	vld [tilespmem:s8+$0x4480];
	v3 =	vadd.f32 v49, v3  }
0x34b: {  	v35 =	vmul.f32 v35, v19;
	v55 =	vld [tilespmem:s8+$0xC480];
	[tilespmem:s0+$0x4490] =	vst v2;
	v9 =	vperm.xlane v52, v6  }
0x34c: {  	v0 =	vsub.f32 $1.500000000e+00, v0;
	v2 =	vmul.f32 v20, v62;
	v38 =	vld [tilespmem:s8+$0x4490];
	[tilespmem:s0+$0x44A0] =	vst v3;
	v3 =	vadd.f32 v5, v4  }
0x34d: {  	v4 =	vmul.f32 v34, v19;
	v60 =	vmul.f32 v20, v7;
	v9 =	vadd.f32 v52, v9  }
0x34e: {  	v5 =	vmul.f32 v20, v36;
	v62 =	vld [tilespmem:s8+$0xC490];
	v0 =	vmul.f32 v0, v1  }
0x34f: {  	v8 =	vmovc v14;
	v1 =	vmul.f32 v33, v19;
	v10 =	vld [tilespmem:s8+$0x44A0];
	[tilespmem:s0+$0x44B0] =	vst v3;
	v3 =	vadd.f32 v35, v60;
	v7 =	vmax.f32 v9, $9.999999960e-13  }
0x350: {  	v37 =	vmovc v13;
	v11 =	vmovc v15;
	[tilespmem:$0x1FC50] =	vst v8;
	v8 =	vimm.s32 $0x8;
	v2 =	vadd.f32 v4, v2;
	v15 =	vld [tilespmem:s8+$0xC4A0];
	v13 =	vshrl.u32 v7, $0x1  }
0x351: {  	v53 =	vmovc v42;
	v19 =	vperm.xlane v0, v8;
	v1 =	vadd.f32 v1, v5;
	v42 =	vsub.s32 $0x5F3759DF, v13;
	v13 =	vld [tilespmem:s8+$0x44B0];
	[tilespmem:s0+$0x44C0] =	vst v3  }
0x352: {  	[tilespmem:s0+$0x4470] =	vst v50;
	v5 =	vmul.f32 v38, v38;
	v56 =	vmul.f32 $5.000000000e-01, v7;
	v7 =	vimm.s32 $0x0;
	v3 =	vld [tilespmem:s8+$0xC4B0]  }
0x353: {  	v20 =	vperm.xlane v0, v7;
	v0 =	vmul.f32 v54, v54;
	v14 =	vld [tilespmem:s8+$0x44C0];
	[tilespmem:s0+$0x44D0] =	vst v2  }
0x354: {  	v57 =	vld [tilespmem:s8+$0xC4C0];
	[tilespmem:s0+$0x44E0] =	vst v1;
	s0 =	smov.u32 s3;
	s3 =	smov.u32 s8  }
0x355: {  	v36 =	vmovc v16;
	v16 =	vmul.f32 v55, v55;
	v0 =	vadd.f32 v5, v0;
	v5 =	vmul.f32 v15, v15;
	v15 =	vld [tilespmem:s3+$0x44D0]  }
0x356: {  	v4 =	vmul.f32 v20, v29;
	v29 =	vmul.f32 v48, v19;
	v58 =	vld [tilespmem:s3+$0xC4D0]  }
0x357: {  	v35 =	vmul.f32 v62, v62;
	v9 =	vmul.f32 v42, v56;
	v48 =	vmov v46;
	v46 =	vld [tilespmem:s3+$0x4410]  }
0x358: {  	v33 =	vmov v47;
	v2 =	vmul.f32 v10, v10;
	v47 =	vld [tilespmem:s3+$0x4420];
	v4 =	vadd.f32 v29, v4  }
0x359: {  	v1 =	vadd.f32 v35, v16;
	v59 =	vmul.f32 v42, v9;
	v9 =	vld [tilespmem:$0x1FC60]  }
0x35a: {  	v50 =	vmov v39;
	v39 =	vld [tilespmem:s3+$0xC430];
	v0 =	vadd.f32 v2, v0;
	v29 =	vmul.f32 v13, v13;
	[tilespmem:s0+$0x44F0] =	vst v4  }
0x35b: {  	v1 =	vadd.f32 v5, v1;
	v2 =	vmul.f32 v3, v3;
	v16 =	vld [tilespmem:s3+$0x44E0]  }
0x35c: {  	v5 =	vsub.f32 $1.500000000e+00, v59;
	v3 =	vmul.f32 v14, v14;
	v4 =	vld [tilespmem:s3+$0xC4E0];
	v0 =	vadd.f32 v29, v0  }
0x35d: {  	v35 =	vmovc v41;
	v41 =	vmul.f32 v20, v12;
	v29 =	vld [tilespmem:s3+$0x44F0];
	v1 =	vadd.f32 v2, v1;
	v2 =	vmul.f32 v57, v57  }
0x35e: {  	v62 =	vld [tilespmem:s3+$0xC4F0];
	v5 =	vmul.f32 v42, v5;
	v60 =	vmul.f32 v15, v15;
	v0 =	vadd.f32 v3, v0  }
0x35f: {  	v12 =	vmovc v54;
	v42 =	vld [tilespmem:s3+$0x4400];
	v59 =	vmul.f32 v19, v9;
	v1 =	vadd.f32 v2, v1;
	v2 =	vmul.f32 v58, v58  }
0x360: {  	v9 =	vmovc v55;
	v39 =	vmul.f32 v39, v39;
	v3 =	vld [tilespmem:s3+$0xC400];
	v57 =	vmul.f32 v5, v56;
	v0 =	vadd.f32 v60, v0  }
0x361: {  	[tilespmem:$0x1FC60] =	vst v9;
	v9 =	vld [tilespmem:$0x1FFF0];
	v54 =	vmul.f32 v16, v16;
	v1 =	vadd.f32 v2, v1;
	v2 =	vmul.f32 v4, v4  }
0x362: {  	v51 =	vmov v44;
	v44 =	vmul.f32 v57, v5;
	v4 =	vld [tilespmem:s3+$0xC410];
	v58 =	vmul.f32 v29, v29  }
0x363: {  	v55 =	vld [tilespmem:s3+$0x4430];
	v0 =	vadd.f32 v54, v0;
	v1 =	vadd.f32 v2, v1;
	v2 =	vmul.f32 v62, v62  }
0x364: {  	v41 =	vadd.f32 v59, v41;
	v60 =	vmul.f32 v42, v42;
	v44 =	vsub.f32 $1.500000000e+00, v44;
	v62 =	vld [tilespmem:s3+$0xC420]  }
0x365: {  	v56 =	vld [tilespmem:s3+$0x4440];
	v0 =	vadd.f32 v58, v0;
	v1 =	vadd.f32 v2, v1;
	v2 =	vmul.f32 v46, v46  }
0x366: {  	[tilespmem:s0+$0x4480] =	vst v41;
	v41 =	vld [tilespmem:s3+$0xC460];
	v54 =	vmul.f32 v3, v3;
	v5 =	vmul.f32 v44, v5  }
0x367: {  	v44 =	vperm.xlane v0, v9;
	v2 =	vadd.f32 v2, v60;
	v60 =	vmul.f32 v4, v4  }
0x368: {  	v49 =	vmov v45;
	v57 =	vmul.f32 v47, v47;
	v58 =	vld [tilespmem:s3+$0xC440];
	v45 =	vperm.xlane v1, v9  }
0x369: {  	v52 =	vmovc v40;
	v59 =	vld [tilespmem:s3+$0x4450];
	v62 =	vmul.f32 v62, v62;
	v0 =	vadd.f32 v44, v0;
	v40 =	vadd.f32 v60, v54  }
0x36a: {  	v1 =	vadd.f32 v45, v1;
	v2 =	vadd.f32 v57, v2;
	v57 =	vmul.f32 v55, v55;
	v44 =	vld [tilespmem:s3+$0xC450]  }
0x36b: {  	v41 =	vmul.f32 v41, v41;
	v54 =	vld [tilespmem:s3+$0x4460];
	v45 =	vmul.f32 v56, v56;
	v40 =	vadd.f32 v62, v40  }
0x36c: {  	v60 =	vld [tilespmem:s3+$0xC470];
	v0 =	vsel vm0, v0, v1;
	v1 =	vperm.xlane v5, v7;
	v2 =	vadd.f32 v57, v2  }
0x36d: {  	v34 =	vmovc v43;
	v57 =	vmul.f32 v58, v58;
	v58 =	vld [tilespmem:s3+$0x4470];
	v43 =	vperm.xlane v0, v61;
	v39 =	vadd.f32 v39, v40  }
0x36e: {  	v5 =	vperm.xlane v5, v8;
	v40 =	vmul.f32 v59, v59;
	v2 =	vadd.f32 v45, v2  }
0x36f: {  	v0 =	vadd.f32 v0, v43;
	v43 =	vmul.f32 v44, v44;
	v39 =	vadd.f32 v57, v39  }
0x370: {  	v7 =	vmul.f32 v22, v5;
	v44 =	vmul.f32 v54, v54;
	v2 =	vadd.f32 v40, v2  }
0x371: {  	v8 =	vmul.f32 v1, v24;
	v45 =	vperm.xlane v0, v63;
	v39 =	vadd.f32 v43, v39  }
0x372: {  	v43 =	vmul.f32 v58, v58;
	v2 =	vadd.f32 v44, v2;
	v44 =	vmul.f32 v60, v60  }
0x373: {  	v60 =	vmul.f32 v5, v21;
	v21 =	vmovc v3;
	v0 =	vadd.f32 v0, v45;
	v3 =	vadd.f32 v41, v39  }
0x374: {  	v61 =	vld [tilespmem:s3+$0xC420];
	v22 =	vmov v4;
	v4 =	vmul.f32 v32, v5;
	v63 =	vmul.f32 v1, v18  }
0x375: {  	v57 =	vld [tilespmem:s3+$0xC430];
	v2 =	vadd.f32 v43, v2;
	v41 =	vperm.xlane v0, v6;
	v3 =	vadd.f32 v44, v3  }
0x376: {  	v24 =	vmovc v47;
	v53 =	vmul.f32 v53, v5;
	v47 =	vadd.f32 v60, v63;
	v60 =	vmul.f32 v1, v23  }
0x377: {  	v62 =	vld [tilespmem:s3+$0xC440];
	v23 =	vmovc v55;
	v43 =	vperm.xlane v2, v9;
	v0 =	vadd.f32 v0, v41;
	v55 =	vperm.xlane v3, v9  }
0x378: {  	v40 =	vld [tilespmem:s3+$0xC460];
	v4 =	vadd.f32 v4, v8;
	v8 =	vmul.f32 v1, v27;
	v6 =	vmul.f32 v1, v17  }
0x379: {  	v18 =	vmovc v42;
	v42 =	vld [tilespmem:s3+$0xC450];
	v2 =	vadd.f32 v43, v2;
	v0 =	vmax.f32 v0, $9.999999960e-13;
	v3 =	vadd.f32 v55, v3  }
0x37a: {  	v32 =	vmovc v61;
	v61 =	vld [tilespmem:$0x1FFD0];
	v63 =	vmul.f32 v30, v5;
	v30 =	vmovc v57;
	v6 =	vadd.f32 v7, v6;
	v57 =	vshrl.u32 v0, $0x1  }
0x37b: {  	v45 =	vld [tilespmem:s3+$0xC470];
	[tilespmem:s0+$0x4420] =	vst v4;
	v0 =	vmul.f32 $5.000000000e-01, v0;
	v2 =	vsel vm0, v2, v3;
	v3 =	vmul.f32 v1, v26  }
0x37c: {  	v4 =	vmul.f32 v1, v28;
	[tilespmem:s0+$0x4410] =	vst v6;
	v6 =	vadd.f32 v63, v60;
	v55 =	vsub.s32 $0x5F3759DF, v57  }
0x37d: {  	v57 =	vmul.f32 v1, v25;
	v25 =	vmov v56;
	v56 =	vmul.f32 v55, v0;
	v1 =	vld [tilespmem:$0x1FC70]  }
0x37e: {  	v52 =	vmul.f32 v52, v5;
	v7 =	vmul.f32 v31, v5;
	v63 =	vld [tilespmem:$0x1FFE0];
	[tilespmem:s0+$0x4430] =	vst v6;
	v26 =	vmov v59  }
0x37f: {  	s5 =	sadd.s32 $0x2, s5;
	v39 =	vld [tilespmem:s3+$0xC490];
	v59 =	vperm.xlane v2, v61;
	v56 =	vmul.f32 v55, v56;
	v60 =	vadd.f32 v53, v3;
	v3 =	vmovc v38  }
0x380: {  	p0 =	slt.u32 s5, $0x7E;
	v27 =	vmov v54;
	v5 =	vmul.f32 v49, v5;
	v6 =	vadd.f32 v7, v57;
	[tilespmem:$0x1FC70] =	vst v3;
	v3 =	vld [tilespmem:$0x1FC40]  }
.Ltmp1:
0x381: {  	v28 =	vmovc v58;
	v17 =	vmovc v46;
	v46 =	vld [tilespmem:s3+$0xC4B0];
	v49 =	vmul.f32 v51, v19;
	v54 =	vadd.f32 v2, v59;
	v56 =	vsub.f32 $1.500000000e+00, v56;
	(pc) =	sbr.rel @p0 .LBB2_4-.Ltmp1, $4  }
0x382: {  	v44 =	vld [tilespmem:s3+$0xC4A0];
	[tilespmem:s0+$0x4400] =	vst v47;
	v31 =	vmovc v62;
	v62 =	vmov v11;
	v38 =	vmul.f32 v50, v19;
	v2 =	vmul.f32 v20, v1  }
0x383: {  	v47 =	vld [tilespmem:s3+$0xC4E0];
	[tilespmem:s0+$0x4440] =	vst v6;
	v6 =	vadd.f32 v52, v8;
	v7 =	vperm.xlane v54, v63;
	v1 =	vmul.f32 v55, v56  }
0x384: {  	v41 =	vld [tilespmem:s3+$0xC4C0];
	[tilespmem:s0+$0x4450] =	vst v60;
	v50 =	vadd.f32 v5, v4;
	v4 =	vmul.f32 v20, v37;
	v5 =	vmul.f32 v48, v19  }
0x385: {  	s6 =	sadd.s32 $0x400, s6;
	v43 =	vld [tilespmem:s3+$0xC4D0];
	[tilespmem:s0+$0x4460] =	vst v6;
	v52 =	vadd.f32 v54, v7;
	v0 =	vmul.f32 v1, v0;
	v3 =	vmul.f32 v20, v3  }
0x386: {  	v51 =	vld [tilespmem:$0x1FFC0];
	_ =	sdelay $0x4  }
0x387: {  	v6 =	vperm.xlane v52, v51;
	_ =	sdelay $0x1  }
0x388: {  	v6 =	vadd.f32 v52, v6;
	_ =	sdelay $0x1  }
0x389: {  	v6 =	vmax.f32 v6, $9.999999960e-13  }
0x38a: {  	v7 =	vshrl.u32 v6, $0x1;
	v6 =	vmul.f32 $5.000000000e-01, v6  }
0x38b: {  	v7 =	vsub.s32 $0x5F3759DF, v7  }
0x38c: {  	v8 =	vmul.f32 v7, v6;
	_ =	sdelay $0x1  }
0x38d: {  	v8 =	vmul.f32 v7, v8;
	_ =	sdelay $0x1  }
0x38e: {  	v8 =	vsub.f32 $1.500000000e+00, v8;
	_ =	sdelay $0x1  }
0x38f: {  	v7 =	vmul.f32 v7, v8;
	v8 =	vld [tilespmem:$0x1FC50];
	_ =	sdelay $0x3  }
0x390: {  	v2 =	vadd.f32 v38, v2;
	v0 =	vmul.f32 v0, v1  }
0x391: {  	v35 =	vmul.f32 v35, v19;
	v3 =	vadd.f32 v49, v3;
	[tilespmem:s0+$0x4470] =	vst v50;
	v8 =	vmul.f32 v20, v8  }
0x392: {  	v0 =	vsub.f32 $1.500000000e+00, v0;
	[tilespmem:s0+$0x4490] =	vst v2;
	v2 =	vadd.f32 v5, v4;
	v6 =	vmul.f32 v7, v6  }
0x393: {  	[tilespmem:s0+$0x44A0] =	vst v3;
	v3 =	vadd.f32 v35, v8  }
0x394: {  	v9 =	vld [tilespmem:s3+$0xC4F0];
	v0 =	vmul.f32 v0, v1;
	[tilespmem:s0+$0x44B0] =	vst v2;
	v6 =	vmul.f32 v6, v7  }
0x395: {  	v37 =	vmul.f32 v20, v62;
	v49 =	vimm.s32 $0x0;
	v1 =	vmul.f32 v34, v19;
	[tilespmem:s0+$0x44C0] =	vst v3  }
0x396: {  	v48 =	vperm.xlane v0, v49;
	v52 =	vimm.s32 $0x8;
	v6 =	vsub.f32 $1.500000000e+00, v6;
	v8 =	vld [tilespmem:$0x1FC60]  }
0x397: {  	v0 =	vperm.xlane v0, v52;
	v4 =	vmul.f32 v33, v19  }
0x398: {  	v20 =	vmul.f32 v20, v36;
	v5 =	vmul.f32 v6, v7  }
0x399: {  	v1 =	vadd.f32 v1, v37;
	v6 =	vmul.f32 v48, v29;
	v7 =	vmul.f32 v9, v0  }
0x39a: {  	v3 =	vadd.f32 v4, v20;
	v2 =	vperm.xlane v5, v49;
	v5 =	vperm.xlane v5, v52  }
0x39b: {  	v4 =	vmul.f32 v48, v12;
	[tilespmem:s0+$0x44D0] =	vst v1;
	v1 =	vadd.f32 v7, v6;
	v8 =	vmul.f32 v0, v8  }
0x39c: {  	[tilespmem:s0+$0x44E0] =	vst v3;
	v6 =	vmul.f32 v2, v18;
	v7 =	vmul.f32 v5, v21  }
0x39d: {  	[tilespmem:s3+$0x44F0] =	vst v1;
	v1 =	vmul.f32 v2, v24;
	v11 =	vmul.f32 v32, v5;
	v3 =	vadd.f32 v8, v4  }
0x39e: {  	v6 =	vadd.f32 v7, v6;
	v4 =	vmul.f32 v2, v17;
	v8 =	vmul.f32 v22, v5  }
0x39f: {  	v7 =	vmul.f32 v30, v5;
	v1 =	vadd.f32 v11, v1;
	[tilespmem:s3+$0x4480] =	vst v3;
	v3 =	vmul.f32 v2, v23  }
0x3a0: {  	[tilespmem:s3+$0x4400] =	vst v6;
	v4 =	vadd.f32 v8, v4  }
0x3a1: {  	[tilespmem:s3+$0x4420] =	vst v1;
	v3 =	vadd.f32 v7, v3  }
0x3a2: {  	v6 =	vmul.f32 v2, v25;
	v8 =	vmul.f32 v31, v5;
	[tilespmem:s3+$0x4410] =	vst v4  }
0x3a3: {  	v12 =	vmul.f32 v42, v5;
	v11 =	vmul.f32 v2, v26;
	[tilespmem:s3+$0x4430] =	vst v3  }
0x3a4: {  	v4 =	vmul.f32 v2, v27;
	v7 =	vmul.f32 v40, v5;
	v1 =	vadd.f32 v8, v6;
	v6 =	vld [tilespmem:$0x1FC70]  }
0x3a5: {  	v3 =	vmul.f32 v45, v5;
	v5 =	vadd.f32 v12, v11  }
0x3a6: {  	v2 =	vmul.f32 v2, v28;
	[tilespmem:s3+$0x4440] =	vst v1;
	v1 =	vadd.f32 v7, v4  }
0x3a7: {  	v7 =	vmul.f32 v48, v10;
	[tilespmem:s3+$0x4450] =	vst v5;
	v5 =	vmul.f32 v44, v0  }
0x3a8: {  	v2 =	vadd.f32 v3, v2;
	v3 =	vmul.f32 v46, v0;
	[tilespmem:s3+$0x4460] =	vst v1;
	v1 =	vmul.f32 v48, v13  }
0x3a9: {  	v4 =	vmul.f32 v39, v0;
	v6 =	vmul.f32 v48, v6  }
0x3aa: {  	[tilespmem:s3+$0x4470] =	vst v2;
	v2 =	vadd.f32 v5, v7;
	v5 =	vmul.f32 v48, v14;
	v1 =	vadd.f32 v3, v1  }
0x3ab: {  	v3 =	vmul.f32 v43, v0;
	v4 =	vadd.f32 v4, v6;
	v6 =	vmul.f32 v41, v0  }
0x3ac: {  	[tilespmem:s3+$0x44A0] =	vst v2;
	v2 =	vmul.f32 v48, v16;
	v0 =	vmul.f32 v47, v0  }
0x3ad: {  	[tilespmem:s3+$0x4490] =	vst v4;
	v4 =	vmul.f32 v48, v15;
	v5 =	vadd.f32 v6, v5  }
0x3ae: {  	[tilespmem:s3+$0x44B0] =	vst v1;
	v0 =	vadd.f32 v0, v2  }
0x3af: {  	v1 =	vadd.f32 v3, v4;
	[tilespmem:s3+$0x44C0] =	vst v5  }
0x3b0: {  	[tilespmem:s3+$0x44E0] =	vst v0  }
0x3b1: {  	[tilespmem:s3+$0x44D0] =	vst v1  }
0x3b2: {  	s0 =	rddreg [dreg:$0x8]  }
0x3b3: {  	[hbm4b:s0+s4] =	stream.linear.scatter [tilespmem:s17], [sflag:$0x4], $0x4000, $0x38;
	[tilespmem:$0x10400] =	vst v63  }
0x3b4: {  	_ =	swait.ge [sflag:s25], $0x4000  }
0x3b5: {  	[sflag:s25] =	ssyncset.done $0x0  }
0x3b6: {  	s22 =	simm.s32 $0x180;
	[sflag:s25] =	ssyncadd.s32 $0xFFFFC000  }
0x3b7: {  	[tilespmem:s17], [sflag:$0x2] =	stream.indirect.gather [hbm4b:s1+s14], $0x80, s22, s14, $0xb8;
	[tilespmem:$0x10400] =	vst v63  }
0x3b8: {  	s23 =	simm.s32 $0xC400;
	s26 =	simm.s32 $0x380  }
0x3b9: {  	[tilespmem:s23], [sflag:$0x2] =	stream.indirect.gather [hbm4b:s2+s14], $0x80, s26, s14, $0xb8;
	[tilespmem:$0x10400] =	vst v63  }
0x3ba: {  	_ =	swait.ge [sflag:s20], $0x4000  }
0x3bb: {  	[sflag:s20] =	ssyncset.done $0x0  }
0x3bc: {  	[sflag:s20] =	ssyncadd.s32 $0xFFFFC000  }
0x3bd: {  	_ =	swait.ge [sflag:s20], $0x4000  }
0x3be: {  	[sflag:s20] =	ssyncset.done $0x0  }
0x3bf: {  	s26 =	simm.s32 $0x8480;
	[sflag:s20] =	ssyncadd.s32 $0xFFFFC000  }
0x3c0: {  	v13 =	vld [tilespmem:s26+$0x0]  }
0x3c1: {  	s30 =	simm.s32 $0x480;
	v0 =	vld [tilespmem:s26+$0x10]  }
0x3c2: {  	v15 =	vld [tilespmem:s30+$0x0]  }
0x3c3: {  	v1 =	vld [tilespmem:s26+$0x20]  }
0x3c4: {  	v12 =	vld [tilespmem:s30+$0x10]  }
0x3c5: {  	v4 =	vld [tilespmem:s26+$0x30]  }
0x3c6: {  	v7 =	vld [tilespmem:s30+$0x20];
	v5 =	vmul.f32 v13, v13;
	v0 =	vmul.f32 v0, v0  }
0x3c7: {  	v8 =	vld [tilespmem:s26+$0x40]  }
0x3c8: {  	v1 =	vmul.f32 v1, v1;
	v0 =	vadd.f32 v0, v5  }
0x3c9: {  	v14 =	vld [tilespmem:s30+$0x30];
	v2 =	vmul.f32 v15, v15;
	v3 =	vmul.f32 v12, v12  }
0x3ca: {  	v0 =	vadd.f32 v1, v0;
	v1 =	vmul.f32 v4, v4  }
0x3cb: {  	v6 =	vld [tilespmem:s30+$0x40];
	v2 =	vadd.f32 v3, v2  }
0x3cc: {  	v3 =	vmul.f32 v7, v7;
	v0 =	vadd.f32 v1, v0;
	v1 =	vmul.f32 v8, v8;
	v8 =	vld [tilespmem:s30+$0x70]  }
0x3cd: {  	v20 =	vld [tilespmem:s30+$0x50]  }
0x3ce: {  	v5 =	vld [tilespmem:s26+$0x50];
	v2 =	vadd.f32 v3, v2;
	v3 =	vmul.f32 v14, v14  }
0x3cf: {  	v23 =	vld [tilespmem:s30+$0x60]  }
0x3d0: {  	v10 =	vld [tilespmem:s26+$0x60];
	v4 =	vmul.f32 v6, v6;
	v2 =	vadd.f32 v3, v2  }
0x3d1: {  	[tilespmem:$0x1F960] =	vst v8  }
0x3d2: {  	v3 =	vmul.f32 v20, v20;
	v2 =	vadd.f32 v4, v2;
	v4 =	vld [tilespmem:s26+$0x70]  }
0x3d3: {  	v0 =	vadd.f32 v1, v0;
	v1 =	vmul.f32 v5, v5  }
0x3d4: {  	v2 =	vadd.f32 v3, v2;
	v3 =	vmul.f32 v23, v23  }
0x3d5: {  	v5 =	vmul.f32 v10, v10;
	v0 =	vadd.f32 v1, v0  }
0x3d6: {  	v11 =	vld [tilespmem:$0x1FFF0];
	v1 =	vadd.f32 v3, v2  }
0x3d7: {  	v2 =	vmul.f32 v8, v8;
	v0 =	vadd.f32 v5, v0;
	v3 =	vmul.f32 v4, v4;
	_ =	sdelay $0x1  }
0x3d8: {  	v8 =	vld [tilespmem:s30+$0xFFFFFFA0];
	v1 =	vadd.f32 v2, v1;
	v0 =	vadd.f32 v3, v0;
	_ =	sdelay $0x1  }
0x3d9: {  	v32 =	vld [tilespmem:s26+$0xFFFFFF80];
	v2 =	vperm.xlane v1, v11;
	v3 =	vperm.xlane v0, v11  }
0x3da: {  	v22 =	vld [tilespmem:s30+$0xFFFFFF90]  }
0x3db: {  	v35 =	vld [tilespmem:s30+$0xFFFFFF80];
	v1 =	vadd.f32 v2, v1;
	v0 =	vadd.f32 v3, v0  }
0x3dc: {  	v2 =	vld [tilespmem:s26+$0xFFFFFF90];
	[tilespmem:$0x1F930] =	vst v8  }
0x3dd: {  	v9 =	vld [tilespmem:s30+$0xFFFFFFB0];
	v0 =	vsel vm0, v1, v0  }
0x3de: {  	v1 =	vperm.xlane v0, v61;
	_ =	sdelay $0x1  }
0x3df: {  	v0 =	vadd.f32 v0, v1  }
0x3e0: {  	v1 =	vld [tilespmem:s26+$0xFFFFFFA0]  }
0x3e1: {  	[tilespmem:$0x1F940] =	vst v9;
	v3 =	vperm.xlane v0, v63  }
0x3e2: {  	v4 =	vmul.f32 v32, v32;
	v2 =	vmul.f32 v2, v2;
	v10 =	vld [tilespmem:s26+$0xFFFFFFB0]  }
0x3e3: {  	v5 =	vmul.f32 v22, v22;
	v24 =	vld [tilespmem:s30+$0xFFFFFFC0];
	v0 =	vadd.f32 v0, v3;
	v3 =	vmul.f32 v35, v35  }
0x3e4: {  	v2 =	vadd.f32 v2, v4;
	v4 =	vld [tilespmem:s26+$0xFFFFFFC0]  }
0x3e5: {  	v16 =	vmul.f32 v8, v8;
	v25 =	vld [tilespmem:s30+$0xFFFFFFD0];
	v1 =	vmul.f32 v1, v1;
	v3 =	vadd.f32 v5, v3  }
0x3e6: {  	v17 =	vperm.xlane v0, v51  }
0x3e7: {  	v5 =	vmul.f32 v9, v9;
	v1 =	vadd.f32 v1, v2;
	v2 =	vld [tilespmem:s26+$0xFFFFFFD0];
	v3 =	vadd.f32 v16, v3  }
0x3e8: {  	v26 =	vld [tilespmem:s30+$0xFFFFFFE0];
	v10 =	vmul.f32 v10, v10;
	v0 =	vadd.f32 v0, v17  }
0x3e9: {  	v4 =	vmul.f32 v4, v4;
	v16 =	vmul.f32 v24, v24;
	v17 =	vld [tilespmem:s26+$0xFFFFFFE0];
	v3 =	vadd.f32 v5, v3  }
0x3ea: {  	v27 =	vld [tilespmem:s30+$0xFFFFFFF0];
	v1 =	vadd.f32 v10, v1;
	v10 =	vmul.f32 v25, v25;
	v0 =	vmax.f32 v0, $9.999999960e-13  }
0x3eb: {  	v18 =	vld [tilespmem:s26+$0xFFFFFFF0];
	v5 =	vshrl.u32 v0, $0x1;
	v0 =	vmul.f32 $5.000000000e-01, v0;
	v3 =	vadd.f32 v16, v3  }
0x3ec: {  	v1 =	vadd.f32 v4, v1;
	v5 =	vsub.s32 $0x5F3759DF, v5;
	v2 =	vmul.f32 v2, v2  }
0x3ed: {  	s0 =	simm.s32 $0x8580;
	v4 =	vmul.f32 v26, v26;
	v16 =	vmul.f32 v5, v0;
	v3 =	vadd.f32 v10, v3  }
0x3ee: {  	s31 =	simm.s32 $0x580;
	v40 =	vld [tilespmem:s0+$0x0];
	v1 =	vadd.f32 v2, v1;
	v2 =	vmul.f32 v17, v17  }
0x3ef: {  	v36 =	vld [tilespmem:s31+$0x20];
	v17 =	vmul.f32 v27, v27;
	v10 =	vmul.f32 v5, v16;
	v3 =	vadd.f32 v4, v3  }
0x3f0: {  	v16 =	vld [tilespmem:s31+$0x0];
	v1 =	vadd.f32 v2, v1;
	v2 =	vmul.f32 v18, v18  }
0x3f1: {  	v4 =	vsub.f32 $1.500000000e+00, v10;
	v10 =	vld [tilespmem:s31+$0x10];
	v3 =	vadd.f32 v17, v3  }
0x3f2: {  	v1 =	vadd.f32 v2, v1;
	v2 =	vld [tilespmem:s0+$0x10]  }
0x3f3: {  	v21 =	vld [tilespmem:s31+$0x30];
	v4 =	vmul.f32 v5, v4;
	v5 =	vperm.xlane v3, v11  }
0x3f4: {  	v18 =	vld [tilespmem:s0+$0x20];
	v17 =	vperm.xlane v1, v11  }
0x3f5: {  	v19 =	vld [tilespmem:s0+$0x30];
	v28 =	vmul.f32 v40, v40;
	v0 =	vmul.f32 v4, v0;
	v3 =	vadd.f32 v5, v3  }
0x3f6: {  	v33 =	vld [tilespmem:s31+$0x40];
	v1 =	vadd.f32 v17, v1;
	v5 =	vmul.f32 v16, v16;
	v17 =	vmul.f32 v10, v10  }
0x3f7: {  	v8 =	vld [tilespmem:s31+$0x70];
	v0 =	vmul.f32 v0, v4;
	v2 =	vmul.f32 v2, v2  }
0x3f8: {  	v1 =	vsel vm0, v3, v1;
	v3 =	vadd.f32 v17, v5;
	v5 =	vmul.f32 v36, v36;
	v17 =	vld [tilespmem:s0+$0x40]  }
0x3f9: {  	v18 =	vmul.f32 v18, v18;
	v0 =	vsub.f32 $1.500000000e+00, v0;
	v2 =	vadd.f32 v2, v28;
	v28 =	vld [tilespmem:s31+$0x50]  }
0x3fa: {  	v50 =	vld [tilespmem:s0+$0x50];
	v30 =	vperm.xlane v1, v61;
	v3 =	vadd.f32 v5, v3;
	v5 =	vmul.f32 v21, v21  }
0x3fb: {  	v55 =	vld [tilespmem:s31+$0x60];
	v0 =	vmul.f32 v0, v4;
	v2 =	vadd.f32 v18, v2;
	v4 =	vmul.f32 v19, v19  }
0x3fc: {  	v1 =	vadd.f32 v1, v30;
	v18 =	vmul.f32 v33, v33;
	v19 =	vld [tilespmem:s0+$0x60];
	[tilespmem:$0x1F9E0] =	vst v8;
	v3 =	vadd.f32 v5, v3  }
0x3fd: {  	v5 =	vld [tilespmem:s0+$0x70];
	v30 =	vperm.xlane v0, v49;
	v2 =	vadd.f32 v4, v2;
	v4 =	vmul.f32 v17, v17  }
0x3fe: {  	v31 =	vperm.xlane v0, v52;
	v0 =	vadd.f32 v18, v3;
	v3 =	vmul.f32 v28, v28  }
0x3ff: {  	v15 =	vmul.f32 v30, v15;
	v2 =	vadd.f32 v4, v2;
	v4 =	vmul.f32 v50, v50  }
0x400: {  	v13 =	vmul.f32 v31, v13;
	v0 =	vadd.f32 v3, v0;
	v3 =	vmul.f32 v55, v55  }
0x401: {  	v17 =	vmul.f32 v19, v19;
	v2 =	vadd.f32 v4, v2;
	v4 =	vperm.xlane v1, v63  }
0x402: {  	v13 =	vadd.f32 v13, v15;
	v5 =	vmul.f32 v5, v5;
	v0 =	vadd.f32 v3, v0  }
0x403: {  	v3 =	vmul.f32 v8, v8;
	v2 =	vadd.f32 v17, v2;
	v1 =	vadd.f32 v1, v4  }
0x404: {  	[tilespmem:s30+$0x0] =	vst v13  }
0x405: {  	v4 =	vld [tilespmem:s26+$0x10];
	v0 =	vadd.f32 v3, v0;
	v2 =	vadd.f32 v5, v2;
	v3 =	vperm.xlane v1, v51;
	_ =	sdelay $0x1  }
0x406: {  	v5 =	vperm.xlane v0, v11;
	v13 =	vperm.xlane v2, v11;
	v1 =	vadd.f32 v1, v3  }
0x407: {  	v3 =	vmul.f32 v30, v12  }
0x408: {  	v0 =	vadd.f32 v5, v0;
	v2 =	vadd.f32 v13, v2;
	v1 =	vmax.f32 v1, $9.999999960e-13  }
0x409: {  	v4 =	vmul.f32 v4, v31;
	v5 =	vshrl.u32 v1, $0x1;
	v1 =	vmul.f32 $5.000000000e-01, v1  }
0x40a: {  	v0 =	vsel vm0, v0, v2;
	v2 =	vsub.s32 $0x5F3759DF, v5  }
0x40b: {  	v8 =	vld [tilespmem:s31+$0xFFFFFFA0];
	v3 =	vadd.f32 v4, v3;
	v5 =	vmul.f32 v2, v1  }
0x40c: {  	v41 =	vld [tilespmem:s0+$0xFFFFFF80]  }
0x40d: {  	v37 =	vld [tilespmem:s31+$0xFFFFFF90];
	[tilespmem:s30+$0x10] =	vst v3;
	v3 =	vmul.f32 v2, v5  }
0x40e: {  	v19 =	vld [tilespmem:s31+$0xFFFFFF80];
	v4 =	vperm.xlane v0, v61  }
0x40f: {  	v13 =	vld [tilespmem:s0+$0xFFFFFF90];
	v3 =	vsub.f32 $1.500000000e+00, v3  }
0x410: {  	v0 =	vadd.f32 v0, v4;
	v4 =	vld [tilespmem:s26+$0x20];
	[tilespmem:$0x1F970] =	vst v8  }
0x411: {  	v2 =	vmul.f32 v2, v3;
	v3 =	vmul.f32 v30, v7;
	v7 =	vld [tilespmem:s31+$0xFFFFFFB0];
	_ =	sdelay $0x2  }
0x412: {  	v5 =	vperm.xlane v0, v63;
	_ =	sdelay $0x1  }
0x413: {  	v0 =	vadd.f32 v0, v5;
	v5 =	vld [tilespmem:s0+$0xFFFFFFA0];
	[tilespmem:$0x1F980] =	vst v7  }
0x414: {  	v9 =	vld [tilespmem:s31+$0xFFFFFFC0];
	_ =	sdelay $0x3  }
0x415: {  	v15 =	vperm.xlane v0, v51  }
0x416: {  	v57 =	vld [tilespmem:s0+$0xFFFFFFB0];
	[tilespmem:$0x1F990] =	vst v9  }
0x417: {  	v4 =	vmul.f32 v4, v31;
	v0 =	vadd.f32 v0, v15;
	v15 =	vmul.f32 v8, v8;
	v8 =	vld [tilespmem:s31+$0xFFFFFFD0];
	_ =	sdelay $0x1  }
0x418: {  	v3 =	vadd.f32 v4, v3  }
0x419: {  	v17 =	vmul.f32 v41, v41;
	v4 =	vmul.f32 v13, v13  }
0x41a: {  	v18 =	vmul.f32 v37, v37;
	v58 =	vld [tilespmem:s0+$0xFFFFFFC0];
	[tilespmem:s30+$0x20] =	vst v3  }
0x41b: {  	v56 =	vmul.f32 v19, v19;
	v0 =	vmax.f32 v0, $9.999999960e-13;
	v3 =	vadd.f32 v4, v17;
	v4 =	vld [tilespmem:s26+$0x30];
	[tilespmem:$0x1F9A0] =	vst v8  }
0x41c: {  	v60 =	vmul.f32 v7, v7;
	v59 =	vshrl.u32 v0, $0x1;
	v0 =	vmul.f32 $5.000000000e-01, v0;
	v7 =	vld [tilespmem:s31+$0xFFFFFFE0]  }
0x41d: {  	v18 =	vadd.f32 v18, v56;
	v39 =	vsub.s32 $0x5F3759DF, v59  }
0x41e: {  	v48 =	vmul.f32 v39, v0  }
0x41f: {  	v1 =	vmul.f32 v2, v1;
	v18 =	vadd.f32 v15, v18  }
0x420: {  	v5 =	vmul.f32 v5, v5;
	v44 =	vmul.f32 v39, v48  }
0x421: {  	v14 =	vmul.f32 v30, v14;
	v1 =	vmul.f32 v1, v2;
	v42 =	vadd.f32 v60, v18;
	v62 =	vld [tilespmem:s0+$0xFFFFFFD0];
	[tilespmem:$0x1F9B0] =	vst v7  }
0x422: {  	v44 =	vsub.f32 $1.500000000e+00, v44;
	v3 =	vadd.f32 v5, v3;
	v5 =	vmul.f32 v9, v9;
	v50 =	vld [tilespmem:s0+$0xFFFFFFE0]  }
0x423: {  	v38 =	vmul.f32 v57, v57;
	v4 =	vmul.f32 v4, v31;
	v18 =	vld [tilespmem:s31+$0xFFFFFFF0]  }
0x424: {  	s3 =	simm.s32 $0x680;
	v39 =	vmul.f32 v39, v44;
	v5 =	vadd.f32 v5, v42;
	v53 =	vmul.f32 v8, v8;
	v54 =	vld [tilespmem:s0+$0xFFFFFFF0]  }
0x425: {  	s18 =	simm.s32 $0x8680;
	v3 =	vadd.f32 v38, v3;
	v34 =	vmul.f32 v58, v58;
	v4 =	vadd.f32 v4, v14;
	v8 =	vld [tilespmem:s3+$0x60]  }
0x426: {  	v0 =	vmul.f32 v39, v0;
	v5 =	vadd.f32 v53, v5;
	v14 =	vmul.f32 v7, v7;
	v15 =	vld [tilespmem:s18+$0x0]  }
0x427: {  	v1 =	vsub.f32 $1.500000000e+00, v1;
	v3 =	vadd.f32 v34, v3;
	v56 =	vmul.f32 v62, v62;
	[tilespmem:s30+$0x30] =	vst v4;
	v44 =	vld [tilespmem:s3+$0x10]  }
0x428: {  	v0 =	vmul.f32 v0, v39;
	v58 =	vld [tilespmem:s26+$0x40];
	v5 =	vadd.f32 v14, v5;
	v4 =	vmul.f32 v18, v18  }
0x429: {  	v3 =	vadd.f32 v56, v3;
	v57 =	vmul.f32 v50, v50;
	v50 =	vld [tilespmem:s3+$0x0]  }
0x42a: {  	v1 =	vmul.f32 v1, v2;
	v0 =	vsub.f32 $1.500000000e+00, v0;
	v2 =	vadd.f32 v4, v5;
	v4 =	vld [tilespmem:s18+$0x10];
	[tilespmem:$0x1FA40] =	vst v8  }
0x42b: {  	v14 =	vmul.f32 v54, v54;
	v3 =	vadd.f32 v57, v3;
	v43 =	vld [tilespmem:s3+$0x20]  }
0x42c: {  	v0 =	vmul.f32 v0, v39;
	v48 =	vld [tilespmem:s18+$0x20]  }
0x42d: {  	v6 =	vmul.f32 v30, v6;
	v46 =	vperm.xlane v1, v49;
	v9 =	vld [tilespmem:s3+$0x50];
	v3 =	vadd.f32 v14, v3  }
0x42e: {  	v38 =	vperm.xlane v0, v49;
	v5 =	vperm.xlane v2, v11  }
0x42f: {  	v34 =	vperm.xlane v0, v52;
	v39 =	vld [tilespmem:s3+$0x30];
	v14 =	vperm.xlane v3, v11  }
0x430: {  	v0 =	vmul.f32 v44, v44;
	v42 =	vld [tilespmem:s3+$0x40];
	v2 =	vadd.f32 v5, v2;
	v5 =	vmul.f32 v50, v50  }
0x431: {  	v59 =	vmul.f32 v15, v15;
	v4 =	vmul.f32 v4, v4;
	v3 =	vadd.f32 v14, v3;
	v14 =	vld [tilespmem:s18+$0x30]  }
0x432: {  	v62 =	vld [tilespmem:s18+$0x40];
	v0 =	vadd.f32 v0, v5;
	v5 =	vmul.f32 v43, v43;
	v48 =	vmul.f32 v48, v48;
	[tilespmem:$0x1FA10] =	vst v9  }
0x433: {  	v7 =	vld [tilespmem:s3+$0x70];
	v2 =	vsel vm0, v2, v3;
	v3 =	vmul.f32 v38, v16;
	v16 =	vmul.f32 v34, v40  }
0x434: {  	v4 =	vadd.f32 v4, v59;
	v0 =	vadd.f32 v5, v0;
	v60 =	vperm.xlane v2, v61  }
0x435: {  	v53 =	vld [tilespmem:s18+$0x50];
	v5 =	vmul.f32 v39, v39;
	v3 =	vadd.f32 v16, v3;
	v16 =	vmul.f32 v58, v31  }
0x436: {  	v54 =	vld [tilespmem:s18+$0x60];
	v4 =	vadd.f32 v48, v4;
	v2 =	vadd.f32 v2, v60;
	v14 =	vmul.f32 v14, v14  }
0x437: {  	v0 =	vadd.f32 v5, v0;
	[tilespmem:s31+$0x0] =	vst v3;
	v3 =	vadd.f32 v16, v6;
	v6 =	vmul.f32 v42, v42  }
0x438: {  	v5 =	vld [tilespmem:s0+$0x10];
	v16 =	vperm.xlane v2, v63;
	v4 =	vadd.f32 v14, v4;
	v14 =	vmul.f32 v62, v62;
	[tilespmem:$0x1FA70] =	vst v7  }
0x439: {  	v12 =	vperm.xlane v1, v52;
	v1 =	vmul.f32 v9, v9;
	v0 =	vadd.f32 v6, v0;
	v6 =	vld [tilespmem:s18+$0x70]  }
0x43a: {  	[tilespmem:s30+$0x40] =	vst v3;
	v17 =	vld [tilespmem:s3+$0xFFFFFF90];
	v2 =	vadd.f32 v2, v16;
	v3 =	vadd.f32 v14, v4;
	v4 =	vmul.f32 v53, v53  }
0x43b: {  	v16 =	vmul.f32 v54, v54;
	v0 =	vadd.f32 v1, v0;
	v1 =	vmul.f32 v8, v8  }
0x43c: {  	v59 =	vld [tilespmem:s3+$0xFFFFFF80];
	v3 =	vadd.f32 v4, v3;
	v4 =	vmul.f32 v38, v10;
	v10 =	vperm.xlane v2, v51  }
0x43d: {  	v45 =	vld [tilespmem:s3+$0xFFFFFFA0];
	v5 =	vmul.f32 v5, v34;
	v0 =	vadd.f32 v1, v0;
	v1 =	vmul.f32 v7, v7  }
0x43e: {  	v47 =	vld [tilespmem:s3+$0xFFFFFFB0];
	v3 =	vadd.f32 v16, v3;
	v6 =	vmul.f32 v6, v6;
	v16 =	vmul.f32 v12, v32  }
0x43f: {  	v40 =	vld [tilespmem:s18+$0xFFFFFF80];
	v2 =	vadd.f32 v2, v10;
	v56 =	vmul.f32 v17, v17;
	v4 =	vadd.f32 v5, v4  }
0x440: {  	v10 =	vld [tilespmem:s18+$0xFFFFFF90];
	v5 =	vmul.f32 v46, v35;
	v0 =	vadd.f32 v1, v0;
	v1 =	vadd.f32 v6, v3  }
0x441: {  	v58 =	vmul.f32 v59, v59;
	v3 =	vmul.f32 v30, v20  }
0x442: {  	v57 =	vld [tilespmem:s18+$0xFFFFFFA0];
	[tilespmem:s31+$0x10] =	vst v4;
	v9 =	vadd.f32 v16, v5;
	v16 =	vperm.xlane v0, v11;
	v20 =	vperm.xlane v1, v11  }
0x443: {  	v53 =	vmul.f32 v45, v45;
	v60 =	vmul.f32 v47, v47;
	v5 =	vld [tilespmem:s0+$0x20]  }
0x444: {  	v2 =	vmax.f32 v2, $9.999999960e-13;
	v0 =	vadd.f32 v16, v0;
	v1 =	vadd.f32 v20, v1;
	v20 =	vld [tilespmem:s18+$0xFFFFFFB0]  }
0x445: {  	v48 =	vld [tilespmem:s3+$0xFFFFFFC0];
	v32 =	vadd.f32 v56, v58;
	v16 =	vmul.f32 v40, v40;
	v10 =	vmul.f32 v10, v10  }
0x446: {  	v6 =	vshrl.u32 v2, $0x1;
	v0 =	vsel vm0, v0, v1;
	v1 =	vmul.f32 v38, v36;
	v36 =	vld [tilespmem:s18+$0xFFFFFFC0]  }
0x447: {  	v52 =	vld [tilespmem:s3+$0xFFFFFFD0];
	v32 =	vadd.f32 v53, v32;
	v10 =	vadd.f32 v10, v16;
	v16 =	vmul.f32 v57, v57  }
0x448: {  	v54 =	vld [tilespmem:s18+$0xFFFFFFD0];
	v4 =	vmul.f32 $5.000000000e-01, v2;
	v6 =	vsub.s32 $0x5F3759DF, v6;
	v5 =	vmul.f32 v5, v34  }
0x449: {  	v49 =	vld [tilespmem:s3+$0xFFFFFFE0];
	v32 =	vadd.f32 v60, v32;
	v10 =	vadd.f32 v16, v10;
	v16 =	vmul.f32 v20, v20  }
0x44a: {  	s23 =	simm.s32 $0x8780;
	v57 =	vld [tilespmem:s18+$0xFFFFFFE0];
	v62 =	vperm.xlane v0, v61;
	v1 =	vadd.f32 v5, v1;
	v5 =	vmul.f32 v48, v48  }
0x44b: {  	v13 =	vld [tilespmem:s23+$0x0];
	v56 =	vmul.f32 v6, v4;
	v10 =	vadd.f32 v16, v10;
	v16 =	vmul.f32 v36, v36  }
0x44c: {  	v53 =	vld [tilespmem:s3+$0xFFFFFFF0];
	v0 =	vadd.f32 v0, v62;
	[tilespmem:s31+$0x20] =	vst v1;
	v1 =	vmul.f32 v52, v52;
	v5 =	vadd.f32 v5, v32  }
0x44d: {  	s22 =	simm.s32 $0x780;
	v14 =	vld [tilespmem:s26+$0x50];
	v20 =	vmul.f32 v6, v56;
	v10 =	vadd.f32 v16, v10;
	v16 =	vmul.f32 v54, v54  }
0x44e: {  	v56 =	vmul.f32 v49, v49;
	v62 =	vld [tilespmem:s22+$0x0];
	v35 =	vperm.xlane v0, v63;
	v1 =	vadd.f32 v1, v5  }
0x44f: {  	v5 =	vsub.f32 $1.500000000e+00, v20;
	v20 =	vld [tilespmem:s22+$0x10];
	v10 =	vadd.f32 v16, v10;
	v16 =	vmul.f32 v57, v57  }
0x450: {  	v32 =	vld [tilespmem:s0+$0x30];
	v0 =	vadd.f32 v0, v35  }
0x451: {  	v60 =	vmul.f32 v53, v53;
	v1 =	vadd.f32 v56, v1;
	v10 =	vadd.f32 v16, v10;
	v16 =	vld [tilespmem:s23+$0x10]  }
0x452: {  	v21 =	vmul.f32 v38, v21;
	v14 =	vmul.f32 v14, v31  }
0x453: {  	v36 =	vld [tilespmem:s18+$0xFFFFFFF0];
	v5 =	vmul.f32 v6, v5;
	v6 =	vperm.xlane v0, v51;
	v1 =	vadd.f32 v60, v1  }
0x454: {  	v29 =	vmovc v63;
	v8 =	vadd.f32 v14, v3;
	v14 =	vmul.f32 v62, v62;
	v60 =	vld [tilespmem:s22+$0x20];
	v63 =	vmul.f32 v20, v20  }
0x455: {  	v54 =	vld [tilespmem:s23+$0x20];
	v32 =	vmul.f32 v32, v34;
	v0 =	vadd.f32 v0, v6;
	v6 =	vperm.xlane v1, v11  }
0x456: {  	v14 =	vadd.f32 v63, v14;
	v63 =	vmul.f32 v13, v13;
	v16 =	vmul.f32 v16, v16  }
0x457: {  	v57 =	vadd.f32 v32, v21;
	v0 =	vmax.f32 v0, $9.999999960e-13;
	v21 =	vld [tilespmem:s23+$0x30];
	v7 =	vadd.f32 v6, v1  }
0x458: {  	v6 =	vmul.f32 $5.000000000e-01, v0;
	v0 =	vshrl.u32 v0, $0x1;
	v16 =	vadd.f32 v16, v63;
	v63 =	vld [tilespmem:s22+$0x60]  }
0x459: {  	v2 =	vld [tilespmem:s23+$0x40];
	v35 =	vmul.f32 v36, v36;
	v0 =	vsub.s32 $0x5F3759DF, v0;
	v58 =	vmul.f32 v60, v60  }
0x45a: {  	v56 =	vld [tilespmem:s22+$0x30];
	v54 =	vmul.f32 v54, v54;
	v1 =	vmul.f32 v0, v6  }
0x45b: {  	v10 =	vadd.f32 v35, v10;
	v14 =	vadd.f32 v58, v14;
	v58 =	vld [tilespmem:s23+$0x50]  }
0x45c: {  	v36 =	vld [tilespmem:s22+$0x40];
	v1 =	vmul.f32 v0, v1;
	v16 =	vadd.f32 v54, v16;
	v54 =	vmul.f32 v21, v21  }
0x45d: {  	v32 =	vld [tilespmem:s22+$0x50];
	v35 =	vperm.xlane v10, v11;
	[tilespmem:$0x1FA80] =	vst v63  }
0x45e: {  	v2 =	vmul.f32 v2, v2;
	v1 =	vsub.f32 $1.500000000e+00, v1;
	v16 =	vadd.f32 v54, v16;
	v21 =	vld [tilespmem:s22+$0x70]  }
0x45f: {  	v4 =	vmul.f32 v5, v4;
	v10 =	vadd.f32 v35, v10;
	v35 =	vmul.f32 v56, v56  }
0x460: {  	v0 =	vmul.f32 v0, v1;
	v1 =	vadd.f32 v2, v16;
	v2 =	vmul.f32 v58, v58  }
0x461: {  	v14 =	vadd.f32 v35, v14;
	v35 =	vmul.f32 v36, v36  }
0x462: {  	v4 =	vmul.f32 v4, v5;
	v3 =	vld [tilespmem:s23+$0x60];
	v1 =	vadd.f32 v2, v1;
	v2 =	vmul.f32 v0, v6  }
0x463: {  	v14 =	vadd.f32 v35, v14;
	v54 =	vmul.f32 v32, v32;
	[tilespmem:$0x1FAA0] =	vst v21  }
0x464: {  	v4 =	vsub.f32 $1.500000000e+00, v4;
	v2 =	vmul.f32 v2, v0;
	[tilespmem:s30+$0xFFFFFF80] =	vst v9;
	v9 =	vld [tilespmem:s23+$0x70]  }
0x465: {  	v14 =	vadd.f32 v54, v14;
	v58 =	vmul.f32 v63, v63;
	[tilespmem:s31+$0x30] =	vst v57  }
0x466: {  	v4 =	vmul.f32 v4, v5;
	v7 =	vsel vm0, v7, v10;
	v2 =	vsub.f32 $1.500000000e+00, v2;
	v6 =	vld [tilespmem:s0+$0x40]  }
0x467: {  	v5 =	vadd.f32 v58, v14;
	v3 =	vmul.f32 v3, v3;
	v14 =	vmul.f32 v21, v21  }
0x468: {  	v0 =	vmul.f32 v2, v0;
	v2 =	vperm.xlane v7, v61  }
0x469: {  	[tilespmem:s30+$0x50] =	vst v8;
	v16 =	vld [tilespmem:s26+$0xFFFFFF90];
	v1 =	vadd.f32 v3, v1;
	v3 =	vadd.f32 v14, v5;
	v8 =	vmul.f32 v9, v9  }
0x46a: {  	v5 =	vmul.f32 v46, v22;
	v2 =	vadd.f32 v7, v2;
	v7 =	vimm.s32 $0x0  }
0x46b: {  	v9 =	vld [tilespmem:s26+$0x60];
	v6 =	vmul.f32 v6, v34;
	v1 =	vadd.f32 v8, v1;
	v8 =	vmul.f32 v38, v33  }
0x46c: {  	v10 =	vperm.xlane v4, v7;
	v35 =	vperm.xlane v0, v7  }
0x46d: {  	v6 =	vadd.f32 v6, v8;
	v8 =	vperm.xlane v3, v11;
	v22 =	vperm.xlane v1, v11  }
0x46e: {  	v7 =	vimm.s32 $0x8;
	v14 =	vmul.f32 v16, v12;
	v16 =	vmul.f32 v30, v23  }
0x46f: {  	v23 =	vperm.xlane v0, v7;
	v3 =	vadd.f32 v8, v3;
	v1 =	vadd.f32 v22, v1  }
0x470: {  	v7 =	vperm.xlane v4, v7;
	v9 =	vmul.f32 v9, v31  }
0x471: {  	v4 =	vmul.f32 v23, v15;
	v1 =	vsel vm0, v3, v1;
	v3 =	vmul.f32 v35, v50  }
0x472: {  	[tilespmem:s31+$0x40] =	vst v6;
	v6 =	vperm.xlane v2, v29;
	v8 =	vadd.f32 v9, v16  }
0x473: {  	v3 =	vadd.f32 v4, v3  }
0x474: {  	v0 =	vld [tilespmem:s0+$0x50];
	v2 =	vadd.f32 v2, v6;
	v6 =	vperm.xlane v1, v61;
	[tilespmem:s30+$0x60] =	vst v8;
	v4 =	vadd.f32 v14, v5  }
0x475: {  	v9 =	vmul.f32 v10, v19;
	v16 =	vmul.f32 v7, v41;
	[tilespmem:s3+$0x0] =	vst v3  }
0x476: {  	v1 =	vadd.f32 v1, v6;
	[tilespmem:s30+$0xFFFFFF90] =	vst v4  }
0x477: {  	v8 =	vadd.f32 v16, v9;
	v9 =	vld [tilespmem:$0x1F940]  }
0x478: {  	v3 =	vperm.xlane v1, v29  }
0x479: {  	v5 =	vmul.f32 v38, v28;
	v6 =	vld [tilespmem:s26+$0x70];
	v0 =	vmul.f32 v0, v34  }
0x47a: {  	v4 =	vld [tilespmem:s18+$0x10];
	v1 =	vadd.f32 v1, v3;
	v3 =	vmul.f32 v46, v24  }
0x47b: {  	v0 =	vadd.f32 v0, v5;
	v5 =	vld [tilespmem:$0x1F930];
	[tilespmem:s31+$0xFFFFFF80] =	vst v8  }
0x47c: {  	v22 =	vmul.f32 v46, v9;
	v9 =	vld [tilespmem:s26+$0xFFFFFFA0];
	[tilespmem:$0x1FA50] =	vst v3;
	v3 =	vmul.f32 v46, v25;
	_ =	sdelay $0x1  }
0x47d: {  	[tilespmem:$0x1FA60] =	vst v3  }
0x47e: {  	[tilespmem:s31+$0x50] =	vst v0;
	v0 =	vmul.f32 v46, v26;
	_ =	sdelay $0x1  }
0x47f: {  	v8 =	vmul.f32 v46, v27;
	v3 =	vld [tilespmem:s0+$0xFFFFFF90];
	[tilespmem:$0x1FB70] =	vst v0  }
0x480: {  	v14 =	vld [tilespmem:s0+$0x60]  }
0x481: {  	[tilespmem:$0x1F950] =	vst v8;
	v8 =	vld [tilespmem:$0x1F960];
	_ =	sdelay $0x4  }
0x482: {  	v8 =	vmul.f32 v30, v8  }
0x483: {  	v6 =	vmul.f32 v6, v31;
	v54 =	vld [tilespmem:s23+$0xFFFFFF80]  }
0x484: {  	v33 =	vld [tilespmem:s22+$0xFFFFFF90];
	[tilespmem:$0x1FAB0] =	vst v8  }
0x485: {  	v26 =	vld [tilespmem:s23+$0xFFFFFF90];
	[tilespmem:$0x1FAC0] =	vst v6  }
0x486: {  	v8 =	vld [tilespmem:s22+$0xFFFFFFA0]  }
0x487: {  	v19 =	vperm.xlane v2, v51;
	_ =	sdelay $0x1  }
0x488: {  	v2 =	vadd.f32 v2, v19;
	_ =	sdelay $0x1  }
0x489: {  	v19 =	vmul.f32 v35, v44;
	v2 =	vmax.f32 v2, $9.999999960e-13;
	v16 =	vperm.xlane v1, v51;
	v57 =	vld [tilespmem:s22+$0xFFFFFF80];
	[tilespmem:$0x1FAD0] =	vst v8  }
0x48a: {  	v63 =	vmovc v11;
	v4 =	vmul.f32 v4, v23;
	v0 =	vshrl.u32 v2, $0x1;
	v2 =	vmul.f32 $5.000000000e-01, v2;
	v11 =	vld [tilespmem:s22+$0xFFFFFFB0]  }
0x48b: {  	v1 =	vadd.f32 v1, v16;
	v0 =	vsub.s32 $0x5F3759DF, v0  }
0x48c: {  	v4 =	vadd.f32 v4, v19;
	v16 =	vmul.f32 v0, v2  }
0x48d: {  	v1 =	vmax.f32 v1, $9.999999960e-13  }
0x48e: {  	v6 =	vmul.f32 v0, v16;
	v16 =	vshrl.u32 v1, $0x1;
	v27 =	vld [tilespmem:s23+$0xFFFFFFA0];
	[tilespmem:s3+$0x10] =	vst v4  }
0x48f: {  	v4 =	vsub.s32 $0x5F3759DF, v16;
	v16 =	vld [tilespmem:s18+$0x20];
	[tilespmem:$0x1FAE0] =	vst v11  }
0x490: {  	v15 =	vld [tilespmem:s22+$0xFFFFFFC0];
	_ =	sdelay $0x2  }
0x491: {  	v6 =	vsub.f32 $1.500000000e+00, v6  }
0x492: {  	v1 =	vmul.f32 $5.000000000e-01, v1  }
0x493: {  	v5 =	vmul.f32 v46, v5;
	v0 =	vmul.f32 v0, v6;
	v6 =	vld [tilespmem:s23+$0xFFFFFFB0];
	[tilespmem:$0x1FAF0] =	vst v15  }
0x494: {  	v9 =	vmul.f32 v9, v12;
	v24 =	vmul.f32 v4, v1;
	v21 =	vld [tilespmem:s22+$0xFFFFFFD0];
	_ =	sdelay $0x1  }
0x495: {  	v25 =	vadd.f32 v9, v5;
	v9 =	vmul.f32 v14, v34;
	v14 =	vmul.f32 v4, v24;
	_ =	sdelay $0x1  }
0x496: {  	v14 =	vsub.f32 $1.500000000e+00, v14  }
0x497: {  	v5 =	vmul.f32 v38, v55;
	v28 =	vld [tilespmem:s23+$0xFFFFFFC0];
	[tilespmem:$0x1FB00] =	vst v21  }
0x498: {  	v4 =	vmul.f32 v4, v14;
	v14 =	vmul.f32 v8, v8;
	v8 =	vld [tilespmem:s22+$0xFFFFFFE0]  }
0x499: {  	v19 =	vmul.f32 v10, v37;
	v3 =	vmul.f32 v3, v7  }
0x49a: {  	v24 =	vadd.f32 v9, v5;
	v5 =	vmul.f32 v33, v33;
	v9 =	vmul.f32 v57, v57  }
0x49b: {  	v3 =	vadd.f32 v3, v19;
	v19 =	vmul.f32 v26, v26;
	v26 =	vmul.f32 v54, v54  }
0x49c: {  	v5 =	vadd.f32 v5, v9  }
0x49d: {  	v19 =	vadd.f32 v19, v26;
	v9 =	vmul.f32 v35, v43;
	v26 =	vld [tilespmem:s23+$0xFFFFFFD0];
	[tilespmem:$0x1FB20] =	vst v8  }
0x49e: {  	v16 =	vmul.f32 v16, v23;
	v5 =	vadd.f32 v14, v5;
	v14 =	vmul.f32 v11, v11;
	v11 =	vld [tilespmem:s22+$0xFFFFFFF0];
	_ =	sdelay $0x1  }
0x49f: {  	v2 =	vmul.f32 v0, v2;
	v9 =	vadd.f32 v16, v9;
	v16 =	vmul.f32 v27, v27  }
0x4a0: {  	v1 =	vmul.f32 v4, v1  }
0x4a1: {  	v2 =	vmul.f32 v2, v0;
	v16 =	vadd.f32 v16, v19;
	v6 =	vmul.f32 v6, v6;
	[tilespmem:s3+$0x20] =	vst v9  }
0x4a2: {  	v5 =	vadd.f32 v14, v5;
	v1 =	vmul.f32 v1, v4;
	v27 =	vld [tilespmem:s23+$0xFFFFFFE0];
	v9 =	vmul.f32 v15, v15;
	[tilespmem:$0x1FB30] =	vst v11  }
0x4a3: {  	v2 =	vsub.f32 $1.500000000e+00, v2;
	v6 =	vadd.f32 v6, v16;
	v16 =	vmul.f32 v28, v28;
	v19 =	vld [tilespmem:s18+$0x30]  }
0x4a4: {  	s28 =	simm.s32 $0x880;
	v1 =	vsub.f32 $1.500000000e+00, v1;
	v5 =	vadd.f32 v9, v5;
	v9 =	vmul.f32 v21, v21;
	v28 =	vld [tilespmem:s23+$0xFFFFFFF0]  }
0x4a5: {  	s13 =	simm.s32 $0x8880;
	v0 =	vmul.f32 v2, v0;
	v6 =	vadd.f32 v16, v6;
	v2 =	vmul.f32 v26, v26;
	v14 =	vld [tilespmem:s28+$0x0]  }
0x4a6: {  	v1 =	vmul.f32 v1, v4;
	v4 =	vmul.f32 v8, v8;
	v5 =	vadd.f32 v9, v5;
	v26 =	vld [tilespmem:s13+$0x10]  }
0x4a7: {  	v8 =	vimm.s32 $0x8;
	v2 =	vadd.f32 v2, v6;
	v6 =	vmul.f32 v27, v27;
	v46 =	vld [tilespmem:s28+$0x10]  }
0x4a8: {  	v43 =	vperm.xlane v1, v8;
	v21 =	vld [tilespmem:s13+$0x0];
	v4 =	vadd.f32 v4, v5  }
0x4a9: {  	v2 =	vadd.f32 v6, v2;
	v6 =	vmul.f32 v11, v11;
	v5 =	vmul.f32 v19, v23;
	v19 =	vld [tilespmem:s28+$0x20]  }
0x4aa: {  	v9 =	vmul.f32 v35, v39;
	v11 =	vimm.s32 $0x0;
	v27 =	vmul.f32 v28, v28;
	v28 =	vld [tilespmem:s13+$0x20]  }
0x4ab: {  	v58 =	vld [tilespmem:s28+$0x30];
	v50 =	vperm.xlane v1, v11;
	v4 =	vadd.f32 v6, v4;
	v1 =	vmul.f32 v26, v26  }
0x4ac: {  	v30 =	vld [tilespmem:s28+$0x40];
	v6 =	vmul.f32 v14, v14;
	v5 =	vadd.f32 v5, v9;
	v9 =	vmul.f32 v46, v46  }
0x4ad: {  	v41 =	vld [tilespmem:s28+$0x50];
	v2 =	vadd.f32 v27, v2;
	v27 =	vmul.f32 v50, v62;
	v62 =	vmul.f32 v21, v21  }
0x4ae: {  	v26 =	vld [tilespmem:s13+$0x30];
	v6 =	vadd.f32 v9, v6;
	v9 =	vperm.xlane v4, v63;
	v55 =	vmul.f32 v19, v19  }
0x4af: {  	v37 =	vperm.xlane v0, v11;
	v11 =	vld [tilespmem:s28+$0x70];
	v1 =	vadd.f32 v1, v62;
	v28 =	vmul.f32 v28, v28  }
0x4b0: {  	v4 =	vadd.f32 v9, v4;
	v9 =	vmul.f32 v58, v58;
	v6 =	vadd.f32 v55, v6  }
0x4b1: {  	v44 =	vld [tilespmem:s13+$0x40];
	v62 =	vmul.f32 v43, v13  }
0x4b2: {  	v39 =	vld [tilespmem:s28+$0x60];
	v1 =	vadd.f32 v28, v1;
	v28 =	vmul.f32 v30, v30;
	v6 =	vadd.f32 v9, v6  }
0x4b3: {  	v26 =	vmul.f32 v26, v26;
	v27 =	vadd.f32 v62, v27;
	v62 =	vld [tilespmem:s13+$0x60]  }
0x4b4: {  	v8 =	vperm.xlane v0, v8;
	v55 =	vld [tilespmem:s13+$0x50];
	[tilespmem:$0x1FB60] =	vst v11;
	v6 =	vadd.f32 v28, v6;
	v28 =	vmul.f32 v41, v41  }
0x4b5: {  	[tilespmem:s22+$0x0] =	vst v27;
	v1 =	vadd.f32 v26, v1  }
0x4b6: {  	[tilespmem:s31+$0xFFFFFF90] =	vst v3;
	v26 =	vmul.f32 v37, v59;
	v6 =	vadd.f32 v28, v6;
	v28 =	vmul.f32 v8, v40  }
0x4b7: {  	v0 =	vmul.f32 v44, v44;
	v44 =	vmul.f32 v39, v39;
	[tilespmem:s3+$0x30] =	vst v5  }
0x4b8: {  	v3 =	vadd.f32 v28, v26;
	v26 =	vmul.f32 v11, v11;
	v11 =	vld [tilespmem:$0x1F980]  }
0x4b9: {  	v6 =	vadd.f32 v44, v6;
	_ =	sdelay $0x1  }
0x4ba: {  	v27 =	vperm.xlane v2, v63;
	v59 =	vld [tilespmem:s13+$0x70];
	v5 =	vadd.f32 v26, v6  }
0x4bb: {  	v0 =	vadd.f32 v0, v1;
	v1 =	vmul.f32 v55, v55;
	v40 =	vld [tilespmem:s23+$0x10]  }
0x4bc: {  	v2 =	vadd.f32 v27, v2;
	v6 =	vld [tilespmem:$0x1F970];
	[tilespmem:s30+$0xFFFFFFA0] =	vst v25;
	v27 =	vmul.f32 v10, v11;
	v11 =	vperm.xlane v5, v63  }
0x4bd: {  	v13 =	vld [tilespmem:$0x1F990];
	[tilespmem:s3+$0xFFFFFF80] =	vst v3  }
0x4be: {  	v0 =	vadd.f32 v1, v0;
	v1 =	vmul.f32 v62, v62;
	v3 =	vadd.f32 v11, v5;
	v5 =	vld [tilespmem:$0x1F9A0];
	_ =	sdelay $0x1  }
0x4bf: {  	v0 =	vadd.f32 v1, v0;
	v1 =	vmul.f32 v59, v59  }
0x4c0: {  	v2 =	vsel vm0, v4, v2;
	v4 =	vld [tilespmem:s0+$0xFFFFFFA0]  }
0x4c1: {  	v0 =	vadd.f32 v1, v0;
	v1 =	vmul.f32 v50, v20;
	v20 =	vmul.f32 v40, v43  }
0x4c2: {  	v5 =	vmul.f32 v10, v5  }
0x4c3: {  	v1 =	vadd.f32 v20, v1  }
0x4c4: {  	v9 =	vmov v12;
	v12 =	vld [tilespmem:s18+$0x40];
	[tilespmem:$0x1FB40] =	vst v5  }
0x4c5: {  	v4 =	vmul.f32 v4, v7;
	v6 =	vmul.f32 v10, v6;
	[tilespmem:s22+$0x10] =	vst v1  }
0x4c6: {  	[tilespmem:s31+$0x60] =	vst v24  }
0x4c7: {  	v4 =	vadd.f32 v4, v6;
	v6 =	vld [tilespmem:$0x1F9B0];
	_ =	sdelay $0x3  }
0x4c8: {  	v20 =	vmul.f32 v10, v13  }
0x4c9: {  	v13 =	vperm.xlane v0, v63;
	v6 =	vmul.f32 v10, v6  }
0x4ca: {  	v5 =	vld [tilespmem:s26+$0xFFFFFFB0]  }
0x4cb: {  	v11 =	vmov v7;
	v7 =	vmul.f32 v10, v18;
	v0 =	vadd.f32 v13, v0;
	v13 =	vld [tilespmem:s18+$0xFFFFFF90];
	[tilespmem:$0x1F9C0] =	vst v6  }
0x4cc: {  	v26 =	vperm.xlane v2, v61;
	v15 =	vld [tilespmem:s23+$0x20]  }
0x4cd: {  	v12 =	vmul.f32 v12, v23;
	[tilespmem:$0x1F9D0] =	vst v7;
	v7 =	vld [tilespmem:$0x1F9E0]  }
0x4ce: {  	v2 =	vadd.f32 v2, v26;
	v0 =	vsel vm0, v3, v0;
	v1 =	vmul.f32 v35, v42;
	v3 =	vld [tilespmem:s0+$0x70]  }
0x4cf: {  	[tilespmem:s31+$0xFFFFFFA0] =	vst v4;
	v4 =	vperm.xlane v0, v61;
	v44 =	vld [tilespmem:s28+$0xFFFFFF90]  }
0x4d0: {  	v1 =	vadd.f32 v12, v1;
	v6 =	vperm.xlane v2, v29;
	v10 =	vld [tilespmem:s28+$0xFFFFFFA0]  }
0x4d1: {  	v31 =	vld [tilespmem:s13+$0xFFFFFF80];
	v0 =	vadd.f32 v0, v4  }
0x4d2: {  	v5 =	vmul.f32 v5, v9;
	v2 =	vadd.f32 v2, v6;
	[tilespmem:s3+$0x40] =	vst v1;
	v1 =	vld [tilespmem:s0+$0xFFFFFFB0];
	v40 =	vmul.f32 v38, v7  }
0x4d3: {  	v4 =	vld [tilespmem:s18+$0x50];
	v7 =	vmul.f32 v3, v34;
	v3 =	vperm.xlane v0, v29  }
0x4d4: {  	v12 =	vmul.f32 v13, v8;
	v59 =	vadd.f32 v5, v22;
	v13 =	vperm.xlane v2, v51;
	v34 =	vld [tilespmem:s28+$0xFFFFFF80]  }
0x4d5: {  	v5 =	vmul.f32 v50, v60;
	v15 =	vmul.f32 v15, v43;
	v0 =	vadd.f32 v0, v3;
	v3 =	vld [tilespmem:s13+$0xFFFFFF90];
	[tilespmem:$0x1FB80] =	vst v10  }
0x4d6: {  	v22 =	vld [tilespmem:s28+$0xFFFFFFB0]  }
0x4d7: {  	v5 =	vadd.f32 v15, v5  }
0x4d8: {  	v2 =	vadd.f32 v2, v13;
	v13 =	vmov v8;
	v8 =	vmul.f32 v37, v49  }
0x4d9: {  	v6 =	vmul.f32 v37, v17;
	[tilespmem:s22+$0x20] =	vst v5  }
0x4da: {  	v15 =	vld [tilespmem:s13+$0xFFFFFFA0];
	[tilespmem:$0x1F9F0] =	vst v8;
	v8 =	vmul.f32 v37, v53  }
0x4db: {  	v24 =	vadd.f32 v12, v6;
	v12 =	vperm.xlane v0, v51;
	[tilespmem:$0x1FB90] =	vst v22  }
0x4dc: {  	v42 =	vld [tilespmem:s23+$0x30];
	[tilespmem:$0x1FA00] =	vst v8  }
0x4dd: {  	v0 =	vadd.f32 v0, v12;
	v12 =	vld [tilespmem:s28+$0xFFFFFFC0]  }
0x4de: {  	v2 =	vmax.f32 v2, $9.999999960e-13  }
0x4df: {  	v1 =	vmul.f32 v1, v11;
	v6 =	vshrl.u32 v2, $0x1  }
0x4e0: {  	v5 =	vsub.s32 $0x5F3759DF, v6;
	v6 =	vmul.f32 v44, v44;
	v17 =	vmul.f32 v34, v34;
	_ =	sdelay $0x1  }
0x4e1: {  	v28 =	vmul.f32 v37, v45;
	v16 =	vadd.f32 v1, v27;
	v1 =	vadd.f32 v6, v17;
	v6 =	vld [tilespmem:s13+$0xFFFFFFB0];
	[tilespmem:$0x1FBA0] =	vst v12  }
0x4e2: {  	v45 =	vmul.f32 v50, v56;
	v56 =	vmul.f32 v10, v10;
	v10 =	vld [tilespmem:s28+$0xFFFFFFD0];
	_ =	sdelay $0x3  }
0x4e3: {  	v26 =	vmul.f32 v37, v47  }
0x4e4: {  	v47 =	vmul.f32 v37, v48;
	v18 =	vmul.f32 v37, v52;
	v37 =	vld [tilespmem:s13+$0xFFFFFFC0];
	[tilespmem:$0x1FBB0] =	vst v10  }
0x4e5: {  	v62 =	vld [tilespmem:s28+$0xFFFFFFE0];
	_ =	sdelay $0x1  }
0x4e6: {  	v2 =	vmul.f32 $5.000000000e-01, v2;
	_ =	sdelay $0x1  }
0x4e7: {  	v25 =	vmul.f32 v5, v2  }
0x4e8: {  	v27 =	vmul.f32 v31, v31;
	v3 =	vmul.f32 v3, v3;
	v0 =	vmax.f32 v0, $9.999999960e-13;
	v48 =	vld [tilespmem:s13+$0xFFFFFFD0];
	[tilespmem:$0x1FBC0] =	vst v62  }
0x4e9: {  	v17 =	vmul.f32 v5, v25;
	v25 =	vshrl.u32 v0, $0x1;
	v0 =	vmul.f32 $5.000000000e-01, v0;
	v8 =	vld [tilespmem:s28+$0xFFFFFFF0]  }
0x4ea: {  	v15 =	vmul.f32 v15, v15;
	v3 =	vadd.f32 v3, v27;
	v25 =	vsub.s32 $0x5F3759DF, v25  }
0x4eb: {  	v60 =	vmul.f32 v25, v0;
	v27 =	vmul.f32 v42, v43  }
0x4ec: {  	v1 =	vadd.f32 v56, v1;
	v3 =	vadd.f32 v15, v3;
	v6 =	vmul.f32 v6, v6  }
0x4ed: {  	v17 =	vsub.f32 $1.500000000e+00, v17;
	v38 =	vmul.f32 v25, v60;
	v27 =	vadd.f32 v27, v45  }
0x4ee: {  	v45 =	vmul.f32 v22, v22;
	v3 =	vadd.f32 v6, v3;
	v6 =	vmul.f32 v37, v37;
	v56 =	vld [tilespmem:s13+$0xFFFFFFE0];
	[tilespmem:$0x1FBE0] =	vst v8  }
0x4ef: {  	v5 =	vmul.f32 v5, v17;
	v15 =	vsub.f32 $1.500000000e+00, v38;
	[tilespmem:s22+$0x30] =	vst v27  }
0x4f0: {  	v17 =	vmul.f32 v12, v12;
	v1 =	vadd.f32 v45, v1;
	v3 =	vadd.f32 v6, v3;
	v6 =	vld [tilespmem:$0x1FA10]  }
0x4f1: {  	s16 =	simm.s32 $0x980;
	v2 =	vmul.f32 v5, v2;
	v45 =	vld [tilespmem:s13+$0xFFFFFFF0]  }
0x4f2: {  	s19 =	simm.s32 $0x8980;
	v15 =	vmul.f32 v25, v15;
	v1 =	vadd.f32 v17, v1;
	v17 =	vmul.f32 v10, v10;
	v27 =	vld [tilespmem:s16+$0x0]  }
0x4f3: {  	v4 =	vmul.f32 v4, v23;
	v2 =	vmul.f32 v2, v5;
	v38 =	vld [tilespmem:s19+$0x0]  }
0x4f4: {  	v0 =	vmul.f32 v15, v0;
	v1 =	vadd.f32 v17, v1;
	v17 =	vmul.f32 v48, v48;
	v12 =	vld [tilespmem:s16+$0x10]  }
0x4f5: {  	v60 =	vmul.f32 v62, v62;
	v62 =	vld [tilespmem:s19+$0x10];
	v6 =	vmul.f32 v35, v6  }
0x4f6: {  	v2 =	vsub.f32 $1.500000000e+00, v2;
	v3 =	vadd.f32 v17, v3;
	v17 =	vmul.f32 v8, v8;
	v8 =	vld [tilespmem:s16+$0x40]  }
0x4f7: {  	v0 =	vmul.f32 v0, v15;
	v4 =	vadd.f32 v4, v6;
	v6 =	vmul.f32 v56, v56;
	v56 =	vld [tilespmem:s16+$0x20]  }
0x4f8: {  	v22 =	vimm.s32 $0x0;
	v2 =	vmul.f32 v2, v5;
	v5 =	vld [tilespmem:s19+$0x20]  }
0x4f9: {  	v0 =	vsub.f32 $1.500000000e+00, v0;
	v1 =	vadd.f32 v60, v1;
	v53 =	vld [tilespmem:s16+$0x30];
	v42 =	vmul.f32 v27, v27  }
0x4fa: {  	v55 =	vld [tilespmem:s19+$0x30];
	v3 =	vadd.f32 v6, v3;
	v6 =	vmul.f32 v45, v45;
	v45 =	vmul.f32 v12, v12  }
0x4fb: {  	v52 =	vld [tilespmem:s23+$0x40];
	v1 =	vadd.f32 v17, v1;
	v17 =	vmul.f32 v62, v62;
	v60 =	vmul.f32 v38, v38;
	[tilespmem:$0x1FC00] =	vst v8  }
0x4fc: {  	v0 =	vmul.f32 v0, v15;
	v49 =	vld [tilespmem:s19+$0x40];
	v15 =	vadd.f32 v45, v42;
	v62 =	vmul.f32 v56, v56  }
0x4fd: {  	v5 =	vmul.f32 v5, v5;
	v3 =	vadd.f32 v6, v3;
	v6 =	vadd.f32 v17, v60  }
0x4fe: {  	v37 =	vperm.xlane v0, v22;
	v42 =	vmul.f32 v53, v53;
	v48 =	vadd.f32 v62, v15;
	v62 =	vld [tilespmem:s19+$0x50]  }
0x4ff: {  	v10 =	vld [tilespmem:s16+$0x60];
	v5 =	vadd.f32 v5, v6;
	v6 =	vmul.f32 v55, v55;
	v15 =	vimm.s32 $0x8  }
0x500: {  	v45 =	vperm.xlane v0, v15;
	v0 =	vld [tilespmem:s19+$0x60];
	v48 =	vadd.f32 v42, v48;
	v42 =	vmul.f32 v8, v8  }
0x501: {  	v5 =	vadd.f32 v6, v5;
	v6 =	vmul.f32 v49, v49;
	v8 =	vld [tilespmem:s16+$0x70]  }
0x502: {  	v55 =	vmul.f32 v37, v14;
	v49 =	vperm.xlane v1, v63;
	v48 =	vadd.f32 v42, v48;
	v42 =	vld [tilespmem:s19+$0x70]  }
0x503: {  	[tilespmem:s30+$0xFFFFFFB0] =	vst v59;
	v17 =	vld [tilespmem:s16+$0x50];
	v21 =	vmul.f32 v45, v21;
	v5 =	vadd.f32 v6, v5;
	v6 =	vmul.f32 v62, v62  }
0x504: {  	[tilespmem:s3+$0x50] =	vst v4;
	v1 =	vadd.f32 v49, v1  }
0x505: {  	v49 =	vld [tilespmem:s26+$0xFFFFFFC0];
	[tilespmem:$0x1FA20] =	vst v10;
	v4 =	vadd.f32 v21, v55;
	v0 =	vmul.f32 v0, v0;
	v5 =	vadd.f32 v6, v5  }
0x506: {  	v6 =	vmul.f32 v50, v36;
	v36 =	vld [tilespmem:s18+$0x60];
	[tilespmem:$0x1FA30] =	vst v8  }
0x507: {  	[tilespmem:s28+$0x0] =	vst v4;
	v0 =	vadd.f32 v0, v5;
	v5 =	vmul.f32 v42, v42  }
0x508: {  	v59 =	vmul.f32 v17, v17;
	[tilespmem:s3+$0xFFFFFF90] =	vst v24  }
0x509: {  	v0 =	vadd.f32 v5, v0;
	v5 =	vld [tilespmem:$0x1FA40]  }
0x50a: {  	v21 =	vadd.f32 v59, v48;
	v59 =	vmul.f32 v52, v43  }
0x50b: {  	v55 =	vmul.f32 v10, v10  }
0x50c: {  	v62 =	vmul.f32 v8, v8;
	v6 =	vadd.f32 v59, v6;
	v8 =	vld [tilespmem:$0x1FA50]  }
0x50d: {  	v21 =	vadd.f32 v55, v21  }
0x50e: {  	[tilespmem:s22+$0x40] =	vst v6;
	v6 =	vmul.f32 v36, v23;
	v5 =	vmul.f32 v35, v5  }
0x50f: {  	v42 =	vperm.xlane v3, v63;
	v4 =	vadd.f32 v62, v21;
	v21 =	vmul.f32 v49, v9  }
0x510: {  	v25 =	vadd.f32 v6, v5;
	v5 =	vld [tilespmem:s16+$0xFFFFFF90]  }
0x511: {  	v59 =	vld [tilespmem:s13+$0x10];
	v3 =	vadd.f32 v42, v3;
	v21 =	vadd.f32 v21, v8  }
0x512: {  	v60 =	vld [tilespmem:s18+$0xFFFFFFA0]  }
0x513: {  	v1 =	vsel vm0, v1, v3;
	v3 =	vld [tilespmem:s23+$0x50];
	[tilespmem:s30+$0xFFFFFFC0] =	vst v21  }
0x514: {  	[tilespmem:s31+$0xFFFFFFB0] =	vst v16;
	v16 =	vperm.xlane v0, v63;
	v42 =	vld [tilespmem:s26+$0xFFFFFFD0]  }
0x515: {  	v6 =	vld [tilespmem:s0+$0xFFFFFFC0];
	[tilespmem:$0x1FBF0] =	vst v5  }
0x516: {  	v0 =	vadd.f32 v16, v0;
	v16 =	vld [tilespmem:s16+$0xFFFFFF80];
	_ =	sdelay $0x3  }
0x517: {  	v21 =	vperm.xlane v1, v61  }
0x518: {  	v62 =	vperm.xlane v4, v63;
	v55 =	vld [tilespmem:s19+$0xFFFFFF90];
	[tilespmem:$0x1FBD0] =	vst v16  }
0x519: {  	v52 =	vmul.f32 v59, v45;
	v1 =	vadd.f32 v1, v21;
	v21 =	vmul.f32 v37, v46;
	v8 =	vld [tilespmem:s16+$0xFFFFFFA0]  }
0x51a: {  	v14 =	vperm.xlane v2, v15;
	v24 =	vperm.xlane v2, v22;
	v4 =	vadd.f32 v62, v4  }
0x51b: {  	v32 =	vmul.f32 v50, v32;
	v3 =	vmul.f32 v3, v43;
	v21 =	vadd.f32 v52, v21  }
0x51c: {  	v2 =	vmul.f32 v24, v57;
	v0 =	vsel vm0, v4, v0;
	v4 =	vmul.f32 v14, v54  }
0x51d: {  	v3 =	vadd.f32 v3, v32;
	[tilespmem:s28+$0x10] =	vst v21  }
0x51e: {  	v22 =	vadd.f32 v4, v2;
	v4 =	vmul.f32 v60, v13;
	v60 =	vld [tilespmem:s19+$0xFFFFFF80];
	[tilespmem:$0x1FC10] =	vst v8  }
0x51f: {  	v57 =	vperm.xlane v0, v61;
	[tilespmem:s22+$0x50] =	vst v3  }
0x520: {  	v2 =	vld [tilespmem:$0x1FA60]  }
0x521: {  	v0 =	vadd.f32 v0, v57;
	v21 =	vperm.xlane v1, v29  }
0x522: {  	v28 =	vadd.f32 v4, v28;
	v4 =	vmul.f32 v42, v9;
	v6 =	vmul.f32 v6, v11  }
0x523: {  	v62 =	vmul.f32 v16, v16;
	v1 =	vadd.f32 v1, v21;
	v21 =	vperm.xlane v0, v29;
	v16 =	vld [tilespmem:s16+$0xFFFFFFB0]  }
0x524: {  	v6 =	vadd.f32 v6, v20;
	v20 =	vld [tilespmem:s13+$0x20]  }
0x525: {  	v0 =	vadd.f32 v0, v21;
	v21 =	vperm.xlane v1, v51;
	v32 =	vadd.f32 v4, v2;
	v2 =	vld [tilespmem:$0x1FA70]  }
0x526: {  	v59 =	vmul.f32 v5, v5;
	v57 =	vmul.f32 v60, v60;
	v42 =	vld [tilespmem:s19+$0xFFFFFFA0]  }
0x527: {  	v3 =	vmul.f32 v55, v55;
	v1 =	vadd.f32 v1, v21;
	v21 =	vperm.xlane v0, v51  }
0x528: {  	v19 =	vmul.f32 v37, v19;
	v36 =	vadd.f32 v59, v62;
	v4 =	vld [tilespmem:s23+$0x60];
	[tilespmem:$0x1FC20] =	vst v16  }
0x529: {  	v59 =	vmul.f32 v8, v8;
	v3 =	vadd.f32 v3, v57;
	v0 =	vadd.f32 v0, v21;
	v21 =	vld [tilespmem:s19+$0xFFFFFFB0]  }
0x52a: {  	v1 =	vmax.f32 v1, $9.999999960e-13;
	v20 =	vmul.f32 v20, v45;
	v52 =	vmul.f32 v35, v2;
	v2 =	vld [tilespmem:$0x1FA80]  }
0x52b: {  	v15 =	vmovc v29;
	v54 =	vshrl.u32 v1, $0x1;
	v5 =	vmul.f32 $5.000000000e-01, v1;
	v42 =	vmul.f32 v42, v42;
	v29 =	vld [tilespmem:s16+$0xFFFFFFC0]  }
0x52c: {  	v62 =	vadd.f32 v59, v36;
	v36 =	vsub.s32 $0x5F3759DF, v54;
	v19 =	vadd.f32 v20, v19  }
0x52d: {  	v57 =	vmul.f32 v36, v5;
	v3 =	vadd.f32 v42, v3;
	v42 =	vld [tilespmem:s16+$0xFFFFFFD0]  }
0x52e: {  	v55 =	vmul.f32 v16, v16;
	v48 =	vld [tilespmem:s19+$0xFFFFFFC0];
	v4 =	vmul.f32 v4, v43;
	[tilespmem:s28+$0x20] =	vst v19  }
0x52f: {  	v0 =	vmax.f32 v0, $9.999999960e-13;
	v35 =	vmul.f32 v36, v57;
	v46 =	vld [tilespmem:s13+$0x30];
	v20 =	vmul.f32 v50, v2  }
0x530: {  	v54 =	vld [tilespmem:s19+$0xFFFFFFD0];
	v19 =	vadd.f32 v55, v62;
	v49 =	vmul.f32 v21, v21;
	v59 =	vmul.f32 v29, v29  }
0x531: {  	v21 =	vshrl.u32 v0, $0x1;
	v2 =	vmul.f32 $5.000000000e-01, v0;
	v20 =	vadd.f32 v4, v20;
	v4 =	vld [tilespmem:s16+$0xFFFFFFE0]  }
0x532: {  	v16 =	vld [tilespmem:s16+$0xFFFFFFF0];
	v57 =	vsub.s32 $0x5F3759DF, v21;
	v62 =	vadd.f32 v59, v19;
	v0 =	vmul.f32 v42, v42  }
0x533: {  	[tilespmem:s3+$0xFFFFFFA0] =	vst v28;
	v48 =	vmul.f32 v48, v48;
	v3 =	vadd.f32 v49, v3;
	v49 =	vld [tilespmem:s19+$0xFFFFFFE0];
	v1 =	vmul.f32 v57, v2  }
0x534: {  	v58 =	vmul.f32 v37, v58;
	[tilespmem:s22+$0xFFFFFF80] =	vst v22;
	v22 =	vmul.f32 v46, v45;
	v0 =	vadd.f32 v0, v62;
	v62 =	vld [tilespmem:s18+$0xFFFFFFB0]  }
0x535: {  	v3 =	vadd.f32 v48, v3;
	v48 =	vld [tilespmem:s23+$0xFFFFFF90];
	v1 =	vmul.f32 v57, v1  }
0x536: {  	v19 =	vmov v42;
	v46 =	vld [tilespmem:s19+$0xFFFFFFF0];
	v22 =	vadd.f32 v22, v58;
	v42 =	vmul.f32 v4, v4  }
0x537: {  	v28 =	vsub.f32 $1.500000000e+00, v35;
	v35 =	vmul.f32 v54, v54;
	v1 =	vsub.f32 $1.500000000e+00, v1;
	[tilespmem:$0x1FA90] =	vst v4  }
0x538: {  	v49 =	vmul.f32 v49, v49;
	[tilespmem:s28+$0x30] =	vst v22;
	v22 =	vmul.f32 v16, v16;
	v0 =	vadd.f32 v42, v0  }
0x539: {  	v3 =	vadd.f32 v35, v3;
	v1 =	vmul.f32 v57, v1;
	[tilespmem:s22+$0x60] =	vst v20;
	v20 =	vmul.f32 v62, v13  }
0x53a: {  	v57 =	vmul.f32 v48, v14;
	v0 =	vadd.f32 v22, v0;
	v22 =	vmul.f32 v24, v33  }
0x53b: {  	v3 =	vadd.f32 v49, v3;
	[tilespmem:s3+$0x60] =	vst v25;
	v25 =	vmul.f32 v46, v46;
	v20 =	vadd.f32 v20, v26  }
0x53c: {  	[tilespmem:s31+$0xFFFFFFC0] =	vst v6;
	v22 =	vadd.f32 v57, v22  }
0x53d: {  	v3 =	vadd.f32 v25, v3;
	[tilespmem:s3+$0xFFFFFFB0] =	vst v20  }
0x53e: {  	v55 =	vld [tilespmem:s13+$0x40];
	[tilespmem:s22+$0xFFFFFF90] =	vst v22  }
0x53f: {  	v62 =	vperm.xlane v3, v63;
	v59 =	vperm.xlane v0, v63;
	v4 =	vld [tilespmem:$0x1FAA0];
	_ =	sdelay $0x1  }
0x540: {  	v3 =	vadd.f32 v62, v3;
	v0 =	vadd.f32 v59, v0  }
0x541: {  	[tilespmem:s30+$0xFFFFFFD0] =	vst v32  }
0x542: {  	v26 =	vmul.f32 v37, v30;
	v3 =	vsel vm0, v0, v3;
	v0 =	vld [tilespmem:$0x1FAB0]  }
0x543: {  	v22 =	vmul.f32 v55, v45;
	v6 =	vmul.f32 v50, v4;
	v4 =	vld [tilespmem:$0x1FAC0];
	_ =	sdelay $0x1  }
0x544: {  	v20 =	vadd.f32 v22, v26;
	_ =	sdelay $0x1  }
0x545: {  	[tilespmem:s28+$0x40] =	vst v20  }
0x546: {  	v54 =	vadd.f32 v4, v0;
	v4 =	vld [tilespmem:$0x1FAD0];
	_ =	sdelay $0x4  }
0x547: {  	v28 =	vmul.f32 v36, v28;
	v30 =	vmul.f32 v24, v4;
	v4 =	vld [tilespmem:$0x1FAE0];
	_ =	sdelay $0x1  }
0x548: {  	s5 =	simm.s32 $0xA80;
	v5 =	vmul.f32 v28, v5;
	v25 =	vld [tilespmem:s23+$0x70]  }
0x549: {  	v46 =	vld [tilespmem:s5+$0x0];
	v2 =	vmul.f32 v1, v2  }
0x54a: {  	v5 =	vmul.f32 v5, v28;
	v58 =	vld [tilespmem:s18+$0x70]  }
0x54b: {  	s6 =	simm.s32 $0x8A80;
	v2 =	vmul.f32 v2, v1;
	v50 =	vmul.f32 v24, v4;
	v4 =	vld [tilespmem:$0x1FAF0]  }
0x54c: {  	v57 =	vld [tilespmem:s6+$0x0]  }
0x54d: {  	v5 =	vsub.f32 $1.500000000e+00, v5;
	v2 =	vsub.f32 $1.500000000e+00, v2;
	v25 =	vmul.f32 v25, v43;
	v43 =	vld [tilespmem:s0+$0xFFFFFFD0]  }
0x54e: {  	v36 =	vld [tilespmem:s23+$0xFFFFFFA0]  }
0x54f: {  	v5 =	vmul.f32 v5, v28;
	v1 =	vmul.f32 v2, v1;
	v22 =	vld [tilespmem:s18+$0xFFFFFFC0]  }
0x550: {  	v2 =	vimm.s32 $0x8;
	v42 =	vld [tilespmem:s26+$0xFFFFFFE0];
	v0 =	vimm.s32 $0x0;
	v4 =	vmul.f32 v24, v4  }
0x551: {  	v20 =	vperm.xlane v5, v2;
	v28 =	vperm.xlane v5, v0;
	v5 =	vld [tilespmem:s13+$0x50]  }
0x552: {  	[tilespmem:$0x1FC30] =	vst v4;
	v4 =	vld [tilespmem:$0x1FB00];
	_ =	sdelay $0x3  }
0x553: {  	v23 =	vmul.f32 v58, v23  }
0x554: {  	v26 =	vperm.xlane v3, v61;
	v4 =	vmul.f32 v24, v4  }
0x555: {  	v21 =	vmov v29;
	v52 =	vadd.f32 v23, v52  }
0x556: {  	v3 =	vadd.f32 v3, v26;
	v26 =	vmul.f32 v20, v31;
	v23 =	vmul.f32 v28, v34;
	v29 =	vld [tilespmem:s5+$0x10];
	[tilespmem:$0x1FB10] =	vst v4  }
0x557: {  	v59 =	vadd.f32 v7, v40;
	v7 =	vadd.f32 v25, v6;
	v25 =	vmul.f32 v36, v14;
	v31 =	vld [tilespmem:s6+$0x10]  }
0x558: {  	v58 =	vmul.f32 v37, v41;
	v6 =	vperm.xlane v3, v15;
	v23 =	vadd.f32 v26, v23;
	v4 =	vld [tilespmem:s5+$0x20]  }
0x559: {  	v10 =	vmovc v61;
	v61 =	vmul.f32 v46, v46;
	v5 =	vmul.f32 v5, v45;
	v41 =	vadd.f32 v25, v30;
	v25 =	vld [tilespmem:s6+$0x20]  }
0x55a: {  	v3 =	vadd.f32 v3, v6;
	v6 =	vmul.f32 v22, v13;
	[tilespmem:s28+$0xFFFFFF80] =	vst v23;
	v23 =	vperm.xlane v1, v2;
	v2 =	vld [tilespmem:s5+$0x30]  }
0x55b: {  	v22 =	vperm.xlane v1, v0;
	v5 =	vadd.f32 v5, v58;
	v0 =	vmul.f32 v29, v29;
	v30 =	vld [tilespmem:s5+$0x40]  }
0x55c: {  	v62 =	vld [tilespmem:s6+$0x30]  }
0x55d: {  	[tilespmem:s28+$0x50] =	vst v5;
	v5 =	vadd.f32 v0, v61;
	v58 =	vld [tilespmem:s6+$0x50];
	v0 =	vmul.f32 v4, v4  }
0x55e: {  	v8 =	vmov v51;
	v1 =	vperm.xlane v3, v51;
	v51 =	vld [tilespmem:s6+$0x70]  }
0x55f: {  	v27 =	vmul.f32 v22, v27;
	v35 =	vmovc v29;
	v29 =	vmul.f32 v23, v38;
	v5 =	vadd.f32 v0, v5;
	v0 =	vld [tilespmem:$0x1FB20]  }
0x560: {  	v49 =	vadd.f32 v6, v47;
	v47 =	vld [tilespmem:s13+$0x60];
	v1 =	vadd.f32 v3, v1  }
0x561: {  	v27 =	vadd.f32 v29, v27;
	v29 =	vld [tilespmem:s5+$0x60];
	v3 =	vmul.f32 v31, v31;
	v31 =	vmul.f32 v57, v57  }
0x562: {  	v39 =	vmul.f32 v37, v39;
	v33 =	vmov v2;
	v48 =	vmul.f32 v2, v2;
	v2 =	vld [tilespmem:$0x1FB30]  }
0x563: {  	v40 =	vmul.f32 v62, v62;
	v62 =	vld [tilespmem:s6+$0x60];
	v3 =	vadd.f32 v3, v31;
	v31 =	vmul.f32 v25, v25  }
0x564: {  	v43 =	vmul.f32 v43, v11;
	v1 =	vmax.f32 v1, $9.999999960e-13;
	v25 =	vmul.f32 v24, v0;
	v0 =	vld [tilespmem:s6+$0x40]  }
0x565: {  	v55 =	vshrl.u32 v1, $0x1;
	v38 =	vmul.f32 $5.000000000e-01, v1;
	[tilespmem:s16+$0x0] =	vst v27;
	v3 =	vadd.f32 v31, v3;
	v31 =	vld [tilespmem:s5+$0x50]  }
0x566: {  	v36 =	vmovc v46;
	v46 =	vmovc v57;
	v34 =	vmov v4;
	v4 =	vld [tilespmem:s5+$0x70];
	v57 =	vsub.s32 $0x5F3759DF, v55;
	v61 =	vmul.f32 v47, v45;
	[tilespmem:s22+$0xFFFFFFA0] =	vst v41  }
0x567: {  	v27 =	vmul.f32 v30, v30;
	v32 =	vmul.f32 v57, v38;
	v26 =	vld [tilespmem:$0x1FB40]  }
0x568: {  	v39 =	vadd.f32 v61, v39;
	v5 =	vadd.f32 v48, v5;
	v24 =	vmul.f32 v24, v2;
	v2 =	vld [tilespmem:s19+$0x10]  }
0x569: {  	v6 =	vld [tilespmem:s13+$0xFFFFFF90];
	v47 =	vmul.f32 v57, v32;
	v3 =	vadd.f32 v40, v3;
	v1 =	vmul.f32 v0, v0  }
0x56a: {  	v41 =	vld [tilespmem:s5+$0xFFFFFF90];
	v32 =	vmul.f32 v62, v62;
	v5 =	vadd.f32 v27, v5;
	v0 =	vmul.f32 v31, v31  }
0x56b: {  	v48 =	vsub.f32 $1.500000000e+00, v47;
	v40 =	vld [tilespmem:s6+$0xFFFFFF80];
	v1 =	vadd.f32 v1, v3;
	v3 =	vmul.f32 v58, v58  }
0x56c: {  	v47 =	vmul.f32 v29, v29;
	v55 =	vadd.f32 v43, v26;
	v0 =	vadd.f32 v0, v5;
	v5 =	vld [tilespmem:s23+$0xFFFFFFB0];
	[tilespmem:$0x1FB50] =	vst v4  }
0x56d: {  	v2 =	vmul.f32 v2, v23;
	v43 =	vld [tilespmem:s5+$0xFFFFFF80];
	v1 =	vadd.f32 v3, v1;
	v3 =	vmul.f32 v22, v12  }
0x56e: {  	v57 =	vmul.f32 v57, v48;
	v48 =	vmul.f32 v4, v4;
	[tilespmem:s28+$0x60] =	vst v39;
	v39 =	vld [tilespmem:s6+$0xFFFFFF90];
	v0 =	vadd.f32 v47, v0  }
0x56f: {  	v58 =	vld [tilespmem:s6+$0xFFFFFFA0];
	v1 =	vadd.f32 v32, v1;
	v2 =	vadd.f32 v2, v3;
	v3 =	vmul.f32 v51, v51  }
0x570: {  	v44 =	vmul.f32 v28, v44;
	v6 =	vmul.f32 v6, v20;
	v0 =	vadd.f32 v48, v0;
	v51 =	vld [tilespmem:s13+$0x70]  }
0x571: {  	v1 =	vadd.f32 v3, v1;
	v3 =	vld [tilespmem:$0x1FB60];
	[tilespmem:s16+$0x10] =	vst v2  }
0x572: {  	v47 =	vadd.f32 v6, v44;
	v44 =	vperm.xlane v0, v63;
	v2 =	vld [tilespmem:$0x1FB70]  }
0x573: {  	v62 =	vmul.f32 v42, v9;
	v42 =	vld [tilespmem:s5+$0xFFFFFFA0];
	v39 =	vmul.f32 v39, v39  }
0x574: {  	v6 =	vld [tilespmem:s6+$0xFFFFFFB0];
	v48 =	vperm.xlane v1, v63;
	v4 =	vadd.f32 v44, v0;
	v0 =	vmul.f32 v40, v40  }
0x575: {  	v32 =	vld [tilespmem:s19+$0x20];
	v45 =	vmul.f32 v51, v45  }
0x576: {  	v44 =	vld [tilespmem:s5+$0xFFFFFFB0];
	v1 =	vadd.f32 v48, v1;
	v0 =	vadd.f32 v39, v0;
	v12 =	vmul.f32 v37, v3  }
0x577: {  	v39 =	vld [tilespmem:s5+$0xFFFFFFC0];
	v3 =	vmul.f32 v41, v41;
	v61 =	vadd.f32 v62, v2;
	v2 =	vmul.f32 v43, v43  }
0x578: {  	v51 =	vmul.f32 v58, v58;
	v1 =	vsel vm0, v4, v1;
	v4 =	vmul.f32 v22, v56  }
0x579: {  	v56 =	vmul.f32 v42, v42;
	v48 =	vperm.xlane v1, v10;
	v2 =	vadd.f32 v3, v2  }
0x57a: {  	v5 =	vmul.f32 v5, v14;
	v6 =	vmul.f32 v6, v6;
	v37 =	vld [tilespmem:s5+$0xFFFFFFD0];
	v3 =	vadd.f32 v51, v0  }
0x57b: {  	v0 =	vmul.f32 v44, v44;
	v1 =	vadd.f32 v1, v48;
	v2 =	vadd.f32 v56, v2  }
0x57c: {  	v5 =	vadd.f32 v5, v50;
	v32 =	vmul.f32 v32, v23;
	v50 =	vmul.f32 v39, v39  }
0x57d: {  	v3 =	vadd.f32 v6, v3;
	v6 =	vperm.xlane v1, v15;
	v0 =	vadd.f32 v0, v2  }
0x57e: {  	v58 =	vld [tilespmem:s6+$0xFFFFFFC0];
	v4 =	vadd.f32 v32, v4  }
0x57f: {  	v32 =	vmul.f32 v37, v37;
	v1 =	vadd.f32 v1, v6;
	v0 =	vadd.f32 v50, v0  }
0x580: {  	v56 =	vld [tilespmem:s6+$0xFFFFFFD0];
	[tilespmem:s16+$0x20] =	vst v4;
	v2 =	vmul.f32 v57, v38  }
0x581: {  	v0 =	vadd.f32 v32, v0;
	v32 =	vperm.xlane v1, v8;
	v8 =	vld [tilespmem:$0x1FB80]  }
0x582: {  	v62 =	vld [tilespmem:s6+$0xFFFFFFE0];
	v2 =	vmul.f32 v2, v57  }
0x583: {  	v4 =	vmul.f32 v58, v58  }
0x584: {  	v58 =	vld [tilespmem:s19+$0x30];
	v2 =	vsub.f32 $1.500000000e+00, v2  }
0x585: {  	v3 =	vadd.f32 v4, v3;
	v6 =	vld [tilespmem:s6+$0xFFFFFFF0];
	v4 =	vmul.f32 v56, v56;
	[tilespmem:s28+$0xFFFFFF90] =	vst v47  }
0x586: {  	v2 =	vmul.f32 v2, v57;
	v57 =	vmul.f32 v28, v8;
	v8 =	vld [tilespmem:$0x1FB90]  }
0x587: {  	v3 =	vadd.f32 v4, v3;
	v4 =	vmul.f32 v62, v62;
	_ =	sdelay $0x1  }
0x588: {  	v3 =	vadd.f32 v4, v3;
	v4 =	vmul.f32 v22, v53;
	v53 =	vmul.f32 v58, v23  }
0x589: {  	v51 =	vld [tilespmem:s5+$0xFFFFFFE0];
	v6 =	vmul.f32 v6, v6  }
0x58a: {  	v4 =	vadd.f32 v53, v4;
	v53 =	vmul.f32 v28, v8;
	v8 =	vld [tilespmem:$0x1FBA0];
	[tilespmem:s30+$0x70] =	vst v54  }
0x58b: {  	v3 =	vadd.f32 v6, v3;
	v6 =	vld [tilespmem:$0x1FBB0];
	_ =	sdelay $0x3  }
0x58c: {  	v48 =	vadd.f32 v45, v12;
	v50 =	vld [tilespmem:s5+$0xFFFFFFF0];
	v56 =	vmul.f32 v51, v51;
	v58 =	vmul.f32 v28, v8  }
0x58d: {  	[tilespmem:s16+$0x30] =	vst v4;
	v8 =	vimm.s32 $0x0;
	v45 =	vmul.f32 v28, v6;
	v6 =	vimm.s32 $0x8  }
0x58e: {  	v0 =	vadd.f32 v56, v0;
	v56 =	vperm.xlane v2, v8;
	v47 =	vperm.xlane v2, v6;
	v2 =	vld [tilespmem:$0x1FBC0];
	_ =	sdelay $0x2  }
0x58f: {  	v1 =	vadd.f32 v1, v32;
	v62 =	vmul.f32 v50, v50;
	_ =	sdelay $0x1  }
0x590: {  	v1 =	vmax.f32 v1, $9.999999960e-13;
	v0 =	vadd.f32 v62, v0;
	v38 =	vmul.f32 v28, v2;
	v2 =	vld [tilespmem:$0x1FBD0];
	[tilespmem:s22+$0xFFFFFFB0] =	vst v5  }
0x591: {  	v4 =	vmul.f32 v47, v60;
	v5 =	vshrl.u32 v1, $0x1;
	[tilespmem:s31+$0x70] =	vst v59  }
0x592: {  	v32 =	vld [tilespmem:s13+$0xFFFFFFA0];
	[tilespmem:s3+$0x70] =	vst v52;
	v60 =	vsub.s32 $0x5F3759DF, v5;
	v5 =	vperm.xlane v0, v63;
	v63 =	vperm.xlane v3, v63  }
0x593: {  	v6 =	vld [tilespmem:s19+$0x40];
	[tilespmem:s3+$0xFFFFFFC0] =	vst v49  }
0x594: {  	v8 =	vld [tilespmem:$0x1FBE0];
	[tilespmem:s22+$0x70] =	vst v7;
	v0 =	vadd.f32 v5, v0;
	v3 =	vadd.f32 v63, v3  }
0x595: {  	v5 =	vld [tilespmem:$0x1FBF0];
	[tilespmem:s31+$0xFFFFFFD0] =	vst v55  }
0x596: {  	v2 =	vmul.f32 v56, v2;
	v0 =	vsel vm0, v0, v3;
	v3 =	vld [tilespmem:$0x1FC00];
	_ =	sdelay $0x1  }
0x597: {  	v2 =	vadd.f32 v4, v2;
	v4 =	vmul.f32 v32, v20;
	_ =	sdelay $0x1  }
0x598: {  	v1 =	vmul.f32 $5.000000000e-01, v1;
	v6 =	vmul.f32 v6, v23;
	v54 =	vld [tilespmem:s23+$0xFFFFFFC0];
	[tilespmem:s30+$0xFFFFFFE0] =	vst v61;
	v4 =	vadd.f32 v4, v57  }
0x599: {  	v62 =	vmul.f32 v56, v5;
	v5 =	vld [tilespmem:$0x1FC10];
	[tilespmem:s16+$0xFFFFFF80] =	vst v2;
	v3 =	vmul.f32 v22, v3  }
0x59a: {  	v2 =	vld [tilespmem:$0x1FC20];
	[tilespmem:s28+$0xFFFFFFA0] =	vst v4  }
0x59b: {  	v32 =	vmul.f32 v60, v1;
	v57 =	vadd.f32 v6, v3;
	v3 =	vld [tilespmem:$0x1FC30]  }
0x59c: {  	v7 =	vld [tilespmem:s18+$0xFFFFFFD0]  }
0x59d: {  	v52 =	vmul.f32 v56, v21;
	v32 =	vmul.f32 v60, v32  }
0x59e: {  	v59 =	vld [tilespmem:s0+$0xFFFFFFE0];
	v28 =	vmul.f32 v28, v8;
	v63 =	vmul.f32 v54, v14  }
0x59f: {  	v54 =	vld [tilespmem:s26+$0xFFFFFFF0];
	v49 =	vsub.f32 $1.500000000e+00, v32;
	v55 =	vmul.f32 v56, v2;
	v2 =	vperm.xlane v0, v10  }
0x5a0: {  	v6 =	vld [tilespmem:s19+$0xFFFFFF90];
	[tilespmem:s28+$0x70] =	vst v48;
	v48 =	vmul.f32 v56, v19;
	v5 =	vmul.f32 v56, v5;
	v61 =	vadd.f32 v63, v3  }
0x5a1: {  	s8 =	simm.s32 $0xC;
	s9 =	simm.s32 $0xB80;
	v15 =	vmovc v14;
	s26 =	simm.s32 $0x8A80;
	v3 =	vmul.f32 v60, v49;
	v0 =	vadd.f32 v0, v2;
	v2 =	vld [tilespmem:s13+$0xFFFFFFB0];
	v60 =	vmul.f32 v7, v13  }
.LBB2_6:
0x5a2: {  	v63 =	vld [tilespmem:s9+$0x60]  }
0x5a3: {  	v12 =	vld [tilespmem:$0x1FFE0]  }
0x5a4: {  	v8 =	vld [tilespmem:$0x1F9F0]  }
0x5a5: {  	[tilespmem:s16+$0x40] =	vst v57;
	v19 =	vmul.f32 v54, v9;
	v9 =	vld [tilespmem:$0x1F9D0]  }
0x5a6: {  	v49 =	vld [tilespmem:s19+$0x50]  }
0x5a7: {  	[tilespmem:s22+$0xFFFFFFC0] =	vst v61;
	v7 =	vmovc v5;
	v5 =	vmov v58;
	v58 =	vld [tilespmem:s9+$0x10];
	v4 =	vmul.f32 v6, v47;
	v6 =	vadd.f32 v60, v18  }
0x5a8: {  	[tilespmem:$0x1F910] =	vst v7;
	v7 =	vld [tilespmem:$0x1FA90]  }
0x5a9: {  	[tilespmem:s3+$0xFFFFFFD0] =	vst v6;
	v6 =	vld [tilespmem:$0x1F9C0]  }
0x5aa: {  	v57 =	vld [tilespmem:s9+$0x40];
	v8 =	vmov v8  }
0x5ab: {  	v1 =	vmul.f32 v3, v1;
	v2 =	vmul.f32 v2, v20;
	[tilespmem:$0x1F9C0] =	vst v8;
	v8 =	vld [tilespmem:$0x1F950]  }
0x5ac: {  	s6 =	sadd.s32 $0x100, s6;
	v54 =	vld [tilespmem:s9+$0x30];
	v18 =	vmul.f32 v59, v11;
	v4 =	vadd.f32 v4, v62  }
0x5ad: {  	v61 =	vld [tilespmem:s6+$0x30];
	[tilespmem:$0x1F920] =	vst v5;
	v1 =	vmul.f32 v1, v3  }
0x5ae: {  	v5 =	vld [tilespmem:s9+$0x0];
	v21 =	vmul.f32 v56, v7;
	[tilespmem:s16+$0xFFFFFF90] =	vst v4;
	v7 =	vmov v25;
	v6 =	vadd.f32 v18, v6  }
0x5af: {  	v32 =	vperm.xlane v0, v12;
	v1 =	vsub.f32 $1.500000000e+00, v1;
	v10 =	vadd.f32 v2, v53;
	[tilespmem:$0x1F9F0] =	vst v7;
	v7 =	vld [tilespmem:$0x1FFC0];
	v2 =	vmovc v24  }
0x5b0: {  	v60 =	vld [tilespmem:s6+$0x10];
	v19 =	vadd.f32 v19, v8;
	[tilespmem:s31+$0xFFFFFFE0] =	vst v6;
	v6 =	vmul.f32 v22, v17;
	v17 =	vmul.f32 v49, v23  }
0x5b1: {  	v0 =	vadd.f32 v0, v32;
	v1 =	vmul.f32 v1, v3;
	v3 =	vld [tilespmem:$0x1FA00];
	[tilespmem:$0x1FA00] =	vst v2  }
0x5b2: {  	v4 =	vmul.f32 v56, v16;
	v56 =	vld [tilespmem:s9+$0x20];
	v32 =	vimm.s32 $0x0;
	[tilespmem:s30+$0xFFFFFFF0] =	vst v19;
	s30 =	smov.u32 s31;
	s31 =	smov.u32 s3;
	v6 =	vadd.f32 v17, v6  }
0x5b3: {  	v59 =	vperm.xlane v1, v32;
	v18 =	vld [tilespmem:s6+$0x0];
	v49 =	vimm.s32 $0x8;
	[tilespmem:s28+$0xFFFFFFB0] =	vst v10;
	s3 =	smov.u32 s22;
	s22 =	smov.u32 s28;
	s28 =	smov.u32 s16  }
0x5b4: {  	v53 =	vld [tilespmem:s6+$0x20];
	v8 =	vmov v9;
	v62 =	vperm.xlane v0, v7;
	v1 =	vperm.xlane v1, v49;
	[tilespmem:s28+$0x50] =	vst v6  }
0x5b5: {  	v24 =	vmovc v28;
	v2 =	vmul.f32 v5, v5;
	v28 =	vmov v4;
	v4 =	vmul.f32 v58, v58;
	[tilespmem:$0x1F950] =	vst v8;
	v10 =	vld [tilespmem:s19+$0x60]  }
0x5b6: {  	v0 =	vadd.f32 v0, v62;
	v62 =	vmul.f32 v59, v36;
	v8 =	vmul.f32 v1, v46;
	v36 =	vmovc v5;
	v5 =	vld [tilespmem:s6+$0x40]  }
0x5b7: {  	v26 =	vmovc v31;
	v27 =	vmovc v50;
	v2 =	vadd.f32 v4, v2;
	v3 =	vmov v3;
	v4 =	vmul.f32 v56, v56;
	v31 =	vld [tilespmem:s9+$0x50]  }
0x5b8: {  	v60 =	vmul.f32 v60, v60;
	[tilespmem:$0x1F9D0] =	vst v3;
	v3 =	vmul.f32 v18, v18;
	v8 =	vadd.f32 v8, v62;
	v50 =	vld [tilespmem:s6+$0x50]  }
0x5b9: {  	s16 =	smov.u32 s5;
	v2 =	vadd.f32 v4, v2;
	v46 =	vmov v18;
	v18 =	vmul.f32 v53, v53;
	v53 =	vld [tilespmem:s6+$0x60]  }
0x5ba: {  	v4 =	vmul.f32 v54, v54;
	v0 =	vmax.f32 v0, $9.999999960e-13;
	v3 =	vadd.f32 v60, v3;
	[tilespmem:s16+$0x0] =	vst v8;
	v8 =	vld [tilespmem:$0x1FA20]  }
0x5bb: {  	v19 =	vshrl.u32 v0, $0x1  }
0x5bc: {  	v9 =	vmovc v51;
	v2 =	vadd.f32 v4, v2;
	v3 =	vadd.f32 v18, v3;
	v18 =	vmul.f32 v57, v57  }
0x5bd: {  	[tilespmem:$0x1FA90] =	vst v9;
	v9 =	vmul.f32 v61, v61  }
0x5be: {  	v6 =	vsub.s32 $0x5F3759DF, v19;
	v19 =	vmovc v11;
	v11 =	vmovc v29;
	v2 =	vadd.f32 v18, v2;
	v18 =	vmul.f32 v31, v31  }
0x5bf: {  	v3 =	vadd.f32 v9, v3;
	v29 =	vmovc v63;
	v9 =	vld [tilespmem:$0x1FB10];
	v10 =	vmul.f32 v10, v23;
	v8 =	vmul.f32 v22, v8  }
0x5c0: {  	v4 =	vld [tilespmem:s26+$0x10];
	v2 =	vadd.f32 v18, v2;
	v18 =	vmul.f32 v63, v29  }
0x5c1: {  	v61 =	vld [tilespmem:s9+$0xFFFFFF90];
	v5 =	vmul.f32 v5, v5;
	v8 =	vadd.f32 v10, v8  }
0x5c2: {  	v62 =	vld [tilespmem:s9+$0x70];
	v0 =	vmul.f32 $5.000000000e-01, v0;
	[tilespmem:$0x1FA20] =	vst v11  }
0x5c3: {  	v11 =	vld [tilespmem:s6+$0x70];
	v3 =	vadd.f32 v5, v3;
	v5 =	vmul.f32 v50, v50;
	[tilespmem:s28+$0x60] =	vst v8  }
0x5c4: {  	v51 =	vmul.f32 v6, v0;
	v2 =	vadd.f32 v18, v2;
	v18 =	vmovc v9;
	v9 =	vmov v45;
	v8 =	vld [tilespmem:s19+$0x70]  }
0x5c5: {  	v4 =	vmul.f32 v4, v1;
	v3 =	vadd.f32 v5, v3;
	v5 =	vmul.f32 v59, v35;
	[tilespmem:$0x1FB10] =	vst v9;
	v9 =	vld [tilespmem:$0x1FB50]  }
0x5c6: {  	v60 =	vld [tilespmem:s6+$0xFFFFFF80]  }
0x5c7: {  	v51 =	vmul.f32 v6, v51;
	v50 =	vld [tilespmem:s6+$0xFFFFFF90];
	v4 =	vadd.f32 v4, v5  }
0x5c8: {  	v25 =	vmovc v38;
	v38 =	vmovc v21;
	v21 =	vmov v13;
	v13 =	vmov v62;
	v63 =	vmul.f32 v62, v62;
	v62 =	vld [tilespmem:s6+$0xFFFFFFB0]  }
0x5c9: {  	v14 =	vmovc v20;
	v20 =	vmov v47;
	v47 =	vmul.f32 v53, v53;
	v10 =	vsub.f32 $1.500000000e+00, v51;
	[tilespmem:s16+$0x10] =	vst v4;
	v4 =	vld [tilespmem:$0x1FA30]  }
0x5ca: {  	v8 =	vmul.f32 v8, v23;
	v23 =	vmov v1;
	v1 =	vmov v9;
	v9 =	vld [tilespmem:$0x1FFF0]  }
0x5cb: {  	v11 =	vmul.f32 v11, v11;
	v6 =	vmul.f32 v6, v10;
	v10 =	vld [tilespmem:s9+$0xFFFFFF80];
	v3 =	vadd.f32 v47, v3  }
0x5cc: {  	v35 =	vmov v58;
	v58 =	vmov v52;
	v52 =	vld [tilespmem:s9+$0xFFFFFFA0];
	v5 =	vmul.f32 v60, v60  }
0x5cd: {  	v47 =	vmul.f32 v61, v61;
	v2 =	vadd.f32 v63, v2;
	v3 =	vadd.f32 v11, v3;
	v11 =	vld [tilespmem:s26+$0x20]  }
0x5ce: {  	v53 =	vmov v55;
	v55 =	vld [tilespmem:s6+$0xFFFFFFA0];
	v50 =	vmul.f32 v50, v50;
	v4 =	vmul.f32 v22, v4  }
0x5cf: {  	v17 =	vld [tilespmem:$0x1FFD0];
	v45 =	vmov v48;
	[tilespmem:$0x1FA30] =	vst v1;
	v1 =	vperm.xlane v2, v9;
	v51 =	vperm.xlane v3, v9  }
0x5d0: {  	v48 =	vld [tilespmem:s9+$0xFFFFFFB0];
	v5 =	vadd.f32 v50, v5;
	v22 =	vmovc v59;
	v59 =	vmul.f32 v10, v10;
	v4 =	vadd.f32 v8, v4  }
0x5d1: {  	v63 =	vld [tilespmem:s9+$0xFFFFFFC0];
	v62 =	vmul.f32 v62, v62;
	v1 =	vadd.f32 v1, v2;
	v2 =	vadd.f32 v51, v3  }
0x5d2: {  	v50 =	vld [tilespmem:s6+$0xFFFFFFC0];
	v11 =	vmul.f32 v11, v23;
	v8 =	vmul.f32 v52, v52;
	v3 =	vadd.f32 v47, v59  }
0x5d3: {  	[tilespmem:s28+$0x70] =	vst v4;
	v4 =	vld [tilespmem:s9+$0xFFFFFFD0];
	v59 =	vmul.f32 v55, v55;
	v1 =	vsel vm0, v1, v2;
	v2 =	vmul.f32 v22, v34  }
0x5d4: {  	v0 =	vmul.f32 v6, v0;
	v3 =	vadd.f32 v8, v3;
	v8 =	vld [tilespmem:s6+$0xFFFFFFD0];
	v47 =	vperm.xlane v1, v17  }
0x5d5: {  	v55 =	vmul.f32 v48, v48;
	v51 =	vld [tilespmem:s9+$0xFFFFFFE0];
	v5 =	vadd.f32 v59, v5;
	v2 =	vadd.f32 v11, v2  }
0x5d6: {  	v0 =	vmul.f32 v0, v6;
	v59 =	vld [tilespmem:s6+$0xFFFFFFE0];
	v11 =	vmul.f32 v63, v63;
	v1 =	vadd.f32 v1, v47  }
0x5d7: {  	v3 =	vadd.f32 v55, v3;
	v5 =	vadd.f32 v62, v5;
	v47 =	vmul.f32 v50, v50;
	v50 =	vld [tilespmem:s9+$0xFFFFFFF0];
	[tilespmem:s16+$0x20] =	vst v2  }
0x5d8: {  	v0 =	vsub.f32 $1.500000000e+00, v0;
	v34 =	vmovc v56;
	v2 =	vmul.f32 v4, v4;
	v62 =	vperm.xlane v1, v12;
	v56 =	vld [tilespmem:s26+$0x30]  }
0x5d9: {  	v3 =	vadd.f32 v11, v3;
	v5 =	vadd.f32 v47, v5;
	v8 =	vmul.f32 v8, v8  }
0x5da: {  	v0 =	vmul.f32 v0, v6;
	v11 =	vld [tilespmem:s6+$0xFFFFFFF0];
	v47 =	vmul.f32 v51, v51;
	v1 =	vadd.f32 v1, v62  }
0x5db: {  	v2 =	vadd.f32 v2, v3;
	v3 =	vadd.f32 v8, v5;
	v5 =	vmul.f32 v59, v59  }
0x5dc: {  	v55 =	vmul.f32 v50, v50;
	v62 =	vperm.xlane v1, v7  }
0x5dd: {  	[tilespmem:$0x1FB50] =	vst v13;
	v6 =	vld [tilespmem:s19+$0xFFFFFFA0];
	v7 =	vmul.f32 v22, v33;
	v13 =	vmul.f32 v56, v23  }
0x5de: {  	v12 =	vld [tilespmem:s23+$0xFFFFFFD0];
	v2 =	vadd.f32 v47, v2;
	v47 =	vperm.xlane v0, v49;
	v3 =	vadd.f32 v5, v3  }
0x5df: {  	v59 =	vld [tilespmem:s18+$0xFFFFFFE0];
	v5 =	vmul.f32 v11, v11;
	v56 =	vperm.xlane v0, v32;
	v0 =	vadd.f32 v13, v7  }
0x5e0: {  	v33 =	vmov v54;
	v54 =	vld [tilespmem:s0+$0xFFFFFFF0];
	s0 =	smov.u32 s18;
	s18 =	smov.u32 s23  }
0x5e1: {  	v8 =	vld [tilespmem:s13+$0xFFFFFFC0];
	s23 =	smov.u32 s13;
	s13 =	smov.u32 s19;
	s19 =	smov.u32 s26;
	v2 =	vadd.f32 v55, v2;
	v3 =	vadd.f32 v5, v3;
	[tilespmem:s16+$0x30] =	vst v0  }
0x5e2: {  	v1 =	vadd.f32 v1, v62;
	v5 =	vmul.f32 v56, v43;
	v11 =	vld [tilespmem:s19+$0x40]  }
0x5e3: {  	v13 =	vperm.xlane v3, v9;
	v0 =	vperm.xlane v2, v9  }
0x5e4: {  	v7 =	vmul.f32 v47, v40;
	v62 =	vmul.f32 v56, v41;
	v1 =	vmax.f32 v1, $9.999999960e-13  }
0x5e5: {  	v43 =	vmovc v10;
	v10 =	vshrl.u32 v1, $0x1;
	v3 =	vadd.f32 v13, v3;
	v0 =	vadd.f32 v0, v2  }
0x5e6: {  	v16 =	vmovc v15;
	v8 =	vmul.f32 v8, v14;
	v1 =	vmul.f32 $5.000000000e-01, v1;
	v10 =	vsub.s32 $0x5F3759DF, v10;
	v13 =	vld [tilespmem:$0x1F910]  }
0x5e7: {  	v15 =	vmovc v14;
	v0 =	vsel vm0, v0, v3;
	v3 =	vmul.f32 v22, v30;
	v14 =	vmul.f32 v11, v23  }
0x5e8: {  	s8 =	sadd.s32 $0x2, s8;
	v55 =	vmul.f32 v56, v44;
	v2 =	vmul.f32 v10, v1  }
0x5e9: {  	p0 =	slt.u32 s8, $0x7E;
	v5 =	vadd.f32 v7, v5;
	v7 =	vmul.f32 v6, v20;
	v30 =	vmovc v57;
	v57 =	vadd.f32 v14, v3;
	v3 =	vld [tilespmem:$0x1F920]  }
.Ltmp2:
0x5ea: {  	v40 =	vmovc v60;
	v41 =	vmov v61;
	v60 =	vmul.f32 v12, v16;
	v2 =	vmul.f32 v10, v2;
	(pc) =	sbr.rel @p0 .LBB2_6-.Ltmp2, $4  }
0x5eb: {  	v44 =	vmovc v48;
	v48 =	vmul.f32 v56, v37;
	v37 =	vmovc v4;
	v9 =	vmov v19;
	v7 =	vadd.f32 v7, v13  }
0x5ec: {  	[tilespmem:s16+$0xFFFFFF80] =	vst v5;
	v5 =	vmul.f32 v56, v42;
	v42 =	vmovc v52;
	v19 =	vperm.xlane v0, v17;
	v32 =	vsub.f32 $1.500000000e+00, v2  }
0x5ed: {  	v52 =	vmul.f32 v56, v39;
	v39 =	vmovc v63;
	v6 =	vld [tilespmem:s19+$0xFFFFFF90];
	v17 =	vmovc v26;
	v11 =	vmov v21;
	v13 =	vmov v16;
	[tilespmem:s28+$0xFFFFFFA0] =	vst v7  }
0x5ee: {  	s5 =	smov.u32 s9;
	s9 =	sadd.s32 $0x100, s9;
	s26 =	smov.u32 s6;
	v16 =	vmovc v27;
	v0 =	vadd.f32 v0, v19;
	v2 =	vld [tilespmem:s13+$0xFFFFFFB0];
	v61 =	vadd.f32 v8, v3;
	v3 =	vmul.f32 v10, v32  }
0x5ef: {  	v63 =	vld [tilespmem:$0x1FFE0];
	_ =	sdelay $0x3  }
0x5f0: {  	v19 =	vld [tilespmem:$0x1FFC0]  }
0x5f1: {  	v4 =	vperm.xlane v0, v63;
	_ =	sdelay $0x1  }
0x5f2: {  	v0 =	vadd.f32 v0, v4;
	_ =	sdelay $0x1  }
0x5f3: {  	v4 =	vperm.xlane v0, v19;
	_ =	sdelay $0x1  }
0x5f4: {  	v0 =	vadd.f32 v0, v4;
	_ =	sdelay $0x1  }
0x5f5: {  	v0 =	vmax.f32 v0, $9.999999960e-13  }
0x5f6: {  	v4 =	vshrl.u32 v0, $0x1;
	v0 =	vmul.f32 $5.000000000e-01, v0  }
0x5f7: {  	v4 =	vsub.s32 $0x5F3759DF, v4  }
0x5f8: {  	v7 =	vmul.f32 v4, v0;
	_ =	sdelay $0x1  }
0x5f9: {  	v7 =	vmul.f32 v4, v7  }
0x5fa: {  	v1 =	vmul.f32 v3, v1  }
0x5fb: {  	v7 =	vsub.f32 $1.500000000e+00, v7  }
0x5fc: {  	v1 =	vmul.f32 v1, v3  }
0x5fd: {  	v4 =	vmul.f32 v4, v7  }
0x5fe: {  	v1 =	vsub.f32 $1.500000000e+00, v1  }
0x5ff: {  	v0 =	vmul.f32 v4, v0  }
0x600: {  	v1 =	vmul.f32 v1, v3  }
0x601: {  	v8 =	vimm.s32 $0x0;
	v7 =	vimm.s32 $0x8;
	v0 =	vmul.f32 v0, v4  }
0x602: {  	v12 =	vperm.xlane v1, v8;
	v49 =	vperm.xlane v1, v7  }
0x603: {  	v0 =	vsub.f32 $1.500000000e+00, v0  }
0x604: {  	v1 =	vmul.f32 v12, v36;
	v3 =	vmul.f32 v49, v46  }
0x605: {  	v0 =	vmul.f32 v0, v4  }
0x606: {  	v1 =	vadd.f32 v3, v1  }
0x607: {  	v46 =	vperm.xlane v0, v8;
	v14 =	vperm.xlane v0, v7  }
0x608: {  	[tilespmem:s5+$0x0] =	vst v1  }
0x609: {  	v0 =	vld [tilespmem:s26+$0x10];
	v1 =	vmul.f32 v46, v43;
	v3 =	vmul.f32 v14, v40;
	_ =	sdelay $0x1  }
0x60a: {  	v1 =	vadd.f32 v3, v1;
	_ =	sdelay $0x1  }
0x60b: {  	[tilespmem:s5+$0xFFFFFF80] =	vst v1  }
0x60c: {  	v0 =	vmul.f32 v0, v49;
	v1 =	vmul.f32 v12, v35;
	v3 =	vld [tilespmem:s26+$0xFFFFFF90];
	_ =	sdelay $0x1  }
0x60d: {  	v0 =	vadd.f32 v0, v1;
	_ =	sdelay $0x1  }
0x60e: {  	v1 =	vmul.f32 v6, v47;
	[tilespmem:s5+$0x10] =	vst v0  }
0x60f: {  	v4 =	vmul.f32 v46, v41;
	v0 =	vld [tilespmem:s26+$0x20];
	v3 =	vmul.f32 v3, v14  }
0x610: {  	v1 =	vadd.f32 v1, v62  }
0x611: {  	v3 =	vadd.f32 v3, v4  }
0x612: {  	[tilespmem:s16+$0xFFFFFF90] =	vst v1  }
0x613: {  	v1 =	vld [tilespmem:s19+$0xFFFFFFA0];
	[tilespmem:s5+$0xFFFFFF90] =	vst v3  }
0x614: {  	v3 =	vmul.f32 v12, v34;
	v0 =	vmul.f32 v0, v49;
	v4 =	vld [tilespmem:s26+$0xFFFFFFA0];
	_ =	sdelay $0x1  }
0x615: {  	v0 =	vadd.f32 v0, v3;
	_ =	sdelay $0x1  }
0x616: {  	[tilespmem:s5+$0x20] =	vst v0;
	v0 =	vmul.f32 v1, v47  }
0x617: {  	v3 =	vmul.f32 v46, v42;
	v1 =	vld [tilespmem:s26+$0x30];
	v4 =	vmul.f32 v4, v14  }
0x618: {  	v0 =	vadd.f32 v0, v5  }
0x619: {  	v3 =	vadd.f32 v4, v3  }
0x61a: {  	[tilespmem:s16+$0xFFFFFFA0] =	vst v0  }
0x61b: {  	v0 =	vld [tilespmem:s19+$0xFFFFFFB0];
	[tilespmem:s5+$0xFFFFFFA0] =	vst v3  }
0x61c: {  	v3 =	vmul.f32 v12, v33;
	v1 =	vmul.f32 v1, v49;
	v4 =	vld [tilespmem:s26+$0xFFFFFFB0];
	_ =	sdelay $0x1  }
0x61d: {  	v1 =	vadd.f32 v1, v3  }
0x61e: {  	v2 =	vmul.f32 v2, v20  }
0x61f: {  	[tilespmem:s5+$0x30] =	vst v1;
	v0 =	vmul.f32 v0, v47  }
0x620: {  	v3 =	vmul.f32 v46, v44;
	v1 =	vadd.f32 v2, v53;
	v2 =	vld [tilespmem:s26+$0x40];
	v4 =	vmul.f32 v4, v14  }
0x621: {  	v0 =	vadd.f32 v0, v55  }
0x622: {  	[tilespmem:s28+$0xFFFFFFB0] =	vst v1;
	v1 =	vadd.f32 v4, v3  }
0x623: {  	v3 =	vld [tilespmem:s13+$0xFFFFFFC0];
	[tilespmem:s16+$0xFFFFFFB0] =	vst v0  }
0x624: {  	v0 =	vld [tilespmem:s19+$0xFFFFFFC0];
	[tilespmem:s5+$0xFFFFFFB0] =	vst v1  }
0x625: {  	v1 =	vmul.f32 v12, v30;
	v2 =	vmul.f32 v2, v49;
	v4 =	vld [tilespmem:s26+$0xFFFFFFC0]  }
0x626: {  	[tilespmem:s16+$0x40] =	vst v57  }
0x627: {  	v1 =	vadd.f32 v2, v1;
	v2 =	vld [tilespmem:s19+$0x50]  }
0x628: {  	v3 =	vmul.f32 v3, v20  }
0x629: {  	v0 =	vmul.f32 v0, v47  }
0x62a: {  	[tilespmem:s5+$0x40] =	vst v1;
	v1 =	vmul.f32 v46, v39;
	v3 =	vadd.f32 v3, v58;
	v4 =	vmul.f32 v4, v14  }
0x62b: {  	[tilespmem:s22+$0xFFFFFFC0] =	vst v61;
	v5 =	vld [tilespmem:s26+$0x50];
	v0 =	vadd.f32 v0, v52  }
0x62c: {  	[tilespmem:s28+$0xFFFFFFC0] =	vst v3;
	v3 =	vmul.f32 v22, v17;
	v2 =	vmul.f32 v2, v23;
	v1 =	vadd.f32 v4, v1  }
0x62d: {  	v6 =	vld [tilespmem:s23+$0xFFFFFFD0];
	[tilespmem:s16+$0xFFFFFFC0] =	vst v0  }
0x62e: {  	v4 =	vld [tilespmem:s13+$0xFFFFFFD0];
	[tilespmem:s5+$0xFFFFFFC0] =	vst v1;
	v1 =	vadd.f32 v2, v3  }
0x62f: {  	v0 =	vld [tilespmem:s19+$0xFFFFFFD0]  }
0x630: {  	v3 =	vmul.f32 v5, v49;
	v5 =	vld [tilespmem:s26+$0xFFFFFFD0];
	[tilespmem:s16+$0x50] =	vst v1  }
0x631: {  	v2 =	vmul.f32 v12, v31;
	v7 =	vld [tilespmem:$0x1FB10];
	_ =	sdelay $0x1  }
0x632: {  	v2 =	vadd.f32 v3, v2;
	v4 =	vmul.f32 v4, v20  }
0x633: {  	v1 =	vmul.f32 v6, v15;
	v3 =	vadd.f32 v60, v18  }
0x634: {  	[tilespmem:s5+$0x50] =	vst v2;
	v0 =	vmul.f32 v0, v47;
	v4 =	vadd.f32 v4, v45  }
0x635: {  	[tilespmem:s3+$0xFFFFFFD0] =	vst v3;
	v2 =	vmul.f32 v46, v37;
	v5 =	vmul.f32 v5, v14;
	v1 =	vadd.f32 v1, v7  }
0x636: {  	v0 =	vadd.f32 v0, v48;
	[tilespmem:s28+$0xFFFFFFD0] =	vst v4  }
0x637: {  	v2 =	vadd.f32 v5, v2;
	[tilespmem:s22+$0xFFFFFFD0] =	vst v1  }
0x638: {  	v4 =	vld [tilespmem:$0x1FA20];
	[tilespmem:s16+$0xFFFFFFD0] =	vst v0  }
0x639: {  	v6 =	vld [tilespmem:s19+$0x60];
	[tilespmem:s5+$0xFFFFFFD0] =	vst v2  }
0x63a: {  	v10 =	vld [tilespmem:$0x1F9C0];
	_ =	sdelay $0x1  }
0x63b: {  	v3 =	vld [tilespmem:s26+$0x60]  }
0x63c: {  	v0 =	vmul.f32 v59, v11  }
0x63d: {  	v5 =	vmul.f32 v6, v23;
	v6 =	vld [tilespmem:s13+$0xFFFFFFE0];
	v4 =	vmul.f32 v22, v4  }
0x63e: {  	v0 =	vadd.f32 v0, v10  }
0x63f: {  	v1 =	vld [tilespmem:s23+$0xFFFFFFE0];
	v2 =	vadd.f32 v5, v4  }
0x640: {  	v7 =	vld [tilespmem:s18+$0xFFFFFFE0];
	v3 =	vmul.f32 v3, v49;
	v4 =	vmul.f32 v12, v29;
	[tilespmem:s31+$0xFFFFFFE0] =	vst v0  }
0x641: {  	v8 =	vld [tilespmem:s19+$0xFFFFFFE0];
	[tilespmem:s16+$0x60] =	vst v2  }
0x642: {  	v2 =	vadd.f32 v3, v4;
	v4 =	vmul.f32 v6, v20;
	v6 =	vld [tilespmem:$0x1FA90]  }
0x643: {  	v3 =	vld [tilespmem:$0x1F9F0]  }
0x644: {  	v1 =	vmul.f32 v1, v15;
	v5 =	vld [tilespmem:s26+$0xFFFFFFE0];
	_ =	sdelay $0x1  }
0x645: {  	v7 =	vmul.f32 v7, v13;
	v1 =	vadd.f32 v1, v25  }
0x646: {  	[tilespmem:s5+$0x60] =	vst v2;
	v2 =	vmul.f32 v8, v47;
	v4 =	vadd.f32 v4, v38;
	v6 =	vmul.f32 v56, v6  }
0x647: {  	[tilespmem:s22+$0xFFFFFFE0] =	vst v1;
	v3 =	vadd.f32 v7, v3  }
0x648: {  	v8 =	vmul.f32 v46, v51;
	v5 =	vmul.f32 v5, v14;
	[tilespmem:s28+$0xFFFFFFE0] =	vst v4;
	v1 =	vadd.f32 v2, v6  }
0x649: {  	[tilespmem:s3+$0xFFFFFFE0] =	vst v3  }
0x64a: {  	v4 =	vadd.f32 v5, v8;
	v5 =	vld [tilespmem:$0x1FA30];
	[tilespmem:s16+$0xFFFFFFE0] =	vst v1  }
0x64b: {  	v1 =	vld [tilespmem:$0x1F950];
	_ =	sdelay $0x2  }
0x64c: {  	v2 =	vmul.f32 v54, v9;
	_ =	sdelay $0x1  }
0x64d: {  	v0 =	vld [tilespmem:s19+$0x70];
	v1 =	vadd.f32 v2, v1  }
0x64e: {  	v7 =	vld [tilespmem:s0+$0xFFFFFFF0];
	[tilespmem:s5+$0xFFFFFFE0] =	vst v4  }
0x64f: {  	v4 =	vld [tilespmem:$0x1FB50];
	[tilespmem:s30+$0xFFFFFFF0] =	vst v1  }
0x650: {  	v1 =	vld [tilespmem:$0x1F9D0];
	_ =	sdelay $0x1  }
0x651: {  	v0 =	vmul.f32 v0, v23;
	v5 =	vmul.f32 v22, v5  }
0x652: {  	v2 =	vmul.f32 v7, v11  }
0x653: {  	v8 =	vld [tilespmem:s13+$0xFFFFFFF0];
	v0 =	vadd.f32 v0, v5  }
0x654: {  	v3 =	vld [tilespmem:s26+$0x70];
	v1 =	vadd.f32 v2, v1  }
0x655: {  	v10 =	vld [tilespmem:s18+$0xFFFFFFF0];
	[tilespmem:s16+$0x70] =	vst v0  }
0x656: {  	v6 =	vld [tilespmem:s23+$0xFFFFFFF0];
	[tilespmem:s31+$0xFFFFFFF0] =	vst v1  }
0x657: {  	v1 =	vld [tilespmem:$0x1FA00]  }
0x658: {  	v7 =	vld [tilespmem:s19+$0xFFFFFFF0]  }
0x659: {  	v3 =	vmul.f32 v3, v49;
	v5 =	vld [tilespmem:s26+$0xFFFFFFF0];
	v4 =	vmul.f32 v12, v4  }
0x65a: {  	v2 =	vmul.f32 v10, v13  }
0x65b: {  	v0 =	vadd.f32 v3, v4;
	v3 =	vmul.f32 v6, v15  }
0x65c: {  	v1 =	vadd.f32 v2, v1;
	v2 =	vmul.f32 v8, v20  }
0x65d: {  	v4 =	vmul.f32 v56, v16;
	[tilespmem:s5+$0x70] =	vst v0;
	v0 =	vadd.f32 v3, v24;
	v3 =	vmul.f32 v7, v47  }
0x65e: {  	v6 =	vmul.f32 v46, v50;
	[tilespmem:s3+$0xFFFFFFF0] =	vst v1;
	v1 =	vadd.f32 v2, v28;
	v2 =	vmul.f32 v5, v14  }
0x65f: {  	[tilespmem:s22+$0xFFFFFFF0] =	vst v0;
	v0 =	vadd.f32 v3, v4  }
0x660: {  	[tilespmem:s28+$0xFFFFFFF0] =	vst v1;
	v1 =	vadd.f32 v2, v6  }
0x661: {  	[tilespmem:s16+$0xFFFFFFF0] =	vst v0  }
0x662: {  	[tilespmem:s5+$0xFFFFFFF0] =	vst v1  }
0x663: {  	s31 =	simm.s32 $0x0;
	s3 =	rddreg [dreg:$0x9]  }
0x664: {  	[hbm4b:s3+s31] =	stream.linear.scatter [tilespmem:s15], [sflag:$0x3], $0x4000, $0x38;
	[tilespmem:$0x10400] =	vst v63  }
0x665: {  	_ =	swait.ge [sflag:s24], $0x4000  }
0x666: {  	[sflag:s24] =	ssyncset.done $0x0  }
0x667: {  	[sflag:s24] =	ssyncadd.s32 $0xFFFFC000  }
0x668: {  	_ =	swait.ge [sflag:s24], $0x4000  }
0x669: {  	[sflag:s24] =	ssyncset.done $0x0  }
0x66a: {  	s0 =	simm.s32 $0x0;
	[sflag:s24] =	ssyncadd.s32 $0xFFFFC000  }
0x66b: {  	v23 =	vld [tilespmem:s0+$0x4480]  }
0x66c: {  	v26 =	vld [tilespmem:s0+$0xC480]  }
0x66d: {  	v38 =	vld [tilespmem:s0+$0x4490]  }
0x66e: {  	v0 =	vld [tilespmem:s0+$0xC490]  }
0x66f: {  	v37 =	vld [tilespmem:s0+$0x44A0]  }
0x670: {  	v1 =	vld [tilespmem:s0+$0xC4A0]  }
0x671: {  	v8 =	vld [tilespmem:s0+$0x44B0]  }
0x672: {  	v4 =	vld [tilespmem:s0+$0xC4B0]  }
0x673: {  	v6 =	vld [tilespmem:s0+$0x44C0];
	v2 =	vmul.f32 v23, v23;
	v3 =	vmul.f32 v26, v26  }
0x674: {  	v5 =	vmul.f32 v38, v38;
	v0 =	vmul.f32 v0, v0  }
0x675: {  	v9 =	vld [tilespmem:s0+$0xC4C0];
	v7 =	vmul.f32 v37, v37  }
0x676: {  	v62 =	vld [tilespmem:s0+$0x44D0];
	v1 =	vmul.f32 v1, v1;
	v2 =	vadd.f32 v5, v2;
	v0 =	vadd.f32 v0, v3  }
0x677: {  	v3 =	vmul.f32 v8, v8;
	v5 =	vld [tilespmem:s0+$0xC4D0]  }
0x678: {  	v36 =	vld [tilespmem:s0+$0x44E0];
	[tilespmem:$0x1F8E0] =	vst v6;
	v2 =	vadd.f32 v7, v2;
	v0 =	vadd.f32 v1, v0;
	v1 =	vmul.f32 v4, v4  }
0x679: {  	v10 =	vld [tilespmem:s0+$0xC4E0];
	v4 =	vmul.f32 v6, v6  }
0x67a: {  	v17 =	vld [tilespmem:s0+$0x44F0];
	v2 =	vadd.f32 v3, v2;
	v0 =	vadd.f32 v1, v0;
	v1 =	vmul.f32 v9, v9  }
0x67b: {  	v3 =	vmul.f32 v62, v62;
	v9 =	vld [tilespmem:s0+$0xC4F0]  }
0x67c: {  	v61 =	vld [tilespmem:$0x1FFD0];
	v2 =	vadd.f32 v4, v2;
	v0 =	vadd.f32 v1, v0;
	v1 =	vmul.f32 v5, v5  }
0x67d: {  	v35 =	vld [tilespmem:s0+$0x4400];
	v4 =	vmul.f32 v36, v36  }
0x67e: {  	v34 =	vld [tilespmem:s0+$0xC410];
	v2 =	vadd.f32 v3, v2;
	v0 =	vadd.f32 v1, v0;
	v1 =	vmul.f32 v10, v10  }
0x67f: {  	v6 =	vld [tilespmem:$0x1FFF0];
	v3 =	vmul.f32 v17, v17  }
0x680: {  	v33 =	vld [tilespmem:s0+$0x4410];
	v2 =	vadd.f32 v4, v2;
	v0 =	vadd.f32 v1, v0;
	v1 =	vmul.f32 v9, v9  }
0x681: {  	v32 =	vld [tilespmem:s0+$0xC400]  }
0x682: {  	v30 =	vld [tilespmem:s0+$0x4420];
	v2 =	vadd.f32 v3, v2;
	v0 =	vadd.f32 v1, v0  }
0x683: {  	v12 =	vmul.f32 v34, v34;
	v3 =	vld [tilespmem:s0+$0xC420]  }
0x684: {  	v31 =	vld [tilespmem:s0+$0x4430];
	v4 =	vperm.xlane v2, v6;
	v5 =	vperm.xlane v0, v6  }
0x685: {  	v11 =	vld [tilespmem:s0+$0xC430];
	v10 =	vmul.f32 v33, v33;
	v1 =	vmul.f32 v35, v35  }
0x686: {  	v39 =	vld [tilespmem:s0+$0x4440];
	v9 =	vmul.f32 v32, v32;
	v2 =	vadd.f32 v4, v2;
	v0 =	vadd.f32 v5, v0  }
0x687: {  	v1 =	vadd.f32 v10, v1;
	v4 =	vmul.f32 v30, v30;
	v5 =	vld [tilespmem:s0+$0xC440]  }
0x688: {  	v40 =	vld [tilespmem:s0+$0x4450];
	v9 =	vadd.f32 v12, v9;
	v3 =	vmul.f32 v3, v3;
	v0 =	vsel vm0, v2, v0  }
0x689: {  	v1 =	vadd.f32 v4, v1;
	v2 =	vmul.f32 v31, v31;
	v4 =	vld [tilespmem:s0+$0xC450];
	v10 =	vperm.xlane v0, v61  }
0x68a: {  	v41 =	vld [tilespmem:s0+$0x4460];
	v11 =	vmul.f32 v11, v11;
	v3 =	vadd.f32 v3, v9  }
0x68b: {  	v9 =	vmul.f32 v39, v39;
	v1 =	vadd.f32 v2, v1;
	v2 =	vld [tilespmem:s0+$0xC460];
	v0 =	vadd.f32 v0, v10  }
0x68c: {  	v43 =	vld [tilespmem:s0+$0x4470];
	v5 =	vmul.f32 v5, v5;
	v3 =	vadd.f32 v11, v3  }
0x68d: {  	v10 =	vmul.f32 v40, v40;
	v11 =	vld [tilespmem:s0+$0xC470];
	v1 =	vadd.f32 v9, v1;
	v9 =	vperm.xlane v0, v63  }
0x68e: {  	v4 =	vmul.f32 v4, v4;
	v3 =	vadd.f32 v5, v3  }
0x68f: {  	v5 =	vmul.f32 v41, v41;
	v1 =	vadd.f32 v10, v1;
	v0 =	vadd.f32 v0, v9  }
0x690: {  	v2 =	vmul.f32 v2, v2;
	v3 =	vadd.f32 v4, v3  }
0x691: {  	v4 =	vmul.f32 v43, v43;
	v1 =	vadd.f32 v5, v1;
	v5 =	vperm.xlane v0, v19  }
0x692: {  	v9 =	vmul.f32 v11, v11;
	v2 =	vadd.f32 v2, v3  }
0x693: {  	v1 =	vadd.f32 v4, v1;
	v0 =	vadd.f32 v0, v5  }
0x694: {  	v2 =	vadd.f32 v9, v2  }
0x695: {  	v3 =	vperm.xlane v1, v6;
	v0 =	vmax.f32 v0, $9.999999960e-13  }
0x696: {  	v4 =	vperm.xlane v2, v6;
	v5 =	vshrl.u32 v0, $0x1;
	v0 =	vmul.f32 $5.000000000e-01, v0  }
0x697: {  	v5 =	vsub.s32 $0x5F3759DF, v5  }
0x698: {  	v1 =	vadd.f32 v3, v1;
	v2 =	vadd.f32 v4, v2;
	v3 =	vmul.f32 v5, v0;
	_ =	sdelay $0x1  }
0x699: {  	v1 =	vsel vm0, v1, v2;
	v2 =	vmul.f32 v5, v3  }
0x69a: {  	v3 =	vperm.xlane v1, v61  }
0x69b: {  	v2 =	vsub.f32 $1.500000000e+00, v2  }
0x69c: {  	v1 =	vadd.f32 v1, v3  }
0x69d: {  	v44 =	vld [tilespmem:s0+$0xC420];
	v2 =	vmul.f32 v5, v2  }
0x69e: {  	s3 =	simm.s32 $0x100;
	v42 =	vld [tilespmem:s0+$0xC430];
	v3 =	vperm.xlane v1, v63  }
0x69f: {  	v13 =	vld [tilespmem:s3+$0x44B0];
	v0 =	vmul.f32 v2, v0  }
0x6a0: {  	v9 =	vld [tilespmem:s3+$0xC480];
	v1 =	vadd.f32 v1, v3  }
0x6a1: {  	v7 =	vld [tilespmem:s3+$0x4490];
	v0 =	vmul.f32 v0, v2  }
0x6a2: {  	v10 =	vld [tilespmem:s3+$0x44A0];
	v3 =	vperm.xlane v1, v19  }
0x6a3: {  	v5 =	vld [tilespmem:s3+$0x4480];
	v0 =	vsub.f32 $1.500000000e+00, v0  }
0x6a4: {  	v1 =	vadd.f32 v1, v3;
	v3 =	vld [tilespmem:s3+$0xC490]  }
0x6a5: {  	v0 =	vmul.f32 v0, v2;
	v2 =	vld [tilespmem:s3+$0xC4A0];
	[tilespmem:$0x1F8F0] =	vst v9  }
0x6a6: {  	v16 =	vld [tilespmem:s3+$0xC4B0];
	[tilespmem:$0x1F900] =	vst v7  }
0x6a7: {  	v18 =	vmul.f32 v7, v7;
	v15 =	vmul.f32 v9, v9;
	v1 =	vmax.f32 v1, $9.999999960e-13;
	v14 =	vld [tilespmem:s3+$0x44C0]  }
0x6a8: {  	v52 =	vimm.s32 $0x0;
	v12 =	vmovc v5;
	v5 =	vmul.f32 v5, v5;
	v4 =	vmul.f32 $5.000000000e-01, v1;
	v21 =	vld [tilespmem:s3+$0xC4C0]  }
0x6a9: {  	v1 =	vshrl.u32 v1, $0x1;
	v7 =	vimm.s32 $0x8;
	v20 =	vperm.xlane v0, v52;
	v24 =	vld [tilespmem:s3+$0xC4D0]  }
0x6aa: {  	v11 =	vmovc v19;
	v1 =	vsub.s32 $0x5F3759DF, v1;
	v19 =	vperm.xlane v0, v7;
	v25 =	vld [tilespmem:s3+$0xC4E0];
	v3 =	vmul.f32 v3, v3  }
0x6ab: {  	v5 =	vadd.f32 v18, v5;
	v0 =	vmul.f32 v10, v10;
	v60 =	vld [tilespmem:s3+$0xC440];
	v18 =	vmul.f32 v1, v4  }
0x6ac: {  	v47 =	vmul.f32 v19, v26;
	v26 =	vld [tilespmem:s3+$0x4450];
	v3 =	vadd.f32 v3, v15;
	v2 =	vmul.f32 v2, v2  }
0x6ad: {  	v22 =	vmul.f32 v13, v13;
	v0 =	vadd.f32 v0, v5;
	v15 =	vld [tilespmem:s3+$0x44D0];
	v5 =	vmul.f32 v1, v18  }
0x6ae: {  	v27 =	vmul.f32 v20, v17;
	v2 =	vadd.f32 v2, v3;
	v3 =	vmul.f32 v16, v16;
	v16 =	vld [tilespmem:s3+$0x44E0]  }
0x6af: {  	v29 =	vld [tilespmem:s3+$0x44F0];
	v0 =	vadd.f32 v22, v0;
	v18 =	vmul.f32 v14, v14;
	v5 =	vsub.f32 $1.500000000e+00, v5  }
0x6b0: {  	v28 =	vld [tilespmem:s3+$0xC4F0];
	v45 =	vmul.f32 v20, v23;
	v2 =	vadd.f32 v3, v2;
	v3 =	vmul.f32 v21, v21  }
0x6b1: {  	v55 =	vld [tilespmem:s0+$0xC4F0];
	v51 =	vmul.f32 v60, v60;
	v0 =	vadd.f32 v18, v0;
	v1 =	vmul.f32 v1, v5  }
0x6b2: {  	v17 =	vld [tilespmem:s3+$0x4410];
	v21 =	vmul.f32 v15, v15;
	v2 =	vadd.f32 v3, v2;
	v3 =	vmul.f32 v24, v24  }
0x6b3: {  	v23 =	vld [tilespmem:s3+$0x4430];
	v60 =	vmul.f32 v26, v26;
	v5 =	vmul.f32 v16, v16  }
0x6b4: {  	v18 =	vld [tilespmem:s3+$0x4400];
	v0 =	vadd.f32 v21, v0;
	v2 =	vadd.f32 v3, v2;
	v3 =	vmul.f32 v25, v25  }
0x6b5: {  	v22 =	vld [tilespmem:s3+$0xC410];
	v4 =	vmul.f32 v1, v4;
	v25 =	vmul.f32 v29, v29  }
0x6b6: {  	v21 =	vld [tilespmem:s3+$0xC400];
	v0 =	vadd.f32 v5, v0;
	v2 =	vadd.f32 v3, v2;
	v3 =	vmul.f32 v28, v28  }
0x6b7: {  	v24 =	vld [tilespmem:s3+$0x4420];
	v4 =	vmul.f32 v4, v1;
	v5 =	vmul.f32 v55, v19  }
0x6b8: {  	v55 =	vmul.f32 v23, v23;
	v28 =	vld [tilespmem:s3+$0xC420];
	v0 =	vadd.f32 v25, v0;
	v2 =	vadd.f32 v3, v2  }
0x6b9: {  	v25 =	vld [tilespmem:s3+$0x4440];
	v3 =	vadd.f32 v5, v27;
	v5 =	vmul.f32 v18, v18;
	v27 =	vmul.f32 v17, v17  }
0x6ba: {  	v46 =	vld [tilespmem:s3+$0xC430];
	v4 =	vsub.f32 $1.500000000e+00, v4;
	v56 =	vperm.xlane v0, v6;
	v57 =	vperm.xlane v2, v6  }
0x6bb: {  	v58 =	vmul.f32 v21, v21;
	v5 =	vadd.f32 v27, v5;
	v27 =	vmul.f32 v22, v22  }
0x6bc: {  	v59 =	vmul.f32 v24, v24;
	v0 =	vadd.f32 v56, v0;
	v56 =	vld [tilespmem:s3+$0xC450];
	v2 =	vadd.f32 v57, v2  }
0x6bd: {  	v1 =	vmul.f32 v4, v1;
	v28 =	vmul.f32 v28, v28;
	v54 =	vadd.f32 v27, v58  }
0x6be: {  	v48 =	vld [tilespmem:s0+$0xC460];
	v5 =	vadd.f32 v59, v5;
	v59 =	vmul.f32 v25, v25;
	v0 =	vsel vm0, v0, v2  }
0x6bf: {  	v27 =	vld [tilespmem:s3+$0x4460];
	v2 =	vmul.f32 v46, v46;
	v57 =	vadd.f32 v28, v54;
	v58 =	vperm.xlane v0, v61  }
0x6c0: {  	v4 =	vadd.f32 v55, v5;
	v5 =	vld [tilespmem:s3+$0xC460];
	v46 =	vperm.xlane v1, v52;
	v1 =	vperm.xlane v1, v7  }
0x6c1: {  	v28 =	vld [tilespmem:s3+$0x4470];
	v2 =	vadd.f32 v2, v57;
	v50 =	vmul.f32 v56, v56;
	v0 =	vadd.f32 v0, v58  }
0x6c2: {  	v57 =	vld [tilespmem:s3+$0xC470];
	v4 =	vadd.f32 v59, v4;
	v32 =	vmul.f32 v1, v32;
	v56 =	vmul.f32 v46, v33  }
0x6c3: {  	v49 =	vld [tilespmem:s0+$0xC440];
	v44 =	vmul.f32 v44, v1;
	v2 =	vadd.f32 v51, v2;
	v58 =	vperm.xlane v0, v63  }
0x6c4: {  	v53 =	vld [tilespmem:s0+$0xC450];
	v41 =	vmul.f32 v46, v41;
	v59 =	vmul.f32 v27, v27;
	v4 =	vadd.f32 v60, v4  }
0x6c5: {  	v54 =	vld [tilespmem:s0+$0xC490];
	v5 =	vmul.f32 v5, v5;
	v2 =	vadd.f32 v50, v2;
	v0 =	vadd.f32 v0, v58  }
0x6c6: {  	v55 =	vld [tilespmem:s0+$0xC4A0];
	v48 =	vmul.f32 v48, v1;
	v60 =	vmul.f32 v28, v28;
	v4 =	vadd.f32 v59, v4  }
0x6c7: {  	v33 =	vld [tilespmem:s0+$0xC4E0];
	v52 =	vmul.f32 v57, v57;
	v2 =	vadd.f32 v5, v2;
	v5 =	vperm.xlane v0, v11  }
0x6c8: {  	v51 =	vmul.f32 v46, v35;
	v35 =	vld [tilespmem:s0+$0xC4C0];
	v48 =	vadd.f32 v48, v41;
	v4 =	vadd.f32 v60, v4  }
0x6c9: {  	v41 =	vld [tilespmem:s3+$0xC4C0];
	v59 =	vmul.f32 v46, v39;
	v2 =	vadd.f32 v52, v2;
	v0 =	vadd.f32 v0, v5  }
0x6ca: {  	v50 =	vld [tilespmem:s0+$0xC470];
	v5 =	vadd.f32 v47, v45;
	v45 =	vmul.f32 v46, v30;
	v30 =	vperm.xlane v4, v6  }
0x6cb: {  	v39 =	vld [tilespmem:s3+$0xC490];
	v58 =	vmul.f32 v34, v1;
	v60 =	vperm.xlane v2, v6;
	v0 =	vmax.f32 v0, $9.999999960e-13  }
0x6cc: {  	v57 =	vld [tilespmem:s0+$0xC4B0];
	v4 =	vadd.f32 v30, v4;
	v30 =	vshrl.u32 v0, $0x1;
	v0 =	vmul.f32 $5.000000000e-01, v0  }
0x6cd: {  	v34 =	vld [tilespmem:s0+$0xC4D0];
	v56 =	vadd.f32 v58, v56;
	v47 =	vadd.f32 v32, v51;
	v51 =	vsub.s32 $0x5F3759DF, v30  }
0x6ce: {  	[tilespmem:s0+$0x44F0] =	vst v3;
	v52 =	vmul.f32 v46, v31;
	v31 =	vld [tilespmem:s3+$0xC440];
	v2 =	vadd.f32 v60, v2;
	v58 =	vmul.f32 v51, v0  }
0x6cf: {  	v32 =	vld [tilespmem:s3+$0xC420];
	v3 =	vadd.f32 v44, v45;
	[tilespmem:s0+$0x4400] =	vst v47;
	v47 =	vmul.f32 v46, v43;
	v43 =	vmul.f32 v49, v1  }
0x6d0: {  	[tilespmem:s0+$0x4480] =	vst v5;
	v45 =	vld [tilespmem:s3+$0xC470];
	v2 =	vsel vm0, v4, v2;
	v4 =	vmul.f32 v42, v1;
	v58 =	vmul.f32 v51, v58  }
0x6d1: {  	v50 =	vmul.f32 v50, v1;
	v44 =	vld [tilespmem:s3+$0xC4A0];
	[tilespmem:s0+$0x4420] =	vst v3;
	v3 =	vadd.f32 v43, v59;
	v5 =	vperm.xlane v2, v61  }
0x6d2: {  	v60 =	vmul.f32 v46, v40;
	v40 =	vld [tilespmem:s3+$0xC460];
	v4 =	vadd.f32 v4, v52;
	v52 =	vsub.f32 $1.500000000e+00, v58  }
0x6d3: {  	[tilespmem:s0+$0x4460] =	vst v48;
	v49 =	vmul.f32 v55, v19;
	v46 =	vld [tilespmem:s3+$0xC4B0];
	v5 =	vadd.f32 v2, v5;
	v58 =	vmul.f32 v53, v1  }
0x6d4: {  	v30 =	vld [tilespmem:s3+$0xC430];
	[tilespmem:s0+$0x4440] =	vst v3;
	v3 =	vmul.f32 v20, v37;
	v1 =	vmul.f32 v51, v52  }
0x6d5: {  	v43 =	vld [tilespmem:s3+$0xC4D0];
	v2 =	vmul.f32 v20, v38;
	[tilespmem:s0+$0x4430] =	vst v4;
	v4 =	vadd.f32 v58, v60;
	v60 =	vperm.xlane v5, v63  }
0x6d6: {  	[tilespmem:s0+$0x4410] =	vst v56;
	v50 =	vadd.f32 v50, v47;
	v47 =	vld [tilespmem:s3+$0xC4E0];
	v38 =	vmul.f32 v54, v19;
	v0 =	vmul.f32 v1, v0  }
0x6d7: {  	s6 =	simm.s32 $0x800;
	s5 =	simm.s32 $0x2;
	v42 =	vld [tilespmem:s3+$0xC450];
	v52 =	vadd.f32 v5, v60;
	[tilespmem:s0+$0x4450] =	vst v4;
	v4 =	vmul.f32 v20, v8;
	v5 =	vmul.f32 v57, v19  }
.LBB2_8:
0x6d8: {  	v6 =	vld [tilespmem:$0x1FFC0]  }
0x6d9: {  	v7 =	vmov v10  }
0x6da: {  	[tilespmem:$0x1F8D0] =	vst v7;
	v7 =	vld [tilespmem:$0x1F8E0]  }
0x6db: {  	s8 =	sshra.s32 s6, $0x2;
	v48 =	vld [tilespmem:s3+$0xC4F0];
	v2 =	vadd.f32 v38, v2  }
0x6dc: {  	v0 =	vmul.f32 v0, v1;
	v54 =	vld [tilespmem:s8+$0x4480];
	v3 =	vadd.f32 v49, v3  }
0x6dd: {  	v35 =	vmul.f32 v35, v19;
	v55 =	vld [tilespmem:s8+$0xC480];
	[tilespmem:s0+$0x4490] =	vst v2;
	v9 =	vperm.xlane v52, v6  }
0x6de: {  	v0 =	vsub.f32 $1.500000000e+00, v0;
	v2 =	vmul.f32 v20, v62;
	v38 =	vld [tilespmem:s8+$0x4490];
	[tilespmem:s0+$0x44A0] =	vst v3;
	v3 =	vadd.f32 v5, v4  }
0x6df: {  	v4 =	vmul.f32 v34, v19;
	v60 =	vmul.f32 v20, v7;
	v9 =	vadd.f32 v52, v9  }
0x6e0: {  	v5 =	vmul.f32 v20, v36;
	v62 =	vld [tilespmem:s8+$0xC490];
	v0 =	vmul.f32 v0, v1  }
0x6e1: {  	v8 =	vmovc v14;
	v1 =	vmul.f32 v33, v19;
	v10 =	vld [tilespmem:s8+$0x44A0];
	[tilespmem:s0+$0x44B0] =	vst v3;
	v3 =	vadd.f32 v35, v60;
	v7 =	vmax.f32 v9, $9.999999960e-13  }
0x6e2: {  	v37 =	vmovc v13;
	v11 =	vmovc v15;
	[tilespmem:$0x1F8E0] =	vst v8;
	v8 =	vimm.s32 $0x8;
	v2 =	vadd.f32 v4, v2;
	v15 =	vld [tilespmem:s8+$0xC4A0];
	v13 =	vshrl.u32 v7, $0x1  }
0x6e3: {  	v53 =	vmovc v42;
	v19 =	vperm.xlane v0, v8;
	v1 =	vadd.f32 v1, v5;
	v42 =	vsub.s32 $0x5F3759DF, v13;
	v13 =	vld [tilespmem:s8+$0x44B0];
	[tilespmem:s0+$0x44C0] =	vst v3  }
0x6e4: {  	[tilespmem:s0+$0x4470] =	vst v50;
	v5 =	vmul.f32 v38, v38;
	v56 =	vmul.f32 $5.000000000e-01, v7;
	v7 =	vimm.s32 $0x0;
	v3 =	vld [tilespmem:s8+$0xC4B0]  }
0x6e5: {  	v20 =	vperm.xlane v0, v7;
	v0 =	vmul.f32 v54, v54;
	v14 =	vld [tilespmem:s8+$0x44C0];
	[tilespmem:s0+$0x44D0] =	vst v2  }
0x6e6: {  	v57 =	vld [tilespmem:s8+$0xC4C0];
	[tilespmem:s0+$0x44E0] =	vst v1;
	s0 =	smov.u32 s3;
	s3 =	smov.u32 s8  }
0x6e7: {  	v36 =	vmovc v16;
	v16 =	vmul.f32 v55, v55;
	v0 =	vadd.f32 v5, v0;
	v5 =	vmul.f32 v15, v15;
	v15 =	vld [tilespmem:s3+$0x44D0]  }
0x6e8: {  	v4 =	vmul.f32 v20, v29;
	v29 =	vmul.f32 v48, v19;
	v58 =	vld [tilespmem:s3+$0xC4D0]  }
0x6e9: {  	v35 =	vmul.f32 v62, v62;
	v9 =	vmul.f32 v42, v56;
	v48 =	vmov v46;
	v46 =	vld [tilespmem:s3+$0x4410]  }
0x6ea: {  	v33 =	vmov v47;
	v2 =	vmul.f32 v10, v10;
	v47 =	vld [tilespmem:s3+$0x4420];
	v4 =	vadd.f32 v29, v4  }
0x6eb: {  	v1 =	vadd.f32 v35, v16;
	v59 =	vmul.f32 v42, v9;
	v9 =	vld [tilespmem:$0x1F8F0]  }
0x6ec: {  	v50 =	vmov v39;
	v39 =	vld [tilespmem:s3+$0xC430];
	v0 =	vadd.f32 v2, v0;
	v29 =	vmul.f32 v13, v13;
	[tilespmem:s0+$0x44F0] =	vst v4  }
0x6ed: {  	v1 =	vadd.f32 v5, v1;
	v2 =	vmul.f32 v3, v3;
	v16 =	vld [tilespmem:s3+$0x44E0]  }
0x6ee: {  	v5 =	vsub.f32 $1.500000000e+00, v59;
	v3 =	vmul.f32 v14, v14;
	v4 =	vld [tilespmem:s3+$0xC4E0];
	v0 =	vadd.f32 v29, v0  }
0x6ef: {  	v35 =	vmovc v41;
	v41 =	vmul.f32 v20, v12;
	v29 =	vld [tilespmem:s3+$0x44F0];
	v1 =	vadd.f32 v2, v1;
	v2 =	vmul.f32 v57, v57  }
0x6f0: {  	v62 =	vld [tilespmem:s3+$0xC4F0];
	v5 =	vmul.f32 v42, v5;
	v60 =	vmul.f32 v15, v15;
	v0 =	vadd.f32 v3, v0  }
0x6f1: {  	v12 =	vmovc v54;
	v42 =	vld [tilespmem:s3+$0x4400];
	v59 =	vmul.f32 v19, v9;
	v1 =	vadd.f32 v2, v1;
	v2 =	vmul.f32 v58, v58  }
0x6f2: {  	v9 =	vmovc v55;
	v39 =	vmul.f32 v39, v39;
	v3 =	vld [tilespmem:s3+$0xC400];
	v57 =	vmul.f32 v5, v56;
	v0 =	vadd.f32 v60, v0  }
0x6f3: {  	[tilespmem:$0x1F8F0] =	vst v9;
	v9 =	vld [tilespmem:$0x1FFF0];
	v54 =	vmul.f32 v16, v16;
	v1 =	vadd.f32 v2, v1;
	v2 =	vmul.f32 v4, v4  }
0x6f4: {  	v51 =	vmov v44;
	v44 =	vmul.f32 v57, v5;
	v4 =	vld [tilespmem:s3+$0xC410];
	v58 =	vmul.f32 v29, v29  }
0x6f5: {  	v55 =	vld [tilespmem:s3+$0x4430];
	v0 =	vadd.f32 v54, v0;
	v1 =	vadd.f32 v2, v1;
	v2 =	vmul.f32 v62, v62  }
0x6f6: {  	v41 =	vadd.f32 v59, v41;
	v60 =	vmul.f32 v42, v42;
	v44 =	vsub.f32 $1.500000000e+00, v44;
	v62 =	vld [tilespmem:s3+$0xC420]  }
0x6f7: {  	v56 =	vld [tilespmem:s3+$0x4440];
	v0 =	vadd.f32 v58, v0;
	v1 =	vadd.f32 v2, v1;
	v2 =	vmul.f32 v46, v46  }
0x6f8: {  	[tilespmem:s0+$0x4480] =	vst v41;
	v41 =	vld [tilespmem:s3+$0xC460];
	v54 =	vmul.f32 v3, v3;
	v5 =	vmul.f32 v44, v5  }
0x6f9: {  	v44 =	vperm.xlane v0, v9;
	v2 =	vadd.f32 v2, v60;
	v60 =	vmul.f32 v4, v4  }
0x6fa: {  	v49 =	vmov v45;
	v57 =	vmul.f32 v47, v47;
	v58 =	vld [tilespmem:s3+$0xC440];
	v45 =	vperm.xlane v1, v9  }
0x6fb: {  	v52 =	vmovc v40;
	v59 =	vld [tilespmem:s3+$0x4450];
	v62 =	vmul.f32 v62, v62;
	v0 =	vadd.f32 v44, v0;
	v40 =	vadd.f32 v60, v54  }
0x6fc: {  	v1 =	vadd.f32 v45, v1;
	v2 =	vadd.f32 v57, v2;
	v57 =	vmul.f32 v55, v55;
	v44 =	vld [tilespmem:s3+$0xC450]  }
0x6fd: {  	v41 =	vmul.f32 v41, v41;
	v54 =	vld [tilespmem:s3+$0x4460];
	v45 =	vmul.f32 v56, v56;
	v40 =	vadd.f32 v62, v40  }
0x6fe: {  	v60 =	vld [tilespmem:s3+$0xC470];
	v0 =	vsel vm0, v0, v1;
	v1 =	vperm.xlane v5, v7;
	v2 =	vadd.f32 v57, v2  }
0x6ff: {  	v34 =	vmovc v43;
	v57 =	vmul.f32 v58, v58;
	v58 =	vld [tilespmem:s3+$0x4470];
	v43 =	vperm.xlane v0, v61;
	v39 =	vadd.f32 v39, v40  }
0x700: {  	v5 =	vperm.xlane v5, v8;
	v40 =	vmul.f32 v59, v59;
	v2 =	vadd.f32 v45, v2  }
0x701: {  	v0 =	vadd.f32 v0, v43;
	v43 =	vmul.f32 v44, v44;
	v39 =	vadd.f32 v57, v39  }
0x702: {  	v7 =	vmul.f32 v22, v5;
	v44 =	vmul.f32 v54, v54;
	v2 =	vadd.f32 v40, v2  }
0x703: {  	v8 =	vmul.f32 v1, v24;
	v45 =	vperm.xlane v0, v63;
	v39 =	vadd.f32 v43, v39  }
0x704: {  	v43 =	vmul.f32 v58, v58;
	v2 =	vadd.f32 v44, v2;
	v44 =	vmul.f32 v60, v60  }
0x705: {  	v60 =	vmul.f32 v5, v21;
	v21 =	vmovc v3;
	v0 =	vadd.f32 v0, v45;
	v3 =	vadd.f32 v41, v39  }
0x706: {  	v61 =	vld [tilespmem:s3+$0xC420];
	v22 =	vmov v4;
	v4 =	vmul.f32 v32, v5;
	v63 =	vmul.f32 v1, v18  }
0x707: {  	v57 =	vld [tilespmem:s3+$0xC430];
	v2 =	vadd.f32 v43, v2;
	v41 =	vperm.xlane v0, v6;
	v3 =	vadd.f32 v44, v3  }
0x708: {  	v24 =	vmovc v47;
	v53 =	vmul.f32 v53, v5;
	v47 =	vadd.f32 v60, v63;
	v60 =	vmul.f32 v1, v23  }
0x709: {  	v62 =	vld [tilespmem:s3+$0xC440];
	v23 =	vmovc v55;
	v43 =	vperm.xlane v2, v9;
	v0 =	vadd.f32 v0, v41;
	v55 =	vperm.xlane v3, v9  }
0x70a: {  	v40 =	vld [tilespmem:s3+$0xC460];
	v4 =	vadd.f32 v4, v8;
	v8 =	vmul.f32 v1, v27;
	v6 =	vmul.f32 v1, v17  }
0x70b: {  	v18 =	vmovc v42;
	v42 =	vld [tilespmem:s3+$0xC450];
	v2 =	vadd.f32 v43, v2;
	v0 =	vmax.f32 v0, $9.999999960e-13;
	v3 =	vadd.f32 v55, v3  }
0x70c: {  	v32 =	vmovc v61;
	v61 =	vld [tilespmem:$0x1FFD0];
	v63 =	vmul.f32 v30, v5;
	v30 =	vmovc v57;
	v6 =	vadd.f32 v7, v6;
	v57 =	vshrl.u32 v0, $0x1  }
0x70d: {  	v45 =	vld [tilespmem:s3+$0xC470];
	[tilespmem:s0+$0x4420] =	vst v4;
	v0 =	vmul.f32 $5.000000000e-01, v0;
	v2 =	vsel vm0, v2, v3;
	v3 =	vmul.f32 v1, v26  }
0x70e: {  	v4 =	vmul.f32 v1, v28;
	[tilespmem:s0+$0x4410] =	vst v6;
	v6 =	vadd.f32 v63, v60;
	v55 =	vsub.s32 $0x5F3759DF, v57  }
0x70f: {  	v57 =	vmul.f32 v1, v25;
	v25 =	vmov v56;
	v56 =	vmul.f32 v55, v0;
	v1 =	vld [tilespmem:$0x1F900]  }
0x710: {  	v52 =	vmul.f32 v52, v5;
	v7 =	vmul.f32 v31, v5;
	v63 =	vld [tilespmem:$0x1FFE0];
	[tilespmem:s0+$0x4430] =	vst v6;
	v26 =	vmov v59  }
0x711: {  	s5 =	sadd.s32 $0x2, s5;
	v39 =	vld [tilespmem:s3+$0xC490];
	v59 =	vperm.xlane v2, v61;
	v56 =	vmul.f32 v55, v56;
	v60 =	vadd.f32 v53, v3;
	v3 =	vmovc v38  }
0x712: {  	p0 =	slt.u32 s5, $0x7E;
	v27 =	vmov v54;
	v5 =	vmul.f32 v49, v5;
	v6 =	vadd.f32 v7, v57;
	[tilespmem:$0x1F900] =	vst v3;
	v3 =	vld [tilespmem:$0x1F8D0]  }
.Ltmp3:
0x713: {  	v28 =	vmovc v58;
	v17 =	vmovc v46;
	v46 =	vld [tilespmem:s3+$0xC4B0];
	v49 =	vmul.f32 v51, v19;
	v54 =	vadd.f32 v2, v59;
	v56 =	vsub.f32 $1.500000000e+00, v56;
	(pc) =	sbr.rel @p0 .LBB2_8-.Ltmp3, $4  }
0x714: {  	v44 =	vld [tilespmem:s3+$0xC4A0];
	[tilespmem:s0+$0x4400] =	vst v47;
	v31 =	vmovc v62;
	v62 =	vmov v11;
	v38 =	vmul.f32 v50, v19;
	v2 =	vmul.f32 v20, v1  }
0x715: {  	v47 =	vld [tilespmem:s3+$0xC4E0];
	[tilespmem:s0+$0x4440] =	vst v6;
	v6 =	vadd.f32 v52, v8;
	v7 =	vperm.xlane v54, v63;
	v1 =	vmul.f32 v55, v56  }
0x716: {  	v41 =	vld [tilespmem:s3+$0xC4C0];
	[tilespmem:s0+$0x4450] =	vst v60;
	v50 =	vadd.f32 v5, v4;
	v4 =	vmul.f32 v20, v37;
	v5 =	vmul.f32 v48, v19  }
0x717: {  	s6 =	sadd.s32 $0x400, s6;
	v43 =	vld [tilespmem:s3+$0xC4D0];
	[tilespmem:s0+$0x4460] =	vst v6;
	v52 =	vadd.f32 v54, v7;
	v0 =	vmul.f32 v1, v0;
	v3 =	vmul.f32 v20, v3  }
0x718: {  	v6 =	vld [tilespmem:$0x1FFC0];
	_ =	sdelay $0x4  }
0x719: {  	v6 =	vperm.xlane v52, v6;
	_ =	sdelay $0x1  }
0x71a: {  	v6 =	vadd.f32 v52, v6;
	_ =	sdelay $0x1  }
0x71b: {  	v6 =	vmax.f32 v6, $9.999999960e-13  }
0x71c: {  	v7 =	vshrl.u32 v6, $0x1;
	v6 =	vmul.f32 $5.000000000e-01, v6  }
0x71d: {  	v7 =	vsub.s32 $0x5F3759DF, v7  }
0x71e: {  	v8 =	vmul.f32 v7, v6;
	_ =	sdelay $0x1  }
0x71f: {  	v8 =	vmul.f32 v7, v8;
	_ =	sdelay $0x1  }
0x720: {  	v8 =	vsub.f32 $1.500000000e+00, v8;
	_ =	sdelay $0x1  }
0x721: {  	v7 =	vmul.f32 v7, v8;
	v8 =	vld [tilespmem:$0x1F8E0]  }
0x722: {  	v0 =	vmul.f32 v0, v1  }
0x723: {  	v35 =	vmul.f32 v35, v19;
	v2 =	vadd.f32 v38, v2;
	v6 =	vmul.f32 v7, v6  }
0x724: {  	v37 =	vmul.f32 v20, v62;
	v60 =	vmul.f32 v34, v19;
	v0 =	vsub.f32 $1.500000000e+00, v0  }
0x725: {  	v9 =	vld [tilespmem:s3+$0xC4F0];
	v62 =	vmul.f32 v20, v36;
	v48 =	vimm.s32 $0x8;
	v6 =	vmul.f32 v6, v7  }
0x726: {  	v3 =	vadd.f32 v49, v3;
	v0 =	vmul.f32 v0, v1;
	[tilespmem:s0+$0x4470] =	vst v50;
	v8 =	vmul.f32 v20, v8  }
0x727: {  	v53 =	vadd.f32 v5, v4;
	v52 =	vimm.s32 $0x0;
	[tilespmem:s0+$0x4490] =	vst v2;
	v6 =	vsub.f32 $1.500000000e+00, v6  }
0x728: {  	v34 =	vperm.xlane v0, v52;
	v0 =	vperm.xlane v0, v48;
	[tilespmem:s0+$0x44A0] =	vst v3;
	v56 =	vadd.f32 v35, v8  }
0x729: {  	v54 =	vmul.f32 v33, v19;
	[tilespmem:s0+$0x44B0] =	vst v53;
	v55 =	vmul.f32 v6, v7  }
0x72a: {  	v1 =	vadd.f32 v60, v37;
	v57 =	vmul.f32 v34, v29;
	v58 =	vmul.f32 v9, v0;
	[tilespmem:s0+$0x44C0] =	vst v56  }
0x72b: {  	v60 =	vadd.f32 v54, v62;
	v62 =	vmul.f32 v34, v12;
	v59 =	vperm.xlane v55, v52;
	v8 =	vld [tilespmem:$0x1F8F0]  }
0x72c: {  	v51 =	vmul.f32 v34, v10;
	v5 =	vperm.xlane v55, v48  }
0x72d: {  	v54 =	vmul.f32 v46, v0;
	v18 =	vmul.f32 v59, v18  }
0x72e: {  	v19 =	vmul.f32 v5, v21;
	v29 =	vmul.f32 v59, v24  }
0x72f: {  	v12 =	vadd.f32 v58, v57;
	[tilespmem:s0+$0x44D0] =	vst v1;
	v11 =	vmul.f32 v32, v5;
	v32 =	vmul.f32 v59, v23  }
0x730: {  	[tilespmem:s0+$0x44E0] =	vst v60;
	v33 =	vmul.f32 v30, v5;
	v6 =	vadd.f32 v19, v18;
	v8 =	vmul.f32 v0, v8  }
0x731: {  	v57 =	vmul.f32 v41, v0;
	[tilespmem:s3+$0x44F0] =	vst v12;
	v21 =	vmul.f32 v59, v17;
	v1 =	vadd.f32 v11, v29  }
0x732: {  	v3 =	vadd.f32 v33, v32;
	[tilespmem:s3+$0x4400] =	vst v6;
	v20 =	vadd.f32 v8, v62;
	v8 =	vmul.f32 v22, v5  }
0x733: {  	v36 =	vmul.f32 v42, v5;
	v11 =	vmul.f32 v59, v26;
	[tilespmem:s3+$0x4420] =	vst v1  }
0x734: {  	v37 =	vmul.f32 v59, v27;
	v38 =	vmul.f32 v40, v5;
	[tilespmem:s3+$0x4430] =	vst v3;
	v4 =	vadd.f32 v8, v21  }
0x735: {  	v2 =	vmul.f32 v59, v28;
	v42 =	vmul.f32 v45, v5;
	v45 =	vadd.f32 v36, v11;
	[tilespmem:s3+$0x4480] =	vst v20  }
0x736: {  	v58 =	vmul.f32 v34, v15;
	v52 =	vmul.f32 v44, v0;
	v49 =	vadd.f32 v38, v37;
	[tilespmem:s3+$0x4410] =	vst v4  }
0x737: {  	v50 =	vmul.f32 v39, v0;
	v53 =	vmul.f32 v34, v13;
	v2 =	vadd.f32 v42, v2;
	v48 =	vld [tilespmem:$0x1F900];
	[tilespmem:s3+$0x4450] =	vst v45  }
0x738: {  	v56 =	vmul.f32 v34, v14;
	v60 =	vmul.f32 v34, v16;
	v55 =	vadd.f32 v52, v51;
	[tilespmem:s3+$0x4460] =	vst v49  }
0x739: {  	v35 =	vmul.f32 v59, v25;
	v59 =	vmul.f32 v43, v0;
	v1 =	vadd.f32 v54, v53;
	[tilespmem:s3+$0x4470] =	vst v2  }
0x73a: {  	v0 =	vmul.f32 v47, v0;
	v8 =	vmul.f32 v31, v5;
	v5 =	vadd.f32 v57, v56;
	[tilespmem:s3+$0x44A0] =	vst v55  }
0x73b: {  	v62 =	vadd.f32 v59, v58;
	[tilespmem:s3+$0x44B0] =	vst v1  }
0x73c: {  	v0 =	vadd.f32 v0, v60;
	[tilespmem:s3+$0x44C0] =	vst v5;
	v6 =	vmul.f32 v34, v48  }
0x73d: {  	v40 =	vadd.f32 v8, v35;
	[tilespmem:s3+$0x44D0] =	vst v62  }
0x73e: {  	[tilespmem:s3+$0x44E0] =	vst v0;
	v4 =	vadd.f32 v50, v6  }
0x73f: {  	[tilespmem:s3+$0x4440] =	vst v40  }
0x740: {  	s29 =	sadd.s32 $0x1, s29;
	[tilespmem:s3+$0x4490] =	vst v4  }
0x741: {  	[hbm4b:s10+s4] =	stream.linear.scatter [tilespmem:s17], [sflag:$0x4], $0x4000, $0x38;
	[tilespmem:$0x10400] =	vst v63  }
0x742: {  	p0 =	sne.s32 s29, s11;
	_ =	swait.ge [sflag:s21], $0x4000  }
.Ltmp4:
0x743: {  	[sflag:s21] =	ssyncset.done $0x0;
	(pc) =	sbr.rel @p0 .LBB2_1-.Ltmp4, $4  }
0x744: {  	[sflag:s21] =	ssyncadd.s32 $0xFFFFC000  }
0x745: {  	_ =	swait.ge [sflag:s25], $0x4000  }
0x746: {  	[sflag:s25] =	ssyncset.done $0x0  }
0x747: {  	v9 =	vld [tilespmem:$0x1FFF0];
	[sflag:s25] =	ssyncadd.s32 $0xFFFFC000  }
0x748: {  	_ =	sfence.sel $0x180000  }
0x749: {  	[bflag:$0x0] =	sbarrier.arrive $0xFFFF  }
0x74a: {  	_ =	strace $0x90000047  }
0x74b: {  	s0 =	stileid.u32;
	[bflag:$0x2] =	sbarrier.arrive $0xFFFF  }
0x74c: {  	p0 =	sne.s32 s0, $0x0;
	s0 =	rddreg [dreg:$0x5]  }
0x74d: {  	s0 =	sadd.s32 @!p0 $0x100000, s0  }
0x74e: {  	[sflag:s0] =	ssyncadd.tile.s32 @!p0 $0x1;
	_ =	shalt  }
.Lfunc_end2:
_tile_overlayer_lowered:
.L_overlay_start_2:
0x74f: {  	(tag) =	ssettag $0x2  }
0x750: {  	s0 =	rddreg [dreg:$0x0];
	s2 =	stileid.u32  }
0x751: {  	s1 =	rddreg [dreg:$0x1];
	p0 =	sne.s32 s2, $0x0  }
0x752: {  	s3 =	rddreg [dreg:$0x2];
	[bflag:$0x3] =	sbarrier.arrive $0xFFFF;
	s2 =	simm.s32 @!p0 $0x1C05  }
0x753: {  	[timem:s3], [sflag:s2] =	dma.local @!p0 [hbm:s0], s1  }
0x754: {  	s0 =	simm.s32 @!p0 $0x5  }
0x755: {  	_ =	swait.ge @!p0 [sflag:s0], s1  }
0x756: {  	s1 =	ssub.s32 @!p0 $0x0, s1;
	[sflag:s0] =	ssyncset.done @!p0 $0x0  }
0x757: {  	[sflag:s0] =	ssyncadd.s32 @!p0 s1  }
0x758: {  	[bflag:$0x3] =	sbarrier.arrive $0xFFFF  }
0x759: {  	_ =	shalt  }

</sc_bundles>
